<compile_context>
chip_gen: v7x
topology: tpu7x:2x2x1
jax: 0.10.2.dev20260603
libtpu: 0.0.44.dev20260713+nightly
codegen_flags: <defaults>
</compile_context>

<pallas_src>
import jax
import jax.numpy as jnp
from jax import lax
from jax.experimental import pallas as pl
from jax.experimental.pallas import tpu as pltpu
from jax.experimental.pallas import tpu_sc as plsc

N_NODES = 10000
N_EDGES = 160000
D_FEAT = 128
T = 16
S = 16
G = 32
PAD_H = 1000.0

NW = 32
N_PAD = 10240
E_PAD = 163840
NODES_PER_TILE = N_PAD // NW
EDGES_PER_TILE = E_PAD // NW
CHUNK = 640
N_CHUNKS = EDGES_PER_TILE // CHUNK
SUB = 128
N_SUB = CHUNK // SUB

GT = G * T
DSIZE = 17 * GT
ROW_BLK = 1024

_C0 = 500.0 * 2.0 / 15.0


def _tc_prep_body(x_ref, w_ref, b_ref, v_ref, nhg_ref, nh_ref):
    xw = x_ref[...] * w_ref[0, 0, :][:, None]
    nh = lax.dot(xw, v_ref[...], precision=lax.Precision.HIGHEST,
                 preferred_element_type=jnp.float32)
    row = pl.program_id(0) * ROW_BLK + lax.broadcasted_iota(
        jnp.int32, (ROW_BLK, 1), 0)
    nh = jnp.where(row < N_NODES, nh, PAD_H)
    nh_ref[...] = nh
    gcol = (b_ref[0, 0, :].astype(jnp.int32)[:, None] * T
            + lax.broadcasted_iota(jnp.int32, (1, T), 1)).astype(jnp.float32)
    nhg_ref[...] = jnp.concatenate([nh, gcol], axis=1)


def _tc_prep(x_pad, nw3, b3, v):
    grid = N_PAD // ROW_BLK
    return pl.pallas_call(
        _tc_prep_body,
        grid=(grid,),
        in_specs=[
            pl.BlockSpec((ROW_BLK, D_FEAT), lambda i: (i, 0)),
            pl.BlockSpec((1, 1, ROW_BLK), lambda i: (i, 0, 0)),
            pl.BlockSpec((1, 1, ROW_BLK), lambda i: (i, 0, 0)),
            pl.BlockSpec((D_FEAT, T), lambda i: (0, 0)),
        ],
        out_specs=[
            pl.BlockSpec((ROW_BLK, 2 * T), lambda i: (i, 0)),
            pl.BlockSpec((ROW_BLK, T), lambda i: (i, 0)),
        ],
        out_shape=[
            jax.ShapeDtypeStruct((N_PAD, 2 * T), jnp.float32),
            jax.ShapeDtypeStruct((N_PAD, T), jnp.float32),
        ],
    )(x_pad, nw3, b3, v)


def _accum(h, gbi, sign, d_ref):
    w = h * 7.5 + 8.0
    ri = jnp.clip(w.astype(jnp.int32), 0, S - 1)
    z = (h * 500.0 + 500.0) - ri.astype(jnp.float32) * _C0
    s1 = sign / (1.0 + jnp.exp(z))
    idx = ri * GT + gbi
    plsc.addupdate_scatter(d_ref, [idx], s1)
    plsc.addupdate_scatter(d_ref, [idx + GT], sign - s1)


def _sc_body(nhg_hbm, nh_hbm, src_hbm, dst_hbm, ew_hbm, out_hbm,
             d_v, sr0, sr1, dr0, dr1, noderows, si0, si1, di0, di1,
             ew0, ew1, sem_n, sem_i0, sem_i1, sem_r0, sem_r1):
    wid = lax.axis_index("s") * 2 + lax.axis_index("c")
    sr, dr, si, di, ewb = [sr0, sr1], [dr0, dr1], [si0, si1], [di0, di1], \
        [ew0, ew1]
    sem_r = [sem_r0, sem_r1]

    def idx_copies(c, b, sem):
        ebase = pl.multiple_of((wid * N_CHUNKS + c) * CHUNK, CHUNK)
        return [
            pltpu.make_async_copy(
                src_hbm.at[pl.ds(ebase, CHUNK)], si[b], sem),
            pltpu.make_async_copy(
                dst_hbm.at[pl.ds(ebase, CHUNK)], di[b], sem),
            pltpu.make_async_copy(
                ew_hbm.at[pl.ds(ebase, CHUNK)], ewb[b], sem),
        ]

    def row_copies(b):
        cps = []
        for k in range(N_SUB):
            cps.append(pltpu.make_async_copy(
                nhg_hbm.at[si[b].at[pl.ds(k * SUB, SUB)]],
                sr[b].at[pl.ds(k * SUB, SUB), :], sem_r[b]))
            cps.append(pltpu.make_async_copy(
                nh_hbm.at[di[b].at[pl.ds(k * SUB, SUB)]],
                dr[b].at[pl.ds(k * SUB, SUB), :], sem_r[b]))
        return cps

    def start_all(cps):
        for cp in cps:
            cp.start()

    def wait_all(cps):
        for cp in cps:
            cp.wait()

    def compute_chunk(b):
        @plsc.parallel_loop(0, CHUNK // 16, unroll=2)
        def _grp(grp):
            g16 = grp * 16
            ew16 = ewb[b][pl.ds(g16, 16)]
            for j in range(16):
                e = g16 + j
                hs = sr[b][e, pl.ds(0, T)]
                gbi = sr[b][e, pl.ds(T, T)].astype(jnp.int32)
                hd = dr[b][e, pl.ds(0, T)]
                ewj = jnp.take_along_axis(
                    ew16, jnp.full((16,), j, jnp.int32), axis=0)
                h = jnp.maximum(hs, hd) * ewj
                _accum(h, gbi, -1.0, d_v)

    cps = idx_copies(0, 0, sem_i0)
    start_all(cps)
    wait_all(cps)
    start_all(row_copies(0))
    start_all(idx_copies(1, 1, sem_i1))
    nbase = pl.multiple_of(wid * NODES_PER_TILE, NODES_PER_TILE)
    node_cp = pltpu.make_async_copy(
        nhg_hbm.at[pl.ds(nbase, NODES_PER_TILE), :], noderows, sem_n)
    node_cp.start()

    @plsc.parallel_loop(0, DSIZE // 16, unroll=4)
    def _zero(j):
        d_v[pl.ds(j * 16, 16)] = jnp.zeros((16,), jnp.float32)

    node_cp.wait()

    @plsc.parallel_loop(0, NODES_PER_TILE, unroll=2)
    def _node(n):
        h = noderows[n, pl.ds(0, T)]
        gbi = noderows[n, pl.ds(T, T)].astype(jnp.int32)
        _accum(h, gbi, 1.0, d_v)

    def pair_body(c2, _):
        p0 = 2 * c2
        not_last = c2 < N_CHUNKS // 2 - 1
        wait_all(idx_copies(p0 + 1, 1, sem_i1))
        start_all(row_copies(1))
        wait_all(row_copies(0))
        compute_chunk(0)

        @pl.when(not_last)
        def _():
            start_all(idx_copies(p0 + 2, 0, sem_i0))
            wait_all(idx_copies(p0 + 2, 0, sem_i0))
            start_all(row_copies(0))

        wait_all(row_copies(1))
        compute_chunk(1)

        @pl.when(not_last)
        def _():
            start_all(idx_copies(p0 + 3, 1, sem_i1))

        return 0

    lax.fori_loop(0, N_CHUNKS // 2, pair_body, 0)

    obase = pl.multiple_of(wid * DSIZE, DSIZE)
    pltpu.sync_copy(d_v, out_hbm.at[pl.ds(obase, DSIZE)])


def _sc_call(nhg, nh16, src2, dst2, ewp):
    mesh = plsc.VectorSubcoreMesh(core_axis_name="c", subcore_axis_name="s")
    f = pl.kernel(
        _sc_body,
        out_type=jax.ShapeDtypeStruct((NW * DSIZE,), jnp.float32),
        mesh=mesh,
        compiler_params=pltpu.CompilerParams(
            needs_layout_passes=False, use_tc_tiling_on_sc=False),
        scratch_types=[
            pltpu.VMEM((DSIZE,), jnp.float32),
            pltpu.VMEM((CHUNK, 2 * T), jnp.float32),
            pltpu.VMEM((CHUNK, 2 * T), jnp.float32),
            pltpu.VMEM((CHUNK, T), jnp.float32),
            pltpu.VMEM((CHUNK, T), jnp.float32),
            pltpu.VMEM((NODES_PER_TILE, 2 * T), jnp.float32),
            pltpu.VMEM((CHUNK,), jnp.int32),
            pltpu.VMEM((CHUNK,), jnp.int32),
            pltpu.VMEM((CHUNK,), jnp.int32),
            pltpu.VMEM((CHUNK,), jnp.int32),
            pltpu.VMEM((CHUNK,), jnp.float32),
            pltpu.VMEM((CHUNK,), jnp.float32),
            pltpu.SemaphoreType.DMA,
            pltpu.SemaphoreType.DMA,
            pltpu.SemaphoreType.DMA,
            pltpu.SemaphoreType.DMA,
            pltpu.SemaphoreType.DMA,
        ],
    )
    return f(nhg, nh16, src2, dst2, ewp)


def _tc_fin_body(p_ref, out_ref):
    s0 = jnp.sum(p_ref[...], axis=0)
    acc = jnp.zeros((G, T), jnp.float32)
    for s in range(S):
        acc = acc + s0[s]
        out_ref[:, s:s + 1, :] = acc[:, None, :]


def _tc_fin(partials):
    return pl.pallas_call(
        _tc_fin_body,
        out_shape=jax.ShapeDtypeStruct((G, S, T), jnp.float32),
    )(partials)


def kernel(x, node_weights, edge_index, edge_weights, batch, v, lin):
    del lin
    f32, i32 = jnp.float32, jnp.int32
    x_pad = jnp.concatenate(
        [x, jnp.zeros((N_PAD - N_NODES, D_FEAT), f32)], axis=0)
    nw3 = jnp.concatenate(
        [node_weights, jnp.zeros((N_PAD - N_NODES,), f32)]).reshape(
            N_PAD // ROW_BLK, 1, ROW_BLK)
    b3 = jnp.concatenate(
        [batch, jnp.zeros((N_PAD - N_NODES,), i32)]).reshape(
            N_PAD // ROW_BLK, 1, ROW_BLK)

    epad = E_PAD - N_EDGES
    src2 = jnp.concatenate(
        [edge_index[0], jnp.full((epad,), N_NODES, i32)])
    dst2 = jnp.concatenate(
        [edge_index[1], jnp.full((epad,), N_NODES, i32)])
    ewp = jnp.concatenate([edge_weights, jnp.ones((epad,), f32)])

    nhg, nh16 = _tc_prep(x_pad, nw3, b3, v)
    partials = _sc_call(nhg, nh16, src2, dst2, ewp)
    out = _tc_fin(partials.reshape(NW, 17, G, T))
    return out

# --- scband reference (transcript-rebuilt; emitter-appended) ---
"""Pipeline reference for scband-wdectlayer-27401891348669 (READ-ONLY COPY).

The authoritative reference and input builder live on the scoring server;
editing this copy changes nothing except your own understanding.
"""

import jax, jax.numpy as jnp
import numpy as np

RADIUS = 1.0
BUMP_STEPS = 16
NUM_THETAS = 16
D_FEAT = 128
NUM_GRAPHS = 32
N_NODES = 10000
N_EDGES = 160000
SCALE = 500.0


def compute_ecc(nh, index, lin, num_segments):
    # nh: [N, T], lin: [S, 1, 1, 1] -> ecc: [S, 1, N, T]
    ecc = jax.nn.sigmoid(SCALE * (lin - nh))
    # movedim(0, 2) then movedim(0, 1): [S,1,N,T] -> [1,N,S,T] -> [N,1,S,T]
    ecc = jnp.moveaxis(ecc, 0, 2)
    ecc = jnp.moveaxis(ecc, 0, 1)
    # segment-add over the first (element) axis -> [G, 1, S, T]
    return jax.ops.segment_sum(ecc, index, num_segments=num_segments)


def setup_inputs(seed: int = 0) -> dict:
    key = jax.random.key(seed)
    ks = jax.random.split(key, 6)
    x = jax.random.normal(ks[0], (N_NODES, D_FEAT), dtype=jnp.float32)
    node_weights = jax.random.uniform(ks[1], (N_NODES,), dtype=jnp.float32)
    edge_index = jax.random.randint(ks[2], (2, N_EDGES), 0, N_NODES, dtype=jnp.int32)
    edge_weights = jax.random.uniform(ks[3], (N_EDGES,), dtype=jnp.float32)
    batch = jnp.sort(jax.random.randint(ks[4], (N_NODES,), 0, NUM_GRAPHS, dtype=jnp.int32))
    # non-trainable parameters of the module
    v = jax.random.normal(ks[5], (D_FEAT, NUM_THETAS), dtype=jnp.float32)
    v = v / jnp.linalg.norm(v, axis=0, keepdims=True)
    lin = jnp.linspace(-RADIUS, RADIUS, BUMP_STEPS, dtype=jnp.float32).reshape(-1, 1, 1, 1)
    return {
        "x": x,
        "node_weights": node_weights,
        "edge_index": edge_index,
        "edge_weights": edge_weights,
        "batch": batch,
        "v": v,
        "lin": lin,
    }


def reference(x, node_weights, edge_index, edge_weights, batch, v, lin):
    # nh = (x * w_n) @ v : [N, T]
    nh = (x * node_weights[:, None]) @ v
    # edge heights: max over the two endpoints, gathered from nh
    eh = jnp.max(nh[edge_index], axis=0)          # [E, T]
    eh = eh * edge_weights[:, None]
    idx_e = batch[edge_index[0]]                   # graph id per edge
    ect = compute_ecc(nh, batch, lin, NUM_GRAPHS) - compute_ecc(eh, idx_e, lin, NUM_GRAPHS)
    # normalized=False -> squeeze
    return jnp.squeeze(ect)                        # [G, S, T] = [32, 16, 16]

if __name__ == "__main__":
    import jax
    _d = setup_inputs()
    print(jax.jit(kernel)(*tuple(_d.values())))

</pallas_src>

<mosaic_0001>
#map = affine_map<(d0, d1) -> (0, 0)>
#map1 = affine_map<(d0, d1) -> (0)>
module attributes {stable_mosaic.version = 14 : i64} {
  func.func @_sc_body(%arg0: i32, %arg1: i32, %arg2: memref<10240x32xf32, #tpu.memory_space<hbm>>, %arg3: memref<10240x16xf32, #tpu.memory_space<hbm>>, %arg4: memref<163840xi32, #tpu.memory_space<hbm>>, %arg5: memref<163840xi32, #tpu.memory_space<hbm>>, %arg6: memref<163840xf32, #tpu.memory_space<hbm>>, %arg7: memref<278528xf32, #tpu.memory_space<hbm>>, %arg8: memref<8704xf32, #tpu.memory_space<vmem>>, %arg9: memref<640x32xf32, #tpu.memory_space<vmem>>, %arg10: memref<640x32xf32, #tpu.memory_space<vmem>>, %arg11: memref<640x16xf32, #tpu.memory_space<vmem>>, %arg12: memref<640x16xf32, #tpu.memory_space<vmem>>, %arg13: memref<320x32xf32, #tpu.memory_space<vmem>>, %arg14: memref<640xi32, #tpu.memory_space<vmem>>, %arg15: memref<640xi32, #tpu.memory_space<vmem>>, %arg16: memref<640xi32, #tpu.memory_space<vmem>>, %arg17: memref<640xi32, #tpu.memory_space<vmem>>, %arg18: memref<640xf32, #tpu.memory_space<vmem>>, %arg19: memref<640xf32, #tpu.memory_space<vmem>>, %arg20: memref<!tpu.dma_semaphore, #tpu.memory_space<semaphore_mem>>, %arg21: memref<!tpu.dma_semaphore, #tpu.memory_space<semaphore_mem>>, %arg22: memref<!tpu.dma_semaphore, #tpu.memory_space<semaphore_mem>>, %arg23: memref<!tpu.dma_semaphore, #tpu.memory_space<semaphore_mem>>, %arg24: memref<!tpu.dma_semaphore, #tpu.memory_space<semaphore_mem>>) attributes {dimension_semantics = [#tpu.dimension_semantics<core_parallel>, #tpu.dimension_semantics<subcore_parallel>], iteration_bounds = array<i64: 2, 16>, scalar_prefetch = 0 : i64, scratch_operands = 17 : i64, tpu.core_type = #tpu.core_type<sc_vector_subcore>, window_params = [{transform_indices = #map}, {transform_indices = #map}, {transform_indices = #map1}, {transform_indices = #map1}, {transform_indices = #map1}, {transform_indices = #map1}]} {
    %mul3A = arith.constant 2 : i32
    %mul3A_0 = arith.muli %arg1, %mul3A : i32
    %add3A = arith.addi %mul3A_0, %arg0 : i32
    %mul3A_1 = arith.constant 8 : i32
    %mul3A_2 = arith.muli %add3A, %mul3A_1 : i32
    %add3A_3 = arith.constant 0 : i32
    %add3A_4 = arith.addi %mul3A_2, %add3A_3 : i32
    %mul3A_5 = arith.constant 640 : i32
    %mul3A_6 = arith.muli %add3A_4, %mul3A_5 : i32
    %multiple_of3A = tpu.assume_multiple %mul3A_6, 640 : i32
    %dma_start3A = tpu.memref_slice %arg4[%multiple_of3A] : memref<163840xi32, #tpu.memory_space<hbm>> -> memref<640xi32, #tpu.memory_space<hbm>>
    %dma_start3A_7 = tpu.memref_slice %arg4[%multiple_of3A] : memref<163840xi32, #tpu.memory_space<hbm>> -> memref<640xi32, #tpu.memory_space<hbm>>
    tpu.enqueue_dma source(%dma_start3A_7 : memref<640xi32, #tpu.memory_space<hbm>>) target(%arg14 : memref<640xi32, #tpu.memory_space<vmem>>) target_semaphore(%arg21 : memref<!tpu.dma_semaphore, #tpu.memory_space<semaphore_mem>>)
    %dma_start3A_8 = tpu.memref_slice %arg5[%multiple_of3A] : memref<163840xi32, #tpu.memory_space<hbm>> -> memref<640xi32, #tpu.memory_space<hbm>>
    %dma_start3A_9 = tpu.memref_slice %arg5[%multiple_of3A] : memref<163840xi32, #tpu.memory_space<hbm>> -> memref<640xi32, #tpu.memory_space<hbm>>
    tpu.enqueue_dma source(%dma_start3A_9 : memref<640xi32, #tpu.memory_space<hbm>>) target(%arg16 : memref<640xi32, #tpu.memory_space<vmem>>) target_semaphore(%arg21 : memref<!tpu.dma_semaphore, #tpu.memory_space<semaphore_mem>>)
    %dma_start3A_10 = tpu.memref_slice %arg6[%multiple_of3A] : memref<163840xf32, #tpu.memory_space<hbm>> -> memref<640xf32, #tpu.memory_space<hbm>>
    %dma_start3A_11 = tpu.memref_slice %arg6[%multiple_of3A] : memref<163840xf32, #tpu.memory_space<hbm>> -> memref<640xf32, #tpu.memory_space<hbm>>
    tpu.enqueue_dma source(%dma_start3A_11 : memref<640xf32, #tpu.memory_space<hbm>>) target(%arg18 : memref<640xf32, #tpu.memory_space<vmem>>) target_semaphore(%arg21 : memref<!tpu.dma_semaphore, #tpu.memory_space<semaphore_mem>>)
    %dma_wait3A = tpu.memref_slice %arg4[%multiple_of3A] : memref<163840xi32, #tpu.memory_space<hbm>> -> memref<640xi32, #tpu.memory_space<hbm>>
    %dma_wait3A_12 = tpu.memref_slice %arg4[%multiple_of3A] : memref<163840xi32, #tpu.memory_space<hbm>> -> memref<640xi32, #tpu.memory_space<hbm>>
    tpu.wait_dma2 semaphore(%arg21 : memref<!tpu.dma_semaphore, #tpu.memory_space<semaphore_mem>>) src(%dma_wait3A_12 : memref<640xi32, #tpu.memory_space<hbm>>) dst(%arg14 : memref<640xi32, #tpu.memory_space<vmem>>)
    %dma_wait3A_13 = tpu.memref_slice %arg5[%multiple_of3A] : memref<163840xi32, #tpu.memory_space<hbm>> -> memref<640xi32, #tpu.memory_space<hbm>>
    %dma_wait3A_14 = tpu.memref_slice %arg5[%multiple_of3A] : memref<163840xi32, #tpu.memory_space<hbm>> -> memref<640xi32, #tpu.memory_space<hbm>>
    tpu.wait_dma2 semaphore(%arg21 : memref<!tpu.dma_semaphore, #tpu.memory_space<semaphore_mem>>) src(%dma_wait3A_14 : memref<640xi32, #tpu.memory_space<hbm>>) dst(%arg16 : memref<640xi32, #tpu.memory_space<vmem>>)
    %dma_wait3A_15 = tpu.memref_slice %arg6[%multiple_of3A] : memref<163840xf32, #tpu.memory_space<hbm>> -> memref<640xf32, #tpu.memory_space<hbm>>
    %dma_wait3A_16 = tpu.memref_slice %arg6[%multiple_of3A] : memref<163840xf32, #tpu.memory_space<hbm>> -> memref<640xf32, #tpu.memory_space<hbm>>
    tpu.wait_dma2 semaphore(%arg21 : memref<!tpu.dma_semaphore, #tpu.memory_space<semaphore_mem>>) src(%dma_wait3A_16 : memref<640xf32, #tpu.memory_space<hbm>>) dst(%arg18 : memref<640xf32, #tpu.memory_space<vmem>>)
    %dma_start3A_17 = arith.constant 0 : i32
    %dma_start3A_18 = arith.constant 0 : i32
    %dma_start3A_19 = tpu.memref_slice %arg9[%dma_start3A_17, %dma_start3A_18] : memref<640x32xf32, #tpu.memory_space<vmem>> -> memref<128x32xf32, #tpu.memory_space<vmem>>
    %dma_start3A_20 = arith.constant 0 : i32
    %dma_start3A_21 = tpu.memref_slice %arg14[%dma_start3A_20] : memref<640xi32, #tpu.memory_space<vmem>> -> memref<128xi32, #tpu.memory_space<vmem>>
    %dma_start3A_22 = arith.constant 0 : i32
    %dma_start3A_23 = arith.constant 0 : i32
    %dma_start3A_24 = tpu.memref_slice %arg2[%dma_start3A_22, %dma_start3A_23] : memref<10240x32xf32, #tpu.memory_space<hbm>> -> memref<10240x32xf32, #tpu.memory_space<hbm>>
    tpu.enqueue_indirect_dma source(%dma_start3A_24 : memref<10240x32xf32, #tpu.memory_space<hbm>>) target(%dma_start3A_19 : memref<128x32xf32, #tpu.memory_space<vmem>>) offsets(%dma_start3A_21 : memref<128xi32, #tpu.memory_space<vmem>>) semaphore(%arg23 : memref<!tpu.dma_semaphore, #tpu.memory_space<semaphore_mem>>)
    %dma_start3A_25 = arith.constant 0 : i32
    %dma_start3A_26 = arith.constant 0 : i32
    %dma_start3A_27 = tpu.memref_slice %arg11[%dma_start3A_25, %dma_start3A_26] : memref<640x16xf32, #tpu.memory_space<vmem>> -> memref<128x16xf32, #tpu.memory_space<vmem>>
    %dma_start3A_28 = arith.constant 0 : i32
    %dma_start3A_29 = tpu.memref_slice %arg16[%dma_start3A_28] : memref<640xi32, #tpu.memory_space<vmem>> -> memref<128xi32, #tpu.memory_space<vmem>>
    %dma_start3A_30 = arith.constant 0 : i32
    %dma_start3A_31 = arith.constant 0 : i32
    %dma_start3A_32 = tpu.memref_slice %arg3[%dma_start3A_30, %dma_start3A_31] : memref<10240x16xf32, #tpu.memory_space<hbm>> -> memref<10240x16xf32, #tpu.memory_space<hbm>>
    tpu.enqueue_indirect_dma source(%dma_start3A_32 : memref<10240x16xf32, #tpu.memory_space<hbm>>) target(%dma_start3A_27 : memref<128x16xf32, #tpu.memory_space<vmem>>) offsets(%dma_start3A_29 : memref<128xi32, #tpu.memory_space<vmem>>) semaphore(%arg23 : memref<!tpu.dma_semaphore, #tpu.memory_space<semaphore_mem>>)
    %dma_start3A_33 = arith.constant 128 : i32
    %dma_start3A_34 = arith.constant 0 : i32
    %dma_start3A_35 = tpu.memref_slice %arg9[%dma_start3A_33, %dma_start3A_34] : memref<640x32xf32, #tpu.memory_space<vmem>> -> memref<128x32xf32, #tpu.memory_space<vmem>>
    %dma_start3A_36 = arith.constant 128 : i32
    %dma_start3A_37 = tpu.memref_slice %arg14[%dma_start3A_36] : memref<640xi32, #tpu.memory_space<vmem>> -> memref<128xi32, #tpu.memory_space<vmem>>
    %dma_start3A_38 = arith.constant 0 : i32
    %dma_start3A_39 = arith.constant 0 : i32
    %dma_start3A_40 = tpu.memref_slice %arg2[%dma_start3A_38, %dma_start3A_39] : memref<10240x32xf32, #tpu.memory_space<hbm>> -> memref<10240x32xf32, #tpu.memory_space<hbm>>
    tpu.enqueue_indirect_dma source(%dma_start3A_40 : memref<10240x32xf32, #tpu.memory_space<hbm>>) target(%dma_start3A_35 : memref<128x32xf32, #tpu.memory_space<vmem>>) offsets(%dma_start3A_37 : memref<128xi32, #tpu.memory_space<vmem>>) semaphore(%arg23 : memref<!tpu.dma_semaphore, #tpu.memory_space<semaphore_mem>>)
    %dma_start3A_41 = arith.constant 128 : i32
    %dma_start3A_42 = arith.constant 0 : i32
    %dma_start3A_43 = tpu.memref_slice %arg11[%dma_start3A_41, %dma_start3A_42] : memref<640x16xf32, #tpu.memory_space<vmem>> -> memref<128x16xf32, #tpu.memory_space<vmem>>
    %dma_start3A_44 = arith.constant 128 : i32
    %dma_start3A_45 = tpu.memref_slice %arg16[%dma_start3A_44] : memref<640xi32, #tpu.memory_space<vmem>> -> memref<128xi32, #tpu.memory_space<vmem>>
    %dma_start3A_46 = arith.constant 0 : i32
    %dma_start3A_47 = arith.constant 0 : i32
    %dma_start3A_48 = tpu.memref_slice %arg3[%dma_start3A_46, %dma_start3A_47] : memref<10240x16xf32, #tpu.memory_space<hbm>> -> memref<10240x16xf32, #tpu.memory_space<hbm>>
    tpu.enqueue_indirect_dma source(%dma_start3A_48 : memref<10240x16xf32, #tpu.memory_space<hbm>>) target(%dma_start3A_43 : memref<128x16xf32, #tpu.memory_space<vmem>>) offsets(%dma_start3A_45 : memref<128xi32, #tpu.memory_space<vmem>>) semaphore(%arg23 : memref<!tpu.dma_semaphore, #tpu.memory_space<semaphore_mem>>)
    %dma_start3A_49 = arith.constant 256 : i32
    %dma_start3A_50 = arith.constant 0 : i32
    %dma_start3A_51 = tpu.memref_slice %arg9[%dma_start3A_49, %dma_start3A_50] : memref<640x32xf32, #tpu.memory_space<vmem>> -> memref<128x32xf32, #tpu.memory_space<vmem>>
    %dma_start3A_52 = arith.constant 256 : i32
    %dma_start3A_53 = tpu.memref_slice %arg14[%dma_start3A_52] : memref<640xi32, #tpu.memory_space<vmem>> -> memref<128xi32, #tpu.memory_space<vmem>>
    %dma_start3A_54 = arith.constant 0 : i32
    %dma_start3A_55 = arith.constant 0 : i32
    %dma_start3A_56 = tpu.memref_slice %arg2[%dma_start3A_54, %dma_start3A_55] : memref<10240x32xf32, #tpu.memory_space<hbm>> -> memref<10240x32xf32, #tpu.memory_space<hbm>>
    tpu.enqueue_indirect_dma source(%dma_start3A_56 : memref<10240x32xf32, #tpu.memory_space<hbm>>) target(%dma_start3A_51 : memref<128x32xf32, #tpu.memory_space<vmem>>) offsets(%dma_start3A_53 : memref<128xi32, #tpu.memory_space<vmem>>) semaphore(%arg23 : memref<!tpu.dma_semaphore, #tpu.memory_space<semaphore_mem>>)
    %dma_start3A_57 = arith.constant 256 : i32
    %dma_start3A_58 = arith.constant 0 : i32
    %dma_start3A_59 = tpu.memref_slice %arg11[%dma_start3A_57, %dma_start3A_58] : memref<640x16xf32, #tpu.memory_space<vmem>> -> memref<128x16xf32, #tpu.memory_space<vmem>>
    %dma_start3A_60 = arith.constant 256 : i32
    %dma_start3A_61 = tpu.memref_slice %arg16[%dma_start3A_60] : memref<640xi32, #tpu.memory_space<vmem>> -> memref<128xi32, #tpu.memory_space<vmem>>
    %dma_start3A_62 = arith.constant 0 : i32
    %dma_start3A_63 = arith.constant 0 : i32
    %dma_start3A_64 = tpu.memref_slice %arg3[%dma_start3A_62, %dma_start3A_63] : memref<10240x16xf32, #tpu.memory_space<hbm>> -> memref<10240x16xf32, #tpu.memory_space<hbm>>
    tpu.enqueue_indirect_dma source(%dma_start3A_64 : memref<10240x16xf32, #tpu.memory_space<hbm>>) target(%dma_start3A_59 : memref<128x16xf32, #tpu.memory_space<vmem>>) offsets(%dma_start3A_61 : memref<128xi32, #tpu.memory_space<vmem>>) semaphore(%arg23 : memref<!tpu.dma_semaphore, #tpu.memory_space<semaphore_mem>>)
    %dma_start3A_65 = arith.constant 384 : i32
    %dma_start3A_66 = arith.constant 0 : i32
    %dma_start3A_67 = tpu.memref_slice %arg9[%dma_start3A_65, %dma_start3A_66] : memref<640x32xf32, #tpu.memory_space<vmem>> -> memref<128x32xf32, #tpu.memory_space<vmem>>
    %dma_start3A_68 = arith.constant 384 : i32
    %dma_start3A_69 = tpu.memref_slice %arg14[%dma_start3A_68] : memref<640xi32, #tpu.memory_space<vmem>> -> memref<128xi32, #tpu.memory_space<vmem>>
    %dma_start3A_70 = arith.constant 0 : i32
    %dma_start3A_71 = arith.constant 0 : i32
    %dma_start3A_72 = tpu.memref_slice %arg2[%dma_start3A_70, %dma_start3A_71] : memref<10240x32xf32, #tpu.memory_space<hbm>> -> memref<10240x32xf32, #tpu.memory_space<hbm>>
    tpu.enqueue_indirect_dma source(%dma_start3A_72 : memref<10240x32xf32, #tpu.memory_space<hbm>>) target(%dma_start3A_67 : memref<128x32xf32, #tpu.memory_space<vmem>>) offsets(%dma_start3A_69 : memref<128xi32, #tpu.memory_space<vmem>>) semaphore(%arg23 : memref<!tpu.dma_semaphore, #tpu.memory_space<semaphore_mem>>)
    %dma_start3A_73 = arith.constant 384 : i32
    %dma_start3A_74 = arith.constant 0 : i32
    %dma_start3A_75 = tpu.memref_slice %arg11[%dma_start3A_73, %dma_start3A_74] : memref<640x16xf32, #tpu.memory_space<vmem>> -> memref<128x16xf32, #tpu.memory_space<vmem>>
    %dma_start3A_76 = arith.constant 384 : i32
    %dma_start3A_77 = tpu.memref_slice %arg16[%dma_start3A_76] : memref<640xi32, #tpu.memory_space<vmem>> -> memref<128xi32, #tpu.memory_space<vmem>>
    %dma_start3A_78 = arith.constant 0 : i32
    %dma_start3A_79 = arith.constant 0 : i32
    %dma_start3A_80 = tpu.memref_slice %arg3[%dma_start3A_78, %dma_start3A_79] : memref<10240x16xf32, #tpu.memory_space<hbm>> -> memref<10240x16xf32, #tpu.memory_space<hbm>>
    tpu.enqueue_indirect_dma source(%dma_start3A_80 : memref<10240x16xf32, #tpu.memory_space<hbm>>) target(%dma_start3A_75 : memref<128x16xf32, #tpu.memory_space<vmem>>) offsets(%dma_start3A_77 : memref<128xi32, #tpu.memory_space<vmem>>) semaphore(%arg23 : memref<!tpu.dma_semaphore, #tpu.memory_space<semaphore_mem>>)
    %dma_start3A_81 = arith.constant 512 : i32
    %dma_start3A_82 = arith.constant 0 : i32
    %dma_start3A_83 = tpu.memref_slice %arg9[%dma_start3A_81, %dma_start3A_82] : memref<640x32xf32, #tpu.memory_space<vmem>> -> memref<128x32xf32, #tpu.memory_space<vmem>>
    %dma_start3A_84 = arith.constant 512 : i32
    %dma_start3A_85 = tpu.memref_slice %arg14[%dma_start3A_84] : memref<640xi32, #tpu.memory_space<vmem>> -> memref<128xi32, #tpu.memory_space<vmem>>
    %dma_start3A_86 = arith.constant 0 : i32
    %dma_start3A_87 = arith.constant 0 : i32
    %dma_start3A_88 = tpu.memref_slice %arg2[%dma_start3A_86, %dma_start3A_87] : memref<10240x32xf32, #tpu.memory_space<hbm>> -> memref<10240x32xf32, #tpu.memory_space<hbm>>
    tpu.enqueue_indirect_dma source(%dma_start3A_88 : memref<10240x32xf32, #tpu.memory_space<hbm>>) target(%dma_start3A_83 : memref<128x32xf32, #tpu.memory_space<vmem>>) offsets(%dma_start3A_85 : memref<128xi32, #tpu.memory_space<vmem>>) semaphore(%arg23 : memref<!tpu.dma_semaphore, #tpu.memory_space<semaphore_mem>>)
    %dma_start3A_89 = arith.constant 512 : i32
    %dma_start3A_90 = arith.constant 0 : i32
    %dma_start3A_91 = tpu.memref_slice %arg11[%dma_start3A_89, %dma_start3A_90] : memref<640x16xf32, #tpu.memory_space<vmem>> -> memref<128x16xf32, #tpu.memory_space<vmem>>
    %dma_start3A_92 = arith.constant 512 : i32
    %dma_start3A_93 = tpu.memref_slice %arg16[%dma_start3A_92] : memref<640xi32, #tpu.memory_space<vmem>> -> memref<128xi32, #tpu.memory_space<vmem>>
    %dma_start3A_94 = arith.constant 0 : i32
    %dma_start3A_95 = arith.constant 0 : i32
    %dma_start3A_96 = tpu.memref_slice %arg3[%dma_start3A_94, %dma_start3A_95] : memref<10240x16xf32, #tpu.memory_space<hbm>> -> memref<10240x16xf32, #tpu.memory_space<hbm>>
    tpu.enqueue_indirect_dma source(%dma_start3A_96 : memref<10240x16xf32, #tpu.memory_space<hbm>>) target(%dma_start3A_91 : memref<128x16xf32, #tpu.memory_space<vmem>>) offsets(%dma_start3A_93 : memref<128xi32, #tpu.memory_space<vmem>>) semaphore(%arg23 : memref<!tpu.dma_semaphore, #tpu.memory_space<semaphore_mem>>)
    %mul3A_97 = arith.constant 8 : i32
    %mul3A_98 = arith.muli %add3A, %mul3A_97 : i32
    %add3A_99 = arith.constant 1 : i32
    %add3A_100 = arith.addi %mul3A_98, %add3A_99 : i32
    %mul3A_101 = arith.constant 640 : i32
    %mul3A_102 = arith.muli %add3A_100, %mul3A_101 : i32
    %multiple_of3A_103 = tpu.assume_multiple %mul3A_102, 640 : i32
    %dma_start3A_104 = tpu.memref_slice %arg4[%multiple_of3A_103] : memref<163840xi32, #tpu.memory_space<hbm>> -> memref<640xi32, #tpu.memory_space<hbm>>
    %dma_start3A_105 = tpu.memref_slice %arg4[%multiple_of3A_103] : memref<163840xi32, #tpu.memory_space<hbm>> -> memref<640xi32, #tpu.memory_space<hbm>>
    tpu.enqueue_dma source(%dma_start3A_105 : memref<640xi32, #tpu.memory_space<hbm>>) target(%arg15 : memref<640xi32, #tpu.memory_space<vmem>>) target_semaphore(%arg22 : memref<!tpu.dma_semaphore, #tpu.memory_space<semaphore_mem>>)
    %dma_start3A_106 = tpu.memref_slice %arg5[%multiple_of3A_103] : memref<163840xi32, #tpu.memory_space<hbm>> -> memref<640xi32, #tpu.memory_space<hbm>>
    %dma_start3A_107 = tpu.memref_slice %arg5[%multiple_of3A_103] : memref<163840xi32, #tpu.memory_space<hbm>> -> memref<640xi32, #tpu.memory_space<hbm>>
    tpu.enqueue_dma source(%dma_start3A_107 : memref<640xi32, #tpu.memory_space<hbm>>) target(%arg17 : memref<640xi32, #tpu.memory_space<vmem>>) target_semaphore(%arg22 : memref<!tpu.dma_semaphore, #tpu.memory_space<semaphore_mem>>)
    %dma_start3A_108 = tpu.memref_slice %arg6[%multiple_of3A_103] : memref<163840xf32, #tpu.memory_space<hbm>> -> memref<640xf32, #tpu.memory_space<hbm>>
    %dma_start3A_109 = tpu.memref_slice %arg6[%multiple_of3A_103] : memref<163840xf32, #tpu.memory_space<hbm>> -> memref<640xf32, #tpu.memory_space<hbm>>
    tpu.enqueue_dma source(%dma_start3A_109 : memref<640xf32, #tpu.memory_space<hbm>>) target(%arg19 : memref<640xf32, #tpu.memory_space<vmem>>) target_semaphore(%arg22 : memref<!tpu.dma_semaphore, #tpu.memory_space<semaphore_mem>>)
    %mul3A_110 = arith.constant 320 : i32
    %mul3A_111 = arith.muli %add3A, %mul3A_110 : i32
    %multiple_of3A_112 = tpu.assume_multiple %mul3A_111, 320 : i32
    %dma_start3A_113 = arith.constant 0 : i32
    %dma_start3A_114 = tpu.memref_slice %arg2[%multiple_of3A_112, %dma_start3A_113] : memref<10240x32xf32, #tpu.memory_space<hbm>> -> memref<320x32xf32, #tpu.memory_space<hbm>>
    %dma_start3A_115 = arith.constant 0 : i32
    %dma_start3A_116 = tpu.memref_slice %arg2[%multiple_of3A_112, %dma_start3A_115] : memref<10240x32xf32, #tpu.memory_space<hbm>> -> memref<320x32xf32, #tpu.memory_space<hbm>>
    tpu.enqueue_dma source(%dma_start3A_116 : memref<320x32xf32, #tpu.memory_space<hbm>>) target(%arg13 : memref<320x32xf32, #tpu.memory_space<vmem>>) target_semaphore(%arg20 : memref<!tpu.dma_semaphore, #tpu.memory_space<semaphore_mem>>)
    %parallel_loop3A = arith.constant 0 : i32
    %parallel_loop3A_117 = arith.constant 544 : i32
    %parallel_loop3A_118 = arith.constant 1 : i32
    scf.for %parallel_loop3A_135 = %parallel_loop3A to %parallel_loop3A_117 step %parallel_loop3A_118  : i32 {
      %parallel_loop3A_136 = arith.constant 0.000000e+00 : f32
      %parallel_loop3A_137 = vector.broadcast %parallel_loop3A_136 : f32 to vector<16xf32>
      %parallel_loop3A_138 = arith.constant 16 : i32
      %parallel_loop3A_139 = arith.muli %parallel_loop3A_135, %parallel_loop3A_138 : i32
      %parallel_loop3A_140 = arith.index_cast %parallel_loop3A_139 : i32 to index
      %parallel_loop3A_141 = tpu.vector_load %arg8[%parallel_loop3A_140] {strides = array<i32>} : memref<8704xf32, #tpu.memory_space<vmem>>, vector<16xf32>,
      tpu.vector_store %arg8[%parallel_loop3A_140], %parallel_loop3A_137 {strides = array<i32>} : memref<8704xf32, #tpu.memory_space<vmem>>, vector<16xf32>,
    } {sc.loop_unroll_factor = 4 : i64, sc.parallel_access}
    %dma_wait3A_119 = arith.constant 0 : i32
    %dma_wait3A_120 = tpu.memref_slice %arg2[%multiple_of3A_112, %dma_wait3A_119] : memref<10240x32xf32, #tpu.memory_space<hbm>> -> memref<320x32xf32, #tpu.memory_space<hbm>>
    %dma_wait3A_121 = arith.constant 0 : i32
    %dma_wait3A_122 = tpu.memref_slice %arg2[%multiple_of3A_112, %dma_wait3A_121] : memref<10240x32xf32, #tpu.memory_space<hbm>> -> memref<320x32xf32, #tpu.memory_space<hbm>>
    tpu.wait_dma2 semaphore(%arg20 : memref<!tpu.dma_semaphore, #tpu.memory_space<semaphore_mem>>) src(%dma_wait3A_122 : memref<320x32xf32, #tpu.memory_space<hbm>>) dst(%arg13 : memref<320x32xf32, #tpu.memory_space<vmem>>)
    %parallel_loop3A_123 = arith.constant 0 : i32
    %parallel_loop3A_124 = arith.constant 320 : i32
    %parallel_loop3A_125 = arith.constant 1 : i32
    scf.for %parallel_loop3A_135 = %parallel_loop3A_123 to %parallel_loop3A_124 step %parallel_loop3A_125  : i32 {
      %parallel_loop3A_136 = arith.index_cast %parallel_loop3A_135 : i32 to index
      %parallel_loop3A_137 = arith.constant 0 : index
      %parallel_loop3A_138 = tpu.vector_load %arg13[%parallel_loop3A_136, %parallel_loop3A_137] {strides = array<i32>} : memref<320x32xf32, #tpu.memory_space<vmem>>, vector<16xf32>,
      %parallel_loop3A_139 = arith.index_cast %parallel_loop3A_135 : i32 to index
      %parallel_loop3A_140 = arith.constant 16 : index
      %parallel_loop3A_141 = tpu.vector_load %arg13[%parallel_loop3A_139, %parallel_loop3A_140] {strides = array<i32>} : memref<320x32xf32, #tpu.memory_space<vmem>>, vector<16xf32>,
      %parallel_loop3A_142 = arith.fptosi %parallel_loop3A_141 : vector<16xf32> to vector<16xi32>
      %parallel_loop3A_143 = arith.constant 7.500000e+00 : f32
      %parallel_loop3A_144 = vector.broadcast %parallel_loop3A_143 : f32 to vector<16xf32>
      %parallel_loop3A_145 = arith.mulf %parallel_loop3A_138, %parallel_loop3A_144 : vector<16xf32>
      %parallel_loop3A_146 = arith.constant 8.000000e+00 : f32
      %parallel_loop3A_147 = vector.broadcast %parallel_loop3A_146 : f32 to vector<16xf32>
      %parallel_loop3A_148 = arith.addf %parallel_loop3A_145, %parallel_loop3A_147 : vector<16xf32>
      %parallel_loop3A_149 = arith.fptosi %parallel_loop3A_148 : vector<16xf32> to vector<16xi32>
      %parallel_loop3A_150 = arith.constant 0 : i32
      %parallel_loop3A_151 = arith.constant 15 : i32
      %parallel_loop3A_152 = vector.broadcast %parallel_loop3A_150 : i32 to vector<16xi32>
      %parallel_loop3A_153 = arith.maxsi %parallel_loop3A_152, %parallel_loop3A_149 : vector<16xi32>
      %parallel_loop3A_154 = vector.broadcast %parallel_loop3A_151 : i32 to vector<16xi32>
      %parallel_loop3A_155 = arith.minsi %parallel_loop3A_154, %parallel_loop3A_153 : vector<16xi32>
      %parallel_loop3A_156 = arith.constant 5.000000e+02 : f32
      %parallel_loop3A_157 = vector.broadcast %parallel_loop3A_156 : f32 to vector<16xf32>
      %parallel_loop3A_158 = arith.mulf %parallel_loop3A_138, %parallel_loop3A_157 : vector<16xf32>
      %parallel_loop3A_159 = arith.constant 5.000000e+02 : f32
      %parallel_loop3A_160 = vector.broadcast %parallel_loop3A_159 : f32 to vector<16xf32>
      %parallel_loop3A_161 = arith.addf %parallel_loop3A_158, %parallel_loop3A_160 : vector<16xf32>
      %parallel_loop3A_162 = arith.sitofp %parallel_loop3A_155 : vector<16xi32> to vector<16xf32>
      %parallel_loop3A_163 = arith.constant 66.6666641 : f32
      %parallel_loop3A_164 = vector.broadcast %parallel_loop3A_163 : f32 to vector<16xf32>
      %parallel_loop3A_165 = arith.mulf %parallel_loop3A_162, %parallel_loop3A_164 : vector<16xf32>
      %parallel_loop3A_166 = arith.subf %parallel_loop3A_161, %parallel_loop3A_165 : vector<16xf32>
      %parallel_loop3A_167 = math.exp %parallel_loop3A_166 : vector<16xf32>
      %parallel_loop3A_168 = arith.constant 1.000000e+00 : f32
      %parallel_loop3A_169 = vector.broadcast %parallel_loop3A_168 : f32 to vector<16xf32>
      %parallel_loop3A_170 = arith.addf %parallel_loop3A_169, %parallel_loop3A_167 : vector<16xf32>
      %parallel_loop3A_171 = arith.constant 1.000000e+00 : f32
      %parallel_loop3A_172 = vector.broadcast %parallel_loop3A_171 : f32 to vector<16xf32>
      %parallel_loop3A_173 = arith.divf %parallel_loop3A_172, %parallel_loop3A_170 : vector<16xf32>
      %parallel_loop3A_174 = arith.constant 512 : i32
      %parallel_loop3A_175 = vector.broadcast %parallel_loop3A_174 : i32 to vector<16xi32>
      %parallel_loop3A_176 = arith.muli %parallel_loop3A_155, %parallel_loop3A_175 : vector<16xi32>
      %parallel_loop3A_177 = arith.addi %parallel_loop3A_176, %parallel_loop3A_142 : vector<16xi32>
      tpu.vector_store_idx %arg8[%parallel_loop3A_177], %parallel_loop3A_173 {add = true} : memref<8704xf32, #tpu.memory_space<vmem>>[vector<16xi32>], vector<16xf32>,
      %parallel_loop3A_178 = arith.constant 512 : i32
      %parallel_loop3A_179 = vector.broadcast %parallel_loop3A_178 : i32 to vector<16xi32>
      %parallel_loop3A_180 = arith.addi %parallel_loop3A_177, %parallel_loop3A_179 : vector<16xi32>
      %parallel_loop3A_181 = arith.constant 1.000000e+00 : f32
      %parallel_loop3A_182 = vector.broadcast %parallel_loop3A_181 : f32 to vector<16xf32>
      %parallel_loop3A_183 = arith.subf %parallel_loop3A_182, %parallel_loop3A_173 : vector<16xf32>
      tpu.vector_store_idx %arg8[%parallel_loop3A_180], %parallel_loop3A_183 {add = true} : memref<8704xf32, #tpu.memory_space<vmem>>[vector<16xi32>], vector<16xf32>,
    } {sc.loop_unroll_factor = 2 : i64, sc.parallel_access}
    %scan3A = arith.constant 0 : i32
    %scan3A_126 = arith.constant 0 : i32
    %scan3A_127 = arith.constant 4 : i32
    %scan3A_128 = arith.addi %scan3A_126, %scan3A_127 : i32
    %scan3A_129 = arith.constant 1 : i32
    %scan3A_130 = scf.for %scan3A_135 = %scan3A_126 to %scan3A_128 step %scan3A_129 iter_args(%scan3A_136 = %scan3A) -> (i32)  : i32 {
      %mul3A_137 = arith.constant 2 : i32
      %mul3A_138 = arith.muli %mul3A_137, %scan3A_135 : i32
      %lt3A = arith.constant 3 : i32
      %lt3A_139 = arith.cmpi slt, %scan3A_135, %lt3A : i32
      %add3A_140 = arith.constant 1 : i32
      %add3A_141 = arith.addi %mul3A_138, %add3A_140 : i32
      %mul3A_142 = arith.constant 8 : i32
      %mul3A_143 = arith.muli %add3A, %mul3A_142 : i32
      %add3A_144 = arith.addi %mul3A_143, %add3A_141 : i32
      %mul3A_145 = arith.constant 640 : i32
      %mul3A_146 = arith.muli %add3A_144, %mul3A_145 : i32
      %multiple_of3A_147 = tpu.assume_multiple %mul3A_146, 640 : i32
      %dma_wait3A_148 = tpu.memref_slice %arg4[%multiple_of3A_147] : memref<163840xi32, #tpu.memory_space<hbm>> -> memref<640xi32, #tpu.memory_space<hbm>>
      %dma_wait3A_149 = tpu.memref_slice %arg4[%multiple_of3A_147] : memref<163840xi32, #tpu.memory_space<hbm>> -> memref<640xi32, #tpu.memory_space<hbm>>
      tpu.wait_dma2 semaphore(%arg22 : memref<!tpu.dma_semaphore, #tpu.memory_space<semaphore_mem>>) src(%dma_wait3A_149 : memref<640xi32, #tpu.memory_space<hbm>>) dst(%arg15 : memref<640xi32, #tpu.memory_space<vmem>>)
      %dma_wait3A_150 = tpu.memref_slice %arg5[%multiple_of3A_147] : memref<163840xi32, #tpu.memory_space<hbm>> -> memref<640xi32, #tpu.memory_space<hbm>>
      %dma_wait3A_151 = tpu.memref_slice %arg5[%multiple_of3A_147] : memref<163840xi32, #tpu.memory_space<hbm>> -> memref<640xi32, #tpu.memory_space<hbm>>
      tpu.wait_dma2 semaphore(%arg22 : memref<!tpu.dma_semaphore, #tpu.memory_space<semaphore_mem>>) src(%dma_wait3A_151 : memref<640xi32, #tpu.memory_space<hbm>>) dst(%arg17 : memref<640xi32, #tpu.memory_space<vmem>>)
      %dma_wait3A_152 = tpu.memref_slice %arg6[%multiple_of3A_147] : memref<163840xf32, #tpu.memory_space<hbm>> -> memref<640xf32, #tpu.memory_space<hbm>>
      %dma_wait3A_153 = tpu.memref_slice %arg6[%multiple_of3A_147] : memref<163840xf32, #tpu.memory_space<hbm>> -> memref<640xf32, #tpu.memory_space<hbm>>
      tpu.wait_dma2 semaphore(%arg22 : memref<!tpu.dma_semaphore, #tpu.memory_space<semaphore_mem>>) src(%dma_wait3A_153 : memref<640xf32, #tpu.memory_space<hbm>>) dst(%arg19 : memref<640xf32, #tpu.memory_space<vmem>>)
      %dma_start3A_154 = arith.constant 0 : i32
      %dma_start3A_155 = arith.constant 0 : i32
      %dma_start3A_156 = tpu.memref_slice %arg10[%dma_start3A_154, %dma_start3A_155] : memref<640x32xf32, #tpu.memory_space<vmem>> -> memref<128x32xf32, #tpu.memory_space<vmem>>
      %dma_start3A_157 = arith.constant 0 : i32
      %dma_start3A_158 = tpu.memref_slice %arg15[%dma_start3A_157] : memref<640xi32, #tpu.memory_space<vmem>> -> memref<128xi32, #tpu.memory_space<vmem>>
      %dma_start3A_159 = arith.constant 0 : i32
      %dma_start3A_160 = arith.constant 0 : i32
      %dma_start3A_161 = tpu.memref_slice %arg2[%dma_start3A_159, %dma_start3A_160] : memref<10240x32xf32, #tpu.memory_space<hbm>> -> memref<10240x32xf32, #tpu.memory_space<hbm>>
      tpu.enqueue_indirect_dma source(%dma_start3A_161 : memref<10240x32xf32, #tpu.memory_space<hbm>>) target(%dma_start3A_156 : memref<128x32xf32, #tpu.memory_space<vmem>>) offsets(%dma_start3A_158 : memref<128xi32, #tpu.memory_space<vmem>>) semaphore(%arg24 : memref<!tpu.dma_semaphore, #tpu.memory_space<semaphore_mem>>)
      %dma_start3A_162 = arith.constant 0 : i32
      %dma_start3A_163 = arith.constant 0 : i32
      %dma_start3A_164 = tpu.memref_slice %arg12[%dma_start3A_162, %dma_start3A_163] : memref<640x16xf32, #tpu.memory_space<vmem>> -> memref<128x16xf32, #tpu.memory_space<vmem>>
      %dma_start3A_165 = arith.constant 0 : i32
      %dma_start3A_166 = tpu.memref_slice %arg17[%dma_start3A_165] : memref<640xi32, #tpu.memory_space<vmem>> -> memref<128xi32, #tpu.memory_space<vmem>>
      %dma_start3A_167 = arith.constant 0 : i32
      %dma_start3A_168 = arith.constant 0 : i32
      %dma_start3A_169 = tpu.memref_slice %arg3[%dma_start3A_167, %dma_start3A_168] : memref<10240x16xf32, #tpu.memory_space<hbm>> -> memref<10240x16xf32, #tpu.memory_space<hbm>>
      tpu.enqueue_indirect_dma source(%dma_start3A_169 : memref<10240x16xf32, #tpu.memory_space<hbm>>) target(%dma_start3A_164 : memref<128x16xf32, #tpu.memory_space<vmem>>) offsets(%dma_start3A_166 : memref<128xi32, #tpu.memory_space<vmem>>) semaphore(%arg24 : memref<!tpu.dma_semaphore, #tpu.memory_space<semaphore_mem>>)
      %dma_start3A_170 = arith.constant 128 : i32
      %dma_start3A_171 = arith.constant 0 : i32
      %dma_start3A_172 = tpu.memref_slice %arg10[%dma_start3A_170, %dma_start3A_171] : memref<640x32xf32, #tpu.memory_space<vmem>> -> memref<128x32xf32, #tpu.memory_space<vmem>>
      %dma_start3A_173 = arith.constant 128 : i32
      %dma_start3A_174 = tpu.memref_slice %arg15[%dma_start3A_173] : memref<640xi32, #tpu.memory_space<vmem>> -> memref<128xi32, #tpu.memory_space<vmem>>
      %dma_start3A_175 = arith.constant 0 : i32
      %dma_start3A_176 = arith.constant 0 : i32
      %dma_start3A_177 = tpu.memref_slice %arg2[%dma_start3A_175, %dma_start3A_176] : memref<10240x32xf32, #tpu.memory_space<hbm>> -> memref<10240x32xf32, #tpu.memory_space<hbm>>
      tpu.enqueue_indirect_dma source(%dma_start3A_177 : memref<10240x32xf32, #tpu.memory_space<hbm>>) target(%dma_start3A_172 : memref<128x32xf32, #tpu.memory_space<vmem>>) offsets(%dma_start3A_174 : memref<128xi32, #tpu.memory_space<vmem>>) semaphore(%arg24 : memref<!tpu.dma_semaphore, #tpu.memory_space<semaphore_mem>>)
      %dma_start3A_178 = arith.constant 128 : i32
      %dma_start3A_179 = arith.constant 0 : i32
      %dma_start3A_180 = tpu.memref_slice %arg12[%dma_start3A_178, %dma_start3A_179] : memref<640x16xf32, #tpu.memory_space<vmem>> -> memref<128x16xf32, #tpu.memory_space<vmem>>
      %dma_start3A_181 = arith.constant 128 : i32
      %dma_start3A_182 = tpu.memref_slice %arg17[%dma_start3A_181] : memref<640xi32, #tpu.memory_space<vmem>> -> memref<128xi32, #tpu.memory_space<vmem>>
      %dma_start3A_183 = arith.constant 0 : i32
      %dma_start3A_184 = arith.constant 0 : i32
      %dma_start3A_185 = tpu.memref_slice %arg3[%dma_start3A_183, %dma_start3A_184] : memref<10240x16xf32, #tpu.memory_space<hbm>> -> memref<10240x16xf32, #tpu.memory_space<hbm>>
      tpu.enqueue_indirect_dma source(%dma_start3A_185 : memref<10240x16xf32, #tpu.memory_space<hbm>>) target(%dma_start3A_180 : memref<128x16xf32, #tpu.memory_space<vmem>>) offsets(%dma_start3A_182 : memref<128xi32, #tpu.memory_space<vmem>>) semaphore(%arg24 : memref<!tpu.dma_semaphore, #tpu.memory_space<semaphore_mem>>)
      %dma_start3A_186 = arith.constant 256 : i32
      %dma_start3A_187 = arith.constant 0 : i32
      %dma_start3A_188 = tpu.memref_slice %arg10[%dma_start3A_186, %dma_start3A_187] : memref<640x32xf32, #tpu.memory_space<vmem>> -> memref<128x32xf32, #tpu.memory_space<vmem>>
      %dma_start3A_189 = arith.constant 256 : i32
      %dma_start3A_190 = tpu.memref_slice %arg15[%dma_start3A_189] : memref<640xi32, #tpu.memory_space<vmem>> -> memref<128xi32, #tpu.memory_space<vmem>>
      %dma_start3A_191 = arith.constant 0 : i32
      %dma_start3A_192 = arith.constant 0 : i32
      %dma_start3A_193 = tpu.memref_slice %arg2[%dma_start3A_191, %dma_start3A_192] : memref<10240x32xf32, #tpu.memory_space<hbm>> -> memref<10240x32xf32, #tpu.memory_space<hbm>>
      tpu.enqueue_indirect_dma source(%dma_start3A_193 : memref<10240x32xf32, #tpu.memory_space<hbm>>) target(%dma_start3A_188 : memref<128x32xf32, #tpu.memory_space<vmem>>) offsets(%dma_start3A_190 : memref<128xi32, #tpu.memory_space<vmem>>) semaphore(%arg24 : memref<!tpu.dma_semaphore, #tpu.memory_space<semaphore_mem>>)
      %dma_start3A_194 = arith.constant 256 : i32
      %dma_start3A_195 = arith.constant 0 : i32
      %dma_start3A_196 = tpu.memref_slice %arg12[%dma_start3A_194, %dma_start3A_195] : memref<640x16xf32, #tpu.memory_space<vmem>> -> memref<128x16xf32, #tpu.memory_space<vmem>>
      %dma_start3A_197 = arith.constant 256 : i32
      %dma_start3A_198 = tpu.memref_slice %arg17[%dma_start3A_197] : memref<640xi32, #tpu.memory_space<vmem>> -> memref<128xi32, #tpu.memory_space<vmem>>
      %dma_start3A_199 = arith.constant 0 : i32
      %dma_start3A_200 = arith.constant 0 : i32
      %dma_start3A_201 = tpu.memref_slice %arg3[%dma_start3A_199, %dma_start3A_200] : memref<10240x16xf32, #tpu.memory_space<hbm>> -> memref<10240x16xf32, #tpu.memory_space<hbm>>
      tpu.enqueue_indirect_dma source(%dma_start3A_201 : memref<10240x16xf32, #tpu.memory_space<hbm>>) target(%dma_start3A_196 : memref<128x16xf32, #tpu.memory_space<vmem>>) offsets(%dma_start3A_198 : memref<128xi32, #tpu.memory_space<vmem>>) semaphore(%arg24 : memref<!tpu.dma_semaphore, #tpu.memory_space<semaphore_mem>>)
      %dma_start3A_202 = arith.constant 384 : i32
      %dma_start3A_203 = arith.constant 0 : i32
      %dma_start3A_204 = tpu.memref_slice %arg10[%dma_start3A_202, %dma_start3A_203] : memref<640x32xf32, #tpu.memory_space<vmem>> -> memref<128x32xf32, #tpu.memory_space<vmem>>
      %dma_start3A_205 = arith.constant 384 : i32
      %dma_start3A_206 = tpu.memref_slice %arg15[%dma_start3A_205] : memref<640xi32, #tpu.memory_space<vmem>> -> memref<128xi32, #tpu.memory_space<vmem>>
      %dma_start3A_207 = arith.constant 0 : i32
      %dma_start3A_208 = arith.constant 0 : i32
      %dma_start3A_209 = tpu.memref_slice %arg2[%dma_start3A_207, %dma_start3A_208] : memref<10240x32xf32, #tpu.memory_space<hbm>> -> memref<10240x32xf32, #tpu.memory_space<hbm>>
      tpu.enqueue_indirect_dma source(%dma_start3A_209 : memref<10240x32xf32, #tpu.memory_space<hbm>>) target(%dma_start3A_204 : memref<128x32xf32, #tpu.memory_space<vmem>>) offsets(%dma_start3A_206 : memref<128xi32, #tpu.memory_space<vmem>>) semaphore(%arg24 : memref<!tpu.dma_semaphore, #tpu.memory_space<semaphore_mem>>)
      %dma_start3A_210 = arith.constant 384 : i32
      %dma_start3A_211 = arith.constant 0 : i32
      %dma_start3A_212 = tpu.memref_slice %arg12[%dma_start3A_210, %dma_start3A_211] : memref<640x16xf32, #tpu.memory_space<vmem>> -> memref<128x16xf32, #tpu.memory_space<vmem>>
      %dma_start3A_213 = arith.constant 384 : i32
      %dma_start3A_214 = tpu.memref_slice %arg17[%dma_start3A_213] : memref<640xi32, #tpu.memory_space<vmem>> -> memref<128xi32, #tpu.memory_space<vmem>>
      %dma_start3A_215 = arith.constant 0 : i32
      %dma_start3A_216 = arith.constant 0 : i32
      %dma_start3A_217 = tpu.memref_slice %arg3[%dma_start3A_215, %dma_start3A_216] : memref<10240x16xf32, #tpu.memory_space<hbm>> -> memref<10240x16xf32, #tpu.memory_space<hbm>>
      tpu.enqueue_indirect_dma source(%dma_start3A_217 : memref<10240x16xf32, #tpu.memory_space<hbm>>) target(%dma_start3A_212 : memref<128x16xf32, #tpu.memory_space<vmem>>) offsets(%dma_start3A_214 : memref<128xi32, #tpu.memory_space<vmem>>) semaphore(%arg24 : memref<!tpu.dma_semaphore, #tpu.memory_space<semaphore_mem>>)
      %dma_start3A_218 = arith.constant 512 : i32
      %dma_start3A_219 = arith.constant 0 : i32
      %dma_start3A_220 = tpu.memref_slice %arg10[%dma_start3A_218, %dma_start3A_219] : memref<640x32xf32, #tpu.memory_space<vmem>> -> memref<128x32xf32, #tpu.memory_space<vmem>>
      %dma_start3A_221 = arith.constant 512 : i32
      %dma_start3A_222 = tpu.memref_slice %arg15[%dma_start3A_221] : memref<640xi32, #tpu.memory_space<vmem>> -> memref<128xi32, #tpu.memory_space<vmem>>
      %dma_start3A_223 = arith.constant 0 : i32
      %dma_start3A_224 = arith.constant 0 : i32
      %dma_start3A_225 = tpu.memref_slice %arg2[%dma_start3A_223, %dma_start3A_224] : memref<10240x32xf32, #tpu.memory_space<hbm>> -> memref<10240x32xf32, #tpu.memory_space<hbm>>
      tpu.enqueue_indirect_dma source(%dma_start3A_225 : memref<10240x32xf32, #tpu.memory_space<hbm>>) target(%dma_start3A_220 : memref<128x32xf32, #tpu.memory_space<vmem>>) offsets(%dma_start3A_222 : memref<128xi32, #tpu.memory_space<vmem>>) semaphore(%arg24 : memref<!tpu.dma_semaphore, #tpu.memory_space<semaphore_mem>>)
      %dma_start3A_226 = arith.constant 512 : i32
      %dma_start3A_227 = arith.constant 0 : i32
      %dma_start3A_228 = tpu.memref_slice %arg12[%dma_start3A_226, %dma_start3A_227] : memref<640x16xf32, #tpu.memory_space<vmem>> -> memref<128x16xf32, #tpu.memory_space<vmem>>
      %dma_start3A_229 = arith.constant 512 : i32
      %dma_start3A_230 = tpu.memref_slice %arg17[%dma_start3A_229] : memref<640xi32, #tpu.memory_space<vmem>> -> memref<128xi32, #tpu.memory_space<vmem>>
      %dma_start3A_231 = arith.constant 0 : i32
      %dma_start3A_232 = arith.constant 0 : i32
      %dma_start3A_233 = tpu.memref_slice %arg3[%dma_start3A_231, %dma_start3A_232] : memref<10240x16xf32, #tpu.memory_space<hbm>> -> memref<10240x16xf32, #tpu.memory_space<hbm>>
      tpu.enqueue_indirect_dma source(%dma_start3A_233 : memref<10240x16xf32, #tpu.memory_space<hbm>>) target(%dma_start3A_228 : memref<128x16xf32, #tpu.memory_space<vmem>>) offsets(%dma_start3A_230 : memref<128xi32, #tpu.memory_space<vmem>>) semaphore(%arg24 : memref<!tpu.dma_semaphore, #tpu.memory_space<semaphore_mem>>)
      %dma_wait3A_234 = arith.constant 0 : i32
      %dma_wait3A_235 = arith.constant 0 : i32
      %dma_wait3A_236 = tpu.memref_slice %arg9[%dma_wait3A_234, %dma_wait3A_235] : memref<640x32xf32, #tpu.memory_space<vmem>> -> memref<128x32xf32, #tpu.memory_space<vmem>>
      %dma_wait3A_237 = arith.constant 0 : i32
      %dma_wait3A_238 = tpu.memref_slice %arg14[%dma_wait3A_237] : memref<640xi32, #tpu.memory_space<vmem>> -> memref<128xi32, #tpu.memory_space<vmem>>
      %dma_wait3A_239 = arith.constant 0 : i32
      %dma_wait3A_240 = arith.constant 0 : i32
      %dma_wait3A_241 = tpu.memref_slice %arg2[%dma_wait3A_239, %dma_wait3A_240] : memref<10240x32xf32, #tpu.memory_space<hbm>> -> memref<10240x32xf32, #tpu.memory_space<hbm>>
      tpu.wait_indirect_dma semaphore(%arg23 : memref<!tpu.dma_semaphore, #tpu.memory_space<semaphore_mem>>) src(%dma_wait3A_241 : memref<10240x32xf32, #tpu.memory_space<hbm>>) dst(%dma_wait3A_236 : memref<128x32xf32, #tpu.memory_space<vmem>>)
      %dma_wait3A_242 = arith.constant 0 : i32
      %dma_wait3A_243 = arith.constant 0 : i32
      %dma_wait3A_244 = tpu.memref_slice %arg11[%dma_wait3A_242, %dma_wait3A_243] : memref<640x16xf32, #tpu.memory_space<vmem>> -> memref<128x16xf32, #tpu.memory_space<vmem>>
      %dma_wait3A_245 = arith.constant 0 : i32
      %dma_wait3A_246 = tpu.memref_slice %arg16[%dma_wait3A_245] : memref<640xi32, #tpu.memory_space<vmem>> -> memref<128xi32, #tpu.memory_space<vmem>>
      %dma_wait3A_247 = arith.constant 0 : i32
      %dma_wait3A_248 = arith.constant 0 : i32
      %dma_wait3A_249 = tpu.memref_slice %arg3[%dma_wait3A_247, %dma_wait3A_248] : memref<10240x16xf32, #tpu.memory_space<hbm>> -> memref<10240x16xf32, #tpu.memory_space<hbm>>
      tpu.wait_indirect_dma semaphore(%arg23 : memref<!tpu.dma_semaphore, #tpu.memory_space<semaphore_mem>>) src(%dma_wait3A_249 : memref<10240x16xf32, #tpu.memory_space<hbm>>) dst(%dma_wait3A_244 : memref<128x16xf32, #tpu.memory_space<vmem>>)
      %dma_wait3A_250 = arith.constant 128 : i32
      %dma_wait3A_251 = arith.constant 0 : i32
      %dma_wait3A_252 = tpu.memref_slice %arg9[%dma_wait3A_250, %dma_wait3A_251] : memref<640x32xf32, #tpu.memory_space<vmem>> -> memref<128x32xf32, #tpu.memory_space<vmem>>
      %dma_wait3A_253 = arith.constant 128 : i32
      %dma_wait3A_254 = tpu.memref_slice %arg14[%dma_wait3A_253] : memref<640xi32, #tpu.memory_space<vmem>> -> memref<128xi32, #tpu.memory_space<vmem>>
      %dma_wait3A_255 = arith.constant 0 : i32
      %dma_wait3A_256 = arith.constant 0 : i32
      %dma_wait3A_257 = tpu.memref_slice %arg2[%dma_wait3A_255, %dma_wait3A_256] : memref<10240x32xf32, #tpu.memory_space<hbm>> -> memref<10240x32xf32, #tpu.memory_space<hbm>>
      tpu.wait_indirect_dma semaphore(%arg23 : memref<!tpu.dma_semaphore, #tpu.memory_space<semaphore_mem>>) src(%dma_wait3A_257 : memref<10240x32xf32, #tpu.memory_space<hbm>>) dst(%dma_wait3A_252 : memref<128x32xf32, #tpu.memory_space<vmem>>)
      %dma_wait3A_258 = arith.constant 128 : i32
      %dma_wait3A_259 = arith.constant 0 : i32
      %dma_wait3A_260 = tpu.memref_slice %arg11[%dma_wait3A_258, %dma_wait3A_259] : memref<640x16xf32, #tpu.memory_space<vmem>> -> memref<128x16xf32, #tpu.memory_space<vmem>>
      %dma_wait3A_261 = arith.constant 128 : i32
      %dma_wait3A_262 = tpu.memref_slice %arg16[%dma_wait3A_261] : memref<640xi32, #tpu.memory_space<vmem>> -> memref<128xi32, #tpu.memory_space<vmem>>
      %dma_wait3A_263 = arith.constant 0 : i32
      %dma_wait3A_264 = arith.constant 0 : i32
      %dma_wait3A_265 = tpu.memref_slice %arg3[%dma_wait3A_263, %dma_wait3A_264] : memref<10240x16xf32, #tpu.memory_space<hbm>> -> memref<10240x16xf32, #tpu.memory_space<hbm>>
      tpu.wait_indirect_dma semaphore(%arg23 : memref<!tpu.dma_semaphore, #tpu.memory_space<semaphore_mem>>) src(%dma_wait3A_265 : memref<10240x16xf32, #tpu.memory_space<hbm>>) dst(%dma_wait3A_260 : memref<128x16xf32, #tpu.memory_space<vmem>>)
      %dma_wait3A_266 = arith.constant 256 : i32
      %dma_wait3A_267 = arith.constant 0 : i32
      %dma_wait3A_268 = tpu.memref_slice %arg9[%dma_wait3A_266, %dma_wait3A_267] : memref<640x32xf32, #tpu.memory_space<vmem>> -> memref<128x32xf32, #tpu.memory_space<vmem>>
      %dma_wait3A_269 = arith.constant 256 : i32
      %dma_wait3A_270 = tpu.memref_slice %arg14[%dma_wait3A_269] : memref<640xi32, #tpu.memory_space<vmem>> -> memref<128xi32, #tpu.memory_space<vmem>>
      %dma_wait3A_271 = arith.constant 0 : i32
      %dma_wait3A_272 = arith.constant 0 : i32
      %dma_wait3A_273 = tpu.memref_slice %arg2[%dma_wait3A_271, %dma_wait3A_272] : memref<10240x32xf32, #tpu.memory_space<hbm>> -> memref<10240x32xf32, #tpu.memory_space<hbm>>
      tpu.wait_indirect_dma semaphore(%arg23 : memref<!tpu.dma_semaphore, #tpu.memory_space<semaphore_mem>>) src(%dma_wait3A_273 : memref<10240x32xf32, #tpu.memory_space<hbm>>) dst(%dma_wait3A_268 : memref<128x32xf32, #tpu.memory_space<vmem>>)
      %dma_wait3A_274 = arith.constant 256 : i32
      %dma_wait3A_275 = arith.constant 0 : i32
      %dma_wait3A_276 = tpu.memref_slice %arg11[%dma_wait3A_274, %dma_wait3A_275] : memref<640x16xf32, #tpu.memory_space<vmem>> -> memref<128x16xf32, #tpu.memory_space<vmem>>
      %dma_wait3A_277 = arith.constant 256 : i32
      %dma_wait3A_278 = tpu.memref_slice %arg16[%dma_wait3A_277] : memref<640xi32, #tpu.memory_space<vmem>> -> memref<128xi32, #tpu.memory_space<vmem>>
      %dma_wait3A_279 = arith.constant 0 : i32
      %dma_wait3A_280 = arith.constant 0 : i32
      %dma_wait3A_281 = tpu.memref_slice %arg3[%dma_wait3A_279, %dma_wait3A_280] : memref<10240x16xf32, #tpu.memory_space<hbm>> -> memref<10240x16xf32, #tpu.memory_space<hbm>>
      tpu.wait_indirect_dma semaphore(%arg23 : memref<!tpu.dma_semaphore, #tpu.memory_space<semaphore_mem>>) src(%dma_wait3A_281 : memref<10240x16xf32, #tpu.memory_space<hbm>>) dst(%dma_wait3A_276 : memref<128x16xf32, #tpu.memory_space<vmem>>)
      %dma_wait3A_282 = arith.constant 384 : i32
      %dma_wait3A_283 = arith.constant 0 : i32
      %dma_wait3A_284 = tpu.memref_slice %arg9[%dma_wait3A_282, %dma_wait3A_283] : memref<640x32xf32, #tpu.memory_space<vmem>> -> memref<128x32xf32, #tpu.memory_space<vmem>>
      %dma_wait3A_285 = arith.constant 384 : i32
      %dma_wait3A_286 = tpu.memref_slice %arg14[%dma_wait3A_285] : memref<640xi32, #tpu.memory_space<vmem>> -> memref<128xi32, #tpu.memory_space<vmem>>
      %dma_wait3A_287 = arith.constant 0 : i32
      %dma_wait3A_288 = arith.constant 0 : i32
      %dma_wait3A_289 = tpu.memref_slice %arg2[%dma_wait3A_287, %dma_wait3A_288] : memref<10240x32xf32, #tpu.memory_space<hbm>> -> memref<10240x32xf32, #tpu.memory_space<hbm>>
      tpu.wait_indirect_dma semaphore(%arg23 : memref<!tpu.dma_semaphore, #tpu.memory_space<semaphore_mem>>) src(%dma_wait3A_289 : memref<10240x32xf32, #tpu.memory_space<hbm>>) dst(%dma_wait3A_284 : memref<128x32xf32, #tpu.memory_space<vmem>>)
      %dma_wait3A_290 = arith.constant 384 : i32
      %dma_wait3A_291 = arith.constant 0 : i32
      %dma_wait3A_292 = tpu.memref_slice %arg11[%dma_wait3A_290, %dma_wait3A_291] : memref<640x16xf32, #tpu.memory_space<vmem>> -> memref<128x16xf32, #tpu.memory_space<vmem>>
      %dma_wait3A_293 = arith.constant 384 : i32
      %dma_wait3A_294 = tpu.memref_slice %arg16[%dma_wait3A_293] : memref<640xi32, #tpu.memory_space<vmem>> -> memref<128xi32, #tpu.memory_space<vmem>>
      %dma_wait3A_295 = arith.constant 0 : i32
      %dma_wait3A_296 = arith.constant 0 : i32
      %dma_wait3A_297 = tpu.memref_slice %arg3[%dma_wait3A_295, %dma_wait3A_296] : memref<10240x16xf32, #tpu.memory_space<hbm>> -> memref<10240x16xf32, #tpu.memory_space<hbm>>
      tpu.wait_indirect_dma semaphore(%arg23 : memref<!tpu.dma_semaphore, #tpu.memory_space<semaphore_mem>>) src(%dma_wait3A_297 : memref<10240x16xf32, #tpu.memory_space<hbm>>) dst(%dma_wait3A_292 : memref<128x16xf32, #tpu.memory_space<vmem>>)
      %dma_wait3A_298 = arith.constant 512 : i32
      %dma_wait3A_299 = arith.constant 0 : i32
      %dma_wait3A_300 = tpu.memref_slice %arg9[%dma_wait3A_298, %dma_wait3A_299] : memref<640x32xf32, #tpu.memory_space<vmem>> -> memref<128x32xf32, #tpu.memory_space<vmem>>
      %dma_wait3A_301 = arith.constant 512 : i32
      %dma_wait3A_302 = tpu.memref_slice %arg14[%dma_wait3A_301] : memref<640xi32, #tpu.memory_space<vmem>> -> memref<128xi32, #tpu.memory_space<vmem>>
      %dma_wait3A_303 = arith.constant 0 : i32
      %dma_wait3A_304 = arith.constant 0 : i32
      %dma_wait3A_305 = tpu.memref_slice %arg2[%dma_wait3A_303, %dma_wait3A_304] : memref<10240x32xf32, #tpu.memory_space<hbm>> -> memref<10240x32xf32, #tpu.memory_space<hbm>>
      tpu.wait_indirect_dma semaphore(%arg23 : memref<!tpu.dma_semaphore, #tpu.memory_space<semaphore_mem>>) src(%dma_wait3A_305 : memref<10240x32xf32, #tpu.memory_space<hbm>>) dst(%dma_wait3A_300 : memref<128x32xf32, #tpu.memory_space<vmem>>)
      %dma_wait3A_306 = arith.constant 512 : i32
      %dma_wait3A_307 = arith.constant 0 : i32
      %dma_wait3A_308 = tpu.memref_slice %arg11[%dma_wait3A_306, %dma_wait3A_307] : memref<640x16xf32, #tpu.memory_space<vmem>> -> memref<128x16xf32, #tpu.memory_space<vmem>>
      %dma_wait3A_309 = arith.constant 512 : i32
      %dma_wait3A_310 = tpu.memref_slice %arg16[%dma_wait3A_309] : memref<640xi32, #tpu.memory_space<vmem>> -> memref<128xi32, #tpu.memory_space<vmem>>
      %dma_wait3A_311 = arith.constant 0 : i32
      %dma_wait3A_312 = arith.constant 0 : i32
      %dma_wait3A_313 = tpu.memref_slice %arg3[%dma_wait3A_311, %dma_wait3A_312] : memref<10240x16xf32, #tpu.memory_space<hbm>> -> memref<10240x16xf32, #tpu.memory_space<hbm>>
      tpu.wait_indirect_dma semaphore(%arg23 : memref<!tpu.dma_semaphore, #tpu.memory_space<semaphore_mem>>) src(%dma_wait3A_313 : memref<10240x16xf32, #tpu.memory_space<hbm>>) dst(%dma_wait3A_308 : memref<128x16xf32, #tpu.memory_space<vmem>>)
      %parallel_loop3A_314 = arith.constant 0 : i32
      %parallel_loop3A_315 = arith.constant 40 : i32
      %parallel_loop3A_316 = arith.constant 1 : i32
      scf.for %parallel_loop3A_405 = %parallel_loop3A_314 to %parallel_loop3A_315 step %parallel_loop3A_316  : i32 {
        %parallel_loop3A_406 = arith.constant 16 : i32
        %parallel_loop3A_407 = arith.muli %parallel_loop3A_405, %parallel_loop3A_406 : i32
        %parallel_loop3A_408 = arith.index_cast %parallel_loop3A_407 : i32 to index
        %parallel_loop3A_409 = tpu.vector_load %arg18[%parallel_loop3A_408] {strides = array<i32>} : memref<640xf32, #tpu.memory_space<vmem>>, vector<16xf32>,
        %parallel_loop3A_410 = arith.constant 0 : i32
        %parallel_loop3A_411 = arith.addi %parallel_loop3A_407, %parallel_loop3A_410 : i32
        %parallel_loop3A_412 = arith.index_cast %parallel_loop3A_411 : i32 to index
        %parallel_loop3A_413 = arith.constant 0 : index
        %parallel_loop3A_414 = tpu.vector_load %arg9[%parallel_loop3A_412, %parallel_loop3A_413] {strides = array<i32>} : memref<640x32xf32, #tpu.memory_space<vmem>>, vector<16xf32>,
        %parallel_loop3A_415 = arith.index_cast %parallel_loop3A_411 : i32 to index
        %parallel_loop3A_416 = arith.constant 16 : index
        %parallel_loop3A_417 = tpu.vector_load %arg9[%parallel_loop3A_415, %parallel_loop3A_416] {strides = array<i32>} : memref<640x32xf32, #tpu.memory_space<vmem>>, vector<16xf32>,
        %parallel_loop3A_418 = arith.fptosi %parallel_loop3A_417 : vector<16xf32> to vector<16xi32>
        %parallel_loop3A_419 = arith.index_cast %parallel_loop3A_411 : i32 to index
        %parallel_loop3A_420 = arith.constant 0 : index
        %parallel_loop3A_421 = tpu.vector_load %arg11[%parallel_loop3A_419, %parallel_loop3A_420] {strides = array<i32>} : memref<640x16xf32, #tpu.memory_space<vmem>>, vector<16xf32>,
        %parallel_loop3A_422 = arith.constant 0 : i32
        %parallel_loop3A_423 = vector.broadcast %parallel_loop3A_422 : i32 to vector<16xi32>
        %parallel_loop3A_424 = arith.constant 0 : i32
        %parallel_loop3A_425 = vector.broadcast %parallel_loop3A_424 : i32 to vector<16xi32>
        %parallel_loop3A_426 = arith.cmpi slt, %parallel_loop3A_423, %parallel_loop3A_425 : vector<16xi32>
        %parallel_loop3A_427 = arith.constant 16 : i32
        %parallel_loop3A_428 = vector.broadcast %parallel_loop3A_427 : i32 to vector<16xi32>
        %parallel_loop3A_429 = arith.addi %parallel_loop3A_423, %parallel_loop3A_428 : vector<16xi32>
        %parallel_loop3A_430 = arith.select %parallel_loop3A_426, %parallel_loop3A_429, %parallel_loop3A_423 : vector<16xi1>, vector<16xi32>
        %parallel_loop3A_431 = vector.shape_cast %parallel_loop3A_430 : vector<16xi32> to vector<16x1xi32>
        %parallel_loop3A_432 = vector.shape_cast %parallel_loop3A_431 : vector<16x1xi32> to vector<16xi32>
        %parallel_loop3A_433 = tpu.dynamic_gather %parallel_loop3A_409[%parallel_loop3A_432] in [0] : vector<16xf32>, vector<16xi32> -> vector<16xf32>
        %parallel_loop3A_434 = arith.maximumf %parallel_loop3A_414, %parallel_loop3A_421 : vector<16xf32>
        %parallel_loop3A_435 = arith.mulf %parallel_loop3A_434, %parallel_loop3A_433 : vector<16xf32>
        %parallel_loop3A_436 = arith.constant 7.500000e+00 : f32
        %parallel_loop3A_437 = vector.broadcast %parallel_loop3A_436 : f32 to vector<16xf32>
        %parallel_loop3A_438 = arith.mulf %parallel_loop3A_435, %parallel_loop3A_437 : vector<16xf32>
        %parallel_loop3A_439 = arith.constant 8.000000e+00 : f32
        %parallel_loop3A_440 = vector.broadcast %parallel_loop3A_439 : f32 to vector<16xf32>
        %parallel_loop3A_441 = arith.addf %parallel_loop3A_438, %parallel_loop3A_440 : vector<16xf32>
        %parallel_loop3A_442 = arith.fptosi %parallel_loop3A_441 : vector<16xf32> to vector<16xi32>
        %parallel_loop3A_443 = arith.constant 0 : i32
        %parallel_loop3A_444 = arith.constant 15 : i32
        %parallel_loop3A_445 = vector.broadcast %parallel_loop3A_443 : i32 to vector<16xi32>
        %parallel_loop3A_446 = arith.maxsi %parallel_loop3A_445, %parallel_loop3A_442 : vector<16xi32>
        %parallel_loop3A_447 = vector.broadcast %parallel_loop3A_444 : i32 to vector<16xi32>
        %parallel_loop3A_448 = arith.minsi %parallel_loop3A_447, %parallel_loop3A_446 : vector<16xi32>
        %parallel_loop3A_449 = arith.constant 5.000000e+02 : f32
        %parallel_loop3A_450 = vector.broadcast %parallel_loop3A_449 : f32 to vector<16xf32>
        %parallel_loop3A_451 = arith.mulf %parallel_loop3A_435, %parallel_loop3A_450 : vector<16xf32>
        %parallel_loop3A_452 = arith.constant 5.000000e+02 : f32
        %parallel_loop3A_453 = vector.broadcast %parallel_loop3A_452 : f32 to vector<16xf32>
        %parallel_loop3A_454 = arith.addf %parallel_loop3A_451, %parallel_loop3A_453 : vector<16xf32>
        %parallel_loop3A_455 = arith.sitofp %parallel_loop3A_448 : vector<16xi32> to vector<16xf32>
        %parallel_loop3A_456 = arith.constant 66.6666641 : f32
        %parallel_loop3A_457 = vector.broadcast %parallel_loop3A_456 : f32 to vector<16xf32>
        %parallel_loop3A_458 = arith.mulf %parallel_loop3A_455, %parallel_loop3A_457 : vector<16xf32>
        %parallel_loop3A_459 = arith.subf %parallel_loop3A_454, %parallel_loop3A_458 : vector<16xf32>
        %parallel_loop3A_460 = math.exp %parallel_loop3A_459 : vector<16xf32>
        %parallel_loop3A_461 = arith.constant 1.000000e+00 : f32
        %parallel_loop3A_462 = vector.broadcast %parallel_loop3A_461 : f32 to vector<16xf32>
        %parallel_loop3A_463 = arith.addf %parallel_loop3A_462, %parallel_loop3A_460 : vector<16xf32>
        %parallel_loop3A_464 = arith.constant -1.000000e+00 : f32
        %parallel_loop3A_465 = vector.broadcast %parallel_loop3A_464 : f32 to vector<16xf32>
        %parallel_loop3A_466 = arith.divf %parallel_loop3A_465, %parallel_loop3A_463 : vector<16xf32>
        %parallel_loop3A_467 = arith.constant 512 : i32
        %parallel_loop3A_468 = vector.broadcast %parallel_loop3A_467 : i32 to vector<16xi32>
        %parallel_loop3A_469 = arith.muli %parallel_loop3A_448, %parallel_loop3A_468 : vector<16xi32>
        %parallel_loop3A_470 = arith.addi %parallel_loop3A_469, %parallel_loop3A_418 : vector<16xi32>
        tpu.vector_store_idx %arg8[%parallel_loop3A_470], %parallel_loop3A_466 {add = true} : memref<8704xf32, #tpu.memory_space<vmem>>[vector<16xi32>], vector<16xf32>,
        %parallel_loop3A_471 = arith.constant 512 : i32
        %parallel_loop3A_472 = vector.broadcast %parallel_loop3A_471 : i32 to vector<16xi32>
        %parallel_loop3A_473 = arith.addi %parallel_loop3A_470, %parallel_loop3A_472 : vector<16xi32>
        %parallel_loop3A_474 = arith.constant -1.000000e+00 : f32
        %parallel_loop3A_475 = vector.broadcast %parallel_loop3A_474 : f32 to vector<16xf32>
        %parallel_loop3A_476 = arith.subf %parallel_loop3A_475, %parallel_loop3A_466 : vector<16xf32>
        tpu.vector_store_idx %arg8[%parallel_loop3A_473], %parallel_loop3A_476 {add = true} : memref<8704xf32, #tpu.memory_space<vmem>>[vector<16xi32>], vector<16xf32>,
        %parallel_loop3A_477 = arith.constant 1 : i32
        %parallel_loop3A_478 = arith.addi %parallel_loop3A_407, %parallel_loop3A_477 : i32
        %parallel_loop3A_479 = arith.index_cast %parallel_loop3A_478 : i32 to index
        %parallel_loop3A_480 = arith.constant 0 : index
        %parallel_loop3A_481 = tpu.vector_load %arg9[%parallel_loop3A_479, %parallel_loop3A_480] {strides = array<i32>} : memref<640x32xf32, #tpu.memory_space<vmem>>, vector<16xf32>,
        %parallel_loop3A_482 = arith.index_cast %parallel_loop3A_478 : i32 to index
        %parallel_loop3A_483 = arith.constant 16 : index
        %parallel_loop3A_484 = tpu.vector_load %arg9[%parallel_loop3A_482, %parallel_loop3A_483] {strides = array<i32>} : memref<640x32xf32, #tpu.memory_space<vmem>>, vector<16xf32>,
        %parallel_loop3A_485 = arith.fptosi %parallel_loop3A_484 : vector<16xf32> to vector<16xi32>
        %parallel_loop3A_486 = arith.index_cast %parallel_loop3A_478 : i32 to index
        %parallel_loop3A_487 = arith.constant 0 : index
        %parallel_loop3A_488 = tpu.vector_load %arg11[%parallel_loop3A_486, %parallel_loop3A_487] {strides = array<i32>} : memref<640x16xf32, #tpu.memory_space<vmem>>, vector<16xf32>,
        %parallel_loop3A_489 = arith.constant 1 : i32
        %parallel_loop3A_490 = vector.broadcast %parallel_loop3A_489 : i32 to vector<16xi32>
        %parallel_loop3A_491 = arith.constant 0 : i32
        %parallel_loop3A_492 = vector.broadcast %parallel_loop3A_491 : i32 to vector<16xi32>
        %parallel_loop3A_493 = arith.cmpi slt, %parallel_loop3A_490, %parallel_loop3A_492 : vector<16xi32>
        %parallel_loop3A_494 = arith.constant 16 : i32
        %parallel_loop3A_495 = vector.broadcast %parallel_loop3A_494 : i32 to vector<16xi32>
        %parallel_loop3A_496 = arith.addi %parallel_loop3A_490, %parallel_loop3A_495 : vector<16xi32>
        %parallel_loop3A_497 = arith.select %parallel_loop3A_493, %parallel_loop3A_496, %parallel_loop3A_490 : vector<16xi1>, vector<16xi32>
        %parallel_loop3A_498 = vector.shape_cast %parallel_loop3A_497 : vector<16xi32> to vector<16x1xi32>
        %parallel_loop3A_499 = vector.shape_cast %parallel_loop3A_498 : vector<16x1xi32> to vector<16xi32>
        %parallel_loop3A_500 = tpu.dynamic_gather %parallel_loop3A_409[%parallel_loop3A_499] in [0] : vector<16xf32>, vector<16xi32> -> vector<16xf32>
        %parallel_loop3A_501 = arith.maximumf %parallel_loop3A_481, %parallel_loop3A_488 : vector<16xf32>
        %parallel_loop3A_502 = arith.mulf %parallel_loop3A_501, %parallel_loop3A_500 : vector<16xf32>
        %parallel_loop3A_503 = arith.constant 7.500000e+00 : f32
        %parallel_loop3A_504 = vector.broadcast %parallel_loop3A_503 : f32 to vector<16xf32>
        %parallel_loop3A_505 = arith.mulf %parallel_loop3A_502, %parallel_loop3A_504 : vector<16xf32>
        %parallel_loop3A_506 = arith.constant 8.000000e+00 : f32
        %parallel_loop3A_507 = vector.broadcast %parallel_loop3A_506 : f32 to vector<16xf32>
        %parallel_loop3A_508 = arith.addf %parallel_loop3A_505, %parallel_loop3A_507 : vector<16xf32>
        %parallel_loop3A_509 = arith.fptosi %parallel_loop3A_508 : vector<16xf32> to vector<16xi32>
        %parallel_loop3A_510 = arith.constant 0 : i32
        %parallel_loop3A_511 = arith.constant 15 : i32
        %parallel_loop3A_512 = vector.broadcast %parallel_loop3A_510 : i32 to vector<16xi32>
        %parallel_loop3A_513 = arith.maxsi %parallel_loop3A_512, %parallel_loop3A_509 : vector<16xi32>
        %parallel_loop3A_514 = vector.broadcast %parallel_loop3A_511 : i32 to vector<16xi32>
        %parallel_loop3A_515 = arith.minsi %parallel_loop3A_514, %parallel_loop3A_513 : vector<16xi32>
        %parallel_loop3A_516 = arith.constant 5.000000e+02 : f32
        %parallel_loop3A_517 = vector.broadcast %parallel_loop3A_516 : f32 to vector<16xf32>
        %parallel_loop3A_518 = arith.mulf %parallel_loop3A_502, %parallel_loop3A_517 : vector<16xf32>
        %parallel_loop3A_519 = arith.constant 5.000000e+02 : f32
        %parallel_loop3A_520 = vector.broadcast %parallel_loop3A_519 : f32 to vector<16xf32>
        %parallel_loop3A_521 = arith.addf %parallel_loop3A_518, %parallel_loop3A_520 : vector<16xf32>
        %parallel_loop3A_522 = arith.sitofp %parallel_loop3A_515 : vector<16xi32> to vector<16xf32>
        %parallel_loop3A_523 = arith.constant 66.6666641 : f32
        %parallel_loop3A_524 = vector.broadcast %parallel_loop3A_523 : f32 to vector<16xf32>
        %parallel_loop3A_525 = arith.mulf %parallel_loop3A_522, %parallel_loop3A_524 : vector<16xf32>
        %parallel_loop3A_526 = arith.subf %parallel_loop3A_521, %parallel_loop3A_525 : vector<16xf32>
        %parallel_loop3A_527 = math.exp %parallel_loop3A_526 : vector<16xf32>
        %parallel_loop3A_528 = arith.constant 1.000000e+00 : f32
        %parallel_loop3A_529 = vector.broadcast %parallel_loop3A_528 : f32 to vector<16xf32>
        %parallel_loop3A_530 = arith.addf %parallel_loop3A_529, %parallel_loop3A_527 : vector<16xf32>
        %parallel_loop3A_531 = arith.constant -1.000000e+00 : f32
        %parallel_loop3A_532 = vector.broadcast %parallel_loop3A_531 : f32 to vector<16xf32>
        %parallel_loop3A_533 = arith.divf %parallel_loop3A_532, %parallel_loop3A_530 : vector<16xf32>
        %parallel_loop3A_534 = arith.constant 512 : i32
        %parallel_loop3A_535 = vector.broadcast %parallel_loop3A_534 : i32 to vector<16xi32>
        %parallel_loop3A_536 = arith.muli %parallel_loop3A_515, %parallel_loop3A_535 : vector<16xi32>
        %parallel_loop3A_537 = arith.addi %parallel_loop3A_536, %parallel_loop3A_485 : vector<16xi32>
        tpu.vector_store_idx %arg8[%parallel_loop3A_537], %parallel_loop3A_533 {add = true} : memref<8704xf32, #tpu.memory_space<vmem>>[vector<16xi32>], vector<16xf32>,
        %parallel_loop3A_538 = arith.constant 512 : i32
        %parallel_loop3A_539 = vector.broadcast %parallel_loop3A_538 : i32 to vector<16xi32>
        %parallel_loop3A_540 = arith.addi %parallel_loop3A_537, %parallel_loop3A_539 : vector<16xi32>
        %parallel_loop3A_541 = arith.constant -1.000000e+00 : f32
        %parallel_loop3A_542 = vector.broadcast %parallel_loop3A_541 : f32 to vector<16xf32>
        %parallel_loop3A_543 = arith.subf %parallel_loop3A_542, %parallel_loop3A_533 : vector<16xf32>
        tpu.vector_store_idx %arg8[%parallel_loop3A_540], %parallel_loop3A_543 {add = true} : memref<8704xf32, #tpu.memory_space<vmem>>[vector<16xi32>], vector<16xf32>,
        %parallel_loop3A_544 = arith.constant 2 : i32
        %parallel_loop3A_545 = arith.addi %parallel_loop3A_407, %parallel_loop3A_544 : i32
        %parallel_loop3A_546 = arith.index_cast %parallel_loop3A_545 : i32 to index
        %parallel_loop3A_547 = arith.constant 0 : index
        %parallel_loop3A_548 = tpu.vector_load %arg9[%parallel_loop3A_546, %parallel_loop3A_547] {strides = array<i32>} : memref<640x32xf32, #tpu.memory_space<vmem>>, vector<16xf32>,
        %parallel_loop3A_549 = arith.index_cast %parallel_loop3A_545 : i32 to index
        %parallel_loop3A_550 = arith.constant 16 : index
        %parallel_loop3A_551 = tpu.vector_load %arg9[%parallel_loop3A_549, %parallel_loop3A_550] {strides = array<i32>} : memref<640x32xf32, #tpu.memory_space<vmem>>, vector<16xf32>,
        %parallel_loop3A_552 = arith.fptosi %parallel_loop3A_551 : vector<16xf32> to vector<16xi32>
        %parallel_loop3A_553 = arith.index_cast %parallel_loop3A_545 : i32 to index
        %parallel_loop3A_554 = arith.constant 0 : index
        %parallel_loop3A_555 = tpu.vector_load %arg11[%parallel_loop3A_553, %parallel_loop3A_554] {strides = array<i32>} : memref<640x16xf32, #tpu.memory_space<vmem>>, vector<16xf32>,
        %parallel_loop3A_556 = arith.constant 2 : i32
        %parallel_loop3A_557 = vector.broadcast %parallel_loop3A_556 : i32 to vector<16xi32>
        %parallel_loop3A_558 = arith.constant 0 : i32
        %parallel_loop3A_559 = vector.broadcast %parallel_loop3A_558 : i32 to vector<16xi32>
        %parallel_loop3A_560 = arith.cmpi slt, %parallel_loop3A_557, %parallel_loop3A_559 : vector<16xi32>
        %parallel_loop3A_561 = arith.constant 16 : i32
        %parallel_loop3A_562 = vector.broadcast %parallel_loop3A_561 : i32 to vector<16xi32>
        %parallel_loop3A_563 = arith.addi %parallel_loop3A_557, %parallel_loop3A_562 : vector<16xi32>
        %parallel_loop3A_564 = arith.select %parallel_loop3A_560, %parallel_loop3A_563, %parallel_loop3A_557 : vector<16xi1>, vector<16xi32>
        %parallel_loop3A_565 = vector.shape_cast %parallel_loop3A_564 : vector<16xi32> to vector<16x1xi32>
        %parallel_loop3A_566 = vector.shape_cast %parallel_loop3A_565 : vector<16x1xi32> to vector<16xi32>
        %parallel_loop3A_567 = tpu.dynamic_gather %parallel_loop3A_409[%parallel_loop3A_566] in [0] : vector<16xf32>, vector<16xi32> -> vector<16xf32>
        %parallel_loop3A_568 = arith.maximumf %parallel_loop3A_548, %parallel_loop3A_555 : vector<16xf32>
        %parallel_loop3A_569 = arith.mulf %parallel_loop3A_568, %parallel_loop3A_567 : vector<16xf32>
        %parallel_loop3A_570 = arith.constant 7.500000e+00 : f32
        %parallel_loop3A_571 = vector.broadcast %parallel_loop3A_570 : f32 to vector<16xf32>
        %parallel_loop3A_572 = arith.mulf %parallel_loop3A_569, %parallel_loop3A_571 : vector<16xf32>
        %parallel_loop3A_573 = arith.constant 8.000000e+00 : f32
        %parallel_loop3A_574 = vector.broadcast %parallel_loop3A_573 : f32 to vector<16xf32>
        %parallel_loop3A_575 = arith.addf %parallel_loop3A_572, %parallel_loop3A_574 : vector<16xf32>
        %parallel_loop3A_576 = arith.fptosi %parallel_loop3A_575 : vector<16xf32> to vector<16xi32>
        %parallel_loop3A_577 = arith.constant 0 : i32
        %parallel_loop3A_578 = arith.constant 15 : i32
        %parallel_loop3A_579 = vector.broadcast %parallel_loop3A_577 : i32 to vector<16xi32>
        %parallel_loop3A_580 = arith.maxsi %parallel_loop3A_579, %parallel_loop3A_576 : vector<16xi32>
        %parallel_loop3A_581 = vector.broadcast %parallel_loop3A_578 : i32 to vector<16xi32>
        %parallel_loop3A_582 = arith.minsi %parallel_loop3A_581, %parallel_loop3A_580 : vector<16xi32>
        %parallel_loop3A_583 = arith.constant 5.000000e+02 : f32
        %parallel_loop3A_584 = vector.broadcast %parallel_loop3A_583 : f32 to vector<16xf32>
        %parallel_loop3A_585 = arith.mulf %parallel_loop3A_569, %parallel_loop3A_584 : vector<16xf32>
        %parallel_loop3A_586 = arith.constant 5.000000e+02 : f32
        %parallel_loop3A_587 = vector.broadcast %parallel_loop3A_586 : f32 to vector<16xf32>
        %parallel_loop3A_588 = arith.addf %parallel_loop3A_585, %parallel_loop3A_587 : vector<16xf32>
        %parallel_loop3A_589 = arith.sitofp %parallel_loop3A_582 : vector<16xi32> to vector<16xf32>
        %parallel_loop3A_590 = arith.constant 66.6666641 : f32
        %parallel_loop3A_591 = vector.broadcast %parallel_loop3A_590 : f32 to vector<16xf32>
        %parallel_loop3A_592 = arith.mulf %parallel_loop3A_589, %parallel_loop3A_591 : vector<16xf32>
        %parallel_loop3A_593 = arith.subf %parallel_loop3A_588, %parallel_loop3A_592 : vector<16xf32>
        %parallel_loop3A_594 = math.exp %parallel_loop3A_593 : vector<16xf32>
        %parallel_loop3A_595 = arith.constant 1.000000e+00 : f32
        %parallel_loop3A_596 = vector.broadcast %parallel_loop3A_595 : f32 to vector<16xf32>
        %parallel_loop3A_597 = arith.addf %parallel_loop3A_596, %parallel_loop3A_594 : vector<16xf32>
        %parallel_loop3A_598 = arith.constant -1.000000e+00 : f32
        %parallel_loop3A_599 = vector.broadcast %parallel_loop3A_598 : f32 to vector<16xf32>
        %parallel_loop3A_600 = arith.divf %parallel_loop3A_599, %parallel_loop3A_597 : vector<16xf32>
        %parallel_loop3A_601 = arith.constant 512 : i32
        %parallel_loop3A_602 = vector.broadcast %parallel_loop3A_601 : i32 to vector<16xi32>
        %parallel_loop3A_603 = arith.muli %parallel_loop3A_582, %parallel_loop3A_602 : vector<16xi32>
        %parallel_loop3A_604 = arith.addi %parallel_loop3A_603, %parallel_loop3A_552 : vector<16xi32>
        tpu.vector_store_idx %arg8[%parallel_loop3A_604], %parallel_loop3A_600 {add = true} : memref<8704xf32, #tpu.memory_space<vmem>>[vector<16xi32>], vector<16xf32>,
        %parallel_loop3A_605 = arith.constant 512 : i32
        %parallel_loop3A_606 = vector.broadcast %parallel_loop3A_605 : i32 to vector<16xi32>
        %parallel_loop3A_607 = arith.addi %parallel_loop3A_604, %parallel_loop3A_606 : vector<16xi32>
        %parallel_loop3A_608 = arith.constant -1.000000e+00 : f32
        %parallel_loop3A_609 = vector.broadcast %parallel_loop3A_608 : f32 to vector<16xf32>
        %parallel_loop3A_610 = arith.subf %parallel_loop3A_609, %parallel_loop3A_600 : vector<16xf32>
        tpu.vector_store_idx %arg8[%parallel_loop3A_607], %parallel_loop3A_610 {add = true} : memref<8704xf32, #tpu.memory_space<vmem>>[vector<16xi32>], vector<16xf32>,
        %parallel_loop3A_611 = arith.constant 3 : i32
        %parallel_loop3A_612 = arith.addi %parallel_loop3A_407, %parallel_loop3A_611 : i32
        %parallel_loop3A_613 = arith.index_cast %parallel_loop3A_612 : i32 to index
        %parallel_loop3A_614 = arith.constant 0 : index
        %parallel_loop3A_615 = tpu.vector_load %arg9[%parallel_loop3A_613, %parallel_loop3A_614] {strides = array<i32>} : memref<640x32xf32, #tpu.memory_space<vmem>>, vector<16xf32>,
        %parallel_loop3A_616 = arith.index_cast %parallel_loop3A_612 : i32 to index
        %parallel_loop3A_617 = arith.constant 16 : index
        %parallel_loop3A_618 = tpu.vector_load %arg9[%parallel_loop3A_616, %parallel_loop3A_617] {strides = array<i32>} : memref<640x32xf32, #tpu.memory_space<vmem>>, vector<16xf32>,
        %parallel_loop3A_619 = arith.fptosi %parallel_loop3A_618 : vector<16xf32> to vector<16xi32>
        %parallel_loop3A_620 = arith.index_cast %parallel_loop3A_612 : i32 to index
        %parallel_loop3A_621 = arith.constant 0 : index
        %parallel_loop3A_622 = tpu.vector_load %arg11[%parallel_loop3A_620, %parallel_loop3A_621] {strides = array<i32>} : memref<640x16xf32, #tpu.memory_space<vmem>>, vector<16xf32>,
        %parallel_loop3A_623 = arith.constant 3 : i32
        %parallel_loop3A_624 = vector.broadcast %parallel_loop3A_623 : i32 to vector<16xi32>
        %parallel_loop3A_625 = arith.constant 0 : i32
        %parallel_loop3A_626 = vector.broadcast %parallel_loop3A_625 : i32 to vector<16xi32>
        %parallel_loop3A_627 = arith.cmpi slt, %parallel_loop3A_624, %parallel_loop3A_626 : vector<16xi32>
        %parallel_loop3A_628 = arith.constant 16 : i32
        %parallel_loop3A_629 = vector.broadcast %parallel_loop3A_628 : i32 to vector<16xi32>
        %parallel_loop3A_630 = arith.addi %parallel_loop3A_624, %parallel_loop3A_629 : vector<16xi32>
        %parallel_loop3A_631 = arith.select %parallel_loop3A_627, %parallel_loop3A_630, %parallel_loop3A_624 : vector<16xi1>, vector<16xi32>
        %parallel_loop3A_632 = vector.shape_cast %parallel_loop3A_631 : vector<16xi32> to vector<16x1xi32>
        %parallel_loop3A_633 = vector.shape_cast %parallel_loop3A_632 : vector<16x1xi32> to vector<16xi32>
        %parallel_loop3A_634 = tpu.dynamic_gather %parallel_loop3A_409[%parallel_loop3A_633] in [0] : vector<16xf32>, vector<16xi32> -> vector<16xf32>
        %parallel_loop3A_635 = arith.maximumf %parallel_loop3A_615, %parallel_loop3A_622 : vector<16xf32>
        %parallel_loop3A_636 = arith.mulf %parallel_loop3A_635, %parallel_loop3A_634 : vector<16xf32>
        %parallel_loop3A_637 = arith.constant 7.500000e+00 : f32
        %parallel_loop3A_638 = vector.broadcast %parallel_loop3A_637 : f32 to vector<16xf32>
        %parallel_loop3A_639 = arith.mulf %parallel_loop3A_636, %parallel_loop3A_638 : vector<16xf32>
        %parallel_loop3A_640 = arith.constant 8.000000e+00 : f32
        %parallel_loop3A_641 = vector.broadcast %parallel_loop3A_640 : f32 to vector<16xf32>
        %parallel_loop3A_642 = arith.addf %parallel_loop3A_639, %parallel_loop3A_641 : vector<16xf32>
        %parallel_loop3A_643 = arith.fptosi %parallel_loop3A_642 : vector<16xf32> to vector<16xi32>
        %parallel_loop3A_644 = arith.constant 0 : i32
        %parallel_loop3A_645 = arith.constant 15 : i32
        %parallel_loop3A_646 = vector.broadcast %parallel_loop3A_644 : i32 to vector<16xi32>
        %parallel_loop3A_647 = arith.maxsi %parallel_loop3A_646, %parallel_loop3A_643 : vector<16xi32>
        %parallel_loop3A_648 = vector.broadcast %parallel_loop3A_645 : i32 to vector<16xi32>
        %parallel_loop3A_649 = arith.minsi %parallel_loop3A_648, %parallel_loop3A_647 : vector<16xi32>
        %parallel_loop3A_650 = arith.constant 5.000000e+02 : f32
        %parallel_loop3A_651 = vector.broadcast %parallel_loop3A_650 : f32 to vector<16xf32>
        %parallel_loop3A_652 = arith.mulf %parallel_loop3A_636, %parallel_loop3A_651 : vector<16xf32>
        %parallel_loop3A_653 = arith.constant 5.000000e+02 : f32
        %parallel_loop3A_654 = vector.broadcast %parallel_loop3A_653 : f32 to vector<16xf32>
        %parallel_loop3A_655 = arith.addf %parallel_loop3A_652, %parallel_loop3A_654 : vector<16xf32>
        %parallel_loop3A_656 = arith.sitofp %parallel_loop3A_649 : vector<16xi32> to vector<16xf32>
        %parallel_loop3A_657 = arith.constant 66.6666641 : f32
        %parallel_loop3A_658 = vector.broadcast %parallel_loop3A_657 : f32 to vector<16xf32>
        %parallel_loop3A_659 = arith.mulf %parallel_loop3A_656, %parallel_loop3A_658 : vector<16xf32>
        %parallel_loop3A_660 = arith.subf %parallel_loop3A_655, %parallel_loop3A_659 : vector<16xf32>
        %parallel_loop3A_661 = math.exp %parallel_loop3A_660 : vector<16xf32>
        %parallel_loop3A_662 = arith.constant 1.000000e+00 : f32
        %parallel_loop3A_663 = vector.broadcast %parallel_loop3A_662 : f32 to vector<16xf32>
        %parallel_loop3A_664 = arith.addf %parallel_loop3A_663, %parallel_loop3A_661 : vector<16xf32>
        %parallel_loop3A_665 = arith.constant -1.000000e+00 : f32
        %parallel_loop3A_666 = vector.broadcast %parallel_loop3A_665 : f32 to vector<16xf32>
        %parallel_loop3A_667 = arith.divf %parallel_loop3A_666, %parallel_loop3A_664 : vector<16xf32>
        %parallel_loop3A_668 = arith.constant 512 : i32
        %parallel_loop3A_669 = vector.broadcast %parallel_loop3A_668 : i32 to vector<16xi32>
        %parallel_loop3A_670 = arith.muli %parallel_loop3A_649, %parallel_loop3A_669 : vector<16xi32>
        %parallel_loop3A_671 = arith.addi %parallel_loop3A_670, %parallel_loop3A_619 : vector<16xi32>
        tpu.vector_store_idx %arg8[%parallel_loop3A_671], %parallel_loop3A_667 {add = true} : memref<8704xf32, #tpu.memory_space<vmem>>[vector<16xi32>], vector<16xf32>,
        %parallel_loop3A_672 = arith.constant 512 : i32
        %parallel_loop3A_673 = vector.broadcast %parallel_loop3A_672 : i32 to vector<16xi32>
        %parallel_loop3A_674 = arith.addi %parallel_loop3A_671, %parallel_loop3A_673 : vector<16xi32>
        %parallel_loop3A_675 = arith.constant -1.000000e+00 : f32
        %parallel_loop3A_676 = vector.broadcast %parallel_loop3A_675 : f32 to vector<16xf32>
        %parallel_loop3A_677 = arith.subf %parallel_loop3A_676, %parallel_loop3A_667 : vector<16xf32>
        tpu.vector_store_idx %arg8[%parallel_loop3A_674], %parallel_loop3A_677 {add = true} : memref<8704xf32, #tpu.memory_space<vmem>>[vector<16xi32>], vector<16xf32>,
        %parallel_loop3A_678 = arith.constant 4 : i32
        %parallel_loop3A_679 = arith.addi %parallel_loop3A_407, %parallel_loop3A_678 : i32
        %parallel_loop3A_680 = arith.index_cast %parallel_loop3A_679 : i32 to index
        %parallel_loop3A_681 = arith.constant 0 : index
        %parallel_loop3A_682 = tpu.vector_load %arg9[%parallel_loop3A_680, %parallel_loop3A_681] {strides = array<i32>} : memref<640x32xf32, #tpu.memory_space<vmem>>, vector<16xf32>,
        %parallel_loop3A_683 = arith.index_cast %parallel_loop3A_679 : i32 to index
        %parallel_loop3A_684 = arith.constant 16 : index
        %parallel_loop3A_685 = tpu.vector_load %arg9[%parallel_loop3A_683, %parallel_loop3A_684] {strides = array<i32>} : memref<640x32xf32, #tpu.memory_space<vmem>>, vector<16xf32>,
        %parallel_loop3A_686 = arith.fptosi %parallel_loop3A_685 : vector<16xf32> to vector<16xi32>
        %parallel_loop3A_687 = arith.index_cast %parallel_loop3A_679 : i32 to index
        %parallel_loop3A_688 = arith.constant 0 : index
        %parallel_loop3A_689 = tpu.vector_load %arg11[%parallel_loop3A_687, %parallel_loop3A_688] {strides = array<i32>} : memref<640x16xf32, #tpu.memory_space<vmem>>, vector<16xf32>,
        %parallel_loop3A_690 = arith.constant 4 : i32
        %parallel_loop3A_691 = vector.broadcast %parallel_loop3A_690 : i32 to vector<16xi32>
        %parallel_loop3A_692 = arith.constant 0 : i32
        %parallel_loop3A_693 = vector.broadcast %parallel_loop3A_692 : i32 to vector<16xi32>
        %parallel_loop3A_694 = arith.cmpi slt, %parallel_loop3A_691, %parallel_loop3A_693 : vector<16xi32>
        %parallel_loop3A_695 = arith.constant 16 : i32
        %parallel_loop3A_696 = vector.broadcast %parallel_loop3A_695 : i32 to vector<16xi32>
        %parallel_loop3A_697 = arith.addi %parallel_loop3A_691, %parallel_loop3A_696 : vector<16xi32>
        %parallel_loop3A_698 = arith.select %parallel_loop3A_694, %parallel_loop3A_697, %parallel_loop3A_691 : vector<16xi1>, vector<16xi32>
        %parallel_loop3A_699 = vector.shape_cast %parallel_loop3A_698 : vector<16xi32> to vector<16x1xi32>
        %parallel_loop3A_700 = vector.shape_cast %parallel_loop3A_699 : vector<16x1xi32> to vector<16xi32>
        %parallel_loop3A_701 = tpu.dynamic_gather %parallel_loop3A_409[%parallel_loop3A_700] in [0] : vector<16xf32>, vector<16xi32> -> vector<16xf32>
        %parallel_loop3A_702 = arith.maximumf %parallel_loop3A_682, %parallel_loop3A_689 : vector<16xf32>
        %parallel_loop3A_703 = arith.mulf %parallel_loop3A_702, %parallel_loop3A_701 : vector<16xf32>
        %parallel_loop3A_704 = arith.constant 7.500000e+00 : f32
        %parallel_loop3A_705 = vector.broadcast %parallel_loop3A_704 : f32 to vector<16xf32>
        %parallel_loop3A_706 = arith.mulf %parallel_loop3A_703, %parallel_loop3A_705 : vector<16xf32>
        %parallel_loop3A_707 = arith.constant 8.000000e+00 : f32
        %parallel_loop3A_708 = vector.broadcast %parallel_loop3A_707 : f32 to vector<16xf32>
        %parallel_loop3A_709 = arith.addf %parallel_loop3A_706, %parallel_loop3A_708 : vector<16xf32>
        %parallel_loop3A_710 = arith.fptosi %parallel_loop3A_709 : vector<16xf32> to vector<16xi32>
        %parallel_loop3A_711 = arith.constant 0 : i32
        %parallel_loop3A_712 = arith.constant 15 : i32
        %parallel_loop3A_713 = vector.broadcast %parallel_loop3A_711 : i32 to vector<16xi32>
        %parallel_loop3A_714 = arith.maxsi %parallel_loop3A_713, %parallel_loop3A_710 : vector<16xi32>
        %parallel_loop3A_715 = vector.broadcast %parallel_loop3A_712 : i32 to vector<16xi32>
        %parallel_loop3A_716 = arith.minsi %parallel_loop3A_715, %parallel_loop3A_714 : vector<16xi32>
        %parallel_loop3A_717 = arith.constant 5.000000e+02 : f32
        %parallel_loop3A_718 = vector.broadcast %parallel_loop3A_717 : f32 to vector<16xf32>
        %parallel_loop3A_719 = arith.mulf %parallel_loop3A_703, %parallel_loop3A_718 : vector<16xf32>
        %parallel_loop3A_720 = arith.constant 5.000000e+02 : f32
        %parallel_loop3A_721 = vector.broadcast %parallel_loop3A_720 : f32 to vector<16xf32>
        %parallel_loop3A_722 = arith.addf %parallel_loop3A_719, %parallel_loop3A_721 : vector<16xf32>
        %parallel_loop3A_723 = arith.sitofp %parallel_loop3A_716 : vector<16xi32> to vector<16xf32>
        %parallel_loop3A_724 = arith.constant 66.6666641 : f32
        %parallel_loop3A_725 = vector.broadcast %parallel_loop3A_724 : f32 to vector<16xf32>
        %parallel_loop3A_726 = arith.mulf %parallel_loop3A_723, %parallel_loop3A_725 : vector<16xf32>
        %parallel_loop3A_727 = arith.subf %parallel_loop3A_722, %parallel_loop3A_726 : vector<16xf32>
        %parallel_loop3A_728 = math.exp %parallel_loop3A_727 : vector<16xf32>
        %parallel_loop3A_729 = arith.constant 1.000000e+00 : f32
        %parallel_loop3A_730 = vector.broadcast %parallel_loop3A_729 : f32 to vector<16xf32>
        %parallel_loop3A_731 = arith.addf %parallel_loop3A_730, %parallel_loop3A_728 : vector<16xf32>
        %parallel_loop3A_732 = arith.constant -1.000000e+00 : f32
        %parallel_loop3A_733 = vector.broadcast %parallel_loop3A_732 : f32 to vector<16xf32>
        %parallel_loop3A_734 = arith.divf %parallel_loop3A_733, %parallel_loop3A_731 : vector<16xf32>
        %parallel_loop3A_735 = arith.constant 512 : i32
        %parallel_loop3A_736 = vector.broadcast %parallel_loop3A_735 : i32 to vector<16xi32>
        %parallel_loop3A_737 = arith.muli %parallel_loop3A_716, %parallel_loop3A_736 : vector<16xi32>
        %parallel_loop3A_738 = arith.addi %parallel_loop3A_737, %parallel_loop3A_686 : vector<16xi32>
        tpu.vector_store_idx %arg8[%parallel_loop3A_738], %parallel_loop3A_734 {add = true} : memref<8704xf32, #tpu.memory_space<vmem>>[vector<16xi32>], vector<16xf32>,
        %parallel_loop3A_739 = arith.constant 512 : i32
        %parallel_loop3A_740 = vector.broadcast %parallel_loop3A_739 : i32 to vector<16xi32>
        %parallel_loop3A_741 = arith.addi %parallel_loop3A_738, %parallel_loop3A_740 : vector<16xi32>
        %parallel_loop3A_742 = arith.constant -1.000000e+00 : f32
        %parallel_loop3A_743 = vector.broadcast %parallel_loop3A_742 : f32 to vector<16xf32>
        %parallel_loop3A_744 = arith.subf %parallel_loop3A_743, %parallel_loop3A_734 : vector<16xf32>
        tpu.vector_store_idx %arg8[%parallel_loop3A_741], %parallel_loop3A_744 {add = true} : memref<8704xf32, #tpu.memory_space<vmem>>[vector<16xi32>], vector<16xf32>,
        %parallel_loop3A_745 = arith.constant 5 : i32
        %parallel_loop3A_746 = arith.addi %parallel_loop3A_407, %parallel_loop3A_745 : i32
        %parallel_loop3A_747 = arith.index_cast %parallel_loop3A_746 : i32 to index
        %parallel_loop3A_748 = arith.constant 0 : index
        %parallel_loop3A_749 = tpu.vector_load %arg9[%parallel_loop3A_747, %parallel_loop3A_748] {strides = array<i32>} : memref<640x32xf32, #tpu.memory_space<vmem>>, vector<16xf32>,
        %parallel_loop3A_750 = arith.index_cast %parallel_loop3A_746 : i32 to index
        %parallel_loop3A_751 = arith.constant 16 : index
        %parallel_loop3A_752 = tpu.vector_load %arg9[%parallel_loop3A_750, %parallel_loop3A_751] {strides = array<i32>} : memref<640x32xf32, #tpu.memory_space<vmem>>, vector<16xf32>,
        %parallel_loop3A_753 = arith.fptosi %parallel_loop3A_752 : vector<16xf32> to vector<16xi32>
        %parallel_loop3A_754 = arith.index_cast %parallel_loop3A_746 : i32 to index
        %parallel_loop3A_755 = arith.constant 0 : index
        %parallel_loop3A_756 = tpu.vector_load %arg11[%parallel_loop3A_754, %parallel_loop3A_755] {strides = array<i32>} : memref<640x16xf32, #tpu.memory_space<vmem>>, vector<16xf32>,
        %parallel_loop3A_757 = arith.constant 5 : i32
        %parallel_loop3A_758 = vector.broadcast %parallel_loop3A_757 : i32 to vector<16xi32>
        %parallel_loop3A_759 = arith.constant 0 : i32
        %parallel_loop3A_760 = vector.broadcast %parallel_loop3A_759 : i32 to vector<16xi32>
        %parallel_loop3A_761 = arith.cmpi slt, %parallel_loop3A_758, %parallel_loop3A_760 : vector<16xi32>
        %parallel_loop3A_762 = arith.constant 16 : i32
        %parallel_loop3A_763 = vector.broadcast %parallel_loop3A_762 : i32 to vector<16xi32>
        %parallel_loop3A_764 = arith.addi %parallel_loop3A_758, %parallel_loop3A_763 : vector<16xi32>
        %parallel_loop3A_765 = arith.select %parallel_loop3A_761, %parallel_loop3A_764, %parallel_loop3A_758 : vector<16xi1>, vector<16xi32>
        %parallel_loop3A_766 = vector.shape_cast %parallel_loop3A_765 : vector<16xi32> to vector<16x1xi32>
        %parallel_loop3A_767 = vector.shape_cast %parallel_loop3A_766 : vector<16x1xi32> to vector<16xi32>
        %parallel_loop3A_768 = tpu.dynamic_gather %parallel_loop3A_409[%parallel_loop3A_767] in [0] : vector<16xf32>, vector<16xi32> -> vector<16xf32>
        %parallel_loop3A_769 = arith.maximumf %parallel_loop3A_749, %parallel_loop3A_756 : vector<16xf32>
        %parallel_loop3A_770 = arith.mulf %parallel_loop3A_769, %parallel_loop3A_768 : vector<16xf32>
        %parallel_loop3A_771 = arith.constant 7.500000e+00 : f32
        %parallel_loop3A_772 = vector.broadcast %parallel_loop3A_771 : f32 to vector<16xf32>
        %parallel_loop3A_773 = arith.mulf %parallel_loop3A_770, %parallel_loop3A_772 : vector<16xf32>
        %parallel_loop3A_774 = arith.constant 8.000000e+00 : f32
        %parallel_loop3A_775 = vector.broadcast %parallel_loop3A_774 : f32 to vector<16xf32>
        %parallel_loop3A_776 = arith.addf %parallel_loop3A_773, %parallel_loop3A_775 : vector<16xf32>
        %parallel_loop3A_777 = arith.fptosi %parallel_loop3A_776 : vector<16xf32> to vector<16xi32>
        %parallel_loop3A_778 = arith.constant 0 : i32
        %parallel_loop3A_779 = arith.constant 15 : i32
        %parallel_loop3A_780 = vector.broadcast %parallel_loop3A_778 : i32 to vector<16xi32>
        %parallel_loop3A_781 = arith.maxsi %parallel_loop3A_780, %parallel_loop3A_777 : vector<16xi32>
        %parallel_loop3A_782 = vector.broadcast %parallel_loop3A_779 : i32 to vector<16xi32>
        %parallel_loop3A_783 = arith.minsi %parallel_loop3A_782, %parallel_loop3A_781 : vector<16xi32>
        %parallel_loop3A_784 = arith.constant 5.000000e+02 : f32
        %parallel_loop3A_785 = vector.broadcast %parallel_loop3A_784 : f32 to vector<16xf32>
        %parallel_loop3A_786 = arith.mulf %parallel_loop3A_770, %parallel_loop3A_785 : vector<16xf32>
        %parallel_loop3A_787 = arith.constant 5.000000e+02 : f32
        %parallel_loop3A_788 = vector.broadcast %parallel_loop3A_787 : f32 to vector<16xf32>
        %parallel_loop3A_789 = arith.addf %parallel_loop3A_786, %parallel_loop3A_788 : vector<16xf32>
        %parallel_loop3A_790 = arith.sitofp %parallel_loop3A_783 : vector<16xi32> to vector<16xf32>
        %parallel_loop3A_791 = arith.constant 66.6666641 : f32
        %parallel_loop3A_792 = vector.broadcast %parallel_loop3A_791 : f32 to vector<16xf32>
        %parallel_loop3A_793 = arith.mulf %parallel_loop3A_790, %parallel_loop3A_792 : vector<16xf32>
        %parallel_loop3A_794 = arith.subf %parallel_loop3A_789, %parallel_loop3A_793 : vector<16xf32>
        %parallel_loop3A_795 = math.exp %parallel_loop3A_794 : vector<16xf32>
        %parallel_loop3A_796 = arith.constant 1.000000e+00 : f32
        %parallel_loop3A_797 = vector.broadcast %parallel_loop3A_796 : f32 to vector<16xf32>
        %parallel_loop3A_798 = arith.addf %parallel_loop3A_797, %parallel_loop3A_795 : vector<16xf32>
        %parallel_loop3A_799 = arith.constant -1.000000e+00 : f32
        %parallel_loop3A_800 = vector.broadcast %parallel_loop3A_799 : f32 to vector<16xf32>
        %parallel_loop3A_801 = arith.divf %parallel_loop3A_800, %parallel_loop3A_798 : vector<16xf32>
        %parallel_loop3A_802 = arith.constant 512 : i32
        %parallel_loop3A_803 = vector.broadcast %parallel_loop3A_802 : i32 to vector<16xi32>
        %parallel_loop3A_804 = arith.muli %parallel_loop3A_783, %parallel_loop3A_803 : vector<16xi32>
        %parallel_loop3A_805 = arith.addi %parallel_loop3A_804, %parallel_loop3A_753 : vector<16xi32>
        tpu.vector_store_idx %arg8[%parallel_loop3A_805], %parallel_loop3A_801 {add = true} : memref<8704xf32, #tpu.memory_space<vmem>>[vector<16xi32>], vector<16xf32>,
        %parallel_loop3A_806 = arith.constant 512 : i32
        %parallel_loop3A_807 = vector.broadcast %parallel_loop3A_806 : i32 to vector<16xi32>
        %parallel_loop3A_808 = arith.addi %parallel_loop3A_805, %parallel_loop3A_807 : vector<16xi32>
        %parallel_loop3A_809 = arith.constant -1.000000e+00 : f32
        %parallel_loop3A_810 = vector.broadcast %parallel_loop3A_809 : f32 to vector<16xf32>
        %parallel_loop3A_811 = arith.subf %parallel_loop3A_810, %parallel_loop3A_801 : vector<16xf32>
        tpu.vector_store_idx %arg8[%parallel_loop3A_808], %parallel_loop3A_811 {add = true} : memref<8704xf32, #tpu.memory_space<vmem>>[vector<16xi32>], vector<16xf32>,
        %parallel_loop3A_812 = arith.constant 6 : i32
        %parallel_loop3A_813 = arith.addi %parallel_loop3A_407, %parallel_loop3A_812 : i32
        %parallel_loop3A_814 = arith.index_cast %parallel_loop3A_813 : i32 to index
        %parallel_loop3A_815 = arith.constant 0 : index
        %parallel_loop3A_816 = tpu.vector_load %arg9[%parallel_loop3A_814, %parallel_loop3A_815] {strides = array<i32>} : memref<640x32xf32, #tpu.memory_space<vmem>>, vector<16xf32>,
        %parallel_loop3A_817 = arith.index_cast %parallel_loop3A_813 : i32 to index
        %parallel_loop3A_818 = arith.constant 16 : index
        %parallel_loop3A_819 = tpu.vector_load %arg9[%parallel_loop3A_817, %parallel_loop3A_818] {strides = array<i32>} : memref<640x32xf32, #tpu.memory_space<vmem>>, vector<16xf32>,
        %parallel_loop3A_820 = arith.fptosi %parallel_loop3A_819 : vector<16xf32> to vector<16xi32>
        %parallel_loop3A_821 = arith.index_cast %parallel_loop3A_813 : i32 to index
        %parallel_loop3A_822 = arith.constant 0 : index
        %parallel_loop3A_823 = tpu.vector_load %arg11[%parallel_loop3A_821, %parallel_loop3A_822] {strides = array<i32>} : memref<640x16xf32, #tpu.memory_space<vmem>>, vector<16xf32>,
        %parallel_loop3A_824 = arith.constant 6 : i32
        %parallel_loop3A_825 = vector.broadcast %parallel_loop3A_824 : i32 to vector<16xi32>
        %parallel_loop3A_826 = arith.constant 0 : i32
        %parallel_loop3A_827 = vector.broadcast %parallel_loop3A_826 : i32 to vector<16xi32>
        %parallel_loop3A_828 = arith.cmpi slt, %parallel_loop3A_825, %parallel_loop3A_827 : vector<16xi32>
        %parallel_loop3A_829 = arith.constant 16 : i32
        %parallel_loop3A_830 = vector.broadcast %parallel_loop3A_829 : i32 to vector<16xi32>
        %parallel_loop3A_831 = arith.addi %parallel_loop3A_825, %parallel_loop3A_830 : vector<16xi32>
        %parallel_loop3A_832 = arith.select %parallel_loop3A_828, %parallel_loop3A_831, %parallel_loop3A_825 : vector<16xi1>, vector<16xi32>
        %parallel_loop3A_833 = vector.shape_cast %parallel_loop3A_832 : vector<16xi32> to vector<16x1xi32>
        %parallel_loop3A_834 = vector.shape_cast %parallel_loop3A_833 : vector<16x1xi32> to vector<16xi32>
        %parallel_loop3A_835 = tpu.dynamic_gather %parallel_loop3A_409[%parallel_loop3A_834] in [0] : vector<16xf32>, vector<16xi32> -> vector<16xf32>
        %parallel_loop3A_836 = arith.maximumf %parallel_loop3A_816, %parallel_loop3A_823 : vector<16xf32>
        %parallel_loop3A_837 = arith.mulf %parallel_loop3A_836, %parallel_loop3A_835 : vector<16xf32>
        %parallel_loop3A_838 = arith.constant 7.500000e+00 : f32
        %parallel_loop3A_839 = vector.broadcast %parallel_loop3A_838 : f32 to vector<16xf32>
        %parallel_loop3A_840 = arith.mulf %parallel_loop3A_837, %parallel_loop3A_839 : vector<16xf32>
        %parallel_loop3A_841 = arith.constant 8.000000e+00 : f32
        %parallel_loop3A_842 = vector.broadcast %parallel_loop3A_841 : f32 to vector<16xf32>
        %parallel_loop3A_843 = arith.addf %parallel_loop3A_840, %parallel_loop3A_842 : vector<16xf32>
        %parallel_loop3A_844 = arith.fptosi %parallel_loop3A_843 : vector<16xf32> to vector<16xi32>
        %parallel_loop3A_845 = arith.constant 0 : i32
        %parallel_loop3A_846 = arith.constant 15 : i32
        %parallel_loop3A_847 = vector.broadcast %parallel_loop3A_845 : i32 to vector<16xi32>
        %parallel_loop3A_848 = arith.maxsi %parallel_loop3A_847, %parallel_loop3A_844 : vector<16xi32>
        %parallel_loop3A_849 = vector.broadcast %parallel_loop3A_846 : i32 to vector<16xi32>
        %parallel_loop3A_850 = arith.minsi %parallel_loop3A_849, %parallel_loop3A_848 : vector<16xi32>
        %parallel_loop3A_851 = arith.constant 5.000000e+02 : f32
        %parallel_loop3A_852 = vector.broadcast %parallel_loop3A_851 : f32 to vector<16xf32>
        %parallel_loop3A_853 = arith.mulf %parallel_loop3A_837, %parallel_loop3A_852 : vector<16xf32>
        %parallel_loop3A_854 = arith.constant 5.000000e+02 : f32
        %parallel_loop3A_855 = vector.broadcast %parallel_loop3A_854 : f32 to vector<16xf32>
        %parallel_loop3A_856 = arith.addf %parallel_loop3A_853, %parallel_loop3A_855 : vector<16xf32>
        %parallel_loop3A_857 = arith.sitofp %parallel_loop3A_850 : vector<16xi32> to vector<16xf32>
        %parallel_loop3A_858 = arith.constant 66.6666641 : f32
        %parallel_loop3A_859 = vector.broadcast %parallel_loop3A_858 : f32 to vector<16xf32>
        %parallel_loop3A_860 = arith.mulf %parallel_loop3A_857, %parallel_loop3A_859 : vector<16xf32>
        %parallel_loop3A_861 = arith.subf %parallel_loop3A_856, %parallel_loop3A_860 : vector<16xf32>
        %parallel_loop3A_862 = math.exp %parallel_loop3A_861 : vector<16xf32>
        %parallel_loop3A_863 = arith.constant 1.000000e+00 : f32
        %parallel_loop3A_864 = vector.broadcast %parallel_loop3A_863 : f32 to vector<16xf32>
        %parallel_loop3A_865 = arith.addf %parallel_loop3A_864, %parallel_loop3A_862 : vector<16xf32>
        %parallel_loop3A_866 = arith.constant -1.000000e+00 : f32
        %parallel_loop3A_867 = vector.broadcast %parallel_loop3A_866 : f32 to vector<16xf32>
        %parallel_loop3A_868 = arith.divf %parallel_loop3A_867, %parallel_loop3A_865 : vector<16xf32>
        %parallel_loop3A_869 = arith.constant 512 : i32
        %parallel_loop3A_870 = vector.broadcast %parallel_loop3A_869 : i32 to vector<16xi32>
        %parallel_loop3A_871 = arith.muli %parallel_loop3A_850, %parallel_loop3A_870 : vector<16xi32>
        %parallel_loop3A_872 = arith.addi %parallel_loop3A_871, %parallel_loop3A_820 : vector<16xi32>
        tpu.vector_store_idx %arg8[%parallel_loop3A_872], %parallel_loop3A_868 {add = true} : memref<8704xf32, #tpu.memory_space<vmem>>[vector<16xi32>], vector<16xf32>,
        %parallel_loop3A_873 = arith.constant 512 : i32
        %parallel_loop3A_874 = vector.broadcast %parallel_loop3A_873 : i32 to vector<16xi32>
        %parallel_loop3A_875 = arith.addi %parallel_loop3A_872, %parallel_loop3A_874 : vector<16xi32>
        %parallel_loop3A_876 = arith.constant -1.000000e+00 : f32
        %parallel_loop3A_877 = vector.broadcast %parallel_loop3A_876 : f32 to vector<16xf32>
        %parallel_loop3A_878 = arith.subf %parallel_loop3A_877, %parallel_loop3A_868 : vector<16xf32>
        tpu.vector_store_idx %arg8[%parallel_loop3A_875], %parallel_loop3A_878 {add = true} : memref<8704xf32, #tpu.memory_space<vmem>>[vector<16xi32>], vector<16xf32>,
        %parallel_loop3A_879 = arith.constant 7 : i32
        %parallel_loop3A_880 = arith.addi %parallel_loop3A_407, %parallel_loop3A_879 : i32
        %parallel_loop3A_881 = arith.index_cast %parallel_loop3A_880 : i32 to index
        %parallel_loop3A_882 = arith.constant 0 : index
        %parallel_loop3A_883 = tpu.vector_load %arg9[%parallel_loop3A_881, %parallel_loop3A_882] {strides = array<i32>} : memref<640x32xf32, #tpu.memory_space<vmem>>, vector<16xf32>,
        %parallel_loop3A_884 = arith.index_cast %parallel_loop3A_880 : i32 to index
        %parallel_loop3A_885 = arith.constant 16 : index
        %parallel_loop3A_886 = tpu.vector_load %arg9[%parallel_loop3A_884, %parallel_loop3A_885] {strides = array<i32>} : memref<640x32xf32, #tpu.memory_space<vmem>>, vector<16xf32>,
        %parallel_loop3A_887 = arith.fptosi %parallel_loop3A_886 : vector<16xf32> to vector<16xi32>
        %parallel_loop3A_888 = arith.index_cast %parallel_loop3A_880 : i32 to index
        %parallel_loop3A_889 = arith.constant 0 : index
        %parallel_loop3A_890 = tpu.vector_load %arg11[%parallel_loop3A_888, %parallel_loop3A_889] {strides = array<i32>} : memref<640x16xf32, #tpu.memory_space<vmem>>, vector<16xf32>,
        %parallel_loop3A_891 = arith.constant 7 : i32
        %parallel_loop3A_892 = vector.broadcast %parallel_loop3A_891 : i32 to vector<16xi32>
        %parallel_loop3A_893 = arith.constant 0 : i32
        %parallel_loop3A_894 = vector.broadcast %parallel_loop3A_893 : i32 to vector<16xi32>
        %parallel_loop3A_895 = arith.cmpi slt, %parallel_loop3A_892, %parallel_loop3A_894 : vector<16xi32>
        %parallel_loop3A_896 = arith.constant 16 : i32
        %parallel_loop3A_897 = vector.broadcast %parallel_loop3A_896 : i32 to vector<16xi32>
        %parallel_loop3A_898 = arith.addi %parallel_loop3A_892, %parallel_loop3A_897 : vector<16xi32>
        %parallel_loop3A_899 = arith.select %parallel_loop3A_895, %parallel_loop3A_898, %parallel_loop3A_892 : vector<16xi1>, vector<16xi32>
        %parallel_loop3A_900 = vector.shape_cast %parallel_loop3A_899 : vector<16xi32> to vector<16x1xi32>
        %parallel_loop3A_901 = vector.shape_cast %parallel_loop3A_900 : vector<16x1xi32> to vector<16xi32>
        %parallel_loop3A_902 = tpu.dynamic_gather %parallel_loop3A_409[%parallel_loop3A_901] in [0] : vector<16xf32>, vector<16xi32> -> vector<16xf32>
        %parallel_loop3A_903 = arith.maximumf %parallel_loop3A_883, %parallel_loop3A_890 : vector<16xf32>
        %parallel_loop3A_904 = arith.mulf %parallel_loop3A_903, %parallel_loop3A_902 : vector<16xf32>
        %parallel_loop3A_905 = arith.constant 7.500000e+00 : f32
        %parallel_loop3A_906 = vector.broadcast %parallel_loop3A_905 : f32 to vector<16xf32>
        %parallel_loop3A_907 = arith.mulf %parallel_loop3A_904, %parallel_loop3A_906 : vector<16xf32>
        %parallel_loop3A_908 = arith.constant 8.000000e+00 : f32
        %parallel_loop3A_909 = vector.broadcast %parallel_loop3A_908 : f32 to vector<16xf32>
        %parallel_loop3A_910 = arith.addf %parallel_loop3A_907, %parallel_loop3A_909 : vector<16xf32>
        %parallel_loop3A_911 = arith.fptosi %parallel_loop3A_910 : vector<16xf32> to vector<16xi32>
        %parallel_loop3A_912 = arith.constant 0 : i32
        %parallel_loop3A_913 = arith.constant 15 : i32
        %parallel_loop3A_914 = vector.broadcast %parallel_loop3A_912 : i32 to vector<16xi32>
        %parallel_loop3A_915 = arith.maxsi %parallel_loop3A_914, %parallel_loop3A_911 : vector<16xi32>
        %parallel_loop3A_916 = vector.broadcast %parallel_loop3A_913 : i32 to vector<16xi32>
        %parallel_loop3A_917 = arith.minsi %parallel_loop3A_916, %parallel_loop3A_915 : vector<16xi32>
        %parallel_loop3A_918 = arith.constant 5.000000e+02 : f32
        %parallel_loop3A_919 = vector.broadcast %parallel_loop3A_918 : f32 to vector<16xf32>
        %parallel_loop3A_920 = arith.mulf %parallel_loop3A_904, %parallel_loop3A_919 : vector<16xf32>
        %parallel_loop3A_921 = arith.constant 5.000000e+02 : f32
        %parallel_loop3A_922 = vector.broadcast %parallel_loop3A_921 : f32 to vector<16xf32>
        %parallel_loop3A_923 = arith.addf %parallel_loop3A_920, %parallel_loop3A_922 : vector<16xf32>
        %parallel_loop3A_924 = arith.sitofp %parallel_loop3A_917 : vector<16xi32> to vector<16xf32>
        %parallel_loop3A_925 = arith.constant 66.6666641 : f32
        %parallel_loop3A_926 = vector.broadcast %parallel_loop3A_925 : f32 to vector<16xf32>
        %parallel_loop3A_927 = arith.mulf %parallel_loop3A_924, %parallel_loop3A_926 : vector<16xf32>
        %parallel_loop3A_928 = arith.subf %parallel_loop3A_923, %parallel_loop3A_927 : vector<16xf32>
        %parallel_loop3A_929 = math.exp %parallel_loop3A_928 : vector<16xf32>
        %parallel_loop3A_930 = arith.constant 1.000000e+00 : f32
        %parallel_loop3A_931 = vector.broadcast %parallel_loop3A_930 : f32 to vector<16xf32>
        %parallel_loop3A_932 = arith.addf %parallel_loop3A_931, %parallel_loop3A_929 : vector<16xf32>
        %parallel_loop3A_933 = arith.constant -1.000000e+00 : f32
        %parallel_loop3A_934 = vector.broadcast %parallel_loop3A_933 : f32 to vector<16xf32>
        %parallel_loop3A_935 = arith.divf %parallel_loop3A_934, %parallel_loop3A_932 : vector<16xf32>
        %parallel_loop3A_936 = arith.constant 512 : i32
        %parallel_loop3A_937 = vector.broadcast %parallel_loop3A_936 : i32 to vector<16xi32>
        %parallel_loop3A_938 = arith.muli %parallel_loop3A_917, %parallel_loop3A_937 : vector<16xi32>
        %parallel_loop3A_939 = arith.addi %parallel_loop3A_938, %parallel_loop3A_887 : vector<16xi32>
        tpu.vector_store_idx %arg8[%parallel_loop3A_939], %parallel_loop3A_935 {add = true} : memref<8704xf32, #tpu.memory_space<vmem>>[vector<16xi32>], vector<16xf32>,
        %parallel_loop3A_940 = arith.constant 512 : i32
        %parallel_loop3A_941 = vector.broadcast %parallel_loop3A_940 : i32 to vector<16xi32>
        %parallel_loop3A_942 = arith.addi %parallel_loop3A_939, %parallel_loop3A_941 : vector<16xi32>
        %parallel_loop3A_943 = arith.constant -1.000000e+00 : f32
        %parallel_loop3A_944 = vector.broadcast %parallel_loop3A_943 : f32 to vector<16xf32>
        %parallel_loop3A_945 = arith.subf %parallel_loop3A_944, %parallel_loop3A_935 : vector<16xf32>
        tpu.vector_store_idx %arg8[%parallel_loop3A_942], %parallel_loop3A_945 {add = true} : memref<8704xf32, #tpu.memory_space<vmem>>[vector<16xi32>], vector<16xf32>,
        %parallel_loop3A_946 = arith.constant 8 : i32
        %parallel_loop3A_947 = arith.addi %parallel_loop3A_407, %parallel_loop3A_946 : i32
        %parallel_loop3A_948 = arith.index_cast %parallel_loop3A_947 : i32 to index
        %parallel_loop3A_949 = arith.constant 0 : index
        %parallel_loop3A_950 = tpu.vector_load %arg9[%parallel_loop3A_948, %parallel_loop3A_949] {strides = array<i32>} : memref<640x32xf32, #tpu.memory_space<vmem>>, vector<16xf32>,
        %parallel_loop3A_951 = arith.index_cast %parallel_loop3A_947 : i32 to index
        %parallel_loop3A_952 = arith.constant 16 : index
        %parallel_loop3A_953 = tpu.vector_load %arg9[%parallel_loop3A_951, %parallel_loop3A_952] {strides = array<i32>} : memref<640x32xf32, #tpu.memory_space<vmem>>, vector<16xf32>,
        %parallel_loop3A_954 = arith.fptosi %parallel_loop3A_953 : vector<16xf32> to vector<16xi32>
        %parallel_loop3A_955 = arith.index_cast %parallel_loop3A_947 : i32 to index
        %parallel_loop3A_956 = arith.constant 0 : index
        %parallel_loop3A_957 = tpu.vector_load %arg11[%parallel_loop3A_955, %parallel_loop3A_956] {strides = array<i32>} : memref<640x16xf32, #tpu.memory_space<vmem>>, vector<16xf32>,
        %parallel_loop3A_958 = arith.constant 8 : i32
        %parallel_loop3A_959 = vector.broadcast %parallel_loop3A_958 : i32 to vector<16xi32>
        %parallel_loop3A_960 = arith.constant 0 : i32
        %parallel_loop3A_961 = vector.broadcast %parallel_loop3A_960 : i32 to vector<16xi32>
        %parallel_loop3A_962 = arith.cmpi slt, %parallel_loop3A_959, %parallel_loop3A_961 : vector<16xi32>
        %parallel_loop3A_963 = arith.constant 16 : i32
        %parallel_loop3A_964 = vector.broadcast %parallel_loop3A_963 : i32 to vector<16xi32>
        %parallel_loop3A_965 = arith.addi %parallel_loop3A_959, %parallel_loop3A_964 : vector<16xi32>
        %parallel_loop3A_966 = arith.select %parallel_loop3A_962, %parallel_loop3A_965, %parallel_loop3A_959 : vector<16xi1>, vector<16xi32>
        %parallel_loop3A_967 = vector.shape_cast %parallel_loop3A_966 : vector<16xi32> to vector<16x1xi32>
        %parallel_loop3A_968 = vector.shape_cast %parallel_loop3A_967 : vector<16x1xi32> to vector<16xi32>
        %parallel_loop3A_969 = tpu.dynamic_gather %parallel_loop3A_409[%parallel_loop3A_968] in [0] : vector<16xf32>, vector<16xi32> -> vector<16xf32>
        %parallel_loop3A_970 = arith.maximumf %parallel_loop3A_950, %parallel_loop3A_957 : vector<16xf32>
        %parallel_loop3A_971 = arith.mulf %parallel_loop3A_970, %parallel_loop3A_969 : vector<16xf32>
        %parallel_loop3A_972 = arith.constant 7.500000e+00 : f32
        %parallel_loop3A_973 = vector.broadcast %parallel_loop3A_972 : f32 to vector<16xf32>
        %parallel_loop3A_974 = arith.mulf %parallel_loop3A_971, %parallel_loop3A_973 : vector<16xf32>
        %parallel_loop3A_975 = arith.constant 8.000000e+00 : f32
        %parallel_loop3A_976 = vector.broadcast %parallel_loop3A_975 : f32 to vector<16xf32>
        %parallel_loop3A_977 = arith.addf %parallel_loop3A_974, %parallel_loop3A_976 : vector<16xf32>
        %parallel_loop3A_978 = arith.fptosi %parallel_loop3A_977 : vector<16xf32> to vector<16xi32>
        %parallel_loop3A_979 = arith.constant 0 : i32
        %parallel_loop3A_980 = arith.constant 15 : i32
        %parallel_loop3A_981 = vector.broadcast %parallel_loop3A_979 : i32 to vector<16xi32>
        %parallel_loop3A_982 = arith.maxsi %parallel_loop3A_981, %parallel_loop3A_978 : vector<16xi32>
        %parallel_loop3A_983 = vector.broadcast %parallel_loop3A_980 : i32 to vector<16xi32>
        %parallel_loop3A_984 = arith.minsi %parallel_loop3A_983, %parallel_loop3A_982 : vector<16xi32>
        %parallel_loop3A_985 = arith.constant 5.000000e+02 : f32
        %parallel_loop3A_986 = vector.broadcast %parallel_loop3A_985 : f32 to vector<16xf32>
        %parallel_loop3A_987 = arith.mulf %parallel_loop3A_971, %parallel_loop3A_986 : vector<16xf32>
        %parallel_loop3A_988 = arith.constant 5.000000e+02 : f32
        %parallel_loop3A_989 = vector.broadcast %parallel_loop3A_988 : f32 to vector<16xf32>
        %parallel_loop3A_990 = arith.addf %parallel_loop3A_987, %parallel_loop3A_989 : vector<16xf32>
        %parallel_loop3A_991 = arith.sitofp %parallel_loop3A_984 : vector<16xi32> to vector<16xf32>
        %parallel_loop3A_992 = arith.constant 66.6666641 : f32
        %parallel_loop3A_993 = vector.broadcast %parallel_loop3A_992 : f32 to vector<16xf32>
        %parallel_loop3A_994 = arith.mulf %parallel_loop3A_991, %parallel_loop3A_993 : vector<16xf32>
        %parallel_loop3A_995 = arith.subf %parallel_loop3A_990, %parallel_loop3A_994 : vector<16xf32>
        %parallel_loop3A_996 = math.exp %parallel_loop3A_995 : vector<16xf32>
        %parallel_loop3A_997 = arith.constant 1.000000e+00 : f32
        %parallel_loop3A_998 = vector.broadcast %parallel_loop3A_997 : f32 to vector<16xf32>
        %parallel_loop3A_999 = arith.addf %parallel_loop3A_998, %parallel_loop3A_996 : vector<16xf32>
        %parallel_loop3A_1000 = arith.constant -1.000000e+00 : f32
        %parallel_loop3A_1001 = vector.broadcast %parallel_loop3A_1000 : f32 to vector<16xf32>
        %parallel_loop3A_1002 = arith.divf %parallel_loop3A_1001, %parallel_loop3A_999 : vector<16xf32>
        %parallel_loop3A_1003 = arith.constant 512 : i32
        %parallel_loop3A_1004 = vector.broadcast %parallel_loop3A_1003 : i32 to vector<16xi32>
        %parallel_loop3A_1005 = arith.muli %parallel_loop3A_984, %parallel_loop3A_1004 : vector<16xi32>
        %parallel_loop3A_1006 = arith.addi %parallel_loop3A_1005, %parallel_loop3A_954 : vector<16xi32>
        tpu.vector_store_idx %arg8[%parallel_loop3A_1006], %parallel_loop3A_1002 {add = true} : memref<8704xf32, #tpu.memory_space<vmem>>[vector<16xi32>], vector<16xf32>,
        %parallel_loop3A_1007 = arith.constant 512 : i32
        %parallel_loop3A_1008 = vector.broadcast %parallel_loop3A_1007 : i32 to vector<16xi32>
        %parallel_loop3A_1009 = arith.addi %parallel_loop3A_1006, %parallel_loop3A_1008 : vector<16xi32>
        %parallel_loop3A_1010 = arith.constant -1.000000e+00 : f32
        %parallel_loop3A_1011 = vector.broadcast %parallel_loop3A_1010 : f32 to vector<16xf32>
        %parallel_loop3A_1012 = arith.subf %parallel_loop3A_1011, %parallel_loop3A_1002 : vector<16xf32>
        tpu.vector_store_idx %arg8[%parallel_loop3A_1009], %parallel_loop3A_1012 {add = true} : memref<8704xf32, #tpu.memory_space<vmem>>[vector<16xi32>], vector<16xf32>,
        %parallel_loop3A_1013 = arith.constant 9 : i32
        %parallel_loop3A_1014 = arith.addi %parallel_loop3A_407, %parallel_loop3A_1013 : i32
        %parallel_loop3A_1015 = arith.index_cast %parallel_loop3A_1014 : i32 to index
        %parallel_loop3A_1016 = arith.constant 0 : index
        %parallel_loop3A_1017 = tpu.vector_load %arg9[%parallel_loop3A_1015, %parallel_loop3A_1016] {strides = array<i32>} : memref<640x32xf32, #tpu.memory_space<vmem>>, vector<16xf32>,
        %parallel_loop3A_1018 = arith.index_cast %parallel_loop3A_1014 : i32 to index
        %parallel_loop3A_1019 = arith.constant 16 : index
        %parallel_loop3A_1020 = tpu.vector_load %arg9[%parallel_loop3A_1018, %parallel_loop3A_1019] {strides = array<i32>} : memref<640x32xf32, #tpu.memory_space<vmem>>, vector<16xf32>,
        %parallel_loop3A_1021 = arith.fptosi %parallel_loop3A_1020 : vector<16xf32> to vector<16xi32>
        %parallel_loop3A_1022 = arith.index_cast %parallel_loop3A_1014 : i32 to index
        %parallel_loop3A_1023 = arith.constant 0 : index
        %parallel_loop3A_1024 = tpu.vector_load %arg11[%parallel_loop3A_1022, %parallel_loop3A_1023] {strides = array<i32>} : memref<640x16xf32, #tpu.memory_space<vmem>>, vector<16xf32>,
        %parallel_loop3A_1025 = arith.constant 9 : i32
        %parallel_loop3A_1026 = vector.broadcast %parallel_loop3A_1025 : i32 to vector<16xi32>
        %parallel_loop3A_1027 = arith.constant 0 : i32
        %parallel_loop3A_1028 = vector.broadcast %parallel_loop3A_1027 : i32 to vector<16xi32>
        %parallel_loop3A_1029 = arith.cmpi slt, %parallel_loop3A_1026, %parallel_loop3A_1028 : vector<16xi32>
        %parallel_loop3A_1030 = arith.constant 16 : i32
        %parallel_loop3A_1031 = vector.broadcast %parallel_loop3A_1030 : i32 to vector<16xi32>
        %parallel_loop3A_1032 = arith.addi %parallel_loop3A_1026, %parallel_loop3A_1031 : vector<16xi32>
        %parallel_loop3A_1033 = arith.select %parallel_loop3A_1029, %parallel_loop3A_1032, %parallel_loop3A_1026 : vector<16xi1>, vector<16xi32>
        %parallel_loop3A_1034 = vector.shape_cast %parallel_loop3A_1033 : vector<16xi32> to vector<16x1xi32>
        %parallel_loop3A_1035 = vector.shape_cast %parallel_loop3A_1034 : vector<16x1xi32> to vector<16xi32>
        %parallel_loop3A_1036 = tpu.dynamic_gather %parallel_loop3A_409[%parallel_loop3A_1035] in [0] : vector<16xf32>, vector<16xi32> -> vector<16xf32>
        %parallel_loop3A_1037 = arith.maximumf %parallel_loop3A_1017, %parallel_loop3A_1024 : vector<16xf32>
        %parallel_loop3A_1038 = arith.mulf %parallel_loop3A_1037, %parallel_loop3A_1036 : vector<16xf32>
        %parallel_loop3A_1039 = arith.constant 7.500000e+00 : f32
        %parallel_loop3A_1040 = vector.broadcast %parallel_loop3A_1039 : f32 to vector<16xf32>
        %parallel_loop3A_1041 = arith.mulf %parallel_loop3A_1038, %parallel_loop3A_1040 : vector<16xf32>
        %parallel_loop3A_1042 = arith.constant 8.000000e+00 : f32
        %parallel_loop3A_1043 = vector.broadcast %parallel_loop3A_1042 : f32 to vector<16xf32>
        %parallel_loop3A_1044 = arith.addf %parallel_loop3A_1041, %parallel_loop3A_1043 : vector<16xf32>
        %parallel_loop3A_1045 = arith.fptosi %parallel_loop3A_1044 : vector<16xf32> to vector<16xi32>
        %parallel_loop3A_1046 = arith.constant 0 : i32
        %parallel_loop3A_1047 = arith.constant 15 : i32
        %parallel_loop3A_1048 = vector.broadcast %parallel_loop3A_1046 : i32 to vector<16xi32>
        %parallel_loop3A_1049 = arith.maxsi %parallel_loop3A_1048, %parallel_loop3A_1045 : vector<16xi32>
        %parallel_loop3A_1050 = vector.broadcast %parallel_loop3A_1047 : i32 to vector<16xi32>
        %parallel_loop3A_1051 = arith.minsi %parallel_loop3A_1050, %parallel_loop3A_1049 : vector<16xi32>
        %parallel_loop3A_1052 = arith.constant 5.000000e+02 : f32
        %parallel_loop3A_1053 = vector.broadcast %parallel_loop3A_1052 : f32 to vector<16xf32>
        %parallel_loop3A_1054 = arith.mulf %parallel_loop3A_1038, %parallel_loop3A_1053 : vector<16xf32>
        %parallel_loop3A_1055 = arith.constant 5.000000e+02 : f32
        %parallel_loop3A_1056 = vector.broadcast %parallel_loop3A_1055 : f32 to vector<16xf32>
        %parallel_loop3A_1057 = arith.addf %parallel_loop3A_1054, %parallel_loop3A_1056 : vector<16xf32>
        %parallel_loop3A_1058 = arith.sitofp %parallel_loop3A_1051 : vector<16xi32> to vector<16xf32>
        %parallel_loop3A_1059 = arith.constant 66.6666641 : f32
        %parallel_loop3A_1060 = vector.broadcast %parallel_loop3A_1059 : f32 to vector<16xf32>
        %parallel_loop3A_1061 = arith.mulf %parallel_loop3A_1058, %parallel_loop3A_1060 : vector<16xf32>
        %parallel_loop3A_1062 = arith.subf %parallel_loop3A_1057, %parallel_loop3A_1061 : vector<16xf32>
        %parallel_loop3A_1063 = math.exp %parallel_loop3A_1062 : vector<16xf32>
        %parallel_loop3A_1064 = arith.constant 1.000000e+00 : f32
        %parallel_loop3A_1065 = vector.broadcast %parallel_loop3A_1064 : f32 to vector<16xf32>
        %parallel_loop3A_1066 = arith.addf %parallel_loop3A_1065, %parallel_loop3A_1063 : vector<16xf32>
        %parallel_loop3A_1067 = arith.constant -1.000000e+00 : f32
        %parallel_loop3A_1068 = vector.broadcast %parallel_loop3A_1067 : f32 to vector<16xf32>
        %parallel_loop3A_1069 = arith.divf %parallel_loop3A_1068, %parallel_loop3A_1066 : vector<16xf32>
        %parallel_loop3A_1070 = arith.constant 512 : i32
        %parallel_loop3A_1071 = vector.broadcast %parallel_loop3A_1070 : i32 to vector<16xi32>
        %parallel_loop3A_1072 = arith.muli %parallel_loop3A_1051, %parallel_loop3A_1071 : vector<16xi32>
        %parallel_loop3A_1073 = arith.addi %parallel_loop3A_1072, %parallel_loop3A_1021 : vector<16xi32>
        tpu.vector_store_idx %arg8[%parallel_loop3A_1073], %parallel_loop3A_1069 {add = true} : memref<8704xf32, #tpu.memory_space<vmem>>[vector<16xi32>], vector<16xf32>,
        %parallel_loop3A_1074 = arith.constant 512 : i32
        %parallel_loop3A_1075 = vector.broadcast %parallel_loop3A_1074 : i32 to vector<16xi32>
        %parallel_loop3A_1076 = arith.addi %parallel_loop3A_1073, %parallel_loop3A_1075 : vector<16xi32>
        %parallel_loop3A_1077 = arith.constant -1.000000e+00 : f32
        %parallel_loop3A_1078 = vector.broadcast %parallel_loop3A_1077 : f32 to vector<16xf32>
        %parallel_loop3A_1079 = arith.subf %parallel_loop3A_1078, %parallel_loop3A_1069 : vector<16xf32>
        tpu.vector_store_idx %arg8[%parallel_loop3A_1076], %parallel_loop3A_1079 {add = true} : memref<8704xf32, #tpu.memory_space<vmem>>[vector<16xi32>], vector<16xf32>,
        %parallel_loop3A_1080 = arith.constant 10 : i32
        %parallel_loop3A_1081 = arith.addi %parallel_loop3A_407, %parallel_loop3A_1080 : i32
        %parallel_loop3A_1082 = arith.index_cast %parallel_loop3A_1081 : i32 to index
        %parallel_loop3A_1083 = arith.constant 0 : index
        %parallel_loop3A_1084 = tpu.vector_load %arg9[%parallel_loop3A_1082, %parallel_loop3A_1083] {strides = array<i32>} : memref<640x32xf32, #tpu.memory_space<vmem>>, vector<16xf32>,
        %parallel_loop3A_1085 = arith.index_cast %parallel_loop3A_1081 : i32 to index
        %parallel_loop3A_1086 = arith.constant 16 : index
        %parallel_loop3A_1087 = tpu.vector_load %arg9[%parallel_loop3A_1085, %parallel_loop3A_1086] {strides = array<i32>} : memref<640x32xf32, #tpu.memory_space<vmem>>, vector<16xf32>,
        %parallel_loop3A_1088 = arith.fptosi %parallel_loop3A_1087 : vector<16xf32> to vector<16xi32>
        %parallel_loop3A_1089 = arith.index_cast %parallel_loop3A_1081 : i32 to index
        %parallel_loop3A_1090 = arith.constant 0 : index
        %parallel_loop3A_1091 = tpu.vector_load %arg11[%parallel_loop3A_1089, %parallel_loop3A_1090] {strides = array<i32>} : memref<640x16xf32, #tpu.memory_space<vmem>>, vector<16xf32>,
        %parallel_loop3A_1092 = arith.constant 10 : i32
        %parallel_loop3A_1093 = vector.broadcast %parallel_loop3A_1092 : i32 to vector<16xi32>
        %parallel_loop3A_1094 = arith.constant 0 : i32
        %parallel_loop3A_1095 = vector.broadcast %parallel_loop3A_1094 : i32 to vector<16xi32>
        %parallel_loop3A_1096 = arith.cmpi slt, %parallel_loop3A_1093, %parallel_loop3A_1095 : vector<16xi32>
        %parallel_loop3A_1097 = arith.constant 16 : i32
        %parallel_loop3A_1098 = vector.broadcast %parallel_loop3A_1097 : i32 to vector<16xi32>
        %parallel_loop3A_1099 = arith.addi %parallel_loop3A_1093, %parallel_loop3A_1098 : vector<16xi32>
        %parallel_loop3A_1100 = arith.select %parallel_loop3A_1096, %parallel_loop3A_1099, %parallel_loop3A_1093 : vector<16xi1>, vector<16xi32>
        %parallel_loop3A_1101 = vector.shape_cast %parallel_loop3A_1100 : vector<16xi32> to vector<16x1xi32>
        %parallel_loop3A_1102 = vector.shape_cast %parallel_loop3A_1101 : vector<16x1xi32> to vector<16xi32>
        %parallel_loop3A_1103 = tpu.dynamic_gather %parallel_loop3A_409[%parallel_loop3A_1102] in [0] : vector<16xf32>, vector<16xi32> -> vector<16xf32>
        %parallel_loop3A_1104 = arith.maximumf %parallel_loop3A_1084, %parallel_loop3A_1091 : vector<16xf32>
        %parallel_loop3A_1105 = arith.mulf %parallel_loop3A_1104, %parallel_loop3A_1103 : vector<16xf32>
        %parallel_loop3A_1106 = arith.constant 7.500000e+00 : f32
        %parallel_loop3A_1107 = vector.broadcast %parallel_loop3A_1106 : f32 to vector<16xf32>
        %parallel_loop3A_1108 = arith.mulf %parallel_loop3A_1105, %parallel_loop3A_1107 : vector<16xf32>
        %parallel_loop3A_1109 = arith.constant 8.000000e+00 : f32
        %parallel_loop3A_1110 = vector.broadcast %parallel_loop3A_1109 : f32 to vector<16xf32>
        %parallel_loop3A_1111 = arith.addf %parallel_loop3A_1108, %parallel_loop3A_1110 : vector<16xf32>
        %parallel_loop3A_1112 = arith.fptosi %parallel_loop3A_1111 : vector<16xf32> to vector<16xi32>
        %parallel_loop3A_1113 = arith.constant 0 : i32
        %parallel_loop3A_1114 = arith.constant 15 : i32
        %parallel_loop3A_1115 = vector.broadcast %parallel_loop3A_1113 : i32 to vector<16xi32>
        %parallel_loop3A_1116 = arith.maxsi %parallel_loop3A_1115, %parallel_loop3A_1112 : vector<16xi32>
        %parallel_loop3A_1117 = vector.broadcast %parallel_loop3A_1114 : i32 to vector<16xi32>
        %parallel_loop3A_1118 = arith.minsi %parallel_loop3A_1117, %parallel_loop3A_1116 : vector<16xi32>
        %parallel_loop3A_1119 = arith.constant 5.000000e+02 : f32
        %parallel_loop3A_1120 = vector.broadcast %parallel_loop3A_1119 : f32 to vector<16xf32>
        %parallel_loop3A_1121 = arith.mulf %parallel_loop3A_1105, %parallel_loop3A_1120 : vector<16xf32>
        %parallel_loop3A_1122 = arith.constant 5.000000e+02 : f32
        %parallel_loop3A_1123 = vector.broadcast %parallel_loop3A_1122 : f32 to vector<16xf32>
        %parallel_loop3A_1124 = arith.addf %parallel_loop3A_1121, %parallel_loop3A_1123 : vector<16xf32>
        %parallel_loop3A_1125 = arith.sitofp %parallel_loop3A_1118 : vector<16xi32> to vector<16xf32>
        %parallel_loop3A_1126 = arith.constant 66.6666641 : f32
        %parallel_loop3A_1127 = vector.broadcast %parallel_loop3A_1126 : f32 to vector<16xf32>
        %parallel_loop3A_1128 = arith.mulf %parallel_loop3A_1125, %parallel_loop3A_1127 : vector<16xf32>
        %parallel_loop3A_1129 = arith.subf %parallel_loop3A_1124, %parallel_loop3A_1128 : vector<16xf32>
        %parallel_loop3A_1130 = math.exp %parallel_loop3A_1129 : vector<16xf32>
        %parallel_loop3A_1131 = arith.constant 1.000000e+00 : f32
        %parallel_loop3A_1132 = vector.broadcast %parallel_loop3A_1131 : f32 to vector<16xf32>
        %parallel_loop3A_1133 = arith.addf %parallel_loop3A_1132, %parallel_loop3A_1130 : vector<16xf32>
        %parallel_loop3A_1134 = arith.constant -1.000000e+00 : f32
        %parallel_loop3A_1135 = vector.broadcast %parallel_loop3A_1134 : f32 to vector<16xf32>
        %parallel_loop3A_1136 = arith.divf %parallel_loop3A_1135, %parallel_loop3A_1133 : vector<16xf32>
        %parallel_loop3A_1137 = arith.constant 512 : i32
        %parallel_loop3A_1138 = vector.broadcast %parallel_loop3A_1137 : i32 to vector<16xi32>
        %parallel_loop3A_1139 = arith.muli %parallel_loop3A_1118, %parallel_loop3A_1138 : vector<16xi32>
        %parallel_loop3A_1140 = arith.addi %parallel_loop3A_1139, %parallel_loop3A_1088 : vector<16xi32>
        tpu.vector_store_idx %arg8[%parallel_loop3A_1140], %parallel_loop3A_1136 {add = true} : memref<8704xf32, #tpu.memory_space<vmem>>[vector<16xi32>], vector<16xf32>,
        %parallel_loop3A_1141 = arith.constant 512 : i32
        %parallel_loop3A_1142 = vector.broadcast %parallel_loop3A_1141 : i32 to vector<16xi32>
        %parallel_loop3A_1143 = arith.addi %parallel_loop3A_1140, %parallel_loop3A_1142 : vector<16xi32>
        %parallel_loop3A_1144 = arith.constant -1.000000e+00 : f32
        %parallel_loop3A_1145 = vector.broadcast %parallel_loop3A_1144 : f32 to vector<16xf32>
        %parallel_loop3A_1146 = arith.subf %parallel_loop3A_1145, %parallel_loop3A_1136 : vector<16xf32>
        tpu.vector_store_idx %arg8[%parallel_loop3A_1143], %parallel_loop3A_1146 {add = true} : memref<8704xf32, #tpu.memory_space<vmem>>[vector<16xi32>], vector<16xf32>,
        %parallel_loop3A_1147 = arith.constant 11 : i32
        %parallel_loop3A_1148 = arith.addi %parallel_loop3A_407, %parallel_loop3A_1147 : i32
        %parallel_loop3A_1149 = arith.index_cast %parallel_loop3A_1148 : i32 to index
        %parallel_loop3A_1150 = arith.constant 0 : index
        %parallel_loop3A_1151 = tpu.vector_load %arg9[%parallel_loop3A_1149, %parallel_loop3A_1150] {strides = array<i32>} : memref<640x32xf32, #tpu.memory_space<vmem>>, vector<16xf32>,
        %parallel_loop3A_1152 = arith.index_cast %parallel_loop3A_1148 : i32 to index
        %parallel_loop3A_1153 = arith.constant 16 : index
        %parallel_loop3A_1154 = tpu.vector_load %arg9[%parallel_loop3A_1152, %parallel_loop3A_1153] {strides = array<i32>} : memref<640x32xf32, #tpu.memory_space<vmem>>, vector<16xf32>,
        %parallel_loop3A_1155 = arith.fptosi %parallel_loop3A_1154 : vector<16xf32> to vector<16xi32>
        %parallel_loop3A_1156 = arith.index_cast %parallel_loop3A_1148 : i32 to index
        %parallel_loop3A_1157 = arith.constant 0 : index
        %parallel_loop3A_1158 = tpu.vector_load %arg11[%parallel_loop3A_1156, %parallel_loop3A_1157] {strides = array<i32>} : memref<640x16xf32, #tpu.memory_space<vmem>>, vector<16xf32>,
        %parallel_loop3A_1159 = arith.constant 11 : i32
        %parallel_loop3A_1160 = vector.broadcast %parallel_loop3A_1159 : i32 to vector<16xi32>
        %parallel_loop3A_1161 = arith.constant 0 : i32
        %parallel_loop3A_1162 = vector.broadcast %parallel_loop3A_1161 : i32 to vector<16xi32>
        %parallel_loop3A_1163 = arith.cmpi slt, %parallel_loop3A_1160, %parallel_loop3A_1162 : vector<16xi32>
        %parallel_loop3A_1164 = arith.constant 16 : i32
        %parallel_loop3A_1165 = vector.broadcast %parallel_loop3A_1164 : i32 to vector<16xi32>
        %parallel_loop3A_1166 = arith.addi %parallel_loop3A_1160, %parallel_loop3A_1165 : vector<16xi32>
        %parallel_loop3A_1167 = arith.select %parallel_loop3A_1163, %parallel_loop3A_1166, %parallel_loop3A_1160 : vector<16xi1>, vector<16xi32>
        %parallel_loop3A_1168 = vector.shape_cast %parallel_loop3A_1167 : vector<16xi32> to vector<16x1xi32>
        %parallel_loop3A_1169 = vector.shape_cast %parallel_loop3A_1168 : vector<16x1xi32> to vector<16xi32>
        %parallel_loop3A_1170 = tpu.dynamic_gather %parallel_loop3A_409[%parallel_loop3A_1169] in [0] : vector<16xf32>, vector<16xi32> -> vector<16xf32>
        %parallel_loop3A_1171 = arith.maximumf %parallel_loop3A_1151, %parallel_loop3A_1158 : vector<16xf32>
        %parallel_loop3A_1172 = arith.mulf %parallel_loop3A_1171, %parallel_loop3A_1170 : vector<16xf32>
        %parallel_loop3A_1173 = arith.constant 7.500000e+00 : f32
        %parallel_loop3A_1174 = vector.broadcast %parallel_loop3A_1173 : f32 to vector<16xf32>
        %parallel_loop3A_1175 = arith.mulf %parallel_loop3A_1172, %parallel_loop3A_1174 : vector<16xf32>
        %parallel_loop3A_1176 = arith.constant 8.000000e+00 : f32
        %parallel_loop3A_1177 = vector.broadcast %parallel_loop3A_1176 : f32 to vector<16xf32>
        %parallel_loop3A_1178 = arith.addf %parallel_loop3A_1175, %parallel_loop3A_1177 : vector<16xf32>
        %parallel_loop3A_1179 = arith.fptosi %parallel_loop3A_1178 : vector<16xf32> to vector<16xi32>
        %parallel_loop3A_1180 = arith.constant 0 : i32
        %parallel_loop3A_1181 = arith.constant 15 : i32
        %parallel_loop3A_1182 = vector.broadcast %parallel_loop3A_1180 : i32 to vector<16xi32>
        %parallel_loop3A_1183 = arith.maxsi %parallel_loop3A_1182, %parallel_loop3A_1179 : vector<16xi32>
        %parallel_loop3A_1184 = vector.broadcast %parallel_loop3A_1181 : i32 to vector<16xi32>
        %parallel_loop3A_1185 = arith.minsi %parallel_loop3A_1184, %parallel_loop3A_1183 : vector<16xi32>
        %parallel_loop3A_1186 = arith.constant 5.000000e+02 : f32
        %parallel_loop3A_1187 = vector.broadcast %parallel_loop3A_1186 : f32 to vector<16xf32>
        %parallel_loop3A_1188 = arith.mulf %parallel_loop3A_1172, %parallel_loop3A_1187 : vector<16xf32>
        %parallel_loop3A_1189 = arith.constant 5.000000e+02 : f32
        %parallel_loop3A_1190 = vector.broadcast %parallel_loop3A_1189 : f32 to vector<16xf32>
        %parallel_loop3A_1191 = arith.addf %parallel_loop3A_1188, %parallel_loop3A_1190 : vector<16xf32>
        %parallel_loop3A_1192 = arith.sitofp %parallel_loop3A_1185 : vector<16xi32> to vector<16xf32>
        %parallel_loop3A_1193 = arith.constant 66.6666641 : f32
        %parallel_loop3A_1194 = vector.broadcast %parallel_loop3A_1193 : f32 to vector<16xf32>
        %parallel_loop3A_1195 = arith.mulf %parallel_loop3A_1192, %parallel_loop3A_1194 : vector<16xf32>
        %parallel_loop3A_1196 = arith.subf %parallel_loop3A_1191, %parallel_loop3A_1195 : vector<16xf32>
        %parallel_loop3A_1197 = math.exp %parallel_loop3A_1196 : vector<16xf32>
        %parallel_loop3A_1198 = arith.constant 1.000000e+00 : f32
        %parallel_loop3A_1199 = vector.broadcast %parallel_loop3A_1198 : f32 to vector<16xf32>
        %parallel_loop3A_1200 = arith.addf %parallel_loop3A_1199, %parallel_loop3A_1197 : vector<16xf32>
        %parallel_loop3A_1201 = arith.constant -1.000000e+00 : f32
        %parallel_loop3A_1202 = vector.broadcast %parallel_loop3A_1201 : f32 to vector<16xf32>
        %parallel_loop3A_1203 = arith.divf %parallel_loop3A_1202, %parallel_loop3A_1200 : vector<16xf32>
        %parallel_loop3A_1204 = arith.constant 512 : i32
        %parallel_loop3A_1205 = vector.broadcast %parallel_loop3A_1204 : i32 to vector<16xi32>
        %parallel_loop3A_1206 = arith.muli %parallel_loop3A_1185, %parallel_loop3A_1205 : vector<16xi32>
        %parallel_loop3A_1207 = arith.addi %parallel_loop3A_1206, %parallel_loop3A_1155 : vector<16xi32>
        tpu.vector_store_idx %arg8[%parallel_loop3A_1207], %parallel_loop3A_1203 {add = true} : memref<8704xf32, #tpu.memory_space<vmem>>[vector<16xi32>], vector<16xf32>,
        %parallel_loop3A_1208 = arith.constant 512 : i32
        %parallel_loop3A_1209 = vector.broadcast %parallel_loop3A_1208 : i32 to vector<16xi32>
        %parallel_loop3A_1210 = arith.addi %parallel_loop3A_1207, %parallel_loop3A_1209 : vector<16xi32>
        %parallel_loop3A_1211 = arith.constant -1.000000e+00 : f32
        %parallel_loop3A_1212 = vector.broadcast %parallel_loop3A_1211 : f32 to vector<16xf32>
        %parallel_loop3A_1213 = arith.subf %parallel_loop3A_1212, %parallel_loop3A_1203 : vector<16xf32>
        tpu.vector_store_idx %arg8[%parallel_loop3A_1210], %parallel_loop3A_1213 {add = true} : memref<8704xf32, #tpu.memory_space<vmem>>[vector<16xi32>], vector<16xf32>,
        %parallel_loop3A_1214 = arith.constant 12 : i32
        %parallel_loop3A_1215 = arith.addi %parallel_loop3A_407, %parallel_loop3A_1214 : i32
        %parallel_loop3A_1216 = arith.index_cast %parallel_loop3A_1215 : i32 to index
        %parallel_loop3A_1217 = arith.constant 0 : index
        %parallel_loop3A_1218 = tpu.vector_load %arg9[%parallel_loop3A_1216, %parallel_loop3A_1217] {strides = array<i32>} : memref<640x32xf32, #tpu.memory_space<vmem>>, vector<16xf32>,
        %parallel_loop3A_1219 = arith.index_cast %parallel_loop3A_1215 : i32 to index
        %parallel_loop3A_1220 = arith.constant 16 : index
        %parallel_loop3A_1221 = tpu.vector_load %arg9[%parallel_loop3A_1219, %parallel_loop3A_1220] {strides = array<i32>} : memref<640x32xf32, #tpu.memory_space<vmem>>, vector<16xf32>,
        %parallel_loop3A_1222 = arith.fptosi %parallel_loop3A_1221 : vector<16xf32> to vector<16xi32>
        %parallel_loop3A_1223 = arith.index_cast %parallel_loop3A_1215 : i32 to index
        %parallel_loop3A_1224 = arith.constant 0 : index
        %parallel_loop3A_1225 = tpu.vector_load %arg11[%parallel_loop3A_1223, %parallel_loop3A_1224] {strides = array<i32>} : memref<640x16xf32, #tpu.memory_space<vmem>>, vector<16xf32>,
        %parallel_loop3A_1226 = arith.constant 12 : i32
        %parallel_loop3A_1227 = vector.broadcast %parallel_loop3A_1226 : i32 to vector<16xi32>
        %parallel_loop3A_1228 = arith.constant 0 : i32
        %parallel_loop3A_1229 = vector.broadcast %parallel_loop3A_1228 : i32 to vector<16xi32>
        %parallel_loop3A_1230 = arith.cmpi slt, %parallel_loop3A_1227, %parallel_loop3A_1229 : vector<16xi32>
        %parallel_loop3A_1231 = arith.constant 16 : i32
        %parallel_loop3A_1232 = vector.broadcast %parallel_loop3A_1231 : i32 to vector<16xi32>
        %parallel_loop3A_1233 = arith.addi %parallel_loop3A_1227, %parallel_loop3A_1232 : vector<16xi32>
        %parallel_loop3A_1234 = arith.select %parallel_loop3A_1230, %parallel_loop3A_1233, %parallel_loop3A_1227 : vector<16xi1>, vector<16xi32>
        %parallel_loop3A_1235 = vector.shape_cast %parallel_loop3A_1234 : vector<16xi32> to vector<16x1xi32>
        %parallel_loop3A_1236 = vector.shape_cast %parallel_loop3A_1235 : vector<16x1xi32> to vector<16xi32>
        %parallel_loop3A_1237 = tpu.dynamic_gather %parallel_loop3A_409[%parallel_loop3A_1236] in [0] : vector<16xf32>, vector<16xi32> -> vector<16xf32>
        %parallel_loop3A_1238 = arith.maximumf %parallel_loop3A_1218, %parallel_loop3A_1225 : vector<16xf32>
        %parallel_loop3A_1239 = arith.mulf %parallel_loop3A_1238, %parallel_loop3A_1237 : vector<16xf32>
        %parallel_loop3A_1240 = arith.constant 7.500000e+00 : f32
        %parallel_loop3A_1241 = vector.broadcast %parallel_loop3A_1240 : f32 to vector<16xf32>
        %parallel_loop3A_1242 = arith.mulf %parallel_loop3A_1239, %parallel_loop3A_1241 : vector<16xf32>
        %parallel_loop3A_1243 = arith.constant 8.000000e+00 : f32
        %parallel_loop3A_1244 = vector.broadcast %parallel_loop3A_1243 : f32 to vector<16xf32>
        %parallel_loop3A_1245 = arith.addf %parallel_loop3A_1242, %parallel_loop3A_1244 : vector<16xf32>
        %parallel_loop3A_1246 = arith.fptosi %parallel_loop3A_1245 : vector<16xf32> to vector<16xi32>
        %parallel_loop3A_1247 = arith.constant 0 : i32
        %parallel_loop3A_1248 = arith.constant 15 : i32
        %parallel_loop3A_1249 = vector.broadcast %parallel_loop3A_1247 : i32 to vector<16xi32>
        %parallel_loop3A_1250 = arith.maxsi %parallel_loop3A_1249, %parallel_loop3A_1246 : vector<16xi32>
        %parallel_loop3A_1251 = vector.broadcast %parallel_loop3A_1248 : i32 to vector<16xi32>
        %parallel_loop3A_1252 = arith.minsi %parallel_loop3A_1251, %parallel_loop3A_1250 : vector<16xi32>
        %parallel_loop3A_1253 = arith.constant 5.000000e+02 : f32
        %parallel_loop3A_1254 = vector.broadcast %parallel_loop3A_1253 : f32 to vector<16xf32>
        %parallel_loop3A_1255 = arith.mulf %parallel_loop3A_1239, %parallel_loop3A_1254 : vector<16xf32>
        %parallel_loop3A_1256 = arith.constant 5.000000e+02 : f32
        %parallel_loop3A_1257 = vector.broadcast %parallel_loop3A_1256 : f32 to vector<16xf32>
        %parallel_loop3A_1258 = arith.addf %parallel_loop3A_1255, %parallel_loop3A_1257 : vector<16xf32>
        %parallel_loop3A_1259 = arith.sitofp %parallel_loop3A_1252 : vector<16xi32> to vector<16xf32>
        %parallel_loop3A_1260 = arith.constant 66.6666641 : f32
        %parallel_loop3A_1261 = vector.broadcast %parallel_loop3A_1260 : f32 to vector<16xf32>
        %parallel_loop3A_1262 = arith.mulf %parallel_loop3A_1259, %parallel_loop3A_1261 : vector<16xf32>
        %parallel_loop3A_1263 = arith.subf %parallel_loop3A_1258, %parallel_loop3A_1262 : vector<16xf32>
        %parallel_loop3A_1264 = math.exp %parallel_loop3A_1263 : vector<16xf32>
        %parallel_loop3A_1265 = arith.constant 1.000000e+00 : f32
        %parallel_loop3A_1266 = vector.broadcast %parallel_loop3A_1265 : f32 to vector<16xf32>
        %parallel_loop3A_1267 = arith.addf %parallel_loop3A_1266, %parallel_loop3A_1264 : vector<16xf32>
        %parallel_loop3A_1268 = arith.constant -1.000000e+00 : f32
        %parallel_loop3A_1269 = vector.broadcast %parallel_loop3A_1268 : f32 to vector<16xf32>
        %parallel_loop3A_1270 = arith.divf %parallel_loop3A_1269, %parallel_loop3A_1267 : vector<16xf32>
        %parallel_loop3A_1271 = arith.constant 512 : i32
        %parallel_loop3A_1272 = vector.broadcast %parallel_loop3A_1271 : i32 to vector<16xi32>
        %parallel_loop3A_1273 = arith.muli %parallel_loop3A_1252, %parallel_loop3A_1272 : vector<16xi32>
        %parallel_loop3A_1274 = arith.addi %parallel_loop3A_1273, %parallel_loop3A_1222 : vector<16xi32>
        tpu.vector_store_idx %arg8[%parallel_loop3A_1274], %parallel_loop3A_1270 {add = true} : memref<8704xf32, #tpu.memory_space<vmem>>[vector<16xi32>], vector<16xf32>,
        %parallel_loop3A_1275 = arith.constant 512 : i32
        %parallel_loop3A_1276 = vector.broadcast %parallel_loop3A_1275 : i32 to vector<16xi32>
        %parallel_loop3A_1277 = arith.addi %parallel_loop3A_1274, %parallel_loop3A_1276 : vector<16xi32>
        %parallel_loop3A_1278 = arith.constant -1.000000e+00 : f32
        %parallel_loop3A_1279 = vector.broadcast %parallel_loop3A_1278 : f32 to vector<16xf32>
        %parallel_loop3A_1280 = arith.subf %parallel_loop3A_1279, %parallel_loop3A_1270 : vector<16xf32>
        tpu.vector_store_idx %arg8[%parallel_loop3A_1277], %parallel_loop3A_1280 {add = true} : memref<8704xf32, #tpu.memory_space<vmem>>[vector<16xi32>], vector<16xf32>,
        %parallel_loop3A_1281 = arith.constant 13 : i32
        %parallel_loop3A_1282 = arith.addi %parallel_loop3A_407, %parallel_loop3A_1281 : i32
        %parallel_loop3A_1283 = arith.index_cast %parallel_loop3A_1282 : i32 to index
        %parallel_loop3A_1284 = arith.constant 0 : index
        %parallel_loop3A_1285 = tpu.vector_load %arg9[%parallel_loop3A_1283, %parallel_loop3A_1284] {strides = array<i32>} : memref<640x32xf32, #tpu.memory_space<vmem>>, vector<16xf32>,
        %parallel_loop3A_1286 = arith.index_cast %parallel_loop3A_1282 : i32 to index
        %parallel_loop3A_1287 = arith.constant 16 : index
        %parallel_loop3A_1288 = tpu.vector_load %arg9[%parallel_loop3A_1286, %parallel_loop3A_1287] {strides = array<i32>} : memref<640x32xf32, #tpu.memory_space<vmem>>, vector<16xf32>,
        %parallel_loop3A_1289 = arith.fptosi %parallel_loop3A_1288 : vector<16xf32> to vector<16xi32>
        %parallel_loop3A_1290 = arith.index_cast %parallel_loop3A_1282 : i32 to index
        %parallel_loop3A_1291 = arith.constant 0 : index
        %parallel_loop3A_1292 = tpu.vector_load %arg11[%parallel_loop3A_1290, %parallel_loop3A_1291] {strides = array<i32>} : memref<640x16xf32, #tpu.memory_space<vmem>>, vector<16xf32>,
        %parallel_loop3A_1293 = arith.constant 13 : i32
        %parallel_loop3A_1294 = vector.broadcast %parallel_loop3A_1293 : i32 to vector<16xi32>
        %parallel_loop3A_1295 = arith.constant 0 : i32
        %parallel_loop3A_1296 = vector.broadcast %parallel_loop3A_1295 : i32 to vector<16xi32>
        %parallel_loop3A_1297 = arith.cmpi slt, %parallel_loop3A_1294, %parallel_loop3A_1296 : vector<16xi32>
        %parallel_loop3A_1298 = arith.constant 16 : i32
        %parallel_loop3A_1299 = vector.broadcast %parallel_loop3A_1298 : i32 to vector<16xi32>
        %parallel_loop3A_1300 = arith.addi %parallel_loop3A_1294, %parallel_loop3A_1299 : vector<16xi32>
        %parallel_loop3A_1301 = arith.select %parallel_loop3A_1297, %parallel_loop3A_1300, %parallel_loop3A_1294 : vector<16xi1>, vector<16xi32>
        %parallel_loop3A_1302 = vector.shape_cast %parallel_loop3A_1301 : vector<16xi32> to vector<16x1xi32>
        %parallel_loop3A_1303 = vector.shape_cast %parallel_loop3A_1302 : vector<16x1xi32> to vector<16xi32>
        %parallel_loop3A_1304 = tpu.dynamic_gather %parallel_loop3A_409[%parallel_loop3A_1303] in [0] : vector<16xf32>, vector<16xi32> -> vector<16xf32>
        %parallel_loop3A_1305 = arith.maximumf %parallel_loop3A_1285, %parallel_loop3A_1292 : vector<16xf32>
        %parallel_loop3A_1306 = arith.mulf %parallel_loop3A_1305, %parallel_loop3A_1304 : vector<16xf32>
        %parallel_loop3A_1307 = arith.constant 7.500000e+00 : f32
        %parallel_loop3A_1308 = vector.broadcast %parallel_loop3A_1307 : f32 to vector<16xf32>
        %parallel_loop3A_1309 = arith.mulf %parallel_loop3A_1306, %parallel_loop3A_1308 : vector<16xf32>
        %parallel_loop3A_1310 = arith.constant 8.000000e+00 : f32
        %parallel_loop3A_1311 = vector.broadcast %parallel_loop3A_1310 : f32 to vector<16xf32>
        %parallel_loop3A_1312 = arith.addf %parallel_loop3A_1309, %parallel_loop3A_1311 : vector<16xf32>
        %parallel_loop3A_1313 = arith.fptosi %parallel_loop3A_1312 : vector<16xf32> to vector<16xi32>
        %parallel_loop3A_1314 = arith.constant 0 : i32
        %parallel_loop3A_1315 = arith.constant 15 : i32
        %parallel_loop3A_1316 = vector.broadcast %parallel_loop3A_1314 : i32 to vector<16xi32>
        %parallel_loop3A_1317 = arith.maxsi %parallel_loop3A_1316, %parallel_loop3A_1313 : vector<16xi32>
        %parallel_loop3A_1318 = vector.broadcast %parallel_loop3A_1315 : i32 to vector<16xi32>
        %parallel_loop3A_1319 = arith.minsi %parallel_loop3A_1318, %parallel_loop3A_1317 : vector<16xi32>
        %parallel_loop3A_1320 = arith.constant 5.000000e+02 : f32
        %parallel_loop3A_1321 = vector.broadcast %parallel_loop3A_1320 : f32 to vector<16xf32>
        %parallel_loop3A_1322 = arith.mulf %parallel_loop3A_1306, %parallel_loop3A_1321 : vector<16xf32>
        %parallel_loop3A_1323 = arith.constant 5.000000e+02 : f32
        %parallel_loop3A_1324 = vector.broadcast %parallel_loop3A_1323 : f32 to vector<16xf32>
        %parallel_loop3A_1325 = arith.addf %parallel_loop3A_1322, %parallel_loop3A_1324 : vector<16xf32>
        %parallel_loop3A_1326 = arith.sitofp %parallel_loop3A_1319 : vector<16xi32> to vector<16xf32>
        %parallel_loop3A_1327 = arith.constant 66.6666641 : f32
        %parallel_loop3A_1328 = vector.broadcast %parallel_loop3A_1327 : f32 to vector<16xf32>
        %parallel_loop3A_1329 = arith.mulf %parallel_loop3A_1326, %parallel_loop3A_1328 : vector<16xf32>
        %parallel_loop3A_1330 = arith.subf %parallel_loop3A_1325, %parallel_loop3A_1329 : vector<16xf32>
        %parallel_loop3A_1331 = math.exp %parallel_loop3A_1330 : vector<16xf32>
        %parallel_loop3A_1332 = arith.constant 1.000000e+00 : f32
        %parallel_loop3A_1333 = vector.broadcast %parallel_loop3A_1332 : f32 to vector<16xf32>
        %parallel_loop3A_1334 = arith.addf %parallel_loop3A_1333, %parallel_loop3A_1331 : vector<16xf32>
        %parallel_loop3A_1335 = arith.constant -1.000000e+00 : f32
        %parallel_loop3A_1336 = vector.broadcast %parallel_loop3A_1335 : f32 to vector<16xf32>
        %parallel_loop3A_1337 = arith.divf %parallel_loop3A_1336, %parallel_loop3A_1334 : vector<16xf32>
        %parallel_loop3A_1338 = arith.constant 512 : i32
        %parallel_loop3A_1339 = vector.broadcast %parallel_loop3A_1338 : i32 to vector<16xi32>
        %parallel_loop3A_1340 = arith.muli %parallel_loop3A_1319, %parallel_loop3A_1339 : vector<16xi32>
        %parallel_loop3A_1341 = arith.addi %parallel_loop3A_1340, %parallel_loop3A_1289 : vector<16xi32>
        tpu.vector_store_idx %arg8[%parallel_loop3A_1341], %parallel_loop3A_1337 {add = true} : memref<8704xf32, #tpu.memory_space<vmem>>[vector<16xi32>], vector<16xf32>,
        %parallel_loop3A_1342 = arith.constant 512 : i32
        %parallel_loop3A_1343 = vector.broadcast %parallel_loop3A_1342 : i32 to vector<16xi32>
        %parallel_loop3A_1344 = arith.addi %parallel_loop3A_1341, %parallel_loop3A_1343 : vector<16xi32>
        %parallel_loop3A_1345 = arith.constant -1.000000e+00 : f32
        %parallel_loop3A_1346 = vector.broadcast %parallel_loop3A_1345 : f32 to vector<16xf32>
        %parallel_loop3A_1347 = arith.subf %parallel_loop3A_1346, %parallel_loop3A_1337 : vector<16xf32>
        tpu.vector_store_idx %arg8[%parallel_loop3A_1344], %parallel_loop3A_1347 {add = true} : memref<8704xf32, #tpu.memory_space<vmem>>[vector<16xi32>], vector<16xf32>,
        %parallel_loop3A_1348 = arith.constant 14 : i32
        %parallel_loop3A_1349 = arith.addi %parallel_loop3A_407, %parallel_loop3A_1348 : i32
        %parallel_loop3A_1350 = arith.index_cast %parallel_loop3A_1349 : i32 to index
        %parallel_loop3A_1351 = arith.constant 0 : index
        %parallel_loop3A_1352 = tpu.vector_load %arg9[%parallel_loop3A_1350, %parallel_loop3A_1351] {strides = array<i32>} : memref<640x32xf32, #tpu.memory_space<vmem>>, vector<16xf32>,
        %parallel_loop3A_1353 = arith.index_cast %parallel_loop3A_1349 : i32 to index
        %parallel_loop3A_1354 = arith.constant 16 : index
        %parallel_loop3A_1355 = tpu.vector_load %arg9[%parallel_loop3A_1353, %parallel_loop3A_1354] {strides = array<i32>} : memref<640x32xf32, #tpu.memory_space<vmem>>, vector<16xf32>,
        %parallel_loop3A_1356 = arith.fptosi %parallel_loop3A_1355 : vector<16xf32> to vector<16xi32>
        %parallel_loop3A_1357 = arith.index_cast %parallel_loop3A_1349 : i32 to index
        %parallel_loop3A_1358 = arith.constant 0 : index
        %parallel_loop3A_1359 = tpu.vector_load %arg11[%parallel_loop3A_1357, %parallel_loop3A_1358] {strides = array<i32>} : memref<640x16xf32, #tpu.memory_space<vmem>>, vector<16xf32>,
        %parallel_loop3A_1360 = arith.constant 14 : i32
        %parallel_loop3A_1361 = vector.broadcast %parallel_loop3A_1360 : i32 to vector<16xi32>
        %parallel_loop3A_1362 = arith.constant 0 : i32
        %parallel_loop3A_1363 = vector.broadcast %parallel_loop3A_1362 : i32 to vector<16xi32>
        %parallel_loop3A_1364 = arith.cmpi slt, %parallel_loop3A_1361, %parallel_loop3A_1363 : vector<16xi32>
        %parallel_loop3A_1365 = arith.constant 16 : i32
        %parallel_loop3A_1366 = vector.broadcast %parallel_loop3A_1365 : i32 to vector<16xi32>
        %parallel_loop3A_1367 = arith.addi %parallel_loop3A_1361, %parallel_loop3A_1366 : vector<16xi32>
        %parallel_loop3A_1368 = arith.select %parallel_loop3A_1364, %parallel_loop3A_1367, %parallel_loop3A_1361 : vector<16xi1>, vector<16xi32>
        %parallel_loop3A_1369 = vector.shape_cast %parallel_loop3A_1368 : vector<16xi32> to vector<16x1xi32>
        %parallel_loop3A_1370 = vector.shape_cast %parallel_loop3A_1369 : vector<16x1xi32> to vector<16xi32>
        %parallel_loop3A_1371 = tpu.dynamic_gather %parallel_loop3A_409[%parallel_loop3A_1370] in [0] : vector<16xf32>, vector<16xi32> -> vector<16xf32>
        %parallel_loop3A_1372 = arith.maximumf %parallel_loop3A_1352, %parallel_loop3A_1359 : vector<16xf32>
        %parallel_loop3A_1373 = arith.mulf %parallel_loop3A_1372, %parallel_loop3A_1371 : vector<16xf32>
        %parallel_loop3A_1374 = arith.constant 7.500000e+00 : f32
        %parallel_loop3A_1375 = vector.broadcast %parallel_loop3A_1374 : f32 to vector<16xf32>
        %parallel_loop3A_1376 = arith.mulf %parallel_loop3A_1373, %parallel_loop3A_1375 : vector<16xf32>
        %parallel_loop3A_1377 = arith.constant 8.000000e+00 : f32
        %parallel_loop3A_1378 = vector.broadcast %parallel_loop3A_1377 : f32 to vector<16xf32>
        %parallel_loop3A_1379 = arith.addf %parallel_loop3A_1376, %parallel_loop3A_1378 : vector<16xf32>
        %parallel_loop3A_1380 = arith.fptosi %parallel_loop3A_1379 : vector<16xf32> to vector<16xi32>
        %parallel_loop3A_1381 = arith.constant 0 : i32
        %parallel_loop3A_1382 = arith.constant 15 : i32
        %parallel_loop3A_1383 = vector.broadcast %parallel_loop3A_1381 : i32 to vector<16xi32>
        %parallel_loop3A_1384 = arith.maxsi %parallel_loop3A_1383, %parallel_loop3A_1380 : vector<16xi32>
        %parallel_loop3A_1385 = vector.broadcast %parallel_loop3A_1382 : i32 to vector<16xi32>
        %parallel_loop3A_1386 = arith.minsi %parallel_loop3A_1385, %parallel_loop3A_1384 : vector<16xi32>
        %parallel_loop3A_1387 = arith.constant 5.000000e+02 : f32
        %parallel_loop3A_1388 = vector.broadcast %parallel_loop3A_1387 : f32 to vector<16xf32>
        %parallel_loop3A_1389 = arith.mulf %parallel_loop3A_1373, %parallel_loop3A_1388 : vector<16xf32>
        %parallel_loop3A_1390 = arith.constant 5.000000e+02 : f32
        %parallel_loop3A_1391 = vector.broadcast %parallel_loop3A_1390 : f32 to vector<16xf32>
        %parallel_loop3A_1392 = arith.addf %parallel_loop3A_1389, %parallel_loop3A_1391 : vector<16xf32>
        %parallel_loop3A_1393 = arith.sitofp %parallel_loop3A_1386 : vector<16xi32> to vector<16xf32>
        %parallel_loop3A_1394 = arith.constant 66.6666641 : f32
        %parallel_loop3A_1395 = vector.broadcast %parallel_loop3A_1394 : f32 to vector<16xf32>
        %parallel_loop3A_1396 = arith.mulf %parallel_loop3A_1393, %parallel_loop3A_1395 : vector<16xf32>
        %parallel_loop3A_1397 = arith.subf %parallel_loop3A_1392, %parallel_loop3A_1396 : vector<16xf32>
        %parallel_loop3A_1398 = math.exp %parallel_loop3A_1397 : vector<16xf32>
        %parallel_loop3A_1399 = arith.constant 1.000000e+00 : f32
        %parallel_loop3A_1400 = vector.broadcast %parallel_loop3A_1399 : f32 to vector<16xf32>
        %parallel_loop3A_1401 = arith.addf %parallel_loop3A_1400, %parallel_loop3A_1398 : vector<16xf32>
        %parallel_loop3A_1402 = arith.constant -1.000000e+00 : f32
        %parallel_loop3A_1403 = vector.broadcast %parallel_loop3A_1402 : f32 to vector<16xf32>
        %parallel_loop3A_1404 = arith.divf %parallel_loop3A_1403, %parallel_loop3A_1401 : vector<16xf32>
        %parallel_loop3A_1405 = arith.constant 512 : i32
        %parallel_loop3A_1406 = vector.broadcast %parallel_loop3A_1405 : i32 to vector<16xi32>
        %parallel_loop3A_1407 = arith.muli %parallel_loop3A_1386, %parallel_loop3A_1406 : vector<16xi32>
        %parallel_loop3A_1408 = arith.addi %parallel_loop3A_1407, %parallel_loop3A_1356 : vector<16xi32>
        tpu.vector_store_idx %arg8[%parallel_loop3A_1408], %parallel_loop3A_1404 {add = true} : memref<8704xf32, #tpu.memory_space<vmem>>[vector<16xi32>], vector<16xf32>,
        %parallel_loop3A_1409 = arith.constant 512 : i32
        %parallel_loop3A_1410 = vector.broadcast %parallel_loop3A_1409 : i32 to vector<16xi32>
        %parallel_loop3A_1411 = arith.addi %parallel_loop3A_1408, %parallel_loop3A_1410 : vector<16xi32>
        %parallel_loop3A_1412 = arith.constant -1.000000e+00 : f32
        %parallel_loop3A_1413 = vector.broadcast %parallel_loop3A_1412 : f32 to vector<16xf32>
        %parallel_loop3A_1414 = arith.subf %parallel_loop3A_1413, %parallel_loop3A_1404 : vector<16xf32>
        tpu.vector_store_idx %arg8[%parallel_loop3A_1411], %parallel_loop3A_1414 {add = true} : memref<8704xf32, #tpu.memory_space<vmem>>[vector<16xi32>], vector<16xf32>,
        %parallel_loop3A_1415 = arith.constant 15 : i32
        %parallel_loop3A_1416 = arith.addi %parallel_loop3A_407, %parallel_loop3A_1415 : i32
        %parallel_loop3A_1417 = arith.index_cast %parallel_loop3A_1416 : i32 to index
        %parallel_loop3A_1418 = arith.constant 0 : index
        %parallel_loop3A_1419 = tpu.vector_load %arg9[%parallel_loop3A_1417, %parallel_loop3A_1418] {strides = array<i32>} : memref<640x32xf32, #tpu.memory_space<vmem>>, vector<16xf32>,
        %parallel_loop3A_1420 = arith.index_cast %parallel_loop3A_1416 : i32 to index
        %parallel_loop3A_1421 = arith.constant 16 : index
        %parallel_loop3A_1422 = tpu.vector_load %arg9[%parallel_loop3A_1420, %parallel_loop3A_1421] {strides = array<i32>} : memref<640x32xf32, #tpu.memory_space<vmem>>, vector<16xf32>,
        %parallel_loop3A_1423 = arith.fptosi %parallel_loop3A_1422 : vector<16xf32> to vector<16xi32>
        %parallel_loop3A_1424 = arith.index_cast %parallel_loop3A_1416 : i32 to index
        %parallel_loop3A_1425 = arith.constant 0 : index
        %parallel_loop3A_1426 = tpu.vector_load %arg11[%parallel_loop3A_1424, %parallel_loop3A_1425] {strides = array<i32>} : memref<640x16xf32, #tpu.memory_space<vmem>>, vector<16xf32>,
        %parallel_loop3A_1427 = arith.constant 15 : i32
        %parallel_loop3A_1428 = vector.broadcast %parallel_loop3A_1427 : i32 to vector<16xi32>
        %parallel_loop3A_1429 = arith.constant 0 : i32
        %parallel_loop3A_1430 = vector.broadcast %parallel_loop3A_1429 : i32 to vector<16xi32>
        %parallel_loop3A_1431 = arith.cmpi slt, %parallel_loop3A_1428, %parallel_loop3A_1430 : vector<16xi32>
        %parallel_loop3A_1432 = arith.constant 16 : i32
        %parallel_loop3A_1433 = vector.broadcast %parallel_loop3A_1432 : i32 to vector<16xi32>
        %parallel_loop3A_1434 = arith.addi %parallel_loop3A_1428, %parallel_loop3A_1433 : vector<16xi32>
        %parallel_loop3A_1435 = arith.select %parallel_loop3A_1431, %parallel_loop3A_1434, %parallel_loop3A_1428 : vector<16xi1>, vector<16xi32>
        %parallel_loop3A_1436 = vector.shape_cast %parallel_loop3A_1435 : vector<16xi32> to vector<16x1xi32>
        %parallel_loop3A_1437 = vector.shape_cast %parallel_loop3A_1436 : vector<16x1xi32> to vector<16xi32>
        %parallel_loop3A_1438 = tpu.dynamic_gather %parallel_loop3A_409[%parallel_loop3A_1437] in [0] : vector<16xf32>, vector<16xi32> -> vector<16xf32>
        %parallel_loop3A_1439 = arith.maximumf %parallel_loop3A_1419, %parallel_loop3A_1426 : vector<16xf32>
        %parallel_loop3A_1440 = arith.mulf %parallel_loop3A_1439, %parallel_loop3A_1438 : vector<16xf32>
        %parallel_loop3A_1441 = arith.constant 7.500000e+00 : f32
        %parallel_loop3A_1442 = vector.broadcast %parallel_loop3A_1441 : f32 to vector<16xf32>
        %parallel_loop3A_1443 = arith.mulf %parallel_loop3A_1440, %parallel_loop3A_1442 : vector<16xf32>
        %parallel_loop3A_1444 = arith.constant 8.000000e+00 : f32
        %parallel_loop3A_1445 = vector.broadcast %parallel_loop3A_1444 : f32 to vector<16xf32>
        %parallel_loop3A_1446 = arith.addf %parallel_loop3A_1443, %parallel_loop3A_1445 : vector<16xf32>
        %parallel_loop3A_1447 = arith.fptosi %parallel_loop3A_1446 : vector<16xf32> to vector<16xi32>
        %parallel_loop3A_1448 = arith.constant 0 : i32
        %parallel_loop3A_1449 = arith.constant 15 : i32
        %parallel_loop3A_1450 = vector.broadcast %parallel_loop3A_1448 : i32 to vector<16xi32>
        %parallel_loop3A_1451 = arith.maxsi %parallel_loop3A_1450, %parallel_loop3A_1447 : vector<16xi32>
        %parallel_loop3A_1452 = vector.broadcast %parallel_loop3A_1449 : i32 to vector<16xi32>
        %parallel_loop3A_1453 = arith.minsi %parallel_loop3A_1452, %parallel_loop3A_1451 : vector<16xi32>
        %parallel_loop3A_1454 = arith.constant 5.000000e+02 : f32
        %parallel_loop3A_1455 = vector.broadcast %parallel_loop3A_1454 : f32 to vector<16xf32>
        %parallel_loop3A_1456 = arith.mulf %parallel_loop3A_1440, %parallel_loop3A_1455 : vector<16xf32>
        %parallel_loop3A_1457 = arith.constant 5.000000e+02 : f32
        %parallel_loop3A_1458 = vector.broadcast %parallel_loop3A_1457 : f32 to vector<16xf32>
        %parallel_loop3A_1459 = arith.addf %parallel_loop3A_1456, %parallel_loop3A_1458 : vector<16xf32>
        %parallel_loop3A_1460 = arith.sitofp %parallel_loop3A_1453 : vector<16xi32> to vector<16xf32>
        %parallel_loop3A_1461 = arith.constant 66.6666641 : f32
        %parallel_loop3A_1462 = vector.broadcast %parallel_loop3A_1461 : f32 to vector<16xf32>
        %parallel_loop3A_1463 = arith.mulf %parallel_loop3A_1460, %parallel_loop3A_1462 : vector<16xf32>
        %parallel_loop3A_1464 = arith.subf %parallel_loop3A_1459, %parallel_loop3A_1463 : vector<16xf32>
        %parallel_loop3A_1465 = math.exp %parallel_loop3A_1464 : vector<16xf32>
        %parallel_loop3A_1466 = arith.constant 1.000000e+00 : f32
        %parallel_loop3A_1467 = vector.broadcast %parallel_loop3A_1466 : f32 to vector<16xf32>
        %parallel_loop3A_1468 = arith.addf %parallel_loop3A_1467, %parallel_loop3A_1465 : vector<16xf32>
        %parallel_loop3A_1469 = arith.constant -1.000000e+00 : f32
        %parallel_loop3A_1470 = vector.broadcast %parallel_loop3A_1469 : f32 to vector<16xf32>
        %parallel_loop3A_1471 = arith.divf %parallel_loop3A_1470, %parallel_loop3A_1468 : vector<16xf32>
        %parallel_loop3A_1472 = arith.constant 512 : i32
        %parallel_loop3A_1473 = vector.broadcast %parallel_loop3A_1472 : i32 to vector<16xi32>
        %parallel_loop3A_1474 = arith.muli %parallel_loop3A_1453, %parallel_loop3A_1473 : vector<16xi32>
        %parallel_loop3A_1475 = arith.addi %parallel_loop3A_1474, %parallel_loop3A_1423 : vector<16xi32>
        tpu.vector_store_idx %arg8[%parallel_loop3A_1475], %parallel_loop3A_1471 {add = true} : memref<8704xf32, #tpu.memory_space<vmem>>[vector<16xi32>], vector<16xf32>,
        %parallel_loop3A_1476 = arith.constant 512 : i32
        %parallel_loop3A_1477 = vector.broadcast %parallel_loop3A_1476 : i32 to vector<16xi32>
        %parallel_loop3A_1478 = arith.addi %parallel_loop3A_1475, %parallel_loop3A_1477 : vector<16xi32>
        %parallel_loop3A_1479 = arith.constant -1.000000e+00 : f32
        %parallel_loop3A_1480 = vector.broadcast %parallel_loop3A_1479 : f32 to vector<16xf32>
        %parallel_loop3A_1481 = arith.subf %parallel_loop3A_1480, %parallel_loop3A_1471 : vector<16xf32>
        tpu.vector_store_idx %arg8[%parallel_loop3A_1478], %parallel_loop3A_1481 {add = true} : memref<8704xf32, #tpu.memory_space<vmem>>[vector<16xi32>], vector<16xf32>,
      } {sc.loop_unroll_factor = 2 : i64, sc.parallel_access}
      %convert_element_type3A = arith.extui %lt3A_139 : i1 to i32
      %cond3A = arith.constant 0 : i32
      %cond3A_317 = arith.cmpi ne, %convert_element_type3A, %cond3A : i32
      scf.if %cond3A_317 {
        %add3A_405 = arith.constant 2 : i32
        %add3A_406 = arith.addi %mul3A_138, %add3A_405 : i32
        %mul3A_407 = arith.constant 8 : i32
        %mul3A_408 = arith.muli %add3A, %mul3A_407 : i32
        %add3A_409 = arith.addi %mul3A_408, %add3A_406 : i32
        %mul3A_410 = arith.constant 640 : i32
        %mul3A_411 = arith.muli %add3A_409, %mul3A_410 : i32
        %multiple_of3A_412 = tpu.assume_multiple %mul3A_411, 640 : i32
        %dma_start3A_413 = tpu.memref_slice %arg4[%multiple_of3A_412] : memref<163840xi32, #tpu.memory_space<hbm>> -> memref<640xi32, #tpu.memory_space<hbm>>
        %dma_start3A_414 = tpu.memref_slice %arg4[%multiple_of3A_412] : memref<163840xi32, #tpu.memory_space<hbm>> -> memref<640xi32, #tpu.memory_space<hbm>>
        tpu.enqueue_dma source(%dma_start3A_414 : memref<640xi32, #tpu.memory_space<hbm>>) target(%arg14 : memref<640xi32, #tpu.memory_space<vmem>>) target_semaphore(%arg21 : memref<!tpu.dma_semaphore, #tpu.memory_space<semaphore_mem>>)
        %dma_start3A_415 = tpu.memref_slice %arg5[%multiple_of3A_412] : memref<163840xi32, #tpu.memory_space<hbm>> -> memref<640xi32, #tpu.memory_space<hbm>>
        %dma_start3A_416 = tpu.memref_slice %arg5[%multiple_of3A_412] : memref<163840xi32, #tpu.memory_space<hbm>> -> memref<640xi32, #tpu.memory_space<hbm>>
        tpu.enqueue_dma source(%dma_start3A_416 : memref<640xi32, #tpu.memory_space<hbm>>) target(%arg16 : memref<640xi32, #tpu.memory_space<vmem>>) target_semaphore(%arg21 : memref<!tpu.dma_semaphore, #tpu.memory_space<semaphore_mem>>)
        %dma_start3A_417 = tpu.memref_slice %arg6[%multiple_of3A_412] : memref<163840xf32, #tpu.memory_space<hbm>> -> memref<640xf32, #tpu.memory_space<hbm>>
        %dma_start3A_418 = tpu.memref_slice %arg6[%multiple_of3A_412] : memref<163840xf32, #tpu.memory_space<hbm>> -> memref<640xf32, #tpu.memory_space<hbm>>
        tpu.enqueue_dma source(%dma_start3A_418 : memref<640xf32, #tpu.memory_space<hbm>>) target(%arg18 : memref<640xf32, #tpu.memory_space<vmem>>) target_semaphore(%arg21 : memref<!tpu.dma_semaphore, #tpu.memory_space<semaphore_mem>>)
        %add3A_419 = arith.constant 2 : i32
        %add3A_420 = arith.addi %mul3A_138, %add3A_419 : i32
        %mul3A_421 = arith.constant 8 : i32
        %mul3A_422 = arith.muli %add3A, %mul3A_421 : i32
        %add3A_423 = arith.addi %mul3A_422, %add3A_420 : i32
        %mul3A_424 = arith.constant 640 : i32
        %mul3A_425 = arith.muli %add3A_423, %mul3A_424 : i32
        %multiple_of3A_426 = tpu.assume_multiple %mul3A_425, 640 : i32
        %dma_wait3A_427 = tpu.memref_slice %arg4[%multiple_of3A_426] : memref<163840xi32, #tpu.memory_space<hbm>> -> memref<640xi32, #tpu.memory_space<hbm>>
        %dma_wait3A_428 = tpu.memref_slice %arg4[%multiple_of3A_426] : memref<163840xi32, #tpu.memory_space<hbm>> -> memref<640xi32, #tpu.memory_space<hbm>>
        tpu.wait_dma2 semaphore(%arg21 : memref<!tpu.dma_semaphore, #tpu.memory_space<semaphore_mem>>) src(%dma_wait3A_428 : memref<640xi32, #tpu.memory_space<hbm>>) dst(%arg14 : memref<640xi32, #tpu.memory_space<vmem>>)
        %dma_wait3A_429 = tpu.memref_slice %arg5[%multiple_of3A_426] : memref<163840xi32, #tpu.memory_space<hbm>> -> memref<640xi32, #tpu.memory_space<hbm>>
        %dma_wait3A_430 = tpu.memref_slice %arg5[%multiple_of3A_426] : memref<163840xi32, #tpu.memory_space<hbm>> -> memref<640xi32, #tpu.memory_space<hbm>>
        tpu.wait_dma2 semaphore(%arg21 : memref<!tpu.dma_semaphore, #tpu.memory_space<semaphore_mem>>) src(%dma_wait3A_430 : memref<640xi32, #tpu.memory_space<hbm>>) dst(%arg16 : memref<640xi32, #tpu.memory_space<vmem>>)
        %dma_wait3A_431 = tpu.memref_slice %arg6[%multiple_of3A_426] : memref<163840xf32, #tpu.memory_space<hbm>> -> memref<640xf32, #tpu.memory_space<hbm>>
        %dma_wait3A_432 = tpu.memref_slice %arg6[%multiple_of3A_426] : memref<163840xf32, #tpu.memory_space<hbm>> -> memref<640xf32, #tpu.memory_space<hbm>>
        tpu.wait_dma2 semaphore(%arg21 : memref<!tpu.dma_semaphore, #tpu.memory_space<semaphore_mem>>) src(%dma_wait3A_432 : memref<640xf32, #tpu.memory_space<hbm>>) dst(%arg18 : memref<640xf32, #tpu.memory_space<vmem>>)
        %dma_start3A_433 = arith.constant 0 : i32
        %dma_start3A_434 = arith.constant 0 : i32
        %dma_start3A_435 = tpu.memref_slice %arg9[%dma_start3A_433, %dma_start3A_434] : memref<640x32xf32, #tpu.memory_space<vmem>> -> memref<128x32xf32, #tpu.memory_space<vmem>>
        %dma_start3A_436 = arith.constant 0 : i32
        %dma_start3A_437 = tpu.memref_slice %arg14[%dma_start3A_436] : memref<640xi32, #tpu.memory_space<vmem>> -> memref<128xi32, #tpu.memory_space<vmem>>
        %dma_start3A_438 = arith.constant 0 : i32
        %dma_start3A_439 = arith.constant 0 : i32
        %dma_start3A_440 = tpu.memref_slice %arg2[%dma_start3A_438, %dma_start3A_439] : memref<10240x32xf32, #tpu.memory_space<hbm>> -> memref<10240x32xf32, #tpu.memory_space<hbm>>
        tpu.enqueue_indirect_dma source(%dma_start3A_440 : memref<10240x32xf32, #tpu.memory_space<hbm>>) target(%dma_start3A_435 : memref<128x32xf32, #tpu.memory_space<vmem>>) offsets(%dma_start3A_437 : memref<128xi32, #tpu.memory_space<vmem>>) semaphore(%arg23 : memref<!tpu.dma_semaphore, #tpu.memory_space<semaphore_mem>>)
        %dma_start3A_441 = arith.constant 0 : i32
        %dma_start3A_442 = arith.constant 0 : i32
        %dma_start3A_443 = tpu.memref_slice %arg11[%dma_start3A_441, %dma_start3A_442] : memref<640x16xf32, #tpu.memory_space<vmem>> -> memref<128x16xf32, #tpu.memory_space<vmem>>
        %dma_start3A_444 = arith.constant 0 : i32
        %dma_start3A_445 = tpu.memref_slice %arg16[%dma_start3A_444] : memref<640xi32, #tpu.memory_space<vmem>> -> memref<128xi32, #tpu.memory_space<vmem>>
        %dma_start3A_446 = arith.constant 0 : i32
        %dma_start3A_447 = arith.constant 0 : i32
        %dma_start3A_448 = tpu.memref_slice %arg3[%dma_start3A_446, %dma_start3A_447] : memref<10240x16xf32, #tpu.memory_space<hbm>> -> memref<10240x16xf32, #tpu.memory_space<hbm>>
        tpu.enqueue_indirect_dma source(%dma_start3A_448 : memref<10240x16xf32, #tpu.memory_space<hbm>>) target(%dma_start3A_443 : memref<128x16xf32, #tpu.memory_space<vmem>>) offsets(%dma_start3A_445 : memref<128xi32, #tpu.memory_space<vmem>>) semaphore(%arg23 : memref<!tpu.dma_semaphore, #tpu.memory_space<semaphore_mem>>)
        %dma_start3A_449 = arith.constant 128 : i32
        %dma_start3A_450 = arith.constant 0 : i32
        %dma_start3A_451 = tpu.memref_slice %arg9[%dma_start3A_449, %dma_start3A_450] : memref<640x32xf32, #tpu.memory_space<vmem>> -> memref<128x32xf32, #tpu.memory_space<vmem>>
        %dma_start3A_452 = arith.constant 128 : i32
        %dma_start3A_453 = tpu.memref_slice %arg14[%dma_start3A_452] : memref<640xi32, #tpu.memory_space<vmem>> -> memref<128xi32, #tpu.memory_space<vmem>>
        %dma_start3A_454 = arith.constant 0 : i32
        %dma_start3A_455 = arith.constant 0 : i32
        %dma_start3A_456 = tpu.memref_slice %arg2[%dma_start3A_454, %dma_start3A_455] : memref<10240x32xf32, #tpu.memory_space<hbm>> -> memref<10240x32xf32, #tpu.memory_space<hbm>>
        tpu.enqueue_indirect_dma source(%dma_start3A_456 : memref<10240x32xf32, #tpu.memory_space<hbm>>) target(%dma_start3A_451 : memref<128x32xf32, #tpu.memory_space<vmem>>) offsets(%dma_start3A_453 : memref<128xi32, #tpu.memory_space<vmem>>) semaphore(%arg23 : memref<!tpu.dma_semaphore, #tpu.memory_space<semaphore_mem>>)
        %dma_start3A_457 = arith.constant 128 : i32
        %dma_start3A_458 = arith.constant 0 : i32
        %dma_start3A_459 = tpu.memref_slice %arg11[%dma_start3A_457, %dma_start3A_458] : memref<640x16xf32, #tpu.memory_space<vmem>> -> memref<128x16xf32, #tpu.memory_space<vmem>>
        %dma_start3A_460 = arith.constant 128 : i32
        %dma_start3A_461 = tpu.memref_slice %arg16[%dma_start3A_460] : memref<640xi32, #tpu.memory_space<vmem>> -> memref<128xi32, #tpu.memory_space<vmem>>
        %dma_start3A_462 = arith.constant 0 : i32
        %dma_start3A_463 = arith.constant 0 : i32
        %dma_start3A_464 = tpu.memref_slice %arg3[%dma_start3A_462, %dma_start3A_463] : memref<10240x16xf32, #tpu.memory_space<hbm>> -> memref<10240x16xf32, #tpu.memory_space<hbm>>
        tpu.enqueue_indirect_dma source(%dma_start3A_464 : memref<10240x16xf32, #tpu.memory_space<hbm>>) target(%dma_start3A_459 : memref<128x16xf32, #tpu.memory_space<vmem>>) offsets(%dma_start3A_461 : memref<128xi32, #tpu.memory_space<vmem>>) semaphore(%arg23 : memref<!tpu.dma_semaphore, #tpu.memory_space<semaphore_mem>>)
        %dma_start3A_465 = arith.constant 256 : i32
        %dma_start3A_466 = arith.constant 0 : i32
        %dma_start3A_467 = tpu.memref_slice %arg9[%dma_start3A_465, %dma_start3A_466] : memref<640x32xf32, #tpu.memory_space<vmem>> -> memref<128x32xf32, #tpu.memory_space<vmem>>
        %dma_start3A_468 = arith.constant 256 : i32
        %dma_start3A_469 = tpu.memref_slice %arg14[%dma_start3A_468] : memref<640xi32, #tpu.memory_space<vmem>> -> memref<128xi32, #tpu.memory_space<vmem>>
        %dma_start3A_470 = arith.constant 0 : i32
        %dma_start3A_471 = arith.constant 0 : i32
        %dma_start3A_472 = tpu.memref_slice %arg2[%dma_start3A_470, %dma_start3A_471] : memref<10240x32xf32, #tpu.memory_space<hbm>> -> memref<10240x32xf32, #tpu.memory_space<hbm>>
        tpu.enqueue_indirect_dma source(%dma_start3A_472 : memref<10240x32xf32, #tpu.memory_space<hbm>>) target(%dma_start3A_467 : memref<128x32xf32, #tpu.memory_space<vmem>>) offsets(%dma_start3A_469 : memref<128xi32, #tpu.memory_space<vmem>>) semaphore(%arg23 : memref<!tpu.dma_semaphore, #tpu.memory_space<semaphore_mem>>)
        %dma_start3A_473 = arith.constant 256 : i32
        %dma_start3A_474 = arith.constant 0 : i32
        %dma_start3A_475 = tpu.memref_slice %arg11[%dma_start3A_473, %dma_start3A_474] : memref<640x16xf32, #tpu.memory_space<vmem>> -> memref<128x16xf32, #tpu.memory_space<vmem>>
        %dma_start3A_476 = arith.constant 256 : i32
        %dma_start3A_477 = tpu.memref_slice %arg16[%dma_start3A_476] : memref<640xi32, #tpu.memory_space<vmem>> -> memref<128xi32, #tpu.memory_space<vmem>>
        %dma_start3A_478 = arith.constant 0 : i32
        %dma_start3A_479 = arith.constant 0 : i32
        %dma_start3A_480 = tpu.memref_slice %arg3[%dma_start3A_478, %dma_start3A_479] : memref<10240x16xf32, #tpu.memory_space<hbm>> -> memref<10240x16xf32, #tpu.memory_space<hbm>>
        tpu.enqueue_indirect_dma source(%dma_start3A_480 : memref<10240x16xf32, #tpu.memory_space<hbm>>) target(%dma_start3A_475 : memref<128x16xf32, #tpu.memory_space<vmem>>) offsets(%dma_start3A_477 : memref<128xi32, #tpu.memory_space<vmem>>) semaphore(%arg23 : memref<!tpu.dma_semaphore, #tpu.memory_space<semaphore_mem>>)
        %dma_start3A_481 = arith.constant 384 : i32
        %dma_start3A_482 = arith.constant 0 : i32
        %dma_start3A_483 = tpu.memref_slice %arg9[%dma_start3A_481, %dma_start3A_482] : memref<640x32xf32, #tpu.memory_space<vmem>> -> memref<128x32xf32, #tpu.memory_space<vmem>>
        %dma_start3A_484 = arith.constant 384 : i32
        %dma_start3A_485 = tpu.memref_slice %arg14[%dma_start3A_484] : memref<640xi32, #tpu.memory_space<vmem>> -> memref<128xi32, #tpu.memory_space<vmem>>
        %dma_start3A_486 = arith.constant 0 : i32
        %dma_start3A_487 = arith.constant 0 : i32
        %dma_start3A_488 = tpu.memref_slice %arg2[%dma_start3A_486, %dma_start3A_487] : memref<10240x32xf32, #tpu.memory_space<hbm>> -> memref<10240x32xf32, #tpu.memory_space<hbm>>
        tpu.enqueue_indirect_dma source(%dma_start3A_488 : memref<10240x32xf32, #tpu.memory_space<hbm>>) target(%dma_start3A_483 : memref<128x32xf32, #tpu.memory_space<vmem>>) offsets(%dma_start3A_485 : memref<128xi32, #tpu.memory_space<vmem>>) semaphore(%arg23 : memref<!tpu.dma_semaphore, #tpu.memory_space<semaphore_mem>>)
        %dma_start3A_489 = arith.constant 384 : i32
        %dma_start3A_490 = arith.constant 0 : i32
        %dma_start3A_491 = tpu.memref_slice %arg11[%dma_start3A_489, %dma_start3A_490] : memref<640x16xf32, #tpu.memory_space<vmem>> -> memref<128x16xf32, #tpu.memory_space<vmem>>
        %dma_start3A_492 = arith.constant 384 : i32
        %dma_start3A_493 = tpu.memref_slice %arg16[%dma_start3A_492] : memref<640xi32, #tpu.memory_space<vmem>> -> memref<128xi32, #tpu.memory_space<vmem>>
        %dma_start3A_494 = arith.constant 0 : i32
        %dma_start3A_495 = arith.constant 0 : i32
        %dma_start3A_496 = tpu.memref_slice %arg3[%dma_start3A_494, %dma_start3A_495] : memref<10240x16xf32, #tpu.memory_space<hbm>> -> memref<10240x16xf32, #tpu.memory_space<hbm>>
        tpu.enqueue_indirect_dma source(%dma_start3A_496 : memref<10240x16xf32, #tpu.memory_space<hbm>>) target(%dma_start3A_491 : memref<128x16xf32, #tpu.memory_space<vmem>>) offsets(%dma_start3A_493 : memref<128xi32, #tpu.memory_space<vmem>>) semaphore(%arg23 : memref<!tpu.dma_semaphore, #tpu.memory_space<semaphore_mem>>)
        %dma_start3A_497 = arith.constant 512 : i32
        %dma_start3A_498 = arith.constant 0 : i32
        %dma_start3A_499 = tpu.memref_slice %arg9[%dma_start3A_497, %dma_start3A_498] : memref<640x32xf32, #tpu.memory_space<vmem>> -> memref<128x32xf32, #tpu.memory_space<vmem>>
        %dma_start3A_500 = arith.constant 512 : i32
        %dma_start3A_501 = tpu.memref_slice %arg14[%dma_start3A_500] : memref<640xi32, #tpu.memory_space<vmem>> -> memref<128xi32, #tpu.memory_space<vmem>>
        %dma_start3A_502 = arith.constant 0 : i32
        %dma_start3A_503 = arith.constant 0 : i32
        %dma_start3A_504 = tpu.memref_slice %arg2[%dma_start3A_502, %dma_start3A_503] : memref<10240x32xf32, #tpu.memory_space<hbm>> -> memref<10240x32xf32, #tpu.memory_space<hbm>>
        tpu.enqueue_indirect_dma source(%dma_start3A_504 : memref<10240x32xf32, #tpu.memory_space<hbm>>) target(%dma_start3A_499 : memref<128x32xf32, #tpu.memory_space<vmem>>) offsets(%dma_start3A_501 : memref<128xi32, #tpu.memory_space<vmem>>) semaphore(%arg23 : memref<!tpu.dma_semaphore, #tpu.memory_space<semaphore_mem>>)
        %dma_start3A_505 = arith.constant 512 : i32
        %dma_start3A_506 = arith.constant 0 : i32
        %dma_start3A_507 = tpu.memref_slice %arg11[%dma_start3A_505, %dma_start3A_506] : memref<640x16xf32, #tpu.memory_space<vmem>> -> memref<128x16xf32, #tpu.memory_space<vmem>>
        %dma_start3A_508 = arith.constant 512 : i32
        %dma_start3A_509 = tpu.memref_slice %arg16[%dma_start3A_508] : memref<640xi32, #tpu.memory_space<vmem>> -> memref<128xi32, #tpu.memory_space<vmem>>
        %dma_start3A_510 = arith.constant 0 : i32
        %dma_start3A_511 = arith.constant 0 : i32
        %dma_start3A_512 = tpu.memref_slice %arg3[%dma_start3A_510, %dma_start3A_511] : memref<10240x16xf32, #tpu.memory_space<hbm>> -> memref<10240x16xf32, #tpu.memory_space<hbm>>
        tpu.enqueue_indirect_dma source(%dma_start3A_512 : memref<10240x16xf32, #tpu.memory_space<hbm>>) target(%dma_start3A_507 : memref<128x16xf32, #tpu.memory_space<vmem>>) offsets(%dma_start3A_509 : memref<128xi32, #tpu.memory_space<vmem>>) semaphore(%arg23 : memref<!tpu.dma_semaphore, #tpu.memory_space<semaphore_mem>>)
      } else {
      }
      %dma_wait3A_318 = arith.constant 0 : i32
      %dma_wait3A_319 = arith.constant 0 : i32
      %dma_wait3A_320 = tpu.memref_slice %arg10[%dma_wait3A_318, %dma_wait3A_319] : memref<640x32xf32, #tpu.memory_space<vmem>> -> memref<128x32xf32, #tpu.memory_space<vmem>>
      %dma_wait3A_321 = arith.constant 0 : i32
      %dma_wait3A_322 = tpu.memref_slice %arg15[%dma_wait3A_321] : memref<640xi32, #tpu.memory_space<vmem>> -> memref<128xi32, #tpu.memory_space<vmem>>
      %dma_wait3A_323 = arith.constant 0 : i32
      %dma_wait3A_324 = arith.constant 0 : i32
      %dma_wait3A_325 = tpu.memref_slice %arg2[%dma_wait3A_323, %dma_wait3A_324] : memref<10240x32xf32, #tpu.memory_space<hbm>> -> memref<10240x32xf32, #tpu.memory_space<hbm>>
      tpu.wait_indirect_dma semaphore(%arg24 : memref<!tpu.dma_semaphore, #tpu.memory_space<semaphore_mem>>) src(%dma_wait3A_325 : memref<10240x32xf32, #tpu.memory_space<hbm>>) dst(%dma_wait3A_320 : memref<128x32xf32, #tpu.memory_space<vmem>>)
      %dma_wait3A_326 = arith.constant 0 : i32
      %dma_wait3A_327 = arith.constant 0 : i32
      %dma_wait3A_328 = tpu.memref_slice %arg12[%dma_wait3A_326, %dma_wait3A_327] : memref<640x16xf32, #tpu.memory_space<vmem>> -> memref<128x16xf32, #tpu.memory_space<vmem>>
      %dma_wait3A_329 = arith.constant 0 : i32
      %dma_wait3A_330 = tpu.memref_slice %arg17[%dma_wait3A_329] : memref<640xi32, #tpu.memory_space<vmem>> -> memref<128xi32, #tpu.memory_space<vmem>>
      %dma_wait3A_331 = arith.constant 0 : i32
      %dma_wait3A_332 = arith.constant 0 : i32
      %dma_wait3A_333 = tpu.memref_slice %arg3[%dma_wait3A_331, %dma_wait3A_332] : memref<10240x16xf32, #tpu.memory_space<hbm>> -> memref<10240x16xf32, #tpu.memory_space<hbm>>
      tpu.wait_indirect_dma semaphore(%arg24 : memref<!tpu.dma_semaphore, #tpu.memory_space<semaphore_mem>>) src(%dma_wait3A_333 : memref<10240x16xf32, #tpu.memory_space<hbm>>) dst(%dma_wait3A_328 : memref<128x16xf32, #tpu.memory_space<vmem>>)
      %dma_wait3A_334 = arith.constant 128 : i32
      %dma_wait3A_335 = arith.constant 0 : i32
      %dma_wait3A_336 = tpu.memref_slice %arg10[%dma_wait3A_334, %dma_wait3A_335] : memref<640x32xf32, #tpu.memory_space<vmem>> -> memref<128x32xf32, #tpu.memory_space<vmem>>
      %dma_wait3A_337 = arith.constant 128 : i32
      %dma_wait3A_338 = tpu.memref_slice %arg15[%dma_wait3A_337] : memref<640xi32, #tpu.memory_space<vmem>> -> memref<128xi32, #tpu.memory_space<vmem>>
      %dma_wait3A_339 = arith.constant 0 : i32
      %dma_wait3A_340 = arith.constant 0 : i32
      %dma_wait3A_341 = tpu.memref_slice %arg2[%dma_wait3A_339, %dma_wait3A_340] : memref<10240x32xf32, #tpu.memory_space<hbm>> -> memref<10240x32xf32, #tpu.memory_space<hbm>>
      tpu.wait_indirect_dma semaphore(%arg24 : memref<!tpu.dma_semaphore, #tpu.memory_space<semaphore_mem>>) src(%dma_wait3A_341 : memref<10240x32xf32, #tpu.memory_space<hbm>>) dst(%dma_wait3A_336 : memref<128x32xf32, #tpu.memory_space<vmem>>)
      %dma_wait3A_342 = arith.constant 128 : i32
      %dma_wait3A_343 = arith.constant 0 : i32
      %dma_wait3A_344 = tpu.memref_slice %arg12[%dma_wait3A_342, %dma_wait3A_343] : memref<640x16xf32, #tpu.memory_space<vmem>> -> memref<128x16xf32, #tpu.memory_space<vmem>>
      %dma_wait3A_345 = arith.constant 128 : i32
      %dma_wait3A_346 = tpu.memref_slice %arg17[%dma_wait3A_345] : memref<640xi32, #tpu.memory_space<vmem>> -> memref<128xi32, #tpu.memory_space<vmem>>
      %dma_wait3A_347 = arith.constant 0 : i32
      %dma_wait3A_348 = arith.constant 0 : i32
      %dma_wait3A_349 = tpu.memref_slice %arg3[%dma_wait3A_347, %dma_wait3A_348] : memref<10240x16xf32, #tpu.memory_space<hbm>> -> memref<10240x16xf32, #tpu.memory_space<hbm>>
      tpu.wait_indirect_dma semaphore(%arg24 : memref<!tpu.dma_semaphore, #tpu.memory_space<semaphore_mem>>) src(%dma_wait3A_349 : memref<10240x16xf32, #tpu.memory_space<hbm>>) dst(%dma_wait3A_344 : memref<128x16xf32, #tpu.memory_space<vmem>>)
      %dma_wait3A_350 = arith.constant 256 : i32
      %dma_wait3A_351 = arith.constant 0 : i32
      %dma_wait3A_352 = tpu.memref_slice %arg10[%dma_wait3A_350, %dma_wait3A_351] : memref<640x32xf32, #tpu.memory_space<vmem>> -> memref<128x32xf32, #tpu.memory_space<vmem>>
      %dma_wait3A_353 = arith.constant 256 : i32
      %dma_wait3A_354 = tpu.memref_slice %arg15[%dma_wait3A_353] : memref<640xi32, #tpu.memory_space<vmem>> -> memref<128xi32, #tpu.memory_space<vmem>>
      %dma_wait3A_355 = arith.constant 0 : i32
      %dma_wait3A_356 = arith.constant 0 : i32
      %dma_wait3A_357 = tpu.memref_slice %arg2[%dma_wait3A_355, %dma_wait3A_356] : memref<10240x32xf32, #tpu.memory_space<hbm>> -> memref<10240x32xf32, #tpu.memory_space<hbm>>
      tpu.wait_indirect_dma semaphore(%arg24 : memref<!tpu.dma_semaphore, #tpu.memory_space<semaphore_mem>>) src(%dma_wait3A_357 : memref<10240x32xf32, #tpu.memory_space<hbm>>) dst(%dma_wait3A_352 : memref<128x32xf32, #tpu.memory_space<vmem>>)
      %dma_wait3A_358 = arith.constant 256 : i32
      %dma_wait3A_359 = arith.constant 0 : i32
      %dma_wait3A_360 = tpu.memref_slice %arg12[%dma_wait3A_358, %dma_wait3A_359] : memref<640x16xf32, #tpu.memory_space<vmem>> -> memref<128x16xf32, #tpu.memory_space<vmem>>
      %dma_wait3A_361 = arith.constant 256 : i32
      %dma_wait3A_362 = tpu.memref_slice %arg17[%dma_wait3A_361] : memref<640xi32, #tpu.memory_space<vmem>> -> memref<128xi32, #tpu.memory_space<vmem>>
      %dma_wait3A_363 = arith.constant 0 : i32
      %dma_wait3A_364 = arith.constant 0 : i32
      %dma_wait3A_365 = tpu.memref_slice %arg3[%dma_wait3A_363, %dma_wait3A_364] : memref<10240x16xf32, #tpu.memory_space<hbm>> -> memref<10240x16xf32, #tpu.memory_space<hbm>>
      tpu.wait_indirect_dma semaphore(%arg24 : memref<!tpu.dma_semaphore, #tpu.memory_space<semaphore_mem>>) src(%dma_wait3A_365 : memref<10240x16xf32, #tpu.memory_space<hbm>>) dst(%dma_wait3A_360 : memref<128x16xf32, #tpu.memory_space<vmem>>)
      %dma_wait3A_366 = arith.constant 384 : i32
      %dma_wait3A_367 = arith.constant 0 : i32
      %dma_wait3A_368 = tpu.memref_slice %arg10[%dma_wait3A_366, %dma_wait3A_367] : memref<640x32xf32, #tpu.memory_space<vmem>> -> memref<128x32xf32, #tpu.memory_space<vmem>>
      %dma_wait3A_369 = arith.constant 384 : i32
      %dma_wait3A_370 = tpu.memref_slice %arg15[%dma_wait3A_369] : memref<640xi32, #tpu.memory_space<vmem>> -> memref<128xi32, #tpu.memory_space<vmem>>
      %dma_wait3A_371 = arith.constant 0 : i32
      %dma_wait3A_372 = arith.constant 0 : i32
      %dma_wait3A_373 = tpu.memref_slice %arg2[%dma_wait3A_371, %dma_wait3A_372] : memref<10240x32xf32, #tpu.memory_space<hbm>> -> memref<10240x32xf32, #tpu.memory_space<hbm>>
      tpu.wait_indirect_dma semaphore(%arg24 : memref<!tpu.dma_semaphore, #tpu.memory_space<semaphore_mem>>) src(%dma_wait3A_373 : memref<10240x32xf32, #tpu.memory_space<hbm>>) dst(%dma_wait3A_368 : memref<128x32xf32, #tpu.memory_space<vmem>>)
      %dma_wait3A_374 = arith.constant 384 : i32
      %dma_wait3A_375 = arith.constant 0 : i32
      %dma_wait3A_376 = tpu.memref_slice %arg12[%dma_wait3A_374, %dma_wait3A_375] : memref<640x16xf32, #tpu.memory_space<vmem>> -> memref<128x16xf32, #tpu.memory_space<vmem>>
      %dma_wait3A_377 = arith.constant 384 : i32
      %dma_wait3A_378 = tpu.memref_slice %arg17[%dma_wait3A_377] : memref<640xi32, #tpu.memory_space<vmem>> -> memref<128xi32, #tpu.memory_space<vmem>>
      %dma_wait3A_379 = arith.constant 0 : i32
      %dma_wait3A_380 = arith.constant 0 : i32
      %dma_wait3A_381 = tpu.memref_slice %arg3[%dma_wait3A_379, %dma_wait3A_380] : memref<10240x16xf32, #tpu.memory_space<hbm>> -> memref<10240x16xf32, #tpu.memory_space<hbm>>
      tpu.wait_indirect_dma semaphore(%arg24 : memref<!tpu.dma_semaphore, #tpu.memory_space<semaphore_mem>>) src(%dma_wait3A_381 : memref<10240x16xf32, #tpu.memory_space<hbm>>) dst(%dma_wait3A_376 : memref<128x16xf32, #tpu.memory_space<vmem>>)
      %dma_wait3A_382 = arith.constant 512 : i32
      %dma_wait3A_383 = arith.constant 0 : i32
      %dma_wait3A_384 = tpu.memref_slice %arg10[%dma_wait3A_382, %dma_wait3A_383] : memref<640x32xf32, #tpu.memory_space<vmem>> -> memref<128x32xf32, #tpu.memory_space<vmem>>
      %dma_wait3A_385 = arith.constant 512 : i32
      %dma_wait3A_386 = tpu.memref_slice %arg15[%dma_wait3A_385] : memref<640xi32, #tpu.memory_space<vmem>> -> memref<128xi32, #tpu.memory_space<vmem>>
      %dma_wait3A_387 = arith.constant 0 : i32
      %dma_wait3A_388 = arith.constant 0 : i32
      %dma_wait3A_389 = tpu.memref_slice %arg2[%dma_wait3A_387, %dma_wait3A_388] : memref<10240x32xf32, #tpu.memory_space<hbm>> -> memref<10240x32xf32, #tpu.memory_space<hbm>>
      tpu.wait_indirect_dma semaphore(%arg24 : memref<!tpu.dma_semaphore, #tpu.memory_space<semaphore_mem>>) src(%dma_wait3A_389 : memref<10240x32xf32, #tpu.memory_space<hbm>>) dst(%dma_wait3A_384 : memref<128x32xf32, #tpu.memory_space<vmem>>)
      %dma_wait3A_390 = arith.constant 512 : i32
      %dma_wait3A_391 = arith.constant 0 : i32
      %dma_wait3A_392 = tpu.memref_slice %arg12[%dma_wait3A_390, %dma_wait3A_391] : memref<640x16xf32, #tpu.memory_space<vmem>> -> memref<128x16xf32, #tpu.memory_space<vmem>>
      %dma_wait3A_393 = arith.constant 512 : i32
      %dma_wait3A_394 = tpu.memref_slice %arg17[%dma_wait3A_393] : memref<640xi32, #tpu.memory_space<vmem>> -> memref<128xi32, #tpu.memory_space<vmem>>
      %dma_wait3A_395 = arith.constant 0 : i32
      %dma_wait3A_396 = arith.constant 0 : i32
      %dma_wait3A_397 = tpu.memref_slice %arg3[%dma_wait3A_395, %dma_wait3A_396] : memref<10240x16xf32, #tpu.memory_space<hbm>> -> memref<10240x16xf32, #tpu.memory_space<hbm>>
      tpu.wait_indirect_dma semaphore(%arg24 : memref<!tpu.dma_semaphore, #tpu.memory_space<semaphore_mem>>) src(%dma_wait3A_397 : memref<10240x16xf32, #tpu.memory_space<hbm>>) dst(%dma_wait3A_392 : memref<128x16xf32, #tpu.memory_space<vmem>>)
      %parallel_loop3A_398 = arith.constant 0 : i32
      %parallel_loop3A_399 = arith.constant 40 : i32
      %parallel_loop3A_400 = arith.constant 1 : i32
      scf.for %parallel_loop3A_405 = %parallel_loop3A_398 to %parallel_loop3A_399 step %parallel_loop3A_400  : i32 {
        %parallel_loop3A_406 = arith.constant 16 : i32
        %parallel_loop3A_407 = arith.muli %parallel_loop3A_405, %parallel_loop3A_406 : i32
        %parallel_loop3A_408 = arith.index_cast %parallel_loop3A_407 : i32 to index
        %parallel_loop3A_409 = tpu.vector_load %arg19[%parallel_loop3A_408] {strides = array<i32>} : memref<640xf32, #tpu.memory_space<vmem>>, vector<16xf32>,
        %parallel_loop3A_410 = arith.constant 0 : i32
        %parallel_loop3A_411 = arith.addi %parallel_loop3A_407, %parallel_loop3A_410 : i32
        %parallel_loop3A_412 = arith.index_cast %parallel_loop3A_411 : i32 to index
        %parallel_loop3A_413 = arith.constant 0 : index
        %parallel_loop3A_414 = tpu.vector_load %arg10[%parallel_loop3A_412, %parallel_loop3A_413] {strides = array<i32>} : memref<640x32xf32, #tpu.memory_space<vmem>>, vector<16xf32>,
        %parallel_loop3A_415 = arith.index_cast %parallel_loop3A_411 : i32 to index
        %parallel_loop3A_416 = arith.constant 16 : index
        %parallel_loop3A_417 = tpu.vector_load %arg10[%parallel_loop3A_415, %parallel_loop3A_416] {strides = array<i32>} : memref<640x32xf32, #tpu.memory_space<vmem>>, vector<16xf32>,
        %parallel_loop3A_418 = arith.fptosi %parallel_loop3A_417 : vector<16xf32> to vector<16xi32>
        %parallel_loop3A_419 = arith.index_cast %parallel_loop3A_411 : i32 to index
        %parallel_loop3A_420 = arith.constant 0 : index
        %parallel_loop3A_421 = tpu.vector_load %arg12[%parallel_loop3A_419, %parallel_loop3A_420] {strides = array<i32>} : memref<640x16xf32, #tpu.memory_space<vmem>>, vector<16xf32>,
        %parallel_loop3A_422 = arith.constant 0 : i32
        %parallel_loop3A_423 = vector.broadcast %parallel_loop3A_422 : i32 to vector<16xi32>
        %parallel_loop3A_424 = arith.constant 0 : i32
        %parallel_loop3A_425 = vector.broadcast %parallel_loop3A_424 : i32 to vector<16xi32>
        %parallel_loop3A_426 = arith.cmpi slt, %parallel_loop3A_423, %parallel_loop3A_425 : vector<16xi32>
        %parallel_loop3A_427 = arith.constant 16 : i32
        %parallel_loop3A_428 = vector.broadcast %parallel_loop3A_427 : i32 to vector<16xi32>
        %parallel_loop3A_429 = arith.addi %parallel_loop3A_423, %parallel_loop3A_428 : vector<16xi32>
        %parallel_loop3A_430 = arith.select %parallel_loop3A_426, %parallel_loop3A_429, %parallel_loop3A_423 : vector<16xi1>, vector<16xi32>
        %parallel_loop3A_431 = vector.shape_cast %parallel_loop3A_430 : vector<16xi32> to vector<16x1xi32>
        %parallel_loop3A_432 = vector.shape_cast %parallel_loop3A_431 : vector<16x1xi32> to vector<16xi32>
        %parallel_loop3A_433 = tpu.dynamic_gather %parallel_loop3A_409[%parallel_loop3A_432] in [0] : vector<16xf32>, vector<16xi32> -> vector<16xf32>
        %parallel_loop3A_434 = arith.maximumf %parallel_loop3A_414, %parallel_loop3A_421 : vector<16xf32>
        %parallel_loop3A_435 = arith.mulf %parallel_loop3A_434, %parallel_loop3A_433 : vector<16xf32>
        %parallel_loop3A_436 = arith.constant 7.500000e+00 : f32
        %parallel_loop3A_437 = vector.broadcast %parallel_loop3A_436 : f32 to vector<16xf32>
        %parallel_loop3A_438 = arith.mulf %parallel_loop3A_435, %parallel_loop3A_437 : vector<16xf32>
        %parallel_loop3A_439 = arith.constant 8.000000e+00 : f32
        %parallel_loop3A_440 = vector.broadcast %parallel_loop3A_439 : f32 to vector<16xf32>
        %parallel_loop3A_441 = arith.addf %parallel_loop3A_438, %parallel_loop3A_440 : vector<16xf32>
        %parallel_loop3A_442 = arith.fptosi %parallel_loop3A_441 : vector<16xf32> to vector<16xi32>
        %parallel_loop3A_443 = arith.constant 0 : i32
        %parallel_loop3A_444 = arith.constant 15 : i32
        %parallel_loop3A_445 = vector.broadcast %parallel_loop3A_443 : i32 to vector<16xi32>
        %parallel_loop3A_446 = arith.maxsi %parallel_loop3A_445, %parallel_loop3A_442 : vector<16xi32>
        %parallel_loop3A_447 = vector.broadcast %parallel_loop3A_444 : i32 to vector<16xi32>
        %parallel_loop3A_448 = arith.minsi %parallel_loop3A_447, %parallel_loop3A_446 : vector<16xi32>
        %parallel_loop3A_449 = arith.constant 5.000000e+02 : f32
        %parallel_loop3A_450 = vector.broadcast %parallel_loop3A_449 : f32 to vector<16xf32>
        %parallel_loop3A_451 = arith.mulf %parallel_loop3A_435, %parallel_loop3A_450 : vector<16xf32>
        %parallel_loop3A_452 = arith.constant 5.000000e+02 : f32
        %parallel_loop3A_453 = vector.broadcast %parallel_loop3A_452 : f32 to vector<16xf32>
        %parallel_loop3A_454 = arith.addf %parallel_loop3A_451, %parallel_loop3A_453 : vector<16xf32>
        %parallel_loop3A_455 = arith.sitofp %parallel_loop3A_448 : vector<16xi32> to vector<16xf32>
        %parallel_loop3A_456 = arith.constant 66.6666641 : f32
        %parallel_loop3A_457 = vector.broadcast %parallel_loop3A_456 : f32 to vector<16xf32>
        %parallel_loop3A_458 = arith.mulf %parallel_loop3A_455, %parallel_loop3A_457 : vector<16xf32>
        %parallel_loop3A_459 = arith.subf %parallel_loop3A_454, %parallel_loop3A_458 : vector<16xf32>
        %parallel_loop3A_460 = math.exp %parallel_loop3A_459 : vector<16xf32>
        %parallel_loop3A_461 = arith.constant 1.000000e+00 : f32
        %parallel_loop3A_462 = vector.broadcast %parallel_loop3A_461 : f32 to vector<16xf32>
        %parallel_loop3A_463 = arith.addf %parallel_loop3A_462, %parallel_loop3A_460 : vector<16xf32>
        %parallel_loop3A_464 = arith.constant -1.000000e+00 : f32
        %parallel_loop3A_465 = vector.broadcast %parallel_loop3A_464 : f32 to vector<16xf32>
        %parallel_loop3A_466 = arith.divf %parallel_loop3A_465, %parallel_loop3A_463 : vector<16xf32>
        %parallel_loop3A_467 = arith.constant 512 : i32
        %parallel_loop3A_468 = vector.broadcast %parallel_loop3A_467 : i32 to vector<16xi32>
        %parallel_loop3A_469 = arith.muli %parallel_loop3A_448, %parallel_loop3A_468 : vector<16xi32>
        %parallel_loop3A_470 = arith.addi %parallel_loop3A_469, %parallel_loop3A_418 : vector<16xi32>
        tpu.vector_store_idx %arg8[%parallel_loop3A_470], %parallel_loop3A_466 {add = true} : memref<8704xf32, #tpu.memory_space<vmem>>[vector<16xi32>], vector<16xf32>,
        %parallel_loop3A_471 = arith.constant 512 : i32
        %parallel_loop3A_472 = vector.broadcast %parallel_loop3A_471 : i32 to vector<16xi32>
        %parallel_loop3A_473 = arith.addi %parallel_loop3A_470, %parallel_loop3A_472 : vector<16xi32>
        %parallel_loop3A_474 = arith.constant -1.000000e+00 : f32
        %parallel_loop3A_475 = vector.broadcast %parallel_loop3A_474 : f32 to vector<16xf32>
        %parallel_loop3A_476 = arith.subf %parallel_loop3A_475, %parallel_loop3A_466 : vector<16xf32>
        tpu.vector_store_idx %arg8[%parallel_loop3A_473], %parallel_loop3A_476 {add = true} : memref<8704xf32, #tpu.memory_space<vmem>>[vector<16xi32>], vector<16xf32>,
        %parallel_loop3A_477 = arith.constant 1 : i32
        %parallel_loop3A_478 = arith.addi %parallel_loop3A_407, %parallel_loop3A_477 : i32
        %parallel_loop3A_479 = arith.index_cast %parallel_loop3A_478 : i32 to index
        %parallel_loop3A_480 = arith.constant 0 : index
        %parallel_loop3A_481 = tpu.vector_load %arg10[%parallel_loop3A_479, %parallel_loop3A_480] {strides = array<i32>} : memref<640x32xf32, #tpu.memory_space<vmem>>, vector<16xf32>,
        %parallel_loop3A_482 = arith.index_cast %parallel_loop3A_478 : i32 to index
        %parallel_loop3A_483 = arith.constant 16 : index
        %parallel_loop3A_484 = tpu.vector_load %arg10[%parallel_loop3A_482, %parallel_loop3A_483] {strides = array<i32>} : memref<640x32xf32, #tpu.memory_space<vmem>>, vector<16xf32>,
        %parallel_loop3A_485 = arith.fptosi %parallel_loop3A_484 : vector<16xf32> to vector<16xi32>
        %parallel_loop3A_486 = arith.index_cast %parallel_loop3A_478 : i32 to index
        %parallel_loop3A_487 = arith.constant 0 : index
        %parallel_loop3A_488 = tpu.vector_load %arg12[%parallel_loop3A_486, %parallel_loop3A_487] {strides = array<i32>} : memref<640x16xf32, #tpu.memory_space<vmem>>, vector<16xf32>,
        %parallel_loop3A_489 = arith.constant 1 : i32
        %parallel_loop3A_490 = vector.broadcast %parallel_loop3A_489 : i32 to vector<16xi32>
        %parallel_loop3A_491 = arith.constant 0 : i32
        %parallel_loop3A_492 = vector.broadcast %parallel_loop3A_491 : i32 to vector<16xi32>
        %parallel_loop3A_493 = arith.cmpi slt, %parallel_loop3A_490, %parallel_loop3A_492 : vector<16xi32>
        %parallel_loop3A_494 = arith.constant 16 : i32
        %parallel_loop3A_495 = vector.broadcast %parallel_loop3A_494 : i32 to vector<16xi32>
        %parallel_loop3A_496 = arith.addi %parallel_loop3A_490, %parallel_loop3A_495 : vector<16xi32>
        %parallel_loop3A_497 = arith.select %parallel_loop3A_493, %parallel_loop3A_496, %parallel_loop3A_490 : vector<16xi1>, vector<16xi32>
        %parallel_loop3A_498 = vector.shape_cast %parallel_loop3A_497 : vector<16xi32> to vector<16x1xi32>
        %parallel_loop3A_499 = vector.shape_cast %parallel_loop3A_498 : vector<16x1xi32> to vector<16xi32>
        %parallel_loop3A_500 = tpu.dynamic_gather %parallel_loop3A_409[%parallel_loop3A_499] in [0] : vector<16xf32>, vector<16xi32> -> vector<16xf32>
        %parallel_loop3A_501 = arith.maximumf %parallel_loop3A_481, %parallel_loop3A_488 : vector<16xf32>
        %parallel_loop3A_502 = arith.mulf %parallel_loop3A_501, %parallel_loop3A_500 : vector<16xf32>
        %parallel_loop3A_503 = arith.constant 7.500000e+00 : f32
        %parallel_loop3A_504 = vector.broadcast %parallel_loop3A_503 : f32 to vector<16xf32>
        %parallel_loop3A_505 = arith.mulf %parallel_loop3A_502, %parallel_loop3A_504 : vector<16xf32>
        %parallel_loop3A_506 = arith.constant 8.000000e+00 : f32
        %parallel_loop3A_507 = vector.broadcast %parallel_loop3A_506 : f32 to vector<16xf32>
        %parallel_loop3A_508 = arith.addf %parallel_loop3A_505, %parallel_loop3A_507 : vector<16xf32>
        %parallel_loop3A_509 = arith.fptosi %parallel_loop3A_508 : vector<16xf32> to vector<16xi32>
        %parallel_loop3A_510 = arith.constant 0 : i32
        %parallel_loop3A_511 = arith.constant 15 : i32
        %parallel_loop3A_512 = vector.broadcast %parallel_loop3A_510 : i32 to vector<16xi32>
        %parallel_loop3A_513 = arith.maxsi %parallel_loop3A_512, %parallel_loop3A_509 : vector<16xi32>
        %parallel_loop3A_514 = vector.broadcast %parallel_loop3A_511 : i32 to vector<16xi32>
        %parallel_loop3A_515 = arith.minsi %parallel_loop3A_514, %parallel_loop3A_513 : vector<16xi32>
        %parallel_loop3A_516 = arith.constant 5.000000e+02 : f32
        %parallel_loop3A_517 = vector.broadcast %parallel_loop3A_516 : f32 to vector<16xf32>
        %parallel_loop3A_518 = arith.mulf %parallel_loop3A_502, %parallel_loop3A_517 : vector<16xf32>
        %parallel_loop3A_519 = arith.constant 5.000000e+02 : f32
        %parallel_loop3A_520 = vector.broadcast %parallel_loop3A_519 : f32 to vector<16xf32>
        %parallel_loop3A_521 = arith.addf %parallel_loop3A_518, %parallel_loop3A_520 : vector<16xf32>
        %parallel_loop3A_522 = arith.sitofp %parallel_loop3A_515 : vector<16xi32> to vector<16xf32>
        %parallel_loop3A_523 = arith.constant 66.6666641 : f32
        %parallel_loop3A_524 = vector.broadcast %parallel_loop3A_523 : f32 to vector<16xf32>
        %parallel_loop3A_525 = arith.mulf %parallel_loop3A_522, %parallel_loop3A_524 : vector<16xf32>
        %parallel_loop3A_526 = arith.subf %parallel_loop3A_521, %parallel_loop3A_525 : vector<16xf32>
        %parallel_loop3A_527 = math.exp %parallel_loop3A_526 : vector<16xf32>
        %parallel_loop3A_528 = arith.constant 1.000000e+00 : f32
        %parallel_loop3A_529 = vector.broadcast %parallel_loop3A_528 : f32 to vector<16xf32>
        %parallel_loop3A_530 = arith.addf %parallel_loop3A_529, %parallel_loop3A_527 : vector<16xf32>
        %parallel_loop3A_531 = arith.constant -1.000000e+00 : f32
        %parallel_loop3A_532 = vector.broadcast %parallel_loop3A_531 : f32 to vector<16xf32>
        %parallel_loop3A_533 = arith.divf %parallel_loop3A_532, %parallel_loop3A_530 : vector<16xf32>
        %parallel_loop3A_534 = arith.constant 512 : i32
        %parallel_loop3A_535 = vector.broadcast %parallel_loop3A_534 : i32 to vector<16xi32>
        %parallel_loop3A_536 = arith.muli %parallel_loop3A_515, %parallel_loop3A_535 : vector<16xi32>
        %parallel_loop3A_537 = arith.addi %parallel_loop3A_536, %parallel_loop3A_485 : vector<16xi32>
        tpu.vector_store_idx %arg8[%parallel_loop3A_537], %parallel_loop3A_533 {add = true} : memref<8704xf32, #tpu.memory_space<vmem>>[vector<16xi32>], vector<16xf32>,
        %parallel_loop3A_538 = arith.constant 512 : i32
        %parallel_loop3A_539 = vector.broadcast %parallel_loop3A_538 : i32 to vector<16xi32>
        %parallel_loop3A_540 = arith.addi %parallel_loop3A_537, %parallel_loop3A_539 : vector<16xi32>
        %parallel_loop3A_541 = arith.constant -1.000000e+00 : f32
        %parallel_loop3A_542 = vector.broadcast %parallel_loop3A_541 : f32 to vector<16xf32>
        %parallel_loop3A_543 = arith.subf %parallel_loop3A_542, %parallel_loop3A_533 : vector<16xf32>
        tpu.vector_store_idx %arg8[%parallel_loop3A_540], %parallel_loop3A_543 {add = true} : memref<8704xf32, #tpu.memory_space<vmem>>[vector<16xi32>], vector<16xf32>,
        %parallel_loop3A_544 = arith.constant 2 : i32
        %parallel_loop3A_545 = arith.addi %parallel_loop3A_407, %parallel_loop3A_544 : i32
        %parallel_loop3A_546 = arith.index_cast %parallel_loop3A_545 : i32 to index
        %parallel_loop3A_547 = arith.constant 0 : index
        %parallel_loop3A_548 = tpu.vector_load %arg10[%parallel_loop3A_546, %parallel_loop3A_547] {strides = array<i32>} : memref<640x32xf32, #tpu.memory_space<vmem>>, vector<16xf32>,
        %parallel_loop3A_549 = arith.index_cast %parallel_loop3A_545 : i32 to index
        %parallel_loop3A_550 = arith.constant 16 : index
        %parallel_loop3A_551 = tpu.vector_load %arg10[%parallel_loop3A_549, %parallel_loop3A_550] {strides = array<i32>} : memref<640x32xf32, #tpu.memory_space<vmem>>, vector<16xf32>,
        %parallel_loop3A_552 = arith.fptosi %parallel_loop3A_551 : vector<16xf32> to vector<16xi32>
        %parallel_loop3A_553 = arith.index_cast %parallel_loop3A_545 : i32 to index
        %parallel_loop3A_554 = arith.constant 0 : index
        %parallel_loop3A_555 = tpu.vector_load %arg12[%parallel_loop3A_553, %parallel_loop3A_554] {strides = array<i32>} : memref<640x16xf32, #tpu.memory_space<vmem>>, vector<16xf32>,
        %parallel_loop3A_556 = arith.constant 2 : i32
        %parallel_loop3A_557 = vector.broadcast %parallel_loop3A_556 : i32 to vector<16xi32>
        %parallel_loop3A_558 = arith.constant 0 : i32
        %parallel_loop3A_559 = vector.broadcast %parallel_loop3A_558 : i32 to vector<16xi32>
        %parallel_loop3A_560 = arith.cmpi slt, %parallel_loop3A_557, %parallel_loop3A_559 : vector<16xi32>
        %parallel_loop3A_561 = arith.constant 16 : i32
        %parallel_loop3A_562 = vector.broadcast %parallel_loop3A_561 : i32 to vector<16xi32>
        %parallel_loop3A_563 = arith.addi %parallel_loop3A_557, %parallel_loop3A_562 : vector<16xi32>
        %parallel_loop3A_564 = arith.select %parallel_loop3A_560, %parallel_loop3A_563, %parallel_loop3A_557 : vector<16xi1>, vector<16xi32>
        %parallel_loop3A_565 = vector.shape_cast %parallel_loop3A_564 : vector<16xi32> to vector<16x1xi32>
        %parallel_loop3A_566 = vector.shape_cast %parallel_loop3A_565 : vector<16x1xi32> to vector<16xi32>
        %parallel_loop3A_567 = tpu.dynamic_gather %parallel_loop3A_409[%parallel_loop3A_566] in [0] : vector<16xf32>, vector<16xi32> -> vector<16xf32>
        %parallel_loop3A_568 = arith.maximumf %parallel_loop3A_548, %parallel_loop3A_555 : vector<16xf32>
        %parallel_loop3A_569 = arith.mulf %parallel_loop3A_568, %parallel_loop3A_567 : vector<16xf32>
        %parallel_loop3A_570 = arith.constant 7.500000e+00 : f32
        %parallel_loop3A_571 = vector.broadcast %parallel_loop3A_570 : f32 to vector<16xf32>
        %parallel_loop3A_572 = arith.mulf %parallel_loop3A_569, %parallel_loop3A_571 : vector<16xf32>
        %parallel_loop3A_573 = arith.constant 8.000000e+00 : f32
        %parallel_loop3A_574 = vector.broadcast %parallel_loop3A_573 : f32 to vector<16xf32>
        %parallel_loop3A_575 = arith.addf %parallel_loop3A_572, %parallel_loop3A_574 : vector<16xf32>
        %parallel_loop3A_576 = arith.fptosi %parallel_loop3A_575 : vector<16xf32> to vector<16xi32>
        %parallel_loop3A_577 = arith.constant 0 : i32
        %parallel_loop3A_578 = arith.constant 15 : i32
        %parallel_loop3A_579 = vector.broadcast %parallel_loop3A_577 : i32 to vector<16xi32>
        %parallel_loop3A_580 = arith.maxsi %parallel_loop3A_579, %parallel_loop3A_576 : vector<16xi32>
        %parallel_loop3A_581 = vector.broadcast %parallel_loop3A_578 : i32 to vector<16xi32>
        %parallel_loop3A_582 = arith.minsi %parallel_loop3A_581, %parallel_loop3A_580 : vector<16xi32>
        %parallel_loop3A_583 = arith.constant 5.000000e+02 : f32
        %parallel_loop3A_584 = vector.broadcast %parallel_loop3A_583 : f32 to vector<16xf32>
        %parallel_loop3A_585 = arith.mulf %parallel_loop3A_569, %parallel_loop3A_584 : vector<16xf32>
        %parallel_loop3A_586 = arith.constant 5.000000e+02 : f32
        %parallel_loop3A_587 = vector.broadcast %parallel_loop3A_586 : f32 to vector<16xf32>
        %parallel_loop3A_588 = arith.addf %parallel_loop3A_585, %parallel_loop3A_587 : vector<16xf32>
        %parallel_loop3A_589 = arith.sitofp %parallel_loop3A_582 : vector<16xi32> to vector<16xf32>
        %parallel_loop3A_590 = arith.constant 66.6666641 : f32
        %parallel_loop3A_591 = vector.broadcast %parallel_loop3A_590 : f32 to vector<16xf32>
        %parallel_loop3A_592 = arith.mulf %parallel_loop3A_589, %parallel_loop3A_591 : vector<16xf32>
        %parallel_loop3A_593 = arith.subf %parallel_loop3A_588, %parallel_loop3A_592 : vector<16xf32>
        %parallel_loop3A_594 = math.exp %parallel_loop3A_593 : vector<16xf32>
        %parallel_loop3A_595 = arith.constant 1.000000e+00 : f32
        %parallel_loop3A_596 = vector.broadcast %parallel_loop3A_595 : f32 to vector<16xf32>
        %parallel_loop3A_597 = arith.addf %parallel_loop3A_596, %parallel_loop3A_594 : vector<16xf32>
        %parallel_loop3A_598 = arith.constant -1.000000e+00 : f32
        %parallel_loop3A_599 = vector.broadcast %parallel_loop3A_598 : f32 to vector<16xf32>
        %parallel_loop3A_600 = arith.divf %parallel_loop3A_599, %parallel_loop3A_597 : vector<16xf32>
        %parallel_loop3A_601 = arith.constant 512 : i32
        %parallel_loop3A_602 = vector.broadcast %parallel_loop3A_601 : i32 to vector<16xi32>
        %parallel_loop3A_603 = arith.muli %parallel_loop3A_582, %parallel_loop3A_602 : vector<16xi32>
        %parallel_loop3A_604 = arith.addi %parallel_loop3A_603, %parallel_loop3A_552 : vector<16xi32>
        tpu.vector_store_idx %arg8[%parallel_loop3A_604], %parallel_loop3A_600 {add = true} : memref<8704xf32, #tpu.memory_space<vmem>>[vector<16xi32>], vector<16xf32>,
        %parallel_loop3A_605 = arith.constant 512 : i32
        %parallel_loop3A_606 = vector.broadcast %parallel_loop3A_605 : i32 to vector<16xi32>
        %parallel_loop3A_607 = arith.addi %parallel_loop3A_604, %parallel_loop3A_606 : vector<16xi32>
        %parallel_loop3A_608 = arith.constant -1.000000e+00 : f32
        %parallel_loop3A_609 = vector.broadcast %parallel_loop3A_608 : f32 to vector<16xf32>
        %parallel_loop3A_610 = arith.subf %parallel_loop3A_609, %parallel_loop3A_600 : vector<16xf32>
        tpu.vector_store_idx %arg8[%parallel_loop3A_607], %parallel_loop3A_610 {add = true} : memref<8704xf32, #tpu.memory_space<vmem>>[vector<16xi32>], vector<16xf32>,
        %parallel_loop3A_611 = arith.constant 3 : i32
        %parallel_loop3A_612 = arith.addi %parallel_loop3A_407, %parallel_loop3A_611 : i32
        %parallel_loop3A_613 = arith.index_cast %parallel_loop3A_612 : i32 to index
        %parallel_loop3A_614 = arith.constant 0 : index
        %parallel_loop3A_615 = tpu.vector_load %arg10[%parallel_loop3A_613, %parallel_loop3A_614] {strides = array<i32>} : memref<640x32xf32, #tpu.memory_space<vmem>>, vector<16xf32>,
        %parallel_loop3A_616 = arith.index_cast %parallel_loop3A_612 : i32 to index
        %parallel_loop3A_617 = arith.constant 16 : index
        %parallel_loop3A_618 = tpu.vector_load %arg10[%parallel_loop3A_616, %parallel_loop3A_617] {strides = array<i32>} : memref<640x32xf32, #tpu.memory_space<vmem>>, vector<16xf32>,
        %parallel_loop3A_619 = arith.fptosi %parallel_loop3A_618 : vector<16xf32> to vector<16xi32>
        %parallel_loop3A_620 = arith.index_cast %parallel_loop3A_612 : i32 to index
        %parallel_loop3A_621 = arith.constant 0 : index
        %parallel_loop3A_622 = tpu.vector_load %arg12[%parallel_loop3A_620, %parallel_loop3A_621] {strides = array<i32>} : memref<640x16xf32, #tpu.memory_space<vmem>>, vector<16xf32>,
        %parallel_loop3A_623 = arith.constant 3 : i32
        %parallel_loop3A_624 = vector.broadcast %parallel_loop3A_623 : i32 to vector<16xi32>
        %parallel_loop3A_625 = arith.constant 0 : i32
        %parallel_loop3A_626 = vector.broadcast %parallel_loop3A_625 : i32 to vector<16xi32>
        %parallel_loop3A_627 = arith.cmpi slt, %parallel_loop3A_624, %parallel_loop3A_626 : vector<16xi32>
        %parallel_loop3A_628 = arith.constant 16 : i32
        %parallel_loop3A_629 = vector.broadcast %parallel_loop3A_628 : i32 to vector<16xi32>
        %parallel_loop3A_630 = arith.addi %parallel_loop3A_624, %parallel_loop3A_629 : vector<16xi32>
        %parallel_loop3A_631 = arith.select %parallel_loop3A_627, %parallel_loop3A_630, %parallel_loop3A_624 : vector<16xi1>, vector<16xi32>
        %parallel_loop3A_632 = vector.shape_cast %parallel_loop3A_631 : vector<16xi32> to vector<16x1xi32>
        %parallel_loop3A_633 = vector.shape_cast %parallel_loop3A_632 : vector<16x1xi32> to vector<16xi32>
        %parallel_loop3A_634 = tpu.dynamic_gather %parallel_loop3A_409[%parallel_loop3A_633] in [0] : vector<16xf32>, vector<16xi32> -> vector<16xf32>
        %parallel_loop3A_635 = arith.maximumf %parallel_loop3A_615, %parallel_loop3A_622 : vector<16xf32>
        %parallel_loop3A_636 = arith.mulf %parallel_loop3A_635, %parallel_loop3A_634 : vector<16xf32>
        %parallel_loop3A_637 = arith.constant 7.500000e+00 : f32
        %parallel_loop3A_638 = vector.broadcast %parallel_loop3A_637 : f32 to vector<16xf32>
        %parallel_loop3A_639 = arith.mulf %parallel_loop3A_636, %parallel_loop3A_638 : vector<16xf32>
        %parallel_loop3A_640 = arith.constant 8.000000e+00 : f32
        %parallel_loop3A_641 = vector.broadcast %parallel_loop3A_640 : f32 to vector<16xf32>
        %parallel_loop3A_642 = arith.addf %parallel_loop3A_639, %parallel_loop3A_641 : vector<16xf32>
        %parallel_loop3A_643 = arith.fptosi %parallel_loop3A_642 : vector<16xf32> to vector<16xi32>
        %parallel_loop3A_644 = arith.constant 0 : i32
        %parallel_loop3A_645 = arith.constant 15 : i32
        %parallel_loop3A_646 = vector.broadcast %parallel_loop3A_644 : i32 to vector<16xi32>
        %parallel_loop3A_647 = arith.maxsi %parallel_loop3A_646, %parallel_loop3A_643 : vector<16xi32>
        %parallel_loop3A_648 = vector.broadcast %parallel_loop3A_645 : i32 to vector<16xi32>
        %parallel_loop3A_649 = arith.minsi %parallel_loop3A_648, %parallel_loop3A_647 : vector<16xi32>
        %parallel_loop3A_650 = arith.constant 5.000000e+02 : f32
        %parallel_loop3A_651 = vector.broadcast %parallel_loop3A_650 : f32 to vector<16xf32>
        %parallel_loop3A_652 = arith.mulf %parallel_loop3A_636, %parallel_loop3A_651 : vector<16xf32>
        %parallel_loop3A_653 = arith.constant 5.000000e+02 : f32
        %parallel_loop3A_654 = vector.broadcast %parallel_loop3A_653 : f32 to vector<16xf32>
        %parallel_loop3A_655 = arith.addf %parallel_loop3A_652, %parallel_loop3A_654 : vector<16xf32>
        %parallel_loop3A_656 = arith.sitofp %parallel_loop3A_649 : vector<16xi32> to vector<16xf32>
        %parallel_loop3A_657 = arith.constant 66.6666641 : f32
        %parallel_loop3A_658 = vector.broadcast %parallel_loop3A_657 : f32 to vector<16xf32>
        %parallel_loop3A_659 = arith.mulf %parallel_loop3A_656, %parallel_loop3A_658 : vector<16xf32>
        %parallel_loop3A_660 = arith.subf %parallel_loop3A_655, %parallel_loop3A_659 : vector<16xf32>
        %parallel_loop3A_661 = math.exp %parallel_loop3A_660 : vector<16xf32>
        %parallel_loop3A_662 = arith.constant 1.000000e+00 : f32
        %parallel_loop3A_663 = vector.broadcast %parallel_loop3A_662 : f32 to vector<16xf32>
        %parallel_loop3A_664 = arith.addf %parallel_loop3A_663, %parallel_loop3A_661 : vector<16xf32>
        %parallel_loop3A_665 = arith.constant -1.000000e+00 : f32
        %parallel_loop3A_666 = vector.broadcast %parallel_loop3A_665 : f32 to vector<16xf32>
        %parallel_loop3A_667 = arith.divf %parallel_loop3A_666, %parallel_loop3A_664 : vector<16xf32>
        %parallel_loop3A_668 = arith.constant 512 : i32
        %parallel_loop3A_669 = vector.broadcast %parallel_loop3A_668 : i32 to vector<16xi32>
        %parallel_loop3A_670 = arith.muli %parallel_loop3A_649, %parallel_loop3A_669 : vector<16xi32>
        %parallel_loop3A_671 = arith.addi %parallel_loop3A_670, %parallel_loop3A_619 : vector<16xi32>
        tpu.vector_store_idx %arg8[%parallel_loop3A_671], %parallel_loop3A_667 {add = true} : memref<8704xf32, #tpu.memory_space<vmem>>[vector<16xi32>], vector<16xf32>,
        %parallel_loop3A_672 = arith.constant 512 : i32
        %parallel_loop3A_673 = vector.broadcast %parallel_loop3A_672 : i32 to vector<16xi32>
        %parallel_loop3A_674 = arith.addi %parallel_loop3A_671, %parallel_loop3A_673 : vector<16xi32>
        %parallel_loop3A_675 = arith.constant -1.000000e+00 : f32
        %parallel_loop3A_676 = vector.broadcast %parallel_loop3A_675 : f32 to vector<16xf32>
        %parallel_loop3A_677 = arith.subf %parallel_loop3A_676, %parallel_loop3A_667 : vector<16xf32>
        tpu.vector_store_idx %arg8[%parallel_loop3A_674], %parallel_loop3A_677 {add = true} : memref<8704xf32, #tpu.memory_space<vmem>>[vector<16xi32>], vector<16xf32>,
        %parallel_loop3A_678 = arith.constant 4 : i32
        %parallel_loop3A_679 = arith.addi %parallel_loop3A_407, %parallel_loop3A_678 : i32
        %parallel_loop3A_680 = arith.index_cast %parallel_loop3A_679 : i32 to index
        %parallel_loop3A_681 = arith.constant 0 : index
        %parallel_loop3A_682 = tpu.vector_load %arg10[%parallel_loop3A_680, %parallel_loop3A_681] {strides = array<i32>} : memref<640x32xf32, #tpu.memory_space<vmem>>, vector<16xf32>,
        %parallel_loop3A_683 = arith.index_cast %parallel_loop3A_679 : i32 to index
        %parallel_loop3A_684 = arith.constant 16 : index
        %parallel_loop3A_685 = tpu.vector_load %arg10[%parallel_loop3A_683, %parallel_loop3A_684] {strides = array<i32>} : memref<640x32xf32, #tpu.memory_space<vmem>>, vector<16xf32>,
        %parallel_loop3A_686 = arith.fptosi %parallel_loop3A_685 : vector<16xf32> to vector<16xi32>
        %parallel_loop3A_687 = arith.index_cast %parallel_loop3A_679 : i32 to index
        %parallel_loop3A_688 = arith.constant 0 : index
        %parallel_loop3A_689 = tpu.vector_load %arg12[%parallel_loop3A_687, %parallel_loop3A_688] {strides = array<i32>} : memref<640x16xf32, #tpu.memory_space<vmem>>, vector<16xf32>,
        %parallel_loop3A_690 = arith.constant 4 : i32
        %parallel_loop3A_691 = vector.broadcast %parallel_loop3A_690 : i32 to vector<16xi32>
        %parallel_loop3A_692 = arith.constant 0 : i32
        %parallel_loop3A_693 = vector.broadcast %parallel_loop3A_692 : i32 to vector<16xi32>
        %parallel_loop3A_694 = arith.cmpi slt, %parallel_loop3A_691, %parallel_loop3A_693 : vector<16xi32>
        %parallel_loop3A_695 = arith.constant 16 : i32
        %parallel_loop3A_696 = vector.broadcast %parallel_loop3A_695 : i32 to vector<16xi32>
        %parallel_loop3A_697 = arith.addi %parallel_loop3A_691, %parallel_loop3A_696 : vector<16xi32>
        %parallel_loop3A_698 = arith.select %parallel_loop3A_694, %parallel_loop3A_697, %parallel_loop3A_691 : vector<16xi1>, vector<16xi32>
        %parallel_loop3A_699 = vector.shape_cast %parallel_loop3A_698 : vector<16xi32> to vector<16x1xi32>
        %parallel_loop3A_700 = vector.shape_cast %parallel_loop3A_699 : vector<16x1xi32> to vector<16xi32>
        %parallel_loop3A_701 = tpu.dynamic_gather %parallel_loop3A_409[%parallel_loop3A_700] in [0] : vector<16xf32>, vector<16xi32> -> vector<16xf32>
        %parallel_loop3A_702 = arith.maximumf %parallel_loop3A_682, %parallel_loop3A_689 : vector<16xf32>
        %parallel_loop3A_703 = arith.mulf %parallel_loop3A_702, %parallel_loop3A_701 : vector<16xf32>
        %parallel_loop3A_704 = arith.constant 7.500000e+00 : f32
        %parallel_loop3A_705 = vector.broadcast %parallel_loop3A_704 : f32 to vector<16xf32>
        %parallel_loop3A_706 = arith.mulf %parallel_loop3A_703, %parallel_loop3A_705 : vector<16xf32>
        %parallel_loop3A_707 = arith.constant 8.000000e+00 : f32
        %parallel_loop3A_708 = vector.broadcast %parallel_loop3A_707 : f32 to vector<16xf32>
        %parallel_loop3A_709 = arith.addf %parallel_loop3A_706, %parallel_loop3A_708 : vector<16xf32>
        %parallel_loop3A_710 = arith.fptosi %parallel_loop3A_709 : vector<16xf32> to vector<16xi32>
        %parallel_loop3A_711 = arith.constant 0 : i32
        %parallel_loop3A_712 = arith.constant 15 : i32
        %parallel_loop3A_713 = vector.broadcast %parallel_loop3A_711 : i32 to vector<16xi32>
        %parallel_loop3A_714 = arith.maxsi %parallel_loop3A_713, %parallel_loop3A_710 : vector<16xi32>
        %parallel_loop3A_715 = vector.broadcast %parallel_loop3A_712 : i32 to vector<16xi32>
        %parallel_loop3A_716 = arith.minsi %parallel_loop3A_715, %parallel_loop3A_714 : vector<16xi32>
        %parallel_loop3A_717 = arith.constant 5.000000e+02 : f32
        %parallel_loop3A_718 = vector.broadcast %parallel_loop3A_717 : f32 to vector<16xf32>
        %parallel_loop3A_719 = arith.mulf %parallel_loop3A_703, %parallel_loop3A_718 : vector<16xf32>
        %parallel_loop3A_720 = arith.constant 5.000000e+02 : f32
        %parallel_loop3A_721 = vector.broadcast %parallel_loop3A_720 : f32 to vector<16xf32>
        %parallel_loop3A_722 = arith.addf %parallel_loop3A_719, %parallel_loop3A_721 : vector<16xf32>
        %parallel_loop3A_723 = arith.sitofp %parallel_loop3A_716 : vector<16xi32> to vector<16xf32>
        %parallel_loop3A_724 = arith.constant 66.6666641 : f32
        %parallel_loop3A_725 = vector.broadcast %parallel_loop3A_724 : f32 to vector<16xf32>
        %parallel_loop3A_726 = arith.mulf %parallel_loop3A_723, %parallel_loop3A_725 : vector<16xf32>
        %parallel_loop3A_727 = arith.subf %parallel_loop3A_722, %parallel_loop3A_726 : vector<16xf32>
        %parallel_loop3A_728 = math.exp %parallel_loop3A_727 : vector<16xf32>
        %parallel_loop3A_729 = arith.constant 1.000000e+00 : f32
        %parallel_loop3A_730 = vector.broadcast %parallel_loop3A_729 : f32 to vector<16xf32>
        %parallel_loop3A_731 = arith.addf %parallel_loop3A_730, %parallel_loop3A_728 : vector<16xf32>
        %parallel_loop3A_732 = arith.constant -1.000000e+00 : f32
        %parallel_loop3A_733 = vector.broadcast %parallel_loop3A_732 : f32 to vector<16xf32>
        %parallel_loop3A_734 = arith.divf %parallel_loop3A_733, %parallel_loop3A_731 : vector<16xf32>
        %parallel_loop3A_735 = arith.constant 512 : i32
        %parallel_loop3A_736 = vector.broadcast %parallel_loop3A_735 : i32 to vector<16xi32>
        %parallel_loop3A_737 = arith.muli %parallel_loop3A_716, %parallel_loop3A_736 : vector<16xi32>
        %parallel_loop3A_738 = arith.addi %parallel_loop3A_737, %parallel_loop3A_686 : vector<16xi32>
        tpu.vector_store_idx %arg8[%parallel_loop3A_738], %parallel_loop3A_734 {add = true} : memref<8704xf32, #tpu.memory_space<vmem>>[vector<16xi32>], vector<16xf32>,
        %parallel_loop3A_739 = arith.constant 512 : i32
        %parallel_loop3A_740 = vector.broadcast %parallel_loop3A_739 : i32 to vector<16xi32>
        %parallel_loop3A_741 = arith.addi %parallel_loop3A_738, %parallel_loop3A_740 : vector<16xi32>
        %parallel_loop3A_742 = arith.constant -1.000000e+00 : f32
        %parallel_loop3A_743 = vector.broadcast %parallel_loop3A_742 : f32 to vector<16xf32>
        %parallel_loop3A_744 = arith.subf %parallel_loop3A_743, %parallel_loop3A_734 : vector<16xf32>
        tpu.vector_store_idx %arg8[%parallel_loop3A_741], %parallel_loop3A_744 {add = true} : memref<8704xf32, #tpu.memory_space<vmem>>[vector<16xi32>], vector<16xf32>,
        %parallel_loop3A_745 = arith.constant 5 : i32
        %parallel_loop3A_746 = arith.addi %parallel_loop3A_407, %parallel_loop3A_745 : i32
        %parallel_loop3A_747 = arith.index_cast %parallel_loop3A_746 : i32 to index
        %parallel_loop3A_748 = arith.constant 0 : index
        %parallel_loop3A_749 = tpu.vector_load %arg10[%parallel_loop3A_747, %parallel_loop3A_748] {strides = array<i32>} : memref<640x32xf32, #tpu.memory_space<vmem>>, vector<16xf32>,
        %parallel_loop3A_750 = arith.index_cast %parallel_loop3A_746 : i32 to index
        %parallel_loop3A_751 = arith.constant 16 : index
        %parallel_loop3A_752 = tpu.vector_load %arg10[%parallel_loop3A_750, %parallel_loop3A_751] {strides = array<i32>} : memref<640x32xf32, #tpu.memory_space<vmem>>, vector<16xf32>,
        %parallel_loop3A_753 = arith.fptosi %parallel_loop3A_752 : vector<16xf32> to vector<16xi32>
        %parallel_loop3A_754 = arith.index_cast %parallel_loop3A_746 : i32 to index
        %parallel_loop3A_755 = arith.constant 0 : index
        %parallel_loop3A_756 = tpu.vector_load %arg12[%parallel_loop3A_754, %parallel_loop3A_755] {strides = array<i32>} : memref<640x16xf32, #tpu.memory_space<vmem>>, vector<16xf32>,
        %parallel_loop3A_757 = arith.constant 5 : i32
        %parallel_loop3A_758 = vector.broadcast %parallel_loop3A_757 : i32 to vector<16xi32>
        %parallel_loop3A_759 = arith.constant 0 : i32
        %parallel_loop3A_760 = vector.broadcast %parallel_loop3A_759 : i32 to vector<16xi32>
        %parallel_loop3A_761 = arith.cmpi slt, %parallel_loop3A_758, %parallel_loop3A_760 : vector<16xi32>
        %parallel_loop3A_762 = arith.constant 16 : i32
        %parallel_loop3A_763 = vector.broadcast %parallel_loop3A_762 : i32 to vector<16xi32>
        %parallel_loop3A_764 = arith.addi %parallel_loop3A_758, %parallel_loop3A_763 : vector<16xi32>
        %parallel_loop3A_765 = arith.select %parallel_loop3A_761, %parallel_loop3A_764, %parallel_loop3A_758 : vector<16xi1>, vector<16xi32>
        %parallel_loop3A_766 = vector.shape_cast %parallel_loop3A_765 : vector<16xi32> to vector<16x1xi32>
        %parallel_loop3A_767 = vector.shape_cast %parallel_loop3A_766 : vector<16x1xi32> to vector<16xi32>
        %parallel_loop3A_768 = tpu.dynamic_gather %parallel_loop3A_409[%parallel_loop3A_767] in [0] : vector<16xf32>, vector<16xi32> -> vector<16xf32>
        %parallel_loop3A_769 = arith.maximumf %parallel_loop3A_749, %parallel_loop3A_756 : vector<16xf32>
        %parallel_loop3A_770 = arith.mulf %parallel_loop3A_769, %parallel_loop3A_768 : vector<16xf32>
        %parallel_loop3A_771 = arith.constant 7.500000e+00 : f32
        %parallel_loop3A_772 = vector.broadcast %parallel_loop3A_771 : f32 to vector<16xf32>
        %parallel_loop3A_773 = arith.mulf %parallel_loop3A_770, %parallel_loop3A_772 : vector<16xf32>
        %parallel_loop3A_774 = arith.constant 8.000000e+00 : f32
        %parallel_loop3A_775 = vector.broadcast %parallel_loop3A_774 : f32 to vector<16xf32>
        %parallel_loop3A_776 = arith.addf %parallel_loop3A_773, %parallel_loop3A_775 : vector<16xf32>
        %parallel_loop3A_777 = arith.fptosi %parallel_loop3A_776 : vector<16xf32> to vector<16xi32>
        %parallel_loop3A_778 = arith.constant 0 : i32
        %parallel_loop3A_779 = arith.constant 15 : i32
        %parallel_loop3A_780 = vector.broadcast %parallel_loop3A_778 : i32 to vector<16xi32>
        %parallel_loop3A_781 = arith.maxsi %parallel_loop3A_780, %parallel_loop3A_777 : vector<16xi32>
        %parallel_loop3A_782 = vector.broadcast %parallel_loop3A_779 : i32 to vector<16xi32>
        %parallel_loop3A_783 = arith.minsi %parallel_loop3A_782, %parallel_loop3A_781 : vector<16xi32>
        %parallel_loop3A_784 = arith.constant 5.000000e+02 : f32
        %parallel_loop3A_785 = vector.broadcast %parallel_loop3A_784 : f32 to vector<16xf32>
        %parallel_loop3A_786 = arith.mulf %parallel_loop3A_770, %parallel_loop3A_785 : vector<16xf32>
        %parallel_loop3A_787 = arith.constant 5.000000e+02 : f32
        %parallel_loop3A_788 = vector.broadcast %parallel_loop3A_787 : f32 to vector<16xf32>
        %parallel_loop3A_789 = arith.addf %parallel_loop3A_786, %parallel_loop3A_788 : vector<16xf32>
        %parallel_loop3A_790 = arith.sitofp %parallel_loop3A_783 : vector<16xi32> to vector<16xf32>
        %parallel_loop3A_791 = arith.constant 66.6666641 : f32
        %parallel_loop3A_792 = vector.broadcast %parallel_loop3A_791 : f32 to vector<16xf32>
        %parallel_loop3A_793 = arith.mulf %parallel_loop3A_790, %parallel_loop3A_792 : vector<16xf32>
        %parallel_loop3A_794 = arith.subf %parallel_loop3A_789, %parallel_loop3A_793 : vector<16xf32>
        %parallel_loop3A_795 = math.exp %parallel_loop3A_794 : vector<16xf32>
        %parallel_loop3A_796 = arith.constant 1.000000e+00 : f32
        %parallel_loop3A_797 = vector.broadcast %parallel_loop3A_796 : f32 to vector<16xf32>
        %parallel_loop3A_798 = arith.addf %parallel_loop3A_797, %parallel_loop3A_795 : vector<16xf32>
        %parallel_loop3A_799 = arith.constant -1.000000e+00 : f32
        %parallel_loop3A_800 = vector.broadcast %parallel_loop3A_799 : f32 to vector<16xf32>
        %parallel_loop3A_801 = arith.divf %parallel_loop3A_800, %parallel_loop3A_798 : vector<16xf32>
        %parallel_loop3A_802 = arith.constant 512 : i32
        %parallel_loop3A_803 = vector.broadcast %parallel_loop3A_802 : i32 to vector<16xi32>
        %parallel_loop3A_804 = arith.muli %parallel_loop3A_783, %parallel_loop3A_803 : vector<16xi32>
        %parallel_loop3A_805 = arith.addi %parallel_loop3A_804, %parallel_loop3A_753 : vector<16xi32>
        tpu.vector_store_idx %arg8[%parallel_loop3A_805], %parallel_loop3A_801 {add = true} : memref<8704xf32, #tpu.memory_space<vmem>>[vector<16xi32>], vector<16xf32>,
        %parallel_loop3A_806 = arith.constant 512 : i32
        %parallel_loop3A_807 = vector.broadcast %parallel_loop3A_806 : i32 to vector<16xi32>
        %parallel_loop3A_808 = arith.addi %parallel_loop3A_805, %parallel_loop3A_807 : vector<16xi32>
        %parallel_loop3A_809 = arith.constant -1.000000e+00 : f32
        %parallel_loop3A_810 = vector.broadcast %parallel_loop3A_809 : f32 to vector<16xf32>
        %parallel_loop3A_811 = arith.subf %parallel_loop3A_810, %parallel_loop3A_801 : vector<16xf32>
        tpu.vector_store_idx %arg8[%parallel_loop3A_808], %parallel_loop3A_811 {add = true} : memref<8704xf32, #tpu.memory_space<vmem>>[vector<16xi32>], vector<16xf32>,
        %parallel_loop3A_812 = arith.constant 6 : i32
        %parallel_loop3A_813 = arith.addi %parallel_loop3A_407, %parallel_loop3A_812 : i32
        %parallel_loop3A_814 = arith.index_cast %parallel_loop3A_813 : i32 to index
        %parallel_loop3A_815 = arith.constant 0 : index
        %parallel_loop3A_816 = tpu.vector_load %arg10[%parallel_loop3A_814, %parallel_loop3A_815] {strides = array<i32>} : memref<640x32xf32, #tpu.memory_space<vmem>>, vector<16xf32>,
        %parallel_loop3A_817 = arith.index_cast %parallel_loop3A_813 : i32 to index
        %parallel_loop3A_818 = arith.constant 16 : index
        %parallel_loop3A_819 = tpu.vector_load %arg10[%parallel_loop3A_817, %parallel_loop3A_818] {strides = array<i32>} : memref<640x32xf32, #tpu.memory_space<vmem>>, vector<16xf32>,
        %parallel_loop3A_820 = arith.fptosi %parallel_loop3A_819 : vector<16xf32> to vector<16xi32>
        %parallel_loop3A_821 = arith.index_cast %parallel_loop3A_813 : i32 to index
        %parallel_loop3A_822 = arith.constant 0 : index
        %parallel_loop3A_823 = tpu.vector_load %arg12[%parallel_loop3A_821, %parallel_loop3A_822] {strides = array<i32>} : memref<640x16xf32, #tpu.memory_space<vmem>>, vector<16xf32>,
        %parallel_loop3A_824 = arith.constant 6 : i32
        %parallel_loop3A_825 = vector.broadcast %parallel_loop3A_824 : i32 to vector<16xi32>
        %parallel_loop3A_826 = arith.constant 0 : i32
        %parallel_loop3A_827 = vector.broadcast %parallel_loop3A_826 : i32 to vector<16xi32>
        %parallel_loop3A_828 = arith.cmpi slt, %parallel_loop3A_825, %parallel_loop3A_827 : vector<16xi32>
        %parallel_loop3A_829 = arith.constant 16 : i32
        %parallel_loop3A_830 = vector.broadcast %parallel_loop3A_829 : i32 to vector<16xi32>
        %parallel_loop3A_831 = arith.addi %parallel_loop3A_825, %parallel_loop3A_830 : vector<16xi32>
        %parallel_loop3A_832 = arith.select %parallel_loop3A_828, %parallel_loop3A_831, %parallel_loop3A_825 : vector<16xi1>, vector<16xi32>
        %parallel_loop3A_833 = vector.shape_cast %parallel_loop3A_832 : vector<16xi32> to vector<16x1xi32>
        %parallel_loop3A_834 = vector.shape_cast %parallel_loop3A_833 : vector<16x1xi32> to vector<16xi32>
        %parallel_loop3A_835 = tpu.dynamic_gather %parallel_loop3A_409[%parallel_loop3A_834] in [0] : vector<16xf32>, vector<16xi32> -> vector<16xf32>
        %parallel_loop3A_836 = arith.maximumf %parallel_loop3A_816, %parallel_loop3A_823 : vector<16xf32>
        %parallel_loop3A_837 = arith.mulf %parallel_loop3A_836, %parallel_loop3A_835 : vector<16xf32>
        %parallel_loop3A_838 = arith.constant 7.500000e+00 : f32
        %parallel_loop3A_839 = vector.broadcast %parallel_loop3A_838 : f32 to vector<16xf32>
        %parallel_loop3A_840 = arith.mulf %parallel_loop3A_837, %parallel_loop3A_839 : vector<16xf32>
        %parallel_loop3A_841 = arith.constant 8.000000e+00 : f32
        %parallel_loop3A_842 = vector.broadcast %parallel_loop3A_841 : f32 to vector<16xf32>
        %parallel_loop3A_843 = arith.addf %parallel_loop3A_840, %parallel_loop3A_842 : vector<16xf32>
        %parallel_loop3A_844 = arith.fptosi %parallel_loop3A_843 : vector<16xf32> to vector<16xi32>
        %parallel_loop3A_845 = arith.constant 0 : i32
        %parallel_loop3A_846 = arith.constant 15 : i32
        %parallel_loop3A_847 = vector.broadcast %parallel_loop3A_845 : i32 to vector<16xi32>
        %parallel_loop3A_848 = arith.maxsi %parallel_loop3A_847, %parallel_loop3A_844 : vector<16xi32>
        %parallel_loop3A_849 = vector.broadcast %parallel_loop3A_846 : i32 to vector<16xi32>
        %parallel_loop3A_850 = arith.minsi %parallel_loop3A_849, %parallel_loop3A_848 : vector<16xi32>
        %parallel_loop3A_851 = arith.constant 5.000000e+02 : f32
        %parallel_loop3A_852 = vector.broadcast %parallel_loop3A_851 : f32 to vector<16xf32>
        %parallel_loop3A_853 = arith.mulf %parallel_loop3A_837, %parallel_loop3A_852 : vector<16xf32>
        %parallel_loop3A_854 = arith.constant 5.000000e+02 : f32
        %parallel_loop3A_855 = vector.broadcast %parallel_loop3A_854 : f32 to vector<16xf32>
        %parallel_loop3A_856 = arith.addf %parallel_loop3A_853, %parallel_loop3A_855 : vector<16xf32>
        %parallel_loop3A_857 = arith.sitofp %parallel_loop3A_850 : vector<16xi32> to vector<16xf32>
        %parallel_loop3A_858 = arith.constant 66.6666641 : f32
        %parallel_loop3A_859 = vector.broadcast %parallel_loop3A_858 : f32 to vector<16xf32>
        %parallel_loop3A_860 = arith.mulf %parallel_loop3A_857, %parallel_loop3A_859 : vector<16xf32>
        %parallel_loop3A_861 = arith.subf %parallel_loop3A_856, %parallel_loop3A_860 : vector<16xf32>
        %parallel_loop3A_862 = math.exp %parallel_loop3A_861 : vector<16xf32>
        %parallel_loop3A_863 = arith.constant 1.000000e+00 : f32
        %parallel_loop3A_864 = vector.broadcast %parallel_loop3A_863 : f32 to vector<16xf32>
        %parallel_loop3A_865 = arith.addf %parallel_loop3A_864, %parallel_loop3A_862 : vector<16xf32>
        %parallel_loop3A_866 = arith.constant -1.000000e+00 : f32
        %parallel_loop3A_867 = vector.broadcast %parallel_loop3A_866 : f32 to vector<16xf32>
        %parallel_loop3A_868 = arith.divf %parallel_loop3A_867, %parallel_loop3A_865 : vector<16xf32>
        %parallel_loop3A_869 = arith.constant 512 : i32
        %parallel_loop3A_870 = vector.broadcast %parallel_loop3A_869 : i32 to vector<16xi32>
        %parallel_loop3A_871 = arith.muli %parallel_loop3A_850, %parallel_loop3A_870 : vector<16xi32>
        %parallel_loop3A_872 = arith.addi %parallel_loop3A_871, %parallel_loop3A_820 : vector<16xi32>
        tpu.vector_store_idx %arg8[%parallel_loop3A_872], %parallel_loop3A_868 {add = true} : memref<8704xf32, #tpu.memory_space<vmem>>[vector<16xi32>], vector<16xf32>,
        %parallel_loop3A_873 = arith.constant 512 : i32
        %parallel_loop3A_874 = vector.broadcast %parallel_loop3A_873 : i32 to vector<16xi32>
        %parallel_loop3A_875 = arith.addi %parallel_loop3A_872, %parallel_loop3A_874 : vector<16xi32>
        %parallel_loop3A_876 = arith.constant -1.000000e+00 : f32
        %parallel_loop3A_877 = vector.broadcast %parallel_loop3A_876 : f32 to vector<16xf32>
        %parallel_loop3A_878 = arith.subf %parallel_loop3A_877, %parallel_loop3A_868 : vector<16xf32>
        tpu.vector_store_idx %arg8[%parallel_loop3A_875], %parallel_loop3A_878 {add = true} : memref<8704xf32, #tpu.memory_space<vmem>>[vector<16xi32>], vector<16xf32>,
        %parallel_loop3A_879 = arith.constant 7 : i32
        %parallel_loop3A_880 = arith.addi %parallel_loop3A_407, %parallel_loop3A_879 : i32
        %parallel_loop3A_881 = arith.index_cast %parallel_loop3A_880 : i32 to index
        %parallel_loop3A_882 = arith.constant 0 : index
        %parallel_loop3A_883 = tpu.vector_load %arg10[%parallel_loop3A_881, %parallel_loop3A_882] {strides = array<i32>} : memref<640x32xf32, #tpu.memory_space<vmem>>, vector<16xf32>,
        %parallel_loop3A_884 = arith.index_cast %parallel_loop3A_880 : i32 to index
        %parallel_loop3A_885 = arith.constant 16 : index
        %parallel_loop3A_886 = tpu.vector_load %arg10[%parallel_loop3A_884, %parallel_loop3A_885] {strides = array<i32>} : memref<640x32xf32, #tpu.memory_space<vmem>>, vector<16xf32>,
        %parallel_loop3A_887 = arith.fptosi %parallel_loop3A_886 : vector<16xf32> to vector<16xi32>
        %parallel_loop3A_888 = arith.index_cast %parallel_loop3A_880 : i32 to index
        %parallel_loop3A_889 = arith.constant 0 : index
        %parallel_loop3A_890 = tpu.vector_load %arg12[%parallel_loop3A_888, %parallel_loop3A_889] {strides = array<i32>} : memref<640x16xf32, #tpu.memory_space<vmem>>, vector<16xf32>,
        %parallel_loop3A_891 = arith.constant 7 : i32
        %parallel_loop3A_892 = vector.broadcast %parallel_loop3A_891 : i32 to vector<16xi32>
        %parallel_loop3A_893 = arith.constant 0 : i32
        %parallel_loop3A_894 = vector.broadcast %parallel_loop3A_893 : i32 to vector<16xi32>
        %parallel_loop3A_895 = arith.cmpi slt, %parallel_loop3A_892, %parallel_loop3A_894 : vector<16xi32>
        %parallel_loop3A_896 = arith.constant 16 : i32
        %parallel_loop3A_897 = vector.broadcast %parallel_loop3A_896 : i32 to vector<16xi32>
        %parallel_loop3A_898 = arith.addi %parallel_loop3A_892, %parallel_loop3A_897 : vector<16xi32>
        %parallel_loop3A_899 = arith.select %parallel_loop3A_895, %parallel_loop3A_898, %parallel_loop3A_892 : vector<16xi1>, vector<16xi32>
        %parallel_loop3A_900 = vector.shape_cast %parallel_loop3A_899 : vector<16xi32> to vector<16x1xi32>
        %parallel_loop3A_901 = vector.shape_cast %parallel_loop3A_900 : vector<16x1xi32> to vector<16xi32>
        %parallel_loop3A_902 = tpu.dynamic_gather %parallel_loop3A_409[%parallel_loop3A_901] in [0] : vector<16xf32>, vector<16xi32> -> vector<16xf32>
        %parallel_loop3A_903 = arith.maximumf %parallel_loop3A_883, %parallel_loop3A_890 : vector<16xf32>
        %parallel_loop3A_904 = arith.mulf %parallel_loop3A_903, %parallel_loop3A_902 : vector<16xf32>
        %parallel_loop3A_905 = arith.constant 7.500000e+00 : f32
        %parallel_loop3A_906 = vector.broadcast %parallel_loop3A_905 : f32 to vector<16xf32>
        %parallel_loop3A_907 = arith.mulf %parallel_loop3A_904, %parallel_loop3A_906 : vector<16xf32>
        %parallel_loop3A_908 = arith.constant 8.000000e+00 : f32
        %parallel_loop3A_909 = vector.broadcast %parallel_loop3A_908 : f32 to vector<16xf32>
        %parallel_loop3A_910 = arith.addf %parallel_loop3A_907, %parallel_loop3A_909 : vector<16xf32>
        %parallel_loop3A_911 = arith.fptosi %parallel_loop3A_910 : vector<16xf32> to vector<16xi32>
        %parallel_loop3A_912 = arith.constant 0 : i32
        %parallel_loop3A_913 = arith.constant 15 : i32
        %parallel_loop3A_914 = vector.broadcast %parallel_loop3A_912 : i32 to vector<16xi32>
        %parallel_loop3A_915 = arith.maxsi %parallel_loop3A_914, %parallel_loop3A_911 : vector<16xi32>
        %parallel_loop3A_916 = vector.broadcast %parallel_loop3A_913 : i32 to vector<16xi32>
        %parallel_loop3A_917 = arith.minsi %parallel_loop3A_916, %parallel_loop3A_915 : vector<16xi32>
        %parallel_loop3A_918 = arith.constant 5.000000e+02 : f32
        %parallel_loop3A_919 = vector.broadcast %parallel_loop3A_918 : f32 to vector<16xf32>
        %parallel_loop3A_920 = arith.mulf %parallel_loop3A_904, %parallel_loop3A_919 : vector<16xf32>
        %parallel_loop3A_921 = arith.constant 5.000000e+02 : f32
        %parallel_loop3A_922 = vector.broadcast %parallel_loop3A_921 : f32 to vector<16xf32>
        %parallel_loop3A_923 = arith.addf %parallel_loop3A_920, %parallel_loop3A_922 : vector<16xf32>
        %parallel_loop3A_924 = arith.sitofp %parallel_loop3A_917 : vector<16xi32> to vector<16xf32>
        %parallel_loop3A_925 = arith.constant 66.6666641 : f32
        %parallel_loop3A_926 = vector.broadcast %parallel_loop3A_925 : f32 to vector<16xf32>
        %parallel_loop3A_927 = arith.mulf %parallel_loop3A_924, %parallel_loop3A_926 : vector<16xf32>
        %parallel_loop3A_928 = arith.subf %parallel_loop3A_923, %parallel_loop3A_927 : vector<16xf32>
        %parallel_loop3A_929 = math.exp %parallel_loop3A_928 : vector<16xf32>
        %parallel_loop3A_930 = arith.constant 1.000000e+00 : f32
        %parallel_loop3A_931 = vector.broadcast %parallel_loop3A_930 : f32 to vector<16xf32>
        %parallel_loop3A_932 = arith.addf %parallel_loop3A_931, %parallel_loop3A_929 : vector<16xf32>
        %parallel_loop3A_933 = arith.constant -1.000000e+00 : f32
        %parallel_loop3A_934 = vector.broadcast %parallel_loop3A_933 : f32 to vector<16xf32>
        %parallel_loop3A_935 = arith.divf %parallel_loop3A_934, %parallel_loop3A_932 : vector<16xf32>
        %parallel_loop3A_936 = arith.constant 512 : i32
        %parallel_loop3A_937 = vector.broadcast %parallel_loop3A_936 : i32 to vector<16xi32>
        %parallel_loop3A_938 = arith.muli %parallel_loop3A_917, %parallel_loop3A_937 : vector<16xi32>
        %parallel_loop3A_939 = arith.addi %parallel_loop3A_938, %parallel_loop3A_887 : vector<16xi32>
        tpu.vector_store_idx %arg8[%parallel_loop3A_939], %parallel_loop3A_935 {add = true} : memref<8704xf32, #tpu.memory_space<vmem>>[vector<16xi32>], vector<16xf32>,
        %parallel_loop3A_940 = arith.constant 512 : i32
        %parallel_loop3A_941 = vector.broadcast %parallel_loop3A_940 : i32 to vector<16xi32>
        %parallel_loop3A_942 = arith.addi %parallel_loop3A_939, %parallel_loop3A_941 : vector<16xi32>
        %parallel_loop3A_943 = arith.constant -1.000000e+00 : f32
        %parallel_loop3A_944 = vector.broadcast %parallel_loop3A_943 : f32 to vector<16xf32>
        %parallel_loop3A_945 = arith.subf %parallel_loop3A_944, %parallel_loop3A_935 : vector<16xf32>
        tpu.vector_store_idx %arg8[%parallel_loop3A_942], %parallel_loop3A_945 {add = true} : memref<8704xf32, #tpu.memory_space<vmem>>[vector<16xi32>], vector<16xf32>,
        %parallel_loop3A_946 = arith.constant 8 : i32
        %parallel_loop3A_947 = arith.addi %parallel_loop3A_407, %parallel_loop3A_946 : i32
        %parallel_loop3A_948 = arith.index_cast %parallel_loop3A_947 : i32 to index
        %parallel_loop3A_949 = arith.constant 0 : index
        %parallel_loop3A_950 = tpu.vector_load %arg10[%parallel_loop3A_948, %parallel_loop3A_949] {strides = array<i32>} : memref<640x32xf32, #tpu.memory_space<vmem>>, vector<16xf32>,
        %parallel_loop3A_951 = arith.index_cast %parallel_loop3A_947 : i32 to index
        %parallel_loop3A_952 = arith.constant 16 : index
        %parallel_loop3A_953 = tpu.vector_load %arg10[%parallel_loop3A_951, %parallel_loop3A_952] {strides = array<i32>} : memref<640x32xf32, #tpu.memory_space<vmem>>, vector<16xf32>,
        %parallel_loop3A_954 = arith.fptosi %parallel_loop3A_953 : vector<16xf32> to vector<16xi32>
        %parallel_loop3A_955 = arith.index_cast %parallel_loop3A_947 : i32 to index
        %parallel_loop3A_956 = arith.constant 0 : index
        %parallel_loop3A_957 = tpu.vector_load %arg12[%parallel_loop3A_955, %parallel_loop3A_956] {strides = array<i32>} : memref<640x16xf32, #tpu.memory_space<vmem>>, vector<16xf32>,
        %parallel_loop3A_958 = arith.constant 8 : i32
        %parallel_loop3A_959 = vector.broadcast %parallel_loop3A_958 : i32 to vector<16xi32>
        %parallel_loop3A_960 = arith.constant 0 : i32
        %parallel_loop3A_961 = vector.broadcast %parallel_loop3A_960 : i32 to vector<16xi32>
        %parallel_loop3A_962 = arith.cmpi slt, %parallel_loop3A_959, %parallel_loop3A_961 : vector<16xi32>
        %parallel_loop3A_963 = arith.constant 16 : i32
        %parallel_loop3A_964 = vector.broadcast %parallel_loop3A_963 : i32 to vector<16xi32>
        %parallel_loop3A_965 = arith.addi %parallel_loop3A_959, %parallel_loop3A_964 : vector<16xi32>
        %parallel_loop3A_966 = arith.select %parallel_loop3A_962, %parallel_loop3A_965, %parallel_loop3A_959 : vector<16xi1>, vector<16xi32>
        %parallel_loop3A_967 = vector.shape_cast %parallel_loop3A_966 : vector<16xi32> to vector<16x1xi32>
        %parallel_loop3A_968 = vector.shape_cast %parallel_loop3A_967 : vector<16x1xi32> to vector<16xi32>
        %parallel_loop3A_969 = tpu.dynamic_gather %parallel_loop3A_409[%parallel_loop3A_968] in [0] : vector<16xf32>, vector<16xi32> -> vector<16xf32>
        %parallel_loop3A_970 = arith.maximumf %parallel_loop3A_950, %parallel_loop3A_957 : vector<16xf32>
        %parallel_loop3A_971 = arith.mulf %parallel_loop3A_970, %parallel_loop3A_969 : vector<16xf32>
        %parallel_loop3A_972 = arith.constant 7.500000e+00 : f32
        %parallel_loop3A_973 = vector.broadcast %parallel_loop3A_972 : f32 to vector<16xf32>
        %parallel_loop3A_974 = arith.mulf %parallel_loop3A_971, %parallel_loop3A_973 : vector<16xf32>
        %parallel_loop3A_975 = arith.constant 8.000000e+00 : f32
        %parallel_loop3A_976 = vector.broadcast %parallel_loop3A_975 : f32 to vector<16xf32>
        %parallel_loop3A_977 = arith.addf %parallel_loop3A_974, %parallel_loop3A_976 : vector<16xf32>
        %parallel_loop3A_978 = arith.fptosi %parallel_loop3A_977 : vector<16xf32> to vector<16xi32>
        %parallel_loop3A_979 = arith.constant 0 : i32
        %parallel_loop3A_980 = arith.constant 15 : i32
        %parallel_loop3A_981 = vector.broadcast %parallel_loop3A_979 : i32 to vector<16xi32>
        %parallel_loop3A_982 = arith.maxsi %parallel_loop3A_981, %parallel_loop3A_978 : vector<16xi32>
        %parallel_loop3A_983 = vector.broadcast %parallel_loop3A_980 : i32 to vector<16xi32>
        %parallel_loop3A_984 = arith.minsi %parallel_loop3A_983, %parallel_loop3A_982 : vector<16xi32>
        %parallel_loop3A_985 = arith.constant 5.000000e+02 : f32
        %parallel_loop3A_986 = vector.broadcast %parallel_loop3A_985 : f32 to vector<16xf32>
        %parallel_loop3A_987 = arith.mulf %parallel_loop3A_971, %parallel_loop3A_986 : vector<16xf32>
        %parallel_loop3A_988 = arith.constant 5.000000e+02 : f32
        %parallel_loop3A_989 = vector.broadcast %parallel_loop3A_988 : f32 to vector<16xf32>
        %parallel_loop3A_990 = arith.addf %parallel_loop3A_987, %parallel_loop3A_989 : vector<16xf32>
        %parallel_loop3A_991 = arith.sitofp %parallel_loop3A_984 : vector<16xi32> to vector<16xf32>
        %parallel_loop3A_992 = arith.constant 66.6666641 : f32
        %parallel_loop3A_993 = vector.broadcast %parallel_loop3A_992 : f32 to vector<16xf32>
        %parallel_loop3A_994 = arith.mulf %parallel_loop3A_991, %parallel_loop3A_993 : vector<16xf32>
        %parallel_loop3A_995 = arith.subf %parallel_loop3A_990, %parallel_loop3A_994 : vector<16xf32>
        %parallel_loop3A_996 = math.exp %parallel_loop3A_995 : vector<16xf32>
        %parallel_loop3A_997 = arith.constant 1.000000e+00 : f32
        %parallel_loop3A_998 = vector.broadcast %parallel_loop3A_997 : f32 to vector<16xf32>
        %parallel_loop3A_999 = arith.addf %parallel_loop3A_998, %parallel_loop3A_996 : vector<16xf32>
        %parallel_loop3A_1000 = arith.constant -1.000000e+00 : f32
        %parallel_loop3A_1001 = vector.broadcast %parallel_loop3A_1000 : f32 to vector<16xf32>
        %parallel_loop3A_1002 = arith.divf %parallel_loop3A_1001, %parallel_loop3A_999 : vector<16xf32>
        %parallel_loop3A_1003 = arith.constant 512 : i32
        %parallel_loop3A_1004 = vector.broadcast %parallel_loop3A_1003 : i32 to vector<16xi32>
        %parallel_loop3A_1005 = arith.muli %parallel_loop3A_984, %parallel_loop3A_1004 : vector<16xi32>
        %parallel_loop3A_1006 = arith.addi %parallel_loop3A_1005, %parallel_loop3A_954 : vector<16xi32>
        tpu.vector_store_idx %arg8[%parallel_loop3A_1006], %parallel_loop3A_1002 {add = true} : memref<8704xf32, #tpu.memory_space<vmem>>[vector<16xi32>], vector<16xf32>,
        %parallel_loop3A_1007 = arith.constant 512 : i32
        %parallel_loop3A_1008 = vector.broadcast %parallel_loop3A_1007 : i32 to vector<16xi32>
        %parallel_loop3A_1009 = arith.addi %parallel_loop3A_1006, %parallel_loop3A_1008 : vector<16xi32>
        %parallel_loop3A_1010 = arith.constant -1.000000e+00 : f32
        %parallel_loop3A_1011 = vector.broadcast %parallel_loop3A_1010 : f32 to vector<16xf32>
        %parallel_loop3A_1012 = arith.subf %parallel_loop3A_1011, %parallel_loop3A_1002 : vector<16xf32>
        tpu.vector_store_idx %arg8[%parallel_loop3A_1009], %parallel_loop3A_1012 {add = true} : memref<8704xf32, #tpu.memory_space<vmem>>[vector<16xi32>], vector<16xf32>,
        %parallel_loop3A_1013 = arith.constant 9 : i32
        %parallel_loop3A_1014 = arith.addi %parallel_loop3A_407, %parallel_loop3A_1013 : i32
        %parallel_loop3A_1015 = arith.index_cast %parallel_loop3A_1014 : i32 to index
        %parallel_loop3A_1016 = arith.constant 0 : index
        %parallel_loop3A_1017 = tpu.vector_load %arg10[%parallel_loop3A_1015, %parallel_loop3A_1016] {strides = array<i32>} : memref<640x32xf32, #tpu.memory_space<vmem>>, vector<16xf32>,
        %parallel_loop3A_1018 = arith.index_cast %parallel_loop3A_1014 : i32 to index
        %parallel_loop3A_1019 = arith.constant 16 : index
        %parallel_loop3A_1020 = tpu.vector_load %arg10[%parallel_loop3A_1018, %parallel_loop3A_1019] {strides = array<i32>} : memref<640x32xf32, #tpu.memory_space<vmem>>, vector<16xf32>,
        %parallel_loop3A_1021 = arith.fptosi %parallel_loop3A_1020 : vector<16xf32> to vector<16xi32>
        %parallel_loop3A_1022 = arith.index_cast %parallel_loop3A_1014 : i32 to index
        %parallel_loop3A_1023 = arith.constant 0 : index
        %parallel_loop3A_1024 = tpu.vector_load %arg12[%parallel_loop3A_1022, %parallel_loop3A_1023] {strides = array<i32>} : memref<640x16xf32, #tpu.memory_space<vmem>>, vector<16xf32>,
        %parallel_loop3A_1025 = arith.constant 9 : i32
        %parallel_loop3A_1026 = vector.broadcast %parallel_loop3A_1025 : i32 to vector<16xi32>
        %parallel_loop3A_1027 = arith.constant 0 : i32
        %parallel_loop3A_1028 = vector.broadcast %parallel_loop3A_1027 : i32 to vector<16xi32>
        %parallel_loop3A_1029 = arith.cmpi slt, %parallel_loop3A_1026, %parallel_loop3A_1028 : vector<16xi32>
        %parallel_loop3A_1030 = arith.constant 16 : i32
        %parallel_loop3A_1031 = vector.broadcast %parallel_loop3A_1030 : i32 to vector<16xi32>
        %parallel_loop3A_1032 = arith.addi %parallel_loop3A_1026, %parallel_loop3A_1031 : vector<16xi32>
        %parallel_loop3A_1033 = arith.select %parallel_loop3A_1029, %parallel_loop3A_1032, %parallel_loop3A_1026 : vector<16xi1>, vector<16xi32>
        %parallel_loop3A_1034 = vector.shape_cast %parallel_loop3A_1033 : vector<16xi32> to vector<16x1xi32>
        %parallel_loop3A_1035 = vector.shape_cast %parallel_loop3A_1034 : vector<16x1xi32> to vector<16xi32>
        %parallel_loop3A_1036 = tpu.dynamic_gather %parallel_loop3A_409[%parallel_loop3A_1035] in [0] : vector<16xf32>, vector<16xi32> -> vector<16xf32>
        %parallel_loop3A_1037 = arith.maximumf %parallel_loop3A_1017, %parallel_loop3A_1024 : vector<16xf32>
        %parallel_loop3A_1038 = arith.mulf %parallel_loop3A_1037, %parallel_loop3A_1036 : vector<16xf32>
        %parallel_loop3A_1039 = arith.constant 7.500000e+00 : f32
        %parallel_loop3A_1040 = vector.broadcast %parallel_loop3A_1039 : f32 to vector<16xf32>
        %parallel_loop3A_1041 = arith.mulf %parallel_loop3A_1038, %parallel_loop3A_1040 : vector<16xf32>
        %parallel_loop3A_1042 = arith.constant 8.000000e+00 : f32
        %parallel_loop3A_1043 = vector.broadcast %parallel_loop3A_1042 : f32 to vector<16xf32>
        %parallel_loop3A_1044 = arith.addf %parallel_loop3A_1041, %parallel_loop3A_1043 : vector<16xf32>
        %parallel_loop3A_1045 = arith.fptosi %parallel_loop3A_1044 : vector<16xf32> to vector<16xi32>
        %parallel_loop3A_1046 = arith.constant 0 : i32
        %parallel_loop3A_1047 = arith.constant 15 : i32
        %parallel_loop3A_1048 = vector.broadcast %parallel_loop3A_1046 : i32 to vector<16xi32>
        %parallel_loop3A_1049 = arith.maxsi %parallel_loop3A_1048, %parallel_loop3A_1045 : vector<16xi32>
        %parallel_loop3A_1050 = vector.broadcast %parallel_loop3A_1047 : i32 to vector<16xi32>
        %parallel_loop3A_1051 = arith.minsi %parallel_loop3A_1050, %parallel_loop3A_1049 : vector<16xi32>
        %parallel_loop3A_1052 = arith.constant 5.000000e+02 : f32
        %parallel_loop3A_1053 = vector.broadcast %parallel_loop3A_1052 : f32 to vector<16xf32>
        %parallel_loop3A_1054 = arith.mulf %parallel_loop3A_1038, %parallel_loop3A_1053 : vector<16xf32>
        %parallel_loop3A_1055 = arith.constant 5.000000e+02 : f32
        %parallel_loop3A_1056 = vector.broadcast %parallel_loop3A_1055 : f32 to vector<16xf32>
        %parallel_loop3A_1057 = arith.addf %parallel_loop3A_1054, %parallel_loop3A_1056 : vector<16xf32>
        %parallel_loop3A_1058 = arith.sitofp %parallel_loop3A_1051 : vector<16xi32> to vector<16xf32>
        %parallel_loop3A_1059 = arith.constant 66.6666641 : f32
        %parallel_loop3A_1060 = vector.broadcast %parallel_loop3A_1059 : f32 to vector<16xf32>
        %parallel_loop3A_1061 = arith.mulf %parallel_loop3A_1058, %parallel_loop3A_1060 : vector<16xf32>
        %parallel_loop3A_1062 = arith.subf %parallel_loop3A_1057, %parallel_loop3A_1061 : vector<16xf32>
        %parallel_loop3A_1063 = math.exp %parallel_loop3A_1062 : vector<16xf32>
        %parallel_loop3A_1064 = arith.constant 1.000000e+00 : f32
        %parallel_loop3A_1065 = vector.broadcast %parallel_loop3A_1064 : f32 to vector<16xf32>
        %parallel_loop3A_1066 = arith.addf %parallel_loop3A_1065, %parallel_loop3A_1063 : vector<16xf32>
        %parallel_loop3A_1067 = arith.constant -1.000000e+00 : f32
        %parallel_loop3A_1068 = vector.broadcast %parallel_loop3A_1067 : f32 to vector<16xf32>
        %parallel_loop3A_1069 = arith.divf %parallel_loop3A_1068, %parallel_loop3A_1066 : vector<16xf32>
        %parallel_loop3A_1070 = arith.constant 512 : i32
        %parallel_loop3A_1071 = vector.broadcast %parallel_loop3A_1070 : i32 to vector<16xi32>
        %parallel_loop3A_1072 = arith.muli %parallel_loop3A_1051, %parallel_loop3A_1071 : vector<16xi32>
        %parallel_loop3A_1073 = arith.addi %parallel_loop3A_1072, %parallel_loop3A_1021 : vector<16xi32>
        tpu.vector_store_idx %arg8[%parallel_loop3A_1073], %parallel_loop3A_1069 {add = true} : memref<8704xf32, #tpu.memory_space<vmem>>[vector<16xi32>], vector<16xf32>,
        %parallel_loop3A_1074 = arith.constant 512 : i32
        %parallel_loop3A_1075 = vector.broadcast %parallel_loop3A_1074 : i32 to vector<16xi32>
        %parallel_loop3A_1076 = arith.addi %parallel_loop3A_1073, %parallel_loop3A_1075 : vector<16xi32>
        %parallel_loop3A_1077 = arith.constant -1.000000e+00 : f32
        %parallel_loop3A_1078 = vector.broadcast %parallel_loop3A_1077 : f32 to vector<16xf32>
        %parallel_loop3A_1079 = arith.subf %parallel_loop3A_1078, %parallel_loop3A_1069 : vector<16xf32>
        tpu.vector_store_idx %arg8[%parallel_loop3A_1076], %parallel_loop3A_1079 {add = true} : memref<8704xf32, #tpu.memory_space<vmem>>[vector<16xi32>], vector<16xf32>,
        %parallel_loop3A_1080 = arith.constant 10 : i32
        %parallel_loop3A_1081 = arith.addi %parallel_loop3A_407, %parallel_loop3A_1080 : i32
        %parallel_loop3A_1082 = arith.index_cast %parallel_loop3A_1081 : i32 to index
        %parallel_loop3A_1083 = arith.constant 0 : index
        %parallel_loop3A_1084 = tpu.vector_load %arg10[%parallel_loop3A_1082, %parallel_loop3A_1083] {strides = array<i32>} : memref<640x32xf32, #tpu.memory_space<vmem>>, vector<16xf32>,
        %parallel_loop3A_1085 = arith.index_cast %parallel_loop3A_1081 : i32 to index
        %parallel_loop3A_1086 = arith.constant 16 : index
        %parallel_loop3A_1087 = tpu.vector_load %arg10[%parallel_loop3A_1085, %parallel_loop3A_1086] {strides = array<i32>} : memref<640x32xf32, #tpu.memory_space<vmem>>, vector<16xf32>,
        %parallel_loop3A_1088 = arith.fptosi %parallel_loop3A_1087 : vector<16xf32> to vector<16xi32>
        %parallel_loop3A_1089 = arith.index_cast %parallel_loop3A_1081 : i32 to index
        %parallel_loop3A_1090 = arith.constant 0 : index
        %parallel_loop3A_1091 = tpu.vector_load %arg12[%parallel_loop3A_1089, %parallel_loop3A_1090] {strides = array<i32>} : memref<640x16xf32, #tpu.memory_space<vmem>>, vector<16xf32>,
        %parallel_loop3A_1092 = arith.constant 10 : i32
        %parallel_loop3A_1093 = vector.broadcast %parallel_loop3A_1092 : i32 to vector<16xi32>
        %parallel_loop3A_1094 = arith.constant 0 : i32
        %parallel_loop3A_1095 = vector.broadcast %parallel_loop3A_1094 : i32 to vector<16xi32>
        %parallel_loop3A_1096 = arith.cmpi slt, %parallel_loop3A_1093, %parallel_loop3A_1095 : vector<16xi32>
        %parallel_loop3A_1097 = arith.constant 16 : i32
        %parallel_loop3A_1098 = vector.broadcast %parallel_loop3A_1097 : i32 to vector<16xi32>
        %parallel_loop3A_1099 = arith.addi %parallel_loop3A_1093, %parallel_loop3A_1098 : vector<16xi32>
        %parallel_loop3A_1100 = arith.select %parallel_loop3A_1096, %parallel_loop3A_1099, %parallel_loop3A_1093 : vector<16xi1>, vector<16xi32>
        %parallel_loop3A_1101 = vector.shape_cast %parallel_loop3A_1100 : vector<16xi32> to vector<16x1xi32>
        %parallel_loop3A_1102 = vector.shape_cast %parallel_loop3A_1101 : vector<16x1xi32> to vector<16xi32>
        %parallel_loop3A_1103 = tpu.dynamic_gather %parallel_loop3A_409[%parallel_loop3A_1102] in [0] : vector<16xf32>, vector<16xi32> -> vector<16xf32>
        %parallel_loop3A_1104 = arith.maximumf %parallel_loop3A_1084, %parallel_loop3A_1091 : vector<16xf32>
        %parallel_loop3A_1105 = arith.mulf %parallel_loop3A_1104, %parallel_loop3A_1103 : vector<16xf32>
        %parallel_loop3A_1106 = arith.constant 7.500000e+00 : f32
        %parallel_loop3A_1107 = vector.broadcast %parallel_loop3A_1106 : f32 to vector<16xf32>
        %parallel_loop3A_1108 = arith.mulf %parallel_loop3A_1105, %parallel_loop3A_1107 : vector<16xf32>
        %parallel_loop3A_1109 = arith.constant 8.000000e+00 : f32
        %parallel_loop3A_1110 = vector.broadcast %parallel_loop3A_1109 : f32 to vector<16xf32>
        %parallel_loop3A_1111 = arith.addf %parallel_loop3A_1108, %parallel_loop3A_1110 : vector<16xf32>
        %parallel_loop3A_1112 = arith.fptosi %parallel_loop3A_1111 : vector<16xf32> to vector<16xi32>
        %parallel_loop3A_1113 = arith.constant 0 : i32
        %parallel_loop3A_1114 = arith.constant 15 : i32
        %parallel_loop3A_1115 = vector.broadcast %parallel_loop3A_1113 : i32 to vector<16xi32>
        %parallel_loop3A_1116 = arith.maxsi %parallel_loop3A_1115, %parallel_loop3A_1112 : vector<16xi32>
        %parallel_loop3A_1117 = vector.broadcast %parallel_loop3A_1114 : i32 to vector<16xi32>
        %parallel_loop3A_1118 = arith.minsi %parallel_loop3A_1117, %parallel_loop3A_1116 : vector<16xi32>
        %parallel_loop3A_1119 = arith.constant 5.000000e+02 : f32
        %parallel_loop3A_1120 = vector.broadcast %parallel_loop3A_1119 : f32 to vector<16xf32>
        %parallel_loop3A_1121 = arith.mulf %parallel_loop3A_1105, %parallel_loop3A_1120 : vector<16xf32>
        %parallel_loop3A_1122 = arith.constant 5.000000e+02 : f32
        %parallel_loop3A_1123 = vector.broadcast %parallel_loop3A_1122 : f32 to vector<16xf32>
        %parallel_loop3A_1124 = arith.addf %parallel_loop3A_1121, %parallel_loop3A_1123 : vector<16xf32>
        %parallel_loop3A_1125 = arith.sitofp %parallel_loop3A_1118 : vector<16xi32> to vector<16xf32>
        %parallel_loop3A_1126 = arith.constant 66.6666641 : f32
        %parallel_loop3A_1127 = vector.broadcast %parallel_loop3A_1126 : f32 to vector<16xf32>
        %parallel_loop3A_1128 = arith.mulf %parallel_loop3A_1125, %parallel_loop3A_1127 : vector<16xf32>
        %parallel_loop3A_1129 = arith.subf %parallel_loop3A_1124, %parallel_loop3A_1128 : vector<16xf32>
        %parallel_loop3A_1130 = math.exp %parallel_loop3A_1129 : vector<16xf32>
        %parallel_loop3A_1131 = arith.constant 1.000000e+00 : f32
        %parallel_loop3A_1132 = vector.broadcast %parallel_loop3A_1131 : f32 to vector<16xf32>
        %parallel_loop3A_1133 = arith.addf %parallel_loop3A_1132, %parallel_loop3A_1130 : vector<16xf32>
        %parallel_loop3A_1134 = arith.constant -1.000000e+00 : f32
        %parallel_loop3A_1135 = vector.broadcast %parallel_loop3A_1134 : f32 to vector<16xf32>
        %parallel_loop3A_1136 = arith.divf %parallel_loop3A_1135, %parallel_loop3A_1133 : vector<16xf32>
        %parallel_loop3A_1137 = arith.constant 512 : i32
        %parallel_loop3A_1138 = vector.broadcast %parallel_loop3A_1137 : i32 to vector<16xi32>
        %parallel_loop3A_1139 = arith.muli %parallel_loop3A_1118, %parallel_loop3A_1138 : vector<16xi32>
        %parallel_loop3A_1140 = arith.addi %parallel_loop3A_1139, %parallel_loop3A_1088 : vector<16xi32>
        tpu.vector_store_idx %arg8[%parallel_loop3A_1140], %parallel_loop3A_1136 {add = true} : memref<8704xf32, #tpu.memory_space<vmem>>[vector<16xi32>], vector<16xf32>,
        %parallel_loop3A_1141 = arith.constant 512 : i32
        %parallel_loop3A_1142 = vector.broadcast %parallel_loop3A_1141 : i32 to vector<16xi32>
        %parallel_loop3A_1143 = arith.addi %parallel_loop3A_1140, %parallel_loop3A_1142 : vector<16xi32>
        %parallel_loop3A_1144 = arith.constant -1.000000e+00 : f32
        %parallel_loop3A_1145 = vector.broadcast %parallel_loop3A_1144 : f32 to vector<16xf32>
        %parallel_loop3A_1146 = arith.subf %parallel_loop3A_1145, %parallel_loop3A_1136 : vector<16xf32>
        tpu.vector_store_idx %arg8[%parallel_loop3A_1143], %parallel_loop3A_1146 {add = true} : memref<8704xf32, #tpu.memory_space<vmem>>[vector<16xi32>], vector<16xf32>,
        %parallel_loop3A_1147 = arith.constant 11 : i32
        %parallel_loop3A_1148 = arith.addi %parallel_loop3A_407, %parallel_loop3A_1147 : i32
        %parallel_loop3A_1149 = arith.index_cast %parallel_loop3A_1148 : i32 to index
        %parallel_loop3A_1150 = arith.constant 0 : index
        %parallel_loop3A_1151 = tpu.vector_load %arg10[%parallel_loop3A_1149, %parallel_loop3A_1150] {strides = array<i32>} : memref<640x32xf32, #tpu.memory_space<vmem>>, vector<16xf32>,
        %parallel_loop3A_1152 = arith.index_cast %parallel_loop3A_1148 : i32 to index
        %parallel_loop3A_1153 = arith.constant 16 : index
        %parallel_loop3A_1154 = tpu.vector_load %arg10[%parallel_loop3A_1152, %parallel_loop3A_1153] {strides = array<i32>} : memref<640x32xf32, #tpu.memory_space<vmem>>, vector<16xf32>,
        %parallel_loop3A_1155 = arith.fptosi %parallel_loop3A_1154 : vector<16xf32> to vector<16xi32>
        %parallel_loop3A_1156 = arith.index_cast %parallel_loop3A_1148 : i32 to index
        %parallel_loop3A_1157 = arith.constant 0 : index
        %parallel_loop3A_1158 = tpu.vector_load %arg12[%parallel_loop3A_1156, %parallel_loop3A_1157] {strides = array<i32>} : memref<640x16xf32, #tpu.memory_space<vmem>>, vector<16xf32>,
        %parallel_loop3A_1159 = arith.constant 11 : i32
        %parallel_loop3A_1160 = vector.broadcast %parallel_loop3A_1159 : i32 to vector<16xi32>
        %parallel_loop3A_1161 = arith.constant 0 : i32
        %parallel_loop3A_1162 = vector.broadcast %parallel_loop3A_1161 : i32 to vector<16xi32>
        %parallel_loop3A_1163 = arith.cmpi slt, %parallel_loop3A_1160, %parallel_loop3A_1162 : vector<16xi32>
        %parallel_loop3A_1164 = arith.constant 16 : i32
        %parallel_loop3A_1165 = vector.broadcast %parallel_loop3A_1164 : i32 to vector<16xi32>
        %parallel_loop3A_1166 = arith.addi %parallel_loop3A_1160, %parallel_loop3A_1165 : vector<16xi32>
        %parallel_loop3A_1167 = arith.select %parallel_loop3A_1163, %parallel_loop3A_1166, %parallel_loop3A_1160 : vector<16xi1>, vector<16xi32>
        %parallel_loop3A_1168 = vector.shape_cast %parallel_loop3A_1167 : vector<16xi32> to vector<16x1xi32>
        %parallel_loop3A_1169 = vector.shape_cast %parallel_loop3A_1168 : vector<16x1xi32> to vector<16xi32>
        %parallel_loop3A_1170 = tpu.dynamic_gather %parallel_loop3A_409[%parallel_loop3A_1169] in [0] : vector<16xf32>, vector<16xi32> -> vector<16xf32>
        %parallel_loop3A_1171 = arith.maximumf %parallel_loop3A_1151, %parallel_loop3A_1158 : vector<16xf32>
        %parallel_loop3A_1172 = arith.mulf %parallel_loop3A_1171, %parallel_loop3A_1170 : vector<16xf32>
        %parallel_loop3A_1173 = arith.constant 7.500000e+00 : f32
        %parallel_loop3A_1174 = vector.broadcast %parallel_loop3A_1173 : f32 to vector<16xf32>
        %parallel_loop3A_1175 = arith.mulf %parallel_loop3A_1172, %parallel_loop3A_1174 : vector<16xf32>
        %parallel_loop3A_1176 = arith.constant 8.000000e+00 : f32
        %parallel_loop3A_1177 = vector.broadcast %parallel_loop3A_1176 : f32 to vector<16xf32>
        %parallel_loop3A_1178 = arith.addf %parallel_loop3A_1175, %parallel_loop3A_1177 : vector<16xf32>
        %parallel_loop3A_1179 = arith.fptosi %parallel_loop3A_1178 : vector<16xf32> to vector<16xi32>
        %parallel_loop3A_1180 = arith.constant 0 : i32
        %parallel_loop3A_1181 = arith.constant 15 : i32
        %parallel_loop3A_1182 = vector.broadcast %parallel_loop3A_1180 : i32 to vector<16xi32>
        %parallel_loop3A_1183 = arith.maxsi %parallel_loop3A_1182, %parallel_loop3A_1179 : vector<16xi32>
        %parallel_loop3A_1184 = vector.broadcast %parallel_loop3A_1181 : i32 to vector<16xi32>
        %parallel_loop3A_1185 = arith.minsi %parallel_loop3A_1184, %parallel_loop3A_1183 : vector<16xi32>
        %parallel_loop3A_1186 = arith.constant 5.000000e+02 : f32
        %parallel_loop3A_1187 = vector.broadcast %parallel_loop3A_1186 : f32 to vector<16xf32>
        %parallel_loop3A_1188 = arith.mulf %parallel_loop3A_1172, %parallel_loop3A_1187 : vector<16xf32>
        %parallel_loop3A_1189 = arith.constant 5.000000e+02 : f32
        %parallel_loop3A_1190 = vector.broadcast %parallel_loop3A_1189 : f32 to vector<16xf32>
        %parallel_loop3A_1191 = arith.addf %parallel_loop3A_1188, %parallel_loop3A_1190 : vector<16xf32>
        %parallel_loop3A_1192 = arith.sitofp %parallel_loop3A_1185 : vector<16xi32> to vector<16xf32>
        %parallel_loop3A_1193 = arith.constant 66.6666641 : f32
        %parallel_loop3A_1194 = vector.broadcast %parallel_loop3A_1193 : f32 to vector<16xf32>
        %parallel_loop3A_1195 = arith.mulf %parallel_loop3A_1192, %parallel_loop3A_1194 : vector<16xf32>
        %parallel_loop3A_1196 = arith.subf %parallel_loop3A_1191, %parallel_loop3A_1195 : vector<16xf32>
        %parallel_loop3A_1197 = math.exp %parallel_loop3A_1196 : vector<16xf32>
        %parallel_loop3A_1198 = arith.constant 1.000000e+00 : f32
        %parallel_loop3A_1199 = vector.broadcast %parallel_loop3A_1198 : f32 to vector<16xf32>
        %parallel_loop3A_1200 = arith.addf %parallel_loop3A_1199, %parallel_loop3A_1197 : vector<16xf32>
        %parallel_loop3A_1201 = arith.constant -1.000000e+00 : f32
        %parallel_loop3A_1202 = vector.broadcast %parallel_loop3A_1201 : f32 to vector<16xf32>
        %parallel_loop3A_1203 = arith.divf %parallel_loop3A_1202, %parallel_loop3A_1200 : vector<16xf32>
        %parallel_loop3A_1204 = arith.constant 512 : i32
        %parallel_loop3A_1205 = vector.broadcast %parallel_loop3A_1204 : i32 to vector<16xi32>
        %parallel_loop3A_1206 = arith.muli %parallel_loop3A_1185, %parallel_loop3A_1205 : vector<16xi32>
        %parallel_loop3A_1207 = arith.addi %parallel_loop3A_1206, %parallel_loop3A_1155 : vector<16xi32>
        tpu.vector_store_idx %arg8[%parallel_loop3A_1207], %parallel_loop3A_1203 {add = true} : memref<8704xf32, #tpu.memory_space<vmem>>[vector<16xi32>], vector<16xf32>,
        %parallel_loop3A_1208 = arith.constant 512 : i32
        %parallel_loop3A_1209 = vector.broadcast %parallel_loop3A_1208 : i32 to vector<16xi32>
        %parallel_loop3A_1210 = arith.addi %parallel_loop3A_1207, %parallel_loop3A_1209 : vector<16xi32>
        %parallel_loop3A_1211 = arith.constant -1.000000e+00 : f32
        %parallel_loop3A_1212 = vector.broadcast %parallel_loop3A_1211 : f32 to vector<16xf32>
        %parallel_loop3A_1213 = arith.subf %parallel_loop3A_1212, %parallel_loop3A_1203 : vector<16xf32>
        tpu.vector_store_idx %arg8[%parallel_loop3A_1210], %parallel_loop3A_1213 {add = true} : memref<8704xf32, #tpu.memory_space<vmem>>[vector<16xi32>], vector<16xf32>,
        %parallel_loop3A_1214 = arith.constant 12 : i32
        %parallel_loop3A_1215 = arith.addi %parallel_loop3A_407, %parallel_loop3A_1214 : i32
        %parallel_loop3A_1216 = arith.index_cast %parallel_loop3A_1215 : i32 to index
        %parallel_loop3A_1217 = arith.constant 0 : index
        %parallel_loop3A_1218 = tpu.vector_load %arg10[%parallel_loop3A_1216, %parallel_loop3A_1217] {strides = array<i32>} : memref<640x32xf32, #tpu.memory_space<vmem>>, vector<16xf32>,
        %parallel_loop3A_1219 = arith.index_cast %parallel_loop3A_1215 : i32 to index
        %parallel_loop3A_1220 = arith.constant 16 : index
        %parallel_loop3A_1221 = tpu.vector_load %arg10[%parallel_loop3A_1219, %parallel_loop3A_1220] {strides = array<i32>} : memref<640x32xf32, #tpu.memory_space<vmem>>, vector<16xf32>,
        %parallel_loop3A_1222 = arith.fptosi %parallel_loop3A_1221 : vector<16xf32> to vector<16xi32>
        %parallel_loop3A_1223 = arith.index_cast %parallel_loop3A_1215 : i32 to index
        %parallel_loop3A_1224 = arith.constant 0 : index
        %parallel_loop3A_1225 = tpu.vector_load %arg12[%parallel_loop3A_1223, %parallel_loop3A_1224] {strides = array<i32>} : memref<640x16xf32, #tpu.memory_space<vmem>>, vector<16xf32>,
        %parallel_loop3A_1226 = arith.constant 12 : i32
        %parallel_loop3A_1227 = vector.broadcast %parallel_loop3A_1226 : i32 to vector<16xi32>
        %parallel_loop3A_1228 = arith.constant 0 : i32
        %parallel_loop3A_1229 = vector.broadcast %parallel_loop3A_1228 : i32 to vector<16xi32>
        %parallel_loop3A_1230 = arith.cmpi slt, %parallel_loop3A_1227, %parallel_loop3A_1229 : vector<16xi32>
        %parallel_loop3A_1231 = arith.constant 16 : i32
        %parallel_loop3A_1232 = vector.broadcast %parallel_loop3A_1231 : i32 to vector<16xi32>
        %parallel_loop3A_1233 = arith.addi %parallel_loop3A_1227, %parallel_loop3A_1232 : vector<16xi32>
        %parallel_loop3A_1234 = arith.select %parallel_loop3A_1230, %parallel_loop3A_1233, %parallel_loop3A_1227 : vector<16xi1>, vector<16xi32>
        %parallel_loop3A_1235 = vector.shape_cast %parallel_loop3A_1234 : vector<16xi32> to vector<16x1xi32>
        %parallel_loop3A_1236 = vector.shape_cast %parallel_loop3A_1235 : vector<16x1xi32> to vector<16xi32>
        %parallel_loop3A_1237 = tpu.dynamic_gather %parallel_loop3A_409[%parallel_loop3A_1236] in [0] : vector<16xf32>, vector<16xi32> -> vector<16xf32>
        %parallel_loop3A_1238 = arith.maximumf %parallel_loop3A_1218, %parallel_loop3A_1225 : vector<16xf32>
        %parallel_loop3A_1239 = arith.mulf %parallel_loop3A_1238, %parallel_loop3A_1237 : vector<16xf32>
        %parallel_loop3A_1240 = arith.constant 7.500000e+00 : f32
        %parallel_loop3A_1241 = vector.broadcast %parallel_loop3A_1240 : f32 to vector<16xf32>
        %parallel_loop3A_1242 = arith.mulf %parallel_loop3A_1239, %parallel_loop3A_1241 : vector<16xf32>
        %parallel_loop3A_1243 = arith.constant 8.000000e+00 : f32
        %parallel_loop3A_1244 = vector.broadcast %parallel_loop3A_1243 : f32 to vector<16xf32>
        %parallel_loop3A_1245 = arith.addf %parallel_loop3A_1242, %parallel_loop3A_1244 : vector<16xf32>
        %parallel_loop3A_1246 = arith.fptosi %parallel_loop3A_1245 : vector<16xf32> to vector<16xi32>
        %parallel_loop3A_1247 = arith.constant 0 : i32
        %parallel_loop3A_1248 = arith.constant 15 : i32
        %parallel_loop3A_1249 = vector.broadcast %parallel_loop3A_1247 : i32 to vector<16xi32>
        %parallel_loop3A_1250 = arith.maxsi %parallel_loop3A_1249, %parallel_loop3A_1246 : vector<16xi32>
        %parallel_loop3A_1251 = vector.broadcast %parallel_loop3A_1248 : i32 to vector<16xi32>
        %parallel_loop3A_1252 = arith.minsi %parallel_loop3A_1251, %parallel_loop3A_1250 : vector<16xi32>
        %parallel_loop3A_1253 = arith.constant 5.000000e+02 : f32
        %parallel_loop3A_1254 = vector.broadcast %parallel_loop3A_1253 : f32 to vector<16xf32>
        %parallel_loop3A_1255 = arith.mulf %parallel_loop3A_1239, %parallel_loop3A_1254 : vector<16xf32>
        %parallel_loop3A_1256 = arith.constant 5.000000e+02 : f32
        %parallel_loop3A_1257 = vector.broadcast %parallel_loop3A_1256 : f32 to vector<16xf32>
        %parallel_loop3A_1258 = arith.addf %parallel_loop3A_1255, %parallel_loop3A_1257 : vector<16xf32>
        %parallel_loop3A_1259 = arith.sitofp %parallel_loop3A_1252 : vector<16xi32> to vector<16xf32>
        %parallel_loop3A_1260 = arith.constant 66.6666641 : f32
        %parallel_loop3A_1261 = vector.broadcast %parallel_loop3A_1260 : f32 to vector<16xf32>
        %parallel_loop3A_1262 = arith.mulf %parallel_loop3A_1259, %parallel_loop3A_1261 : vector<16xf32>
        %parallel_loop3A_1263 = arith.subf %parallel_loop3A_1258, %parallel_loop3A_1262 : vector<16xf32>
        %parallel_loop3A_1264 = math.exp %parallel_loop3A_1263 : vector<16xf32>
        %parallel_loop3A_1265 = arith.constant 1.000000e+00 : f32
        %parallel_loop3A_1266 = vector.broadcast %parallel_loop3A_1265 : f32 to vector<16xf32>
        %parallel_loop3A_1267 = arith.addf %parallel_loop3A_1266, %parallel_loop3A_1264 : vector<16xf32>
        %parallel_loop3A_1268 = arith.constant -1.000000e+00 : f32
        %parallel_loop3A_1269 = vector.broadcast %parallel_loop3A_1268 : f32 to vector<16xf32>
        %parallel_loop3A_1270 = arith.divf %parallel_loop3A_1269, %parallel_loop3A_1267 : vector<16xf32>
        %parallel_loop3A_1271 = arith.constant 512 : i32
        %parallel_loop3A_1272 = vector.broadcast %parallel_loop3A_1271 : i32 to vector<16xi32>
        %parallel_loop3A_1273 = arith.muli %parallel_loop3A_1252, %parallel_loop3A_1272 : vector<16xi32>
        %parallel_loop3A_1274 = arith.addi %parallel_loop3A_1273, %parallel_loop3A_1222 : vector<16xi32>
        tpu.vector_store_idx %arg8[%parallel_loop3A_1274], %parallel_loop3A_1270 {add = true} : memref<8704xf32, #tpu.memory_space<vmem>>[vector<16xi32>], vector<16xf32>,
        %parallel_loop3A_1275 = arith.constant 512 : i32
        %parallel_loop3A_1276 = vector.broadcast %parallel_loop3A_1275 : i32 to vector<16xi32>
        %parallel_loop3A_1277 = arith.addi %parallel_loop3A_1274, %parallel_loop3A_1276 : vector<16xi32>
        %parallel_loop3A_1278 = arith.constant -1.000000e+00 : f32
        %parallel_loop3A_1279 = vector.broadcast %parallel_loop3A_1278 : f32 to vector<16xf32>
        %parallel_loop3A_1280 = arith.subf %parallel_loop3A_1279, %parallel_loop3A_1270 : vector<16xf32>
        tpu.vector_store_idx %arg8[%parallel_loop3A_1277], %parallel_loop3A_1280 {add = true} : memref<8704xf32, #tpu.memory_space<vmem>>[vector<16xi32>], vector<16xf32>,
        %parallel_loop3A_1281 = arith.constant 13 : i32
        %parallel_loop3A_1282 = arith.addi %parallel_loop3A_407, %parallel_loop3A_1281 : i32
        %parallel_loop3A_1283 = arith.index_cast %parallel_loop3A_1282 : i32 to index
        %parallel_loop3A_1284 = arith.constant 0 : index
        %parallel_loop3A_1285 = tpu.vector_load %arg10[%parallel_loop3A_1283, %parallel_loop3A_1284] {strides = array<i32>} : memref<640x32xf32, #tpu.memory_space<vmem>>, vector<16xf32>,
        %parallel_loop3A_1286 = arith.index_cast %parallel_loop3A_1282 : i32 to index
        %parallel_loop3A_1287 = arith.constant 16 : index
        %parallel_loop3A_1288 = tpu.vector_load %arg10[%parallel_loop3A_1286, %parallel_loop3A_1287] {strides = array<i32>} : memref<640x32xf32, #tpu.memory_space<vmem>>, vector<16xf32>,
        %parallel_loop3A_1289 = arith.fptosi %parallel_loop3A_1288 : vector<16xf32> to vector<16xi32>
        %parallel_loop3A_1290 = arith.index_cast %parallel_loop3A_1282 : i32 to index
        %parallel_loop3A_1291 = arith.constant 0 : index
        %parallel_loop3A_1292 = tpu.vector_load %arg12[%parallel_loop3A_1290, %parallel_loop3A_1291] {strides = array<i32>} : memref<640x16xf32, #tpu.memory_space<vmem>>, vector<16xf32>,
        %parallel_loop3A_1293 = arith.constant 13 : i32
        %parallel_loop3A_1294 = vector.broadcast %parallel_loop3A_1293 : i32 to vector<16xi32>
        %parallel_loop3A_1295 = arith.constant 0 : i32
        %parallel_loop3A_1296 = vector.broadcast %parallel_loop3A_1295 : i32 to vector<16xi32>
        %parallel_loop3A_1297 = arith.cmpi slt, %parallel_loop3A_1294, %parallel_loop3A_1296 : vector<16xi32>
        %parallel_loop3A_1298 = arith.constant 16 : i32
        %parallel_loop3A_1299 = vector.broadcast %parallel_loop3A_1298 : i32 to vector<16xi32>
        %parallel_loop3A_1300 = arith.addi %parallel_loop3A_1294, %parallel_loop3A_1299 : vector<16xi32>
        %parallel_loop3A_1301 = arith.select %parallel_loop3A_1297, %parallel_loop3A_1300, %parallel_loop3A_1294 : vector<16xi1>, vector<16xi32>
        %parallel_loop3A_1302 = vector.shape_cast %parallel_loop3A_1301 : vector<16xi32> to vector<16x1xi32>
        %parallel_loop3A_1303 = vector.shape_cast %parallel_loop3A_1302 : vector<16x1xi32> to vector<16xi32>
        %parallel_loop3A_1304 = tpu.dynamic_gather %parallel_loop3A_409[%parallel_loop3A_1303] in [0] : vector<16xf32>, vector<16xi32> -> vector<16xf32>
        %parallel_loop3A_1305 = arith.maximumf %parallel_loop3A_1285, %parallel_loop3A_1292 : vector<16xf32>
        %parallel_loop3A_1306 = arith.mulf %parallel_loop3A_1305, %parallel_loop3A_1304 : vector<16xf32>
        %parallel_loop3A_1307 = arith.constant 7.500000e+00 : f32
        %parallel_loop3A_1308 = vector.broadcast %parallel_loop3A_1307 : f32 to vector<16xf32>
        %parallel_loop3A_1309 = arith.mulf %parallel_loop3A_1306, %parallel_loop3A_1308 : vector<16xf32>
        %parallel_loop3A_1310 = arith.constant 8.000000e+00 : f32
        %parallel_loop3A_1311 = vector.broadcast %parallel_loop3A_1310 : f32 to vector<16xf32>
        %parallel_loop3A_1312 = arith.addf %parallel_loop3A_1309, %parallel_loop3A_1311 : vector<16xf32>
        %parallel_loop3A_1313 = arith.fptosi %parallel_loop3A_1312 : vector<16xf32> to vector<16xi32>
        %parallel_loop3A_1314 = arith.constant 0 : i32
        %parallel_loop3A_1315 = arith.constant 15 : i32
        %parallel_loop3A_1316 = vector.broadcast %parallel_loop3A_1314 : i32 to vector<16xi32>
        %parallel_loop3A_1317 = arith.maxsi %parallel_loop3A_1316, %parallel_loop3A_1313 : vector<16xi32>
        %parallel_loop3A_1318 = vector.broadcast %parallel_loop3A_1315 : i32 to vector<16xi32>
        %parallel_loop3A_1319 = arith.minsi %parallel_loop3A_1318, %parallel_loop3A_1317 : vector<16xi32>
        %parallel_loop3A_1320 = arith.constant 5.000000e+02 : f32
        %parallel_loop3A_1321 = vector.broadcast %parallel_loop3A_1320 : f32 to vector<16xf32>
        %parallel_loop3A_1322 = arith.mulf %parallel_loop3A_1306, %parallel_loop3A_1321 : vector<16xf32>
        %parallel_loop3A_1323 = arith.constant 5.000000e+02 : f32
        %parallel_loop3A_1324 = vector.broadcast %parallel_loop3A_1323 : f32 to vector<16xf32>
        %parallel_loop3A_1325 = arith.addf %parallel_loop3A_1322, %parallel_loop3A_1324 : vector<16xf32>
        %parallel_loop3A_1326 = arith.sitofp %parallel_loop3A_1319 : vector<16xi32> to vector<16xf32>
        %parallel_loop3A_1327 = arith.constant 66.6666641 : f32
        %parallel_loop3A_1328 = vector.broadcast %parallel_loop3A_1327 : f32 to vector<16xf32>
        %parallel_loop3A_1329 = arith.mulf %parallel_loop3A_1326, %parallel_loop3A_1328 : vector<16xf32>
        %parallel_loop3A_1330 = arith.subf %parallel_loop3A_1325, %parallel_loop3A_1329 : vector<16xf32>
        %parallel_loop3A_1331 = math.exp %parallel_loop3A_1330 : vector<16xf32>
        %parallel_loop3A_1332 = arith.constant 1.000000e+00 : f32
        %parallel_loop3A_1333 = vector.broadcast %parallel_loop3A_1332 : f32 to vector<16xf32>
        %parallel_loop3A_1334 = arith.addf %parallel_loop3A_1333, %parallel_loop3A_1331 : vector<16xf32>
        %parallel_loop3A_1335 = arith.constant -1.000000e+00 : f32
        %parallel_loop3A_1336 = vector.broadcast %parallel_loop3A_1335 : f32 to vector<16xf32>
        %parallel_loop3A_1337 = arith.divf %parallel_loop3A_1336, %parallel_loop3A_1334 : vector<16xf32>
        %parallel_loop3A_1338 = arith.constant 512 : i32
        %parallel_loop3A_1339 = vector.broadcast %parallel_loop3A_1338 : i32 to vector<16xi32>
        %parallel_loop3A_1340 = arith.muli %parallel_loop3A_1319, %parallel_loop3A_1339 : vector<16xi32>
        %parallel_loop3A_1341 = arith.addi %parallel_loop3A_1340, %parallel_loop3A_1289 : vector<16xi32>
        tpu.vector_store_idx %arg8[%parallel_loop3A_1341], %parallel_loop3A_1337 {add = true} : memref<8704xf32, #tpu.memory_space<vmem>>[vector<16xi32>], vector<16xf32>,
        %parallel_loop3A_1342 = arith.constant 512 : i32
        %parallel_loop3A_1343 = vector.broadcast %parallel_loop3A_1342 : i32 to vector<16xi32>
        %parallel_loop3A_1344 = arith.addi %parallel_loop3A_1341, %parallel_loop3A_1343 : vector<16xi32>
        %parallel_loop3A_1345 = arith.constant -1.000000e+00 : f32
        %parallel_loop3A_1346 = vector.broadcast %parallel_loop3A_1345 : f32 to vector<16xf32>
        %parallel_loop3A_1347 = arith.subf %parallel_loop3A_1346, %parallel_loop3A_1337 : vector<16xf32>
        tpu.vector_store_idx %arg8[%parallel_loop3A_1344], %parallel_loop3A_1347 {add = true} : memref<8704xf32, #tpu.memory_space<vmem>>[vector<16xi32>], vector<16xf32>,
        %parallel_loop3A_1348 = arith.constant 14 : i32
        %parallel_loop3A_1349 = arith.addi %parallel_loop3A_407, %parallel_loop3A_1348 : i32
        %parallel_loop3A_1350 = arith.index_cast %parallel_loop3A_1349 : i32 to index
        %parallel_loop3A_1351 = arith.constant 0 : index
        %parallel_loop3A_1352 = tpu.vector_load %arg10[%parallel_loop3A_1350, %parallel_loop3A_1351] {strides = array<i32>} : memref<640x32xf32, #tpu.memory_space<vmem>>, vector<16xf32>,
        %parallel_loop3A_1353 = arith.index_cast %parallel_loop3A_1349 : i32 to index
        %parallel_loop3A_1354 = arith.constant 16 : index
        %parallel_loop3A_1355 = tpu.vector_load %arg10[%parallel_loop3A_1353, %parallel_loop3A_1354] {strides = array<i32>} : memref<640x32xf32, #tpu.memory_space<vmem>>, vector<16xf32>,
        %parallel_loop3A_1356 = arith.fptosi %parallel_loop3A_1355 : vector<16xf32> to vector<16xi32>
        %parallel_loop3A_1357 = arith.index_cast %parallel_loop3A_1349 : i32 to index
        %parallel_loop3A_1358 = arith.constant 0 : index
        %parallel_loop3A_1359 = tpu.vector_load %arg12[%parallel_loop3A_1357, %parallel_loop3A_1358] {strides = array<i32>} : memref<640x16xf32, #tpu.memory_space<vmem>>, vector<16xf32>,
        %parallel_loop3A_1360 = arith.constant 14 : i32
        %parallel_loop3A_1361 = vector.broadcast %parallel_loop3A_1360 : i32 to vector<16xi32>
        %parallel_loop3A_1362 = arith.constant 0 : i32
        %parallel_loop3A_1363 = vector.broadcast %parallel_loop3A_1362 : i32 to vector<16xi32>
        %parallel_loop3A_1364 = arith.cmpi slt, %parallel_loop3A_1361, %parallel_loop3A_1363 : vector<16xi32>
        %parallel_loop3A_1365 = arith.constant 16 : i32
        %parallel_loop3A_1366 = vector.broadcast %parallel_loop3A_1365 : i32 to vector<16xi32>
        %parallel_loop3A_1367 = arith.addi %parallel_loop3A_1361, %parallel_loop3A_1366 : vector<16xi32>
        %parallel_loop3A_1368 = arith.select %parallel_loop3A_1364, %parallel_loop3A_1367, %parallel_loop3A_1361 : vector<16xi1>, vector<16xi32>
        %parallel_loop3A_1369 = vector.shape_cast %parallel_loop3A_1368 : vector<16xi32> to vector<16x1xi32>
        %parallel_loop3A_1370 = vector.shape_cast %parallel_loop3A_1369 : vector<16x1xi32> to vector<16xi32>
        %parallel_loop3A_1371 = tpu.dynamic_gather %parallel_loop3A_409[%parallel_loop3A_1370] in [0] : vector<16xf32>, vector<16xi32> -> vector<16xf32>
        %parallel_loop3A_1372 = arith.maximumf %parallel_loop3A_1352, %parallel_loop3A_1359 : vector<16xf32>
        %parallel_loop3A_1373 = arith.mulf %parallel_loop3A_1372, %parallel_loop3A_1371 : vector<16xf32>
        %parallel_loop3A_1374 = arith.constant 7.500000e+00 : f32
        %parallel_loop3A_1375 = vector.broadcast %parallel_loop3A_1374 : f32 to vector<16xf32>
        %parallel_loop3A_1376 = arith.mulf %parallel_loop3A_1373, %parallel_loop3A_1375 : vector<16xf32>
        %parallel_loop3A_1377 = arith.constant 8.000000e+00 : f32
        %parallel_loop3A_1378 = vector.broadcast %parallel_loop3A_1377 : f32 to vector<16xf32>
        %parallel_loop3A_1379 = arith.addf %parallel_loop3A_1376, %parallel_loop3A_1378 : vector<16xf32>
        %parallel_loop3A_1380 = arith.fptosi %parallel_loop3A_1379 : vector<16xf32> to vector<16xi32>
        %parallel_loop3A_1381 = arith.constant 0 : i32
        %parallel_loop3A_1382 = arith.constant 15 : i32
        %parallel_loop3A_1383 = vector.broadcast %parallel_loop3A_1381 : i32 to vector<16xi32>
        %parallel_loop3A_1384 = arith.maxsi %parallel_loop3A_1383, %parallel_loop3A_1380 : vector<16xi32>
        %parallel_loop3A_1385 = vector.broadcast %parallel_loop3A_1382 : i32 to vector<16xi32>
        %parallel_loop3A_1386 = arith.minsi %parallel_loop3A_1385, %parallel_loop3A_1384 : vector<16xi32>
        %parallel_loop3A_1387 = arith.constant 5.000000e+02 : f32
        %parallel_loop3A_1388 = vector.broadcast %parallel_loop3A_1387 : f32 to vector<16xf32>
        %parallel_loop3A_1389 = arith.mulf %parallel_loop3A_1373, %parallel_loop3A_1388 : vector<16xf32>
        %parallel_loop3A_1390 = arith.constant 5.000000e+02 : f32
        %parallel_loop3A_1391 = vector.broadcast %parallel_loop3A_1390 : f32 to vector<16xf32>
        %parallel_loop3A_1392 = arith.addf %parallel_loop3A_1389, %parallel_loop3A_1391 : vector<16xf32>
        %parallel_loop3A_1393 = arith.sitofp %parallel_loop3A_1386 : vector<16xi32> to vector<16xf32>
        %parallel_loop3A_1394 = arith.constant 66.6666641 : f32
        %parallel_loop3A_1395 = vector.broadcast %parallel_loop3A_1394 : f32 to vector<16xf32>
        %parallel_loop3A_1396 = arith.mulf %parallel_loop3A_1393, %parallel_loop3A_1395 : vector<16xf32>
        %parallel_loop3A_1397 = arith.subf %parallel_loop3A_1392, %parallel_loop3A_1396 : vector<16xf32>
        %parallel_loop3A_1398 = math.exp %parallel_loop3A_1397 : vector<16xf32>
        %parallel_loop3A_1399 = arith.constant 1.000000e+00 : f32
        %parallel_loop3A_1400 = vector.broadcast %parallel_loop3A_1399 : f32 to vector<16xf32>
        %parallel_loop3A_1401 = arith.addf %parallel_loop3A_1400, %parallel_loop3A_1398 : vector<16xf32>
        %parallel_loop3A_1402 = arith.constant -1.000000e+00 : f32
        %parallel_loop3A_1403 = vector.broadcast %parallel_loop3A_1402 : f32 to vector<16xf32>
        %parallel_loop3A_1404 = arith.divf %parallel_loop3A_1403, %parallel_loop3A_1401 : vector<16xf32>
        %parallel_loop3A_1405 = arith.constant 512 : i32
        %parallel_loop3A_1406 = vector.broadcast %parallel_loop3A_1405 : i32 to vector<16xi32>
        %parallel_loop3A_1407 = arith.muli %parallel_loop3A_1386, %parallel_loop3A_1406 : vector<16xi32>
        %parallel_loop3A_1408 = arith.addi %parallel_loop3A_1407, %parallel_loop3A_1356 : vector<16xi32>
        tpu.vector_store_idx %arg8[%parallel_loop3A_1408], %parallel_loop3A_1404 {add = true} : memref<8704xf32, #tpu.memory_space<vmem>>[vector<16xi32>], vector<16xf32>,
        %parallel_loop3A_1409 = arith.constant 512 : i32
        %parallel_loop3A_1410 = vector.broadcast %parallel_loop3A_1409 : i32 to vector<16xi32>
        %parallel_loop3A_1411 = arith.addi %parallel_loop3A_1408, %parallel_loop3A_1410 : vector<16xi32>
        %parallel_loop3A_1412 = arith.constant -1.000000e+00 : f32
        %parallel_loop3A_1413 = vector.broadcast %parallel_loop3A_1412 : f32 to vector<16xf32>
        %parallel_loop3A_1414 = arith.subf %parallel_loop3A_1413, %parallel_loop3A_1404 : vector<16xf32>
        tpu.vector_store_idx %arg8[%parallel_loop3A_1411], %parallel_loop3A_1414 {add = true} : memref<8704xf32, #tpu.memory_space<vmem>>[vector<16xi32>], vector<16xf32>,
        %parallel_loop3A_1415 = arith.constant 15 : i32
        %parallel_loop3A_1416 = arith.addi %parallel_loop3A_407, %parallel_loop3A_1415 : i32
        %parallel_loop3A_1417 = arith.index_cast %parallel_loop3A_1416 : i32 to index
        %parallel_loop3A_1418 = arith.constant 0 : index
        %parallel_loop3A_1419 = tpu.vector_load %arg10[%parallel_loop3A_1417, %parallel_loop3A_1418] {strides = array<i32>} : memref<640x32xf32, #tpu.memory_space<vmem>>, vector<16xf32>,
        %parallel_loop3A_1420 = arith.index_cast %parallel_loop3A_1416 : i32 to index
        %parallel_loop3A_1421 = arith.constant 16 : index
        %parallel_loop3A_1422 = tpu.vector_load %arg10[%parallel_loop3A_1420, %parallel_loop3A_1421] {strides = array<i32>} : memref<640x32xf32, #tpu.memory_space<vmem>>, vector<16xf32>,
        %parallel_loop3A_1423 = arith.fptosi %parallel_loop3A_1422 : vector<16xf32> to vector<16xi32>
        %parallel_loop3A_1424 = arith.index_cast %parallel_loop3A_1416 : i32 to index
        %parallel_loop3A_1425 = arith.constant 0 : index
        %parallel_loop3A_1426 = tpu.vector_load %arg12[%parallel_loop3A_1424, %parallel_loop3A_1425] {strides = array<i32>} : memref<640x16xf32, #tpu.memory_space<vmem>>, vector<16xf32>,
        %parallel_loop3A_1427 = arith.constant 15 : i32
        %parallel_loop3A_1428 = vector.broadcast %parallel_loop3A_1427 : i32 to vector<16xi32>
        %parallel_loop3A_1429 = arith.constant 0 : i32
        %parallel_loop3A_1430 = vector.broadcast %parallel_loop3A_1429 : i32 to vector<16xi32>
        %parallel_loop3A_1431 = arith.cmpi slt, %parallel_loop3A_1428, %parallel_loop3A_1430 : vector<16xi32>
        %parallel_loop3A_1432 = arith.constant 16 : i32
        %parallel_loop3A_1433 = vector.broadcast %parallel_loop3A_1432 : i32 to vector<16xi32>
        %parallel_loop3A_1434 = arith.addi %parallel_loop3A_1428, %parallel_loop3A_1433 : vector<16xi32>
        %parallel_loop3A_1435 = arith.select %parallel_loop3A_1431, %parallel_loop3A_1434, %parallel_loop3A_1428 : vector<16xi1>, vector<16xi32>
        %parallel_loop3A_1436 = vector.shape_cast %parallel_loop3A_1435 : vector<16xi32> to vector<16x1xi32>
        %parallel_loop3A_1437 = vector.shape_cast %parallel_loop3A_1436 : vector<16x1xi32> to vector<16xi32>
        %parallel_loop3A_1438 = tpu.dynamic_gather %parallel_loop3A_409[%parallel_loop3A_1437] in [0] : vector<16xf32>, vector<16xi32> -> vector<16xf32>
        %parallel_loop3A_1439 = arith.maximumf %parallel_loop3A_1419, %parallel_loop3A_1426 : vector<16xf32>
        %parallel_loop3A_1440 = arith.mulf %parallel_loop3A_1439, %parallel_loop3A_1438 : vector<16xf32>
        %parallel_loop3A_1441 = arith.constant 7.500000e+00 : f32
        %parallel_loop3A_1442 = vector.broadcast %parallel_loop3A_1441 : f32 to vector<16xf32>
        %parallel_loop3A_1443 = arith.mulf %parallel_loop3A_1440, %parallel_loop3A_1442 : vector<16xf32>
        %parallel_loop3A_1444 = arith.constant 8.000000e+00 : f32
        %parallel_loop3A_1445 = vector.broadcast %parallel_loop3A_1444 : f32 to vector<16xf32>
        %parallel_loop3A_1446 = arith.addf %parallel_loop3A_1443, %parallel_loop3A_1445 : vector<16xf32>
        %parallel_loop3A_1447 = arith.fptosi %parallel_loop3A_1446 : vector<16xf32> to vector<16xi32>
        %parallel_loop3A_1448 = arith.constant 0 : i32
        %parallel_loop3A_1449 = arith.constant 15 : i32
        %parallel_loop3A_1450 = vector.broadcast %parallel_loop3A_1448 : i32 to vector<16xi32>
        %parallel_loop3A_1451 = arith.maxsi %parallel_loop3A_1450, %parallel_loop3A_1447 : vector<16xi32>
        %parallel_loop3A_1452 = vector.broadcast %parallel_loop3A_1449 : i32 to vector<16xi32>
        %parallel_loop3A_1453 = arith.minsi %parallel_loop3A_1452, %parallel_loop3A_1451 : vector<16xi32>
        %parallel_loop3A_1454 = arith.constant 5.000000e+02 : f32
        %parallel_loop3A_1455 = vector.broadcast %parallel_loop3A_1454 : f32 to vector<16xf32>
        %parallel_loop3A_1456 = arith.mulf %parallel_loop3A_1440, %parallel_loop3A_1455 : vector<16xf32>
        %parallel_loop3A_1457 = arith.constant 5.000000e+02 : f32
        %parallel_loop3A_1458 = vector.broadcast %parallel_loop3A_1457 : f32 to vector<16xf32>
        %parallel_loop3A_1459 = arith.addf %parallel_loop3A_1456, %parallel_loop3A_1458 : vector<16xf32>
        %parallel_loop3A_1460 = arith.sitofp %parallel_loop3A_1453 : vector<16xi32> to vector<16xf32>
        %parallel_loop3A_1461 = arith.constant 66.6666641 : f32
        %parallel_loop3A_1462 = vector.broadcast %parallel_loop3A_1461 : f32 to vector<16xf32>
        %parallel_loop3A_1463 = arith.mulf %parallel_loop3A_1460, %parallel_loop3A_1462 : vector<16xf32>
        %parallel_loop3A_1464 = arith.subf %parallel_loop3A_1459, %parallel_loop3A_1463 : vector<16xf32>
        %parallel_loop3A_1465 = math.exp %parallel_loop3A_1464 : vector<16xf32>
        %parallel_loop3A_1466 = arith.constant 1.000000e+00 : f32
        %parallel_loop3A_1467 = vector.broadcast %parallel_loop3A_1466 : f32 to vector<16xf32>
        %parallel_loop3A_1468 = arith.addf %parallel_loop3A_1467, %parallel_loop3A_1465 : vector<16xf32>
        %parallel_loop3A_1469 = arith.constant -1.000000e+00 : f32
        %parallel_loop3A_1470 = vector.broadcast %parallel_loop3A_1469 : f32 to vector<16xf32>
        %parallel_loop3A_1471 = arith.divf %parallel_loop3A_1470, %parallel_loop3A_1468 : vector<16xf32>
        %parallel_loop3A_1472 = arith.constant 512 : i32
        %parallel_loop3A_1473 = vector.broadcast %parallel_loop3A_1472 : i32 to vector<16xi32>
        %parallel_loop3A_1474 = arith.muli %parallel_loop3A_1453, %parallel_loop3A_1473 : vector<16xi32>
        %parallel_loop3A_1475 = arith.addi %parallel_loop3A_1474, %parallel_loop3A_1423 : vector<16xi32>
        tpu.vector_store_idx %arg8[%parallel_loop3A_1475], %parallel_loop3A_1471 {add = true} : memref<8704xf32, #tpu.memory_space<vmem>>[vector<16xi32>], vector<16xf32>,
        %parallel_loop3A_1476 = arith.constant 512 : i32
        %parallel_loop3A_1477 = vector.broadcast %parallel_loop3A_1476 : i32 to vector<16xi32>
        %parallel_loop3A_1478 = arith.addi %parallel_loop3A_1475, %parallel_loop3A_1477 : vector<16xi32>
        %parallel_loop3A_1479 = arith.constant -1.000000e+00 : f32
        %parallel_loop3A_1480 = vector.broadcast %parallel_loop3A_1479 : f32 to vector<16xf32>
        %parallel_loop3A_1481 = arith.subf %parallel_loop3A_1480, %parallel_loop3A_1471 : vector<16xf32>
        tpu.vector_store_idx %arg8[%parallel_loop3A_1478], %parallel_loop3A_1481 {add = true} : memref<8704xf32, #tpu.memory_space<vmem>>[vector<16xi32>], vector<16xf32>,
      } {sc.loop_unroll_factor = 2 : i64, sc.parallel_access}
      %convert_element_type3A_401 = arith.extui %lt3A_139 : i1 to i32
      %cond3A_402 = arith.constant 0 : i32
      %cond3A_403 = arith.cmpi ne, %convert_element_type3A_401, %cond3A_402 : i32
      scf.if %cond3A_403 {
        %add3A_405 = arith.constant 3 : i32
        %add3A_406 = arith.addi %mul3A_138, %add3A_405 : i32
        %mul3A_407 = arith.constant 8 : i32
        %mul3A_408 = arith.muli %add3A, %mul3A_407 : i32
        %add3A_409 = arith.addi %mul3A_408, %add3A_406 : i32
        %mul3A_410 = arith.constant 640 : i32
        %mul3A_411 = arith.muli %add3A_409, %mul3A_410 : i32
        %multiple_of3A_412 = tpu.assume_multiple %mul3A_411, 640 : i32
        %dma_start3A_413 = tpu.memref_slice %arg4[%multiple_of3A_412] : memref<163840xi32, #tpu.memory_space<hbm>> -> memref<640xi32, #tpu.memory_space<hbm>>
        %dma_start3A_414 = tpu.memref_slice %arg4[%multiple_of3A_412] : memref<163840xi32, #tpu.memory_space<hbm>> -> memref<640xi32, #tpu.memory_space<hbm>>
        tpu.enqueue_dma source(%dma_start3A_414 : memref<640xi32, #tpu.memory_space<hbm>>) target(%arg15 : memref<640xi32, #tpu.memory_space<vmem>>) target_semaphore(%arg22 : memref<!tpu.dma_semaphore, #tpu.memory_space<semaphore_mem>>)
        %dma_start3A_415 = tpu.memref_slice %arg5[%multiple_of3A_412] : memref<163840xi32, #tpu.memory_space<hbm>> -> memref<640xi32, #tpu.memory_space<hbm>>
        %dma_start3A_416 = tpu.memref_slice %arg5[%multiple_of3A_412] : memref<163840xi32, #tpu.memory_space<hbm>> -> memref<640xi32, #tpu.memory_space<hbm>>
        tpu.enqueue_dma source(%dma_start3A_416 : memref<640xi32, #tpu.memory_space<hbm>>) target(%arg17 : memref<640xi32, #tpu.memory_space<vmem>>) target_semaphore(%arg22 : memref<!tpu.dma_semaphore, #tpu.memory_space<semaphore_mem>>)
        %dma_start3A_417 = tpu.memref_slice %arg6[%multiple_of3A_412] : memref<163840xf32, #tpu.memory_space<hbm>> -> memref<640xf32, #tpu.memory_space<hbm>>
        %dma_start3A_418 = tpu.memref_slice %arg6[%multiple_of3A_412] : memref<163840xf32, #tpu.memory_space<hbm>> -> memref<640xf32, #tpu.memory_space<hbm>>
        tpu.enqueue_dma source(%dma_start3A_418 : memref<640xf32, #tpu.memory_space<hbm>>) target(%arg19 : memref<640xf32, #tpu.memory_space<vmem>>) target_semaphore(%arg22 : memref<!tpu.dma_semaphore, #tpu.memory_space<semaphore_mem>>)
      } else {
      }
      %scan3A_404 = arith.constant 0 : i32
      scf.yield %scan3A_404 : i32
    }
    %scan3A_131 = arith.constant 4 : i32
    %mul3A_132 = arith.constant 8704 : i32
    %mul3A_133 = arith.muli %add3A, %mul3A_132 : i32
    %multiple_of3A_134 = tpu.assume_multiple %mul3A_133, 8704 : i32
    "tpu.region"() ({
      %run_scoped3A = tpu.sem_alloc : memref<!tpu.dma_semaphore, #tpu.memory_space<semaphore_mem>>
      %dma_start3A_135 = tpu.memref_slice %arg7[%multiple_of3A_134] : memref<278528xf32, #tpu.memory_space<hbm>> -> memref<8704xf32, #tpu.memory_space<hbm>>
      %dma_start3A_136 = tpu.memref_slice %arg7[%multiple_of3A_134] : memref<278528xf32, #tpu.memory_space<hbm>> -> memref<8704xf32, #tpu.memory_space<hbm>>
      tpu.enqueue_dma source(%arg8 : memref<8704xf32, #tpu.memory_space<vmem>>) target(%dma_start3A_136 : memref<8704xf32, #tpu.memory_space<hbm>>) target_semaphore(%run_scoped3A : memref<!tpu.dma_semaphore, #tpu.memory_space<semaphore_mem>>)
      %dma_wait3A_137 = tpu.memref_slice %arg7[%multiple_of3A_134] : memref<278528xf32, #tpu.memory_space<hbm>> -> memref<8704xf32, #tpu.memory_space<hbm>>
      %dma_wait3A_138 = tpu.memref_slice %arg7[%multiple_of3A_134] : memref<278528xf32, #tpu.memory_space<hbm>> -> memref<8704xf32, #tpu.memory_space<hbm>>
      tpu.wait_dma2 semaphore(%run_scoped3A : memref<!tpu.dma_semaphore, #tpu.memory_space<semaphore_mem>>) src(%arg8 : memref<8704xf32, #tpu.memory_space<vmem>>) dst(%dma_wait3A_138 : memref<8704xf32, #tpu.memory_space<hbm>>)
      tpu.yield
    }) : () -> ()
    return
  }
}

module attributes {stable_mosaic.version = 14 : i64} {
  func.func @_tc_prep_body(%arg0: i32, %arg1: memref<1024x128xf32, #tpu.memory_space<vmem>>, %arg2: memref<1x1x1024xf32, #tpu.memory_space<vmem>>, %arg3: memref<1x1x1024xi32, #tpu.memory_space<vmem>>, %arg4: memref<128x16xf32, #tpu.memory_space<vmem>>, %arg5: memref<1024x32xf32, #tpu.memory_space<vmem>>, %arg6: memref<1024x16xf32, #tpu.memory_space<vmem>>) attributes {dimension_semantics = [#tpu.dimension_semantics<arbitrary>], iteration_bounds = array<i64: 10>, scalar_prefetch = 0 : i64, scratch_operands = 0 : i64, tpu.core_type = #tpu.core_type<tc>, window_params = [{transform_indices = @transform_0, window_bounds = array<i64: 1024, 128>}, {transform_indices = @transform_1, window_bounds = array<i64: 1, 1, 1024>}, {transform_indices = @transform_2, window_bounds = array<i64: 1, 1, 1024>}, {pipeline_mode = #tpu.pipeline_mode<synchronous>, transform_indices = @transform_3, window_bounds = array<i64: 128, 16>}, {transform_indices = @transform_4, window_bounds = array<i64: 1024, 32>}, {transform_indices = @transform_5, window_bounds = array<i64: 1024, 16>}]} {
    %get3A = arith.constant 0 : index
    %get3A_0 = arith.constant 0 : index
    %get3A_1 = vector.load %arg1[%get3A, %get3A_0] : memref<1024x128xf32, #tpu.memory_space<vmem>>, vector<1024x128xf32>
    %get3A_2 = arith.constant 0 : index
    %get3A_3 = arith.constant 0 : index
    %get3A_4 = arith.constant 0 : index
    %get3A_5 = vector.load %arg2[%get3A_2, %get3A_3, %get3A_4] : memref<1x1x1024xf32, #tpu.memory_space<vmem>>, vector<1x1x1024xf32>
    %get3A_6 = vector.shape_cast %get3A_5 : vector<1x1x1024xf32> to vector<1024xf32>
    %broadcast_in_dim3A = vector.shape_cast %get3A_6 : vector<1024xf32> to vector<1024x1xf32>
    %mul3A = vector.broadcast %broadcast_in_dim3A : vector<1024x1xf32> to vector<1024x128xf32>
    %mul3A_7 = arith.mulf %get3A_1, %mul3A : vector<1024x128xf32>
    %get3A_8 = arith.constant 0 : index
    %get3A_9 = arith.constant 0 : index
    %get3A_10 = vector.load %arg4[%get3A_8, %get3A_9] : memref<128x16xf32, #tpu.memory_space<vmem>>, vector<128x16xf32>
    %dot_general3A = arith.constant dense<0.000000e+00> : vector<1024x16xf32>
    %dot_general3A_11 = tpu.matmul %mul3A_7, %get3A_10, %dot_general3A {dimension_numbers = #tpu.dot_dimension_numbers<[1], [0], [0], [1], [0, 0, 1, 1], [], []>, precision = #tpu.contract_precision<fp32>, transpose_lhs_hint = false} : vector<1024x128xf32>, vector<128x16xf32>, vector<1024x16xf32> -> vector<1024x16xf32>
    %mul3A_12 = arith.constant 1024 : i32
    %mul3A_13 = arith.muli %arg0, %mul3A_12 : i32
    %iota3A = tpu.iota {dimensions = array<i32: 0>} : vector<1024x1xi32>
    %add3A = vector.broadcast %mul3A_13 : i32 to vector<1024x1xi32>
    %add3A_14 = arith.addi %add3A, %iota3A : vector<1024x1xi32>
    %lt3A = arith.constant 10000 : i32
    %lt3A_15 = vector.broadcast %lt3A : i32 to vector<1024x1xi32>
    %lt3A_16 = arith.cmpi slt, %add3A_14, %lt3A_15 : vector<1024x1xi32>
    %jit3A = arith.constant 1.000000e+03 : f32
    %broadcast_in_dim3A_17 = vector.shape_cast %lt3A_16 : vector<1024x1xi1> to vector<1024x1xi1>
    %broadcast_in_dim3A_18 = vector.broadcast %broadcast_in_dim3A_17 : vector<1024x1xi1> to vector<1024x16xi1>
    %broadcast_in_dim3A_19 = vector.broadcast %jit3A : f32 to vector<1024x16xf32>
    %select_n3A = arith.select %broadcast_in_dim3A_18, %dot_general3A_11, %broadcast_in_dim3A_19 : vector<1024x16xi1>, vector<1024x16xf32>
    %swap3A = arith.constant 0 : index
    %swap3A_20 = arith.constant 0 : index
    %swap3A_21 = vector.load %arg6[%swap3A, %swap3A_20] : memref<1024x16xf32, #tpu.memory_space<vmem>>, vector<1024x16xf32>
    tpu.vector_store %arg6[%swap3A, %swap3A_20], %select_n3A {strides = array<i32>} : memref<1024x16xf32, #tpu.memory_space<vmem>>, vector<1024x16xf32>,
    %get3A_22 = arith.constant 0 : index
    %get3A_23 = arith.constant 0 : index
    %get3A_24 = arith.constant 0 : index
    %get3A_25 = vector.load %arg3[%get3A_22, %get3A_23, %get3A_24] : memref<1x1x1024xi32, #tpu.memory_space<vmem>>, vector<1x1x1024xi32>
    %get3A_26 = vector.shape_cast %get3A_25 : vector<1x1x1024xi32> to vector<1024xi32>
    %broadcast_in_dim3A_27 = vector.shape_cast %get3A_26 : vector<1024xi32> to vector<1024x1xi32>
    %mul3A_28 = arith.constant 16 : i32
    %mul3A_29 = vector.broadcast %mul3A_28 : i32 to vector<1024x1xi32>
    %mul3A_30 = arith.muli %broadcast_in_dim3A_27, %mul3A_29 : vector<1024x1xi32>
    %iota3A_31 = tpu.iota {dimensions = array<i32: 1>} : vector<1x16xi32>
    %add3A_32 = vector.broadcast %mul3A_30 : vector<1024x1xi32> to vector<1024x16xi32>
    %add3A_33 = vector.broadcast %iota3A_31 : vector<1x16xi32> to vector<1024x16xi32>
    %add3A_34 = arith.addi %add3A_32, %add3A_33 : vector<1024x16xi32>
    %convert_element_type3A = arith.sitofp %add3A_34 : vector<1024x16xi32> to vector<1024x16xf32>
    %concatenate3A = tpu.concatenate %select_n3A, %convert_element_type3A in 1 : vector<1024x16xf32>, vector<1024x16xf32> -> vector<1024x32xf32>
    %swap3A_35 = arith.constant 0 : index
    %swap3A_36 = arith.constant 0 : index
    %swap3A_37 = vector.load %arg5[%swap3A_35, %swap3A_36] : memref<1024x32xf32, #tpu.memory_space<vmem>>, vector<1024x32xf32>
    tpu.vector_store %arg5[%swap3A_35, %swap3A_36], %concatenate3A {strides = array<i32>} : memref<1024x32xf32, #tpu.memory_space<vmem>>, vector<1024x32xf32>,
    return
  }
  func.func @transform_0(%arg0: i32) -> (i32, i32) {
    %c0_i32 = arith.constant 0 : i32
    %c0_i32_0 = arith.constant 0 : i32
    return %arg0, %c0_i32 : i32, i32
  }
  func.func @transform_1(%arg0: i32) -> (i32, i32, i32) {
    %c0_i32 = arith.constant 0 : i32
    %c0_i32_0 = arith.constant 0 : i32
    %c0_i32_1 = arith.constant 0 : i32
    return %arg0, %c0_i32, %c0_i32_0 : i32, i32, i32
  }
  func.func @transform_2(%arg0: i32) -> (i32, i32, i32) {
    %c0_i32 = arith.constant 0 : i32
    %c0_i32_0 = arith.constant 0 : i32
    %c0_i32_1 = arith.constant 0 : i32
    return %arg0, %c0_i32, %c0_i32_0 : i32, i32, i32
  }
  func.func @transform_3(%arg0: i32) -> (i32, i32) {
    %c0_i32 = arith.constant 0 : i32
    %c0_i32_0 = arith.constant 0 : i32
    %c0_i32_1 = arith.constant 0 : i32
    return %c0_i32, %c0_i32_0 : i32, i32
  }
  func.func @transform_4(%arg0: i32) -> (i32, i32) {
    %c0_i32 = arith.constant 0 : i32
    %c0_i32_0 = arith.constant 0 : i32
    return %arg0, %c0_i32 : i32, i32
  }
  func.func @transform_5(%arg0: i32) -> (i32, i32) {
    %c0_i32 = arith.constant 0 : i32
    %c0_i32_0 = arith.constant 0 : i32
    return %arg0, %c0_i32 : i32, i32
  }
}

module attributes {stable_mosaic.version = 14 : i64} {
  func.func @_tc_fin_body(%arg0: memref<32x17x32x16xf32, #tpu.memory_space<vmem>>, %arg1: memref<32x16x16xf32, #tpu.memory_space<vmem>>) attributes {dimension_semantics = [], scalar_prefetch = 0 : i64, scratch_operands = 0 : i64, tpu.core_type = #tpu.core_type<tc>} {
    %get3A = arith.constant 0 : index
    %get3A_0 = arith.constant 0 : index
    %get3A_1 = arith.constant 0 : index
    %get3A_2 = arith.constant 0 : index
    %get3A_3 = vector.load %arg0[%get3A, %get3A_0, %get3A_1, %get3A_2] : memref<32x17x32x16xf32, #tpu.memory_space<vmem>>, vector<32x17x32x16xf32>
    %reduce_sum3A = arith.constant dense<0.000000e+00> : vector<17x32x16xf32>
    %reduce_sum3A_4 = vector.multi_reduction <add>, %get3A_3, %reduce_sum3A [0] : vector<32x17x32x16xf32> to vector<17x32x16xf32>
    %broadcast_in_dim3A = arith.constant 0.000000e+00 : f32
    %broadcast_in_dim3A_5 = vector.broadcast %broadcast_in_dim3A : f32 to vector<32x16xf32>
    %slice3A = vector.extract_strided_slice %reduce_sum3A_4 {offsets = [0, 0, 0], sizes = [1, 32, 16], strides = [1, 1, 1]} : vector<17x32x16xf32> to vector<1x32x16xf32>
    %squeeze3A = vector.shape_cast %slice3A : vector<1x32x16xf32> to vector<32x16xf32>
    %add3A = arith.addf %broadcast_in_dim3A_5, %squeeze3A : vector<32x16xf32>
    %broadcast_in_dim3A_6 = vector.shape_cast %add3A : vector<32x16xf32> to vector<32x1x16xf32>
    %swap3A = arith.constant 0 : index
    %swap3A_7 = arith.constant 0 : index
    %swap3A_8 = arith.constant 0 : index
    %swap3A_9 = vector.load %arg1[%swap3A, %swap3A_7, %swap3A_8] : memref<32x16x16xf32, #tpu.memory_space<vmem>>, vector<32x1x16xf32>
    tpu.vector_store %arg1[%swap3A, %swap3A_7, %swap3A_8], %broadcast_in_dim3A_6 {strides = array<i32>} : memref<32x16x16xf32, #tpu.memory_space<vmem>>, vector<32x1x16xf32>,
    %slice3A_10 = vector.extract_strided_slice %reduce_sum3A_4 {offsets = [1, 0, 0], sizes = [1, 32, 16], strides = [1, 1, 1]} : vector<17x32x16xf32> to vector<1x32x16xf32>
    %squeeze3A_11 = vector.shape_cast %slice3A_10 : vector<1x32x16xf32> to vector<32x16xf32>
    %add3A_12 = arith.addf %add3A, %squeeze3A_11 : vector<32x16xf32>
    %broadcast_in_dim3A_13 = vector.shape_cast %add3A_12 : vector<32x16xf32> to vector<32x1x16xf32>
    %swap3A_14 = arith.constant 0 : index
    %swap3A_15 = arith.constant 1 : index
    %swap3A_16 = arith.constant 0 : index
    %swap3A_17 = vector.load %arg1[%swap3A_14, %swap3A_15, %swap3A_16] : memref<32x16x16xf32, #tpu.memory_space<vmem>>, vector<32x1x16xf32>
    tpu.vector_store %arg1[%swap3A_14, %swap3A_15, %swap3A_16], %broadcast_in_dim3A_13 {strides = array<i32>} : memref<32x16x16xf32, #tpu.memory_space<vmem>>, vector<32x1x16xf32>,
    %slice3A_18 = vector.extract_strided_slice %reduce_sum3A_4 {offsets = [2, 0, 0], sizes = [1, 32, 16], strides = [1, 1, 1]} : vector<17x32x16xf32> to vector<1x32x16xf32>
    %squeeze3A_19 = vector.shape_cast %slice3A_18 : vector<1x32x16xf32> to vector<32x16xf32>
    %add3A_20 = arith.addf %add3A_12, %squeeze3A_19 : vector<32x16xf32>
    %broadcast_in_dim3A_21 = vector.shape_cast %add3A_20 : vector<32x16xf32> to vector<32x1x16xf32>
    %swap3A_22 = arith.constant 0 : index
    %swap3A_23 = arith.constant 2 : index
    %swap3A_24 = arith.constant 0 : index
    %swap3A_25 = vector.load %arg1[%swap3A_22, %swap3A_23, %swap3A_24] : memref<32x16x16xf32, #tpu.memory_space<vmem>>, vector<32x1x16xf32>
    tpu.vector_store %arg1[%swap3A_22, %swap3A_23, %swap3A_24], %broadcast_in_dim3A_21 {strides = array<i32>} : memref<32x16x16xf32, #tpu.memory_space<vmem>>, vector<32x1x16xf32>,
    %slice3A_26 = vector.extract_strided_slice %reduce_sum3A_4 {offsets = [3, 0, 0], sizes = [1, 32, 16], strides = [1, 1, 1]} : vector<17x32x16xf32> to vector<1x32x16xf32>
    %squeeze3A_27 = vector.shape_cast %slice3A_26 : vector<1x32x16xf32> to vector<32x16xf32>
    %add3A_28 = arith.addf %add3A_20, %squeeze3A_27 : vector<32x16xf32>
    %broadcast_in_dim3A_29 = vector.shape_cast %add3A_28 : vector<32x16xf32> to vector<32x1x16xf32>
    %swap3A_30 = arith.constant 0 : index
    %swap3A_31 = arith.constant 3 : index
    %swap3A_32 = arith.constant 0 : index
    %swap3A_33 = vector.load %arg1[%swap3A_30, %swap3A_31, %swap3A_32] : memref<32x16x16xf32, #tpu.memory_space<vmem>>, vector<32x1x16xf32>
    tpu.vector_store %arg1[%swap3A_30, %swap3A_31, %swap3A_32], %broadcast_in_dim3A_29 {strides = array<i32>} : memref<32x16x16xf32, #tpu.memory_space<vmem>>, vector<32x1x16xf32>,
    %slice3A_34 = vector.extract_strided_slice %reduce_sum3A_4 {offsets = [4, 0, 0], sizes = [1, 32, 16], strides = [1, 1, 1]} : vector<17x32x16xf32> to vector<1x32x16xf32>
    %squeeze3A_35 = vector.shape_cast %slice3A_34 : vector<1x32x16xf32> to vector<32x16xf32>
    %add3A_36 = arith.addf %add3A_28, %squeeze3A_35 : vector<32x16xf32>
    %broadcast_in_dim3A_37 = vector.shape_cast %add3A_36 : vector<32x16xf32> to vector<32x1x16xf32>
    %swap3A_38 = arith.constant 0 : index
    %swap3A_39 = arith.constant 4 : index
    %swap3A_40 = arith.constant 0 : index
    %swap3A_41 = vector.load %arg1[%swap3A_38, %swap3A_39, %swap3A_40] : memref<32x16x16xf32, #tpu.memory_space<vmem>>, vector<32x1x16xf32>
    tpu.vector_store %arg1[%swap3A_38, %swap3A_39, %swap3A_40], %broadcast_in_dim3A_37 {strides = array<i32>} : memref<32x16x16xf32, #tpu.memory_space<vmem>>, vector<32x1x16xf32>,
    %slice3A_42 = vector.extract_strided_slice %reduce_sum3A_4 {offsets = [5, 0, 0], sizes = [1, 32, 16], strides = [1, 1, 1]} : vector<17x32x16xf32> to vector<1x32x16xf32>
    %squeeze3A_43 = vector.shape_cast %slice3A_42 : vector<1x32x16xf32> to vector<32x16xf32>
    %add3A_44 = arith.addf %add3A_36, %squeeze3A_43 : vector<32x16xf32>
    %broadcast_in_dim3A_45 = vector.shape_cast %add3A_44 : vector<32x16xf32> to vector<32x1x16xf32>
    %swap3A_46 = arith.constant 0 : index
    %swap3A_47 = arith.constant 5 : index
    %swap3A_48 = arith.constant 0 : index
    %swap3A_49 = vector.load %arg1[%swap3A_46, %swap3A_47, %swap3A_48] : memref<32x16x16xf32, #tpu.memory_space<vmem>>, vector<32x1x16xf32>
    tpu.vector_store %arg1[%swap3A_46, %swap3A_47, %swap3A_48], %broadcast_in_dim3A_45 {strides = array<i32>} : memref<32x16x16xf32, #tpu.memory_space<vmem>>, vector<32x1x16xf32>,
    %slice3A_50 = vector.extract_strided_slice %reduce_sum3A_4 {offsets = [6, 0, 0], sizes = [1, 32, 16], strides = [1, 1, 1]} : vector<17x32x16xf32> to vector<1x32x16xf32>
    %squeeze3A_51 = vector.shape_cast %slice3A_50 : vector<1x32x16xf32> to vector<32x16xf32>
    %add3A_52 = arith.addf %add3A_44, %squeeze3A_51 : vector<32x16xf32>
    %broadcast_in_dim3A_53 = vector.shape_cast %add3A_52 : vector<32x16xf32> to vector<32x1x16xf32>
    %swap3A_54 = arith.constant 0 : index
    %swap3A_55 = arith.constant 6 : index
    %swap3A_56 = arith.constant 0 : index
    %swap3A_57 = vector.load %arg1[%swap3A_54, %swap3A_55, %swap3A_56] : memref<32x16x16xf32, #tpu.memory_space<vmem>>, vector<32x1x16xf32>
    tpu.vector_store %arg1[%swap3A_54, %swap3A_55, %swap3A_56], %broadcast_in_dim3A_53 {strides = array<i32>} : memref<32x16x16xf32, #tpu.memory_space<vmem>>, vector<32x1x16xf32>,
    %slice3A_58 = vector.extract_strided_slice %reduce_sum3A_4 {offsets = [7, 0, 0], sizes = [1, 32, 16], strides = [1, 1, 1]} : vector<17x32x16xf32> to vector<1x32x16xf32>
    %squeeze3A_59 = vector.shape_cast %slice3A_58 : vector<1x32x16xf32> to vector<32x16xf32>
    %add3A_60 = arith.addf %add3A_52, %squeeze3A_59 : vector<32x16xf32>
    %broadcast_in_dim3A_61 = vector.shape_cast %add3A_60 : vector<32x16xf32> to vector<32x1x16xf32>
    %swap3A_62 = arith.constant 0 : index
    %swap3A_63 = arith.constant 7 : index
    %swap3A_64 = arith.constant 0 : index
    %swap3A_65 = vector.load %arg1[%swap3A_62, %swap3A_63, %swap3A_64] : memref<32x16x16xf32, #tpu.memory_space<vmem>>, vector<32x1x16xf32>
    tpu.vector_store %arg1[%swap3A_62, %swap3A_63, %swap3A_64], %broadcast_in_dim3A_61 {strides = array<i32>} : memref<32x16x16xf32, #tpu.memory_space<vmem>>, vector<32x1x16xf32>,
    %slice3A_66 = vector.extract_strided_slice %reduce_sum3A_4 {offsets = [8, 0, 0], sizes = [1, 32, 16], strides = [1, 1, 1]} : vector<17x32x16xf32> to vector<1x32x16xf32>
    %squeeze3A_67 = vector.shape_cast %slice3A_66 : vector<1x32x16xf32> to vector<32x16xf32>
    %add3A_68 = arith.addf %add3A_60, %squeeze3A_67 : vector<32x16xf32>
    %broadcast_in_dim3A_69 = vector.shape_cast %add3A_68 : vector<32x16xf32> to vector<32x1x16xf32>
    %swap3A_70 = arith.constant 0 : index
    %swap3A_71 = arith.constant 8 : index
    %swap3A_72 = arith.constant 0 : index
    %swap3A_73 = vector.load %arg1[%swap3A_70, %swap3A_71, %swap3A_72] : memref<32x16x16xf32, #tpu.memory_space<vmem>>, vector<32x1x16xf32>
    tpu.vector_store %arg1[%swap3A_70, %swap3A_71, %swap3A_72], %broadcast_in_dim3A_69 {strides = array<i32>} : memref<32x16x16xf32, #tpu.memory_space<vmem>>, vector<32x1x16xf32>,
    %slice3A_74 = vector.extract_strided_slice %reduce_sum3A_4 {offsets = [9, 0, 0], sizes = [1, 32, 16], strides = [1, 1, 1]} : vector<17x32x16xf32> to vector<1x32x16xf32>
    %squeeze3A_75 = vector.shape_cast %slice3A_74 : vector<1x32x16xf32> to vector<32x16xf32>
    %add3A_76 = arith.addf %add3A_68, %squeeze3A_75 : vector<32x16xf32>
    %broadcast_in_dim3A_77 = vector.shape_cast %add3A_76 : vector<32x16xf32> to vector<32x1x16xf32>
    %swap3A_78 = arith.constant 0 : index
    %swap3A_79 = arith.constant 9 : index
    %swap3A_80 = arith.constant 0 : index
    %swap3A_81 = vector.load %arg1[%swap3A_78, %swap3A_79, %swap3A_80] : memref<32x16x16xf32, #tpu.memory_space<vmem>>, vector<32x1x16xf32>
    tpu.vector_store %arg1[%swap3A_78, %swap3A_79, %swap3A_80], %broadcast_in_dim3A_77 {strides = array<i32>} : memref<32x16x16xf32, #tpu.memory_space<vmem>>, vector<32x1x16xf32>,
    %slice3A_82 = vector.extract_strided_slice %reduce_sum3A_4 {offsets = [10, 0, 0], sizes = [1, 32, 16], strides = [1, 1, 1]} : vector<17x32x16xf32> to vector<1x32x16xf32>
    %squeeze3A_83 = vector.shape_cast %slice3A_82 : vector<1x32x16xf32> to vector<32x16xf32>
    %add3A_84 = arith.addf %add3A_76, %squeeze3A_83 : vector<32x16xf32>
    %broadcast_in_dim3A_85 = vector.shape_cast %add3A_84 : vector<32x16xf32> to vector<32x1x16xf32>
    %swap3A_86 = arith.constant 0 : index
    %swap3A_87 = arith.constant 10 : index
    %swap3A_88 = arith.constant 0 : index
    %swap3A_89 = vector.load %arg1[%swap3A_86, %swap3A_87, %swap3A_88] : memref<32x16x16xf32, #tpu.memory_space<vmem>>, vector<32x1x16xf32>
    tpu.vector_store %arg1[%swap3A_86, %swap3A_87, %swap3A_88], %broadcast_in_dim3A_85 {strides = array<i32>} : memref<32x16x16xf32, #tpu.memory_space<vmem>>, vector<32x1x16xf32>,
    %slice3A_90 = vector.extract_strided_slice %reduce_sum3A_4 {offsets = [11, 0, 0], sizes = [1, 32, 16], strides = [1, 1, 1]} : vector<17x32x16xf32> to vector<1x32x16xf32>
    %squeeze3A_91 = vector.shape_cast %slice3A_90 : vector<1x32x16xf32> to vector<32x16xf32>
    %add3A_92 = arith.addf %add3A_84, %squeeze3A_91 : vector<32x16xf32>
    %broadcast_in_dim3A_93 = vector.shape_cast %add3A_92 : vector<32x16xf32> to vector<32x1x16xf32>
    %swap3A_94 = arith.constant 0 : index
    %swap3A_95 = arith.constant 11 : index
    %swap3A_96 = arith.constant 0 : index
    %swap3A_97 = vector.load %arg1[%swap3A_94, %swap3A_95, %swap3A_96] : memref<32x16x16xf32, #tpu.memory_space<vmem>>, vector<32x1x16xf32>
    tpu.vector_store %arg1[%swap3A_94, %swap3A_95, %swap3A_96], %broadcast_in_dim3A_93 {strides = array<i32>} : memref<32x16x16xf32, #tpu.memory_space<vmem>>, vector<32x1x16xf32>,
    %slice3A_98 = vector.extract_strided_slice %reduce_sum3A_4 {offsets = [12, 0, 0], sizes = [1, 32, 16], strides = [1, 1, 1]} : vector<17x32x16xf32> to vector<1x32x16xf32>
    %squeeze3A_99 = vector.shape_cast %slice3A_98 : vector<1x32x16xf32> to vector<32x16xf32>
    %add3A_100 = arith.addf %add3A_92, %squeeze3A_99 : vector<32x16xf32>
    %broadcast_in_dim3A_101 = vector.shape_cast %add3A_100 : vector<32x16xf32> to vector<32x1x16xf32>
    %swap3A_102 = arith.constant 0 : index
    %swap3A_103 = arith.constant 12 : index
    %swap3A_104 = arith.constant 0 : index
    %swap3A_105 = vector.load %arg1[%swap3A_102, %swap3A_103, %swap3A_104] : memref<32x16x16xf32, #tpu.memory_space<vmem>>, vector<32x1x16xf32>
    tpu.vector_store %arg1[%swap3A_102, %swap3A_103, %swap3A_104], %broadcast_in_dim3A_101 {strides = array<i32>} : memref<32x16x16xf32, #tpu.memory_space<vmem>>, vector<32x1x16xf32>,
    %slice3A_106 = vector.extract_strided_slice %reduce_sum3A_4 {offsets = [13, 0, 0], sizes = [1, 32, 16], strides = [1, 1, 1]} : vector<17x32x16xf32> to vector<1x32x16xf32>
    %squeeze3A_107 = vector.shape_cast %slice3A_106 : vector<1x32x16xf32> to vector<32x16xf32>
    %add3A_108 = arith.addf %add3A_100, %squeeze3A_107 : vector<32x16xf32>
    %broadcast_in_dim3A_109 = vector.shape_cast %add3A_108 : vector<32x16xf32> to vector<32x1x16xf32>
    %swap3A_110 = arith.constant 0 : index
    %swap3A_111 = arith.constant 13 : index
    %swap3A_112 = arith.constant 0 : index
    %swap3A_113 = vector.load %arg1[%swap3A_110, %swap3A_111, %swap3A_112] : memref<32x16x16xf32, #tpu.memory_space<vmem>>, vector<32x1x16xf32>
    tpu.vector_store %arg1[%swap3A_110, %swap3A_111, %swap3A_112], %broadcast_in_dim3A_109 {strides = array<i32>} : memref<32x16x16xf32, #tpu.memory_space<vmem>>, vector<32x1x16xf32>,
    %slice3A_114 = vector.extract_strided_slice %reduce_sum3A_4 {offsets = [14, 0, 0], sizes = [1, 32, 16], strides = [1, 1, 1]} : vector<17x32x16xf32> to vector<1x32x16xf32>
    %squeeze3A_115 = vector.shape_cast %slice3A_114 : vector<1x32x16xf32> to vector<32x16xf32>
    %add3A_116 = arith.addf %add3A_108, %squeeze3A_115 : vector<32x16xf32>
    %broadcast_in_dim3A_117 = vector.shape_cast %add3A_116 : vector<32x16xf32> to vector<32x1x16xf32>
    %swap3A_118 = arith.constant 0 : index
    %swap3A_119 = arith.constant 14 : index
    %swap3A_120 = arith.constant 0 : index
    %swap3A_121 = vector.load %arg1[%swap3A_118, %swap3A_119, %swap3A_120] : memref<32x16x16xf32, #tpu.memory_space<vmem>>, vector<32x1x16xf32>
    tpu.vector_store %arg1[%swap3A_118, %swap3A_119, %swap3A_120], %broadcast_in_dim3A_117 {strides = array<i32>} : memref<32x16x16xf32, #tpu.memory_space<vmem>>, vector<32x1x16xf32>,
    %slice3A_122 = vector.extract_strided_slice %reduce_sum3A_4 {offsets = [15, 0, 0], sizes = [1, 32, 16], strides = [1, 1, 1]} : vector<17x32x16xf32> to vector<1x32x16xf32>
    %squeeze3A_123 = vector.shape_cast %slice3A_122 : vector<1x32x16xf32> to vector<32x16xf32>
    %add3A_124 = arith.addf %add3A_116, %squeeze3A_123 : vector<32x16xf32>
    %broadcast_in_dim3A_125 = vector.shape_cast %add3A_124 : vector<32x16xf32> to vector<32x1x16xf32>
    %swap3A_126 = arith.constant 0 : index
    %swap3A_127 = arith.constant 15 : index
    %swap3A_128 = arith.constant 0 : index
    %swap3A_129 = vector.load %arg1[%swap3A_126, %swap3A_127, %swap3A_128] : memref<32x16x16xf32, #tpu.memory_space<vmem>>, vector<32x1x16xf32>
    tpu.vector_store %arg1[%swap3A_126, %swap3A_127, %swap3A_128], %broadcast_in_dim3A_125 {strides = array<i32>} : memref<32x16x16xf32, #tpu.memory_space<vmem>>, vector<32x1x16xf32>,
    return
  }
}

</mosaic_0001>

<sc_bundles>
// kernel: kernel.5.cloned.1.call-start
scs
__scs_entry_jumppad:
0x0: {  	(pc) =	sbr.rel $0x88, $3  }
0x1: {  	(tag) =	ssettag $0x0;
	lr =	simm.s32 $0x1  }
0x2: {  	[smem:$0x3F9B] =	sst lr;
	_ =	strace $0xD0000000  }
0x3: {  	_ = 	snop  }
0x4: {  	_ = 	snop  }
0x5: {  	_ = 	snop  }
0x6: {  	_ = 	snop  }
0x7: {  	_ = 	snop  }
__scs_overlays_trampoline_lowered:
0x8: {  	[smem:$0x3FAA] =	sst s0  }
0x9: {  	[smem:$0x3FAB] =	sst s1  }
0xa: {  	[smem:$0x3FAC] =	sst s2  }
0xb: {  	[smem:$0x3FAD] =	sst s3  }
0xc: {  	[smem:$0x3FAE] =	sst s4  }
0xd: {  	[smem:$0x3FAF] =	sst s5  }
0xe: {  	[smem:$0x3FB0] =	sst s6  }
0xf: {  	[smem:$0x3FB1] =	sst s7  }
0x10: {  	[smem:$0x3FB2] =	sst s8  }
0x11: {  	[smem:$0x3FB3] =	sst s9;
	s0 =	simm.s32 @!p0 $0x0  }
0x12: {  	s1 =	sld [smem:$0x3F99];
	s0 =	simm.s32 @p0 $0x1  }
0x13: {  	[smem:$0x3FB4] =	sst s0;
	s0 =	simm.s32 @!p1 $0x0  }
0x14: {  	s2 =	sld [smem:$0x3F98];
	s0 =	simm.s32 @p1 $0x1  }
0x15: {  	[smem:$0x3FB5] =	sst s0;
	s0 =	simm.s32 @!p2 $0x0  }
0x16: {  	s3 =	sld [smem:$0x3FDB];
	s0 =	simm.s32 @p2 $0x1  }
0x17: {  	s4 =	simm.s32 $0x1BF5;
	[smem:$0x3FB7] =	sst s0  }
0x18: {  	s0 =	sld [smem:$0x3F9A];
	_ =	swait.ge [sflag:s4], $0x0  }
0x19: {  	s7 =	sld [smem:$0x3F9B]  }
0x1a: {  	s8 =	sadd.s32 $0xFFFFE003, lr  }
0x1b: {  	s9 =	sadd.s32 $0xFFFFFEF7, lr;
	s5 =	simm.s32 $0xFFFFFFFF;
	p2 =	slt.u32 s8, $0xFFFFF086  }
0x1c: {  	p1 =	slt.u32 s9, $0xF7A;
	s5 =	simm.s32 @!p2 $0x0  }
0x1d: {  	s5 =	simm.s32 @p1 $0x1;
	p0 =	seq.s32 s7, s2  }
0x1e: {  	s7 =	smul.u32 @!p0 $0xF7A, s2;
	p2 =	seq.s32 @!p0 s5, $0x0  }
0x1f: {  	s9 =	smul.u32 $0xF7A, s1;
	s8 =	simm.s32 @!p0 $0x1BF5;
	p2 =	por !p2, p0  }
0x20: {  	[sflag:s8] =	ssyncset.s32 @!p0 $0xFFFFF086;
	s6 =	sadd.s32 @!p0 s3, s7;
	s7 =	simm.s32 @!p0 $0x108  }
0x21: {  	s3 =	sadd.s32 s3, s9;
	s6 =	sadd.s32 @!p0 $0x88, s6;
	s7 =	simm.s32 @p2 $0x1082  }
0x22: {  	[simem:s7], [sflag:s8] =	dma.local @!p0 [hbm:s6], $0xF7A  }
0x23: {  	s9 =	sor.u32 $0xD0000000, s2;
	s6 =	simm.s32 $0x108;
	_ =	swait.ge @!p0 [sflag:s8], $0x0  }
0x24: {  	s3 =	sadd.s32 $0x88, s3;
	s6 =	simm.s32 @!p1 $0x1082;
	[sflag:s4] =	ssyncset.s32 $0xFFFFF086  }
0x25: {  	[simem:s6], [sflag:s4] =	dma.local [hbm:s3], $0xF7A  }
0x26: {  	[smem:$0x3F9B] =	sst s1;
	(tag) =	ssettag s2;
	_ =	strace s9  }
0x27: {  	s1 =	sld [smem:$0x3FAB]  }
0x28: {  	s2 =	sld [smem:$0x3FAC]  }
0x29: {  	s4 =	sld [smem:$0x3FAE]  }
0x2a: {  	p0 =	seq.s32 s5, $0x0;
	s5 =	sld [smem:$0x3FAF]  }
0x2b: {  	s6 =	sld [smem:$0x3FB0]  }
0x2c: {  	s7 =	sld [smem:$0x3FB1]  }
0x2d: {  	s3 =	simm.s32 $0x108;
	s8 =	sld [smem:$0x3FB2]  }
0x2e: {  	s3 =	simm.s32 @!p0 $0x1082;
	s9 =	sld [smem:$0x3FB3]  }
0x2f: {  	lr =	sadd.s32 s0, s3;
	s0 =	sld [smem:$0x3FAA]  }
0x30: {  	s3 =	sld [smem:$0x3FAD]  }
0x31: {  	[smem:$0x3FB6] =	sst s10  }
0x32: {  	s10 =	sld [smem:$0x3FB4];
	_ =	sdelay $0x3  }
0x33: {  	p0 =	seq.s32 s10, $0x1;
	s10 =	sld [smem:$0x3FB6];
	_ =	sdelay $0x3  }
0x34: {  	[smem:$0x3FB6] =	sst s10  }
0x35: {  	s10 =	sld [smem:$0x3FB5];
	_ =	sdelay $0x3  }
0x36: {  	p1 =	seq.s32 s10, $0x1;
	s10 =	sld [smem:$0x3FB6];
	_ =	sdelay $0x3  }
0x37: {  	[smem:$0x3FB6] =	sst s10  }
0x38: {  	s10 =	sld [smem:$0x3FB7]  }
0x39: {  	_ = 	snop;
	(pc) =	sbr.ind lr, $3  }
0x3a: {  	_ = 	snop  }
0x3b: {  	_ = 	snop  }
0x3c: {  	p2 =	seq.s32 s10, $0x1;
	s10 =	sld [smem:$0x3FB6]  }
0x3d: {  	_ =	shalt  }
0x3e: {  	_ =	shalt  }
0x3f: {  	_ =	shalt  }
0x40: {  	_ =	shalt  }
0x41: {  	_ =	shalt  }
0x42: {  	_ =	shalt  }
0x43: {  	_ =	shalt  }
0x44: {  	_ =	shalt  }
0x45: {  	_ =	shalt  }
0x46: {  	_ =	shalt  }
0x47: {  	_ =	shalt  }
0x48: {  	_ =	shalt  }
0x49: {  	_ =	shalt  }
0x4a: {  	_ =	shalt  }
0x4b: {  	_ =	shalt  }
0x4c: {  	_ =	shalt  }
0x4d: {  	_ =	shalt  }
0x4e: {  	_ =	shalt  }
0x4f: {  	_ =	shalt  }
0x50: {  	_ =	shalt  }
0x51: {  	_ =	shalt  }
0x52: {  	_ =	shalt  }
0x53: {  	_ =	shalt  }
0x54: {  	_ =	shalt  }
0x55: {  	_ =	shalt  }
0x56: {  	_ =	shalt  }
0x57: {  	_ =	shalt  }
0x58: {  	_ =	shalt  }
0x59: {  	_ =	shalt  }
0x5a: {  	_ =	shalt  }
0x5b: {  	_ =	shalt  }
0x5c: {  	_ =	shalt  }
0x5d: {  	_ =	shalt  }
0x5e: {  	_ =	shalt  }
0x5f: {  	_ =	shalt  }
0x60: {  	_ =	shalt  }
0x61: {  	_ =	shalt  }
0x62: {  	_ =	shalt  }
0x63: {  	_ =	shalt  }
0x64: {  	_ =	shalt  }
0x65: {  	_ =	shalt  }
0x66: {  	_ =	shalt  }
0x67: {  	_ =	shalt  }
0x68: {  	_ =	shalt  }
0x69: {  	_ =	shalt  }
0x6a: {  	_ =	shalt  }
0x6b: {  	_ =	shalt  }
0x6c: {  	_ =	shalt  }
0x6d: {  	_ =	shalt  }
0x6e: {  	_ =	shalt  }
0x6f: {  	_ =	shalt  }
0x70: {  	_ =	shalt  }
0x71: {  	_ =	shalt  }
0x72: {  	_ =	shalt  }
0x73: {  	_ =	shalt  }
0x74: {  	_ =	shalt  }
0x75: {  	_ =	shalt  }
0x76: {  	_ =	shalt  }
0x77: {  	_ =	shalt  }
0x78: {  	_ =	shalt  }
0x79: {  	_ =	shalt  }
0x7a: {  	_ =	shalt  }
0x7b: {  	_ =	shalt  }
0x7c: {  	_ =	shalt  }
0x7d: {  	_ =	shalt  }
0x7e: {  	_ =	shalt  }
0x7f: {  	_ =	shalt  }
0x80: {  	_ =	shalt  }
0x81: {  	_ =	shalt  }
0x82: {  	_ =	shalt  }
0x83: {  	_ =	shalt  }
0x84: {  	_ =	shalt  }
0x85: {  	_ =	shalt  }
0x86: {  	_ =	shalt  }
0x87: {  	_ =	shalt  }
.Lfunc_end0:
.L_simem_size_0:
called_computation_lowered:
.L_overlay_start_0:
0x88: {  	s2 =	sld [smem:$0x3FD9]  }
0x89: {  	s3 =	sld [smem:$0x3FFE];
	_ =	sdelay $0x1  }
0x8a: {  	s1 =	srdreg.scid  }
0x8b: {  	s0 =	sand.u32 $0x1, s1  }
0x8c: {  	s16 =	sshll.u32 s0, $0xA;
	s2 =	sadd.s32 s3, s2  }
0x8d: {  	s2 =	sadd.s32 s2, s16  }
0x8e: {  	[smem:$0x3FC2] =	sst s2  }
0x8f: {  	_ = 	snop  }
0x90: {  	(tm) =	ssettm $0x1  }
0x91: {  	s17 =	sld [smem:$0x3FFB];
	_ =	sdelay $0x3  }
0x92: {  	_ =	strace s17  }
0x93: {  	s2 =	sld [smem:$0x3FFC];
	_ =	sdelay $0x3  }
0x94: {  	_ =	strace s2  }
0x95: {  	s2 =	sld [smem:$0x3FFD];
	_ =	sdelay $0x3  }
0x96: {  	_ =	strace s2  }
0x97: {  	_ =	strace $0x8FFFFFFF  }
0x98: {  	s18 =	sld [smem:$0x3FDB];
	_ =	sdelay $0x1  }
0x99: {  	s19 =	simm.s32 $_scs_section_size  }
0x9a: {  	s4 =	simm.s32 $_size__tile_overlayer_lowered;
	s5 =	simm.s32 $_tile_overlayer_lowered  }
0x9b: {  	s22 =	simm.s32 $0x1BFF;
	s21 =	sshll.u32 s5, $0x1;
	s2 =	sadd.s32 s19, s18  }
0x9c: {  	s6 =	simm.s32 $0x0;
	s20 =	sshll.u32 s4, $0x1;
	s4 =	sadd.s32 s21, s2  }
0x9d: {  	[timem:s6], [sflag:s22] =	dma.local [hbm:s4], s20  }
0x9e: {  	_ =	swait.ge [sflag:s22], s20  }
0x9f: {  	s3 =	ssub.s32 $0x0, s20;
	[sflag:s22] =	ssyncset.done $0x0  }
0xa0: {  	[sflag:s22] =	ssyncadd.s32 s3;
	_ =	sdelay $0x1  }
0xa1: {  	s23 =	simm.s32 $0x1B8B  }
0xa2: {  	_ =	swait.ge [sflag:s23], $0x1  }
0xa3: {  	[sflag:s23] =	ssyncset.done $0x0  }
0xa4: {  	s25 =	simm.s32 $0x1B8E;
	s24 =	sld [smem:$0x3FFE];
	[sflag:s23] =	ssyncadd.s32 $0xFFFFFFFF  }
0xa5: {  	s26 =	simm.s32 $execute0_lowered;
	[smem:$0x3FD2] =	sst s25  }
0xa6: {  	s4 =	sshll.u32 s26, $0x1;
	_ =	strace $0x80000046;
	[dreg:$0x1] =	wrdreg $0xFFFFFFFF  }
0xa7: {  	s28 =	simm.s32 $_size_execute0_lowered;
	s2 =	sadd.s32 s2, s4;
	[dreg:$0x0] =	wrdreg $0x0  }
0xa8: {  	s4 =	sshll.u32 s28, $0x1;
	[dreg:$0x2] =	wrdreg s2  }
0xa9: {  	[dreg:$0x3] =	wrdreg s4  }
0xaa: {  	[dreg:$0x4] =	wrdreg $0xC0  }
0xab: {  	_ =	task [dreg:s6], $0x5FFFF  }
0xac: {  	[dreg:$0x1] =	wrdreg $0xFFFFFFFF  }
0xad: {  	[dreg:$0x0] =	wrdreg $0x60  }
0xae: {  	[dreg:$0x2] =	wrdreg s24  }
0xaf: {  	[dreg:$0x3] =	wrdreg $0x9  }
0xb0: {  	_ =	task.clear_ibuf [dreg:s6], $0x4FFFF;
	_ =	strace $0x90000046  }
0xb1: {  	s29 =	simm.s32 $0x9;
	_ =	strace $0x80000048  }
0xb2: {  	_ =	swait.ge [sflag:s29], $0x1  }
0xb3: {  	[sflag:s29] =	ssyncadd.s32 $0xFFFFFFFF  }
0xb4: {  	_ =	strace $0x90000048  }
0xb5: {  	_ =	sfence  }
0xb6: {  	s30 =	sld [smem:$0x0];
	_ =	sdelay $0x2  }
0xb7: {  	s31 =	sshll.u32 s1, $0xD;
	s1 =	sshrl.u32 s1, $0x2  }
0xb8: {  	s3 =	sand.u32 $0x4000, s31;
	s1 =	sadd.s32 s1, s30  }
0xb9: {  	s0 =	sor.u32 s3, s0;
	s1 =	sshll.u32 s1, $0x11  }
0xba: {  	s0 =	sor.u32 s1, s0  }
0xbb: {  	s0 =	sadd.s32 $0x8F2B, s0  }
0xbc: {  	[sflag:s0] =	ssyncadd.remote.s32 $0x1  }
0xbd: {  	_ =	sfence.sel $0xFFFF  }
0xbe: {  	[dreg:$0x0] =	wrdreg $0xFFFFFFFF;
	(pc) =	sbr.abs _section_cstart, $3  }
0xbf: {  	[dreg:$0x1] =	wrdreg $0xFFFFFFFF  }
0xc0: {  	_ =	task.clear_ibuf [dreg:s6], $0x2FFFF;
	_ =	strace $0x9FFFFFFF  }
0xc1: {  	(tm) =	ssettm $0x7FFFFFFF  }
tec
execute0_lowered:
.L_overlay_start_1:
0x0: {  	(tag) =	ssettag $0x1  }
0x1: {  	s0 =	rddreg [dreg:$0x0]  }
0x2: {  	s2 =	simm.s32 $0x0;
	s1 =	srdreg.scid;
	s3 =	stileid.u32  }
0x3: {  	s28 =	simm.s32 $0x3;
	s12 =	simm.s32 $0xA200;
	s13 =	simm.s32 $0x14300  }
0x4: {  	s14 =	simm.s32 $0x10200;
	s17 =	simm.s32 $0x13E80;
	s18 =	simm.s32 $0xB200  }
0x5: {  	s29 =	simm.s32 $0x5;
	s19 =	simm.s32 $0x0;
	[smem:$0x7FF] =	sst s2  }
0x6: {  	s1 =	sand.u32 $0x1, s1;
	s4 =	sshll.u32 s3, $0x1;
	s3 =	sadd.s32 $0x600, s0  }
0x7: {  	s5 =	sadd.s32 $0x14600, s0;
	s6 =	sadd.s32 $0xF600, s0;
	s8 =	sor.u32 s1, s4  }
0x8: {  	s7 =	sadd.s32 $0x19600, s0;
	_ =	strace $0x80000047;
	s9 =	smul.u32 $0x440, s8  }
0x9: {  	s4 =	sadd.s32 $0xA600, s0;
	s1 =	ssub.s32 $0x2, s1;
	s10 =	smul.u32 $0x280, s8  }
0xa: {  	s20 =	sshrl.u32 s1, $0x1;
	s25 =	smul.u32 $0x500, s8;
	s8 =	sshll.u32 s8, $0x3  }
0xb: {  	s1 =	ssub.s32 s1, s20;
	s15 =	sor.u32 $0x2, s8;
	s21 =	sadd.s32 s5, s10  }
0xc: {  	s16 =	sor.u32 $0x3, s8;
	s22 =	sadd.s32 s6, s10;
	[dreg:$0x2] =	wrdreg s21  }
0xd: {  	s0 =	sadd.s32 s9, s0;
	s23 =	sadd.s32 s7, s10;
	[dreg:$0x3] =	wrdreg s22  }
0xe: {  	s24 =	sor.u32 $0x50, s10;
	s30 =	sadd.s32 s3, s25;
	[dreg:$0x4] =	wrdreg s23  }
0xf: {  	s31 =	smax.u32 s1, $0x1;
	s1 =	simm.s32 $0x13C80;
	[dreg:$0x8] =	wrdreg s30  }
0x10: {  	v0 =	vimm.f32 $0.0e+00;
	v1 =	vimm.s32 $0x0;
	s10 =	simm.s32 $0xFA00;
	s11 =	sadd.s32 s5, s24;
	[dreg:$0xa] =	wrdreg s31  }
.Ltmp0:
0x11: {  	v2 =	vimm.s32 $0xF;
	v3 =	vimm.s32 $0x9;
	v4 =	vimm.s32 $0x7;
	s26 =	sadd.s32 s6, s24;
	[dreg:$0x5] =	wrdreg s11;
	(pc) =	sbr.rel .LBB2_1-.Ltmp0, $4  }
0x12: {  	v5 =	vimm.s32 $0x1;
	v6 =	vimm.s32 $0x2;
	v7 =	vimm.s32 $0x3;
	s9 =	sadd.s32 s7, s24;
	s0 =	sadd.s32 $0x1E600, s0;
	[dreg:$0x6] =	wrdreg s26  }
0x13: {  	v8 =	vimm.s32 $0x4;
	v9 =	vimm.s32 $0x5;
	v10 =	vimm.s32 $0x6;
	s23 =	simm.s32 $0x80;
	s21 =	simm.s32 $0x14180;
	[dreg:$0x7] =	wrdreg s9  }
0x14: {  	v11 =	vimm.s32 $0x8;
	v12 =	vimm.s32 $0xA;
	v13 =	vimm.s32 $0xB;
	s22 =	simm.s32 $0x10A00;
	s24 =	simm.s32 $0x4;
	[dreg:$0x9] =	wrdreg s0  }
0x15: {  	v14 =	vimm.s32 $0xC;
	v15 =	vimm.s32 $0xD;
	v16 =	vimm.s32 $0xE;
	s9 =	simm.s32 $0x14280;
	s11 =	simm.s32 $0x13E00;
	s26 =	simm.s32 $0x14380  }
.LBB2_12:
0x16: {  	s0 =	rddreg [dreg:$0x9];
	s8 =	simm.s32 $0x6  }
0x17: {  	[hbm4b:s0+s2] =	stream.linear.scatter [tilespmem:s2], [sflag:$0x6], $0x2200, $0x38;
	[tilespmem:$0x14900] =	vst v63  }
0x18: {  	_ =	swait.ge [sflag:s8], $0x2200  }
0x19: {  	s19 =	rddreg [dreg:$0xb]  }
0x1a: {  	s31 =	rddreg [dreg:$0xa];
	s19 =	sadd.s32 $0x1, s19  }
0x1b: {  	p0 =	sne.s32 s19, s31  }
.Ltmp1:
0x1c: {  	_ = 	snop;
	(pc) =	sbr.rel @!p0 .LBB2_13-.Ltmp1, $3  }
0x1d: {  	_ =	sdelay $0x1  }
0x1e: {  	[sflag:s8] =	ssyncset.done $0x0  }
0x1f: {  	[sflag:s8] =	ssyncadd.s32 $0xFFFFDE00  }
.LBB2_1:
0x20: {  	[dreg:$0xb] =	wrdreg s19  }
0x21: {  	s0 =	rddreg [dreg:$0x2];
	s8 =	simm.s32 $0x13A00  }
0x22: {  	[tilespmem:s8], [sflag:$0x2] =	stream.linear.gather [hbm4b:s0+s2], $0x280, $0x38;
	[tilespmem:$0x14900] =	vst v63  }
0x23: {  	s20 =	rddreg [dreg:$0x3];
	s19 =	simm.s32 $0x13F00  }
0x24: {  	[tilespmem:s19], [sflag:$0x2] =	stream.linear.gather [hbm4b:s20+s2], $0x280, $0x38;
	[tilespmem:$0x14900] =	vst v63  }
0x25: {  	s25 =	rddreg [dreg:$0x4];
	s30 =	simm.s32 $0x2;
	s20 =	simm.s32 $0x14400  }
0x26: {  	[tilespmem:s20], [sflag:$0x2] =	stream.linear.gather [hbm4b:s25+s2], $0x280, $0x38;
	[tilespmem:$0x14900] =	vst v63  }
0x27: {  	_ =	swait.ge [sflag:s30], $0x280  }
0x28: {  	[sflag:s30] =	ssyncset.done $0x0  }
0x29: {  	[sflag:s30] =	ssyncadd.s32 $0xFFFFFD80  }
0x2a: {  	_ =	swait.ge [sflag:s30], $0x280  }
0x2b: {  	[sflag:s30] =	ssyncset.done $0x0  }
0x2c: {  	[sflag:s30] =	ssyncadd.s32 $0xFFFFFD80  }
0x2d: {  	_ =	swait.ge [sflag:s30], $0x280  }
0x2e: {  	[sflag:s30] =	ssyncset.done $0x0  }
0x2f: {  	s31 =	simm.s32 $0x2200;
	[sflag:s30] =	ssyncadd.s32 $0xFFFFFD80  }
0x30: {  	[tilespmem:s31], [sflag:$0x4] =	stream.indirect.gather [hbm4b:s3+s23], $0x20, s8, s23, $0xb8;
	[tilespmem:$0x14900] =	vst v63  }
0x31: {  	s8 =	simm.s32 $0xC200  }
0x32: {  	[tilespmem:s8], [sflag:$0x4] =	stream.indirect.gather [hbm4b:s4+s23], $0x10, s19, s23, $0xb8;
	[tilespmem:$0x14900] =	vst v63  }
0x33: {  	s20 =	simm.s32 $0x13A80;
	s25 =	simm.s32 $0x3200  }
0x34: {  	[tilespmem:s25], [sflag:$0x4] =	stream.indirect.gather [hbm4b:s3+s23], $0x20, s20, s23, $0xb8;
	[tilespmem:$0x14900] =	vst v63  }
0x35: {  	s30 =	simm.s32 $0x13F80;
	s31 =	simm.s32 $0xCA00  }
0x36: {  	[tilespmem:s31], [sflag:$0x4] =	stream.indirect.gather [hbm4b:s4+s23], $0x10, s30, s23, $0xb8;
	[tilespmem:$0x14900] =	vst v63  }
0x37: {  	s8 =	simm.s32 $0x13B00;
	s19 =	simm.s32 $0x4200  }
0x38: {  	[tilespmem:s19], [sflag:$0x4] =	stream.indirect.gather [hbm4b:s3+s23], $0x20, s8, s23, $0xb8;
	[tilespmem:$0x14900] =	vst v63  }
0x39: {  	s20 =	simm.s32 $0x14000;
	s25 =	simm.s32 $0xD200  }
0x3a: {  	[tilespmem:s25], [sflag:$0x4] =	stream.indirect.gather [hbm4b:s4+s23], $0x10, s20, s23, $0xb8;
	[tilespmem:$0x14900] =	vst v63  }
0x3b: {  	s30 =	simm.s32 $0x13B80;
	s31 =	simm.s32 $0x5200  }
0x3c: {  	[tilespmem:s31], [sflag:$0x4] =	stream.indirect.gather [hbm4b:s3+s23], $0x20, s30, s23, $0xb8;
	[tilespmem:$0x14900] =	vst v63  }
0x3d: {  	s8 =	simm.s32 $0x14080;
	s19 =	simm.s32 $0xDA00  }
0x3e: {  	[tilespmem:s19], [sflag:$0x4] =	stream.indirect.gather [hbm4b:s4+s23], $0x10, s8, s23, $0xb8;
	[tilespmem:$0x14900] =	vst v63  }
0x3f: {  	s20 =	simm.s32 $0x13C00;
	s25 =	simm.s32 $0x6200  }
0x40: {  	[tilespmem:s25], [sflag:$0x4] =	stream.indirect.gather [hbm4b:s3+s23], $0x20, s20, s23, $0xb8;
	[tilespmem:$0x14900] =	vst v63  }
0x41: {  	s30 =	simm.s32 $0x14100;
	s31 =	simm.s32 $0xE200  }
0x42: {  	[tilespmem:s31], [sflag:$0x4] =	stream.indirect.gather [hbm4b:s4+s23], $0x10, s30, s23, $0xb8;
	[tilespmem:$0x14900] =	vst v63  }
0x43: {  	s8 =	rddreg [dreg:$0x5]  }
0x44: {  	[tilespmem:s1], [sflag:$0x3] =	stream.linear.gather [hbm4b:s8+s2], $0x280, $0x38;
	[tilespmem:$0x14900] =	vst v63  }
0x45: {  	s19 =	rddreg [dreg:$0x6]  }
0x46: {  	[tilespmem:s21], [sflag:$0x3] =	stream.linear.gather [hbm4b:s19+s2], $0x280, $0x38;
	[tilespmem:$0x14900] =	vst v63  }
0x47: {  	s20 =	rddreg [dreg:$0x7];
	s25 =	simm.s32 $0x14680  }
0x48: {  	[tilespmem:s25], [sflag:$0x3] =	stream.linear.gather [hbm4b:s20+s2], $0x280, $0x38;
	[tilespmem:$0x14900] =	vst v63  }
0x49: {  	s0 =	simm.s32 $0x20;
	s30 =	rddreg [dreg:$0x8];
	s31 =	simm.s32 $0x11200  }
0x4a: {  	[tilespmem:s31], [sflag:$0x1] =	stream.linear.gather [hbm4b:s30+s2], $0x2800, $0x38;
	[tilespmem:$0x14900] =	vst v63  }
0x4b: {  	[tilespmem:s0+$0xFFFFFFE0] =	vst v0  }
0x4c: {  	[tilespmem:s0+$0x10] =	vst v0  }
0x4d: {  	s19 =	simm.s32 $0x0;
	[tilespmem:s0+$0x0] =	vst v0  }
.LBB2_2:
0x4e: {  	s19 =	sadd.s32 $0x4, s19  }
0x4f: {  	[tilespmem:s0+$0xFFFFFFF0] =	vst v0;
	s0 =	sadd.s32 $0x40, s0;
	p0 =	slt.u32 s19, $0x21C  }
.Ltmp2:
0x50: {  	[tilespmem:s0+$0xFFFFFFE0] =	vst v0;
	(pc) =	sbr.rel @p0 .LBB2_2-.Ltmp2, $3  }
0x51: {  	_ =	sdelay $0x1  }
0x52: {  	[tilespmem:s0+$0x10] =	vst v0  }
0x53: {  	[tilespmem:s0+$0x0] =	vst v0  }
0x54: {  	[tilespmem:s0+$0xFFFFFFF0] =	vst v0;
	s30 =	simm.s32 $0x1  }
0x55: {  	_ =	swait.ge [sflag:s30], $0x2800  }
0x56: {  	[sflag:s30] =	ssyncset.done $0x0  }
0x57: {  	s31 =	simm.s32 $0x11220;
	[sflag:s30] =	ssyncadd.s32 $0xFFFFD800  }
0x58: {  	v17 =	vld [tilespmem:s31+$0x0];
	_ =	sdelay $0x2  }
0x59: {  	v18 =	vld [tilespmem:s31+$0xFFFFFFE0];
	_ =	sdelay $0x1  }
0x5a: {  	v19 =	vmul.f32 $7.500000000e+00, v17;
	_ =	sdelay $0x1  }
0x5b: {  	v19 =	vadd.f32 $8.000000000e+00, v19  }
0x5c: {  	v20 =	vmul.f32 $7.500000000e+00, v18  }
0x5d: {  	v19 =	vtrunc.f32 v19  }
0x5e: {  	v20 =	vadd.f32 $8.000000000e+00, v20;
	v19 =	vcvt.f32.s32 v19;
	_ =	sdelay $0x1  }
0x5f: {  	v20 =	vtrunc.f32 v20;
	vm0 =	vgt.s32 v19, $0x0  }
0x60: {  	v20 =	vcvt.f32.s32 v20;
	v19 =	vnsel vm0, $0x0, v19  }
0x61: {  	s20 =	simm.s32 $0x11260;
	v21 =	vmin.u32 v19, $0xF  }
0x62: {  	v23 =	vld [tilespmem:s20+$0x0];
	v17 =	vmul.f32 $5.000000000e+02, v17;
	vm11 =	vgt.s32 v20, $0x0;
	v19 =	vcvt.s32.f32 v21  }
0x63: {  	v20 =	vnsel vm11, $0x0, v20  }
0x64: {  	v22 =	vld [tilespmem:s31+$0xFFFFFFF0];
	v17 =	vadd.f32 $5.000000000e+02, v17;
	v20 =	vmin.u32 v20, $0xF;
	v19 =	vmul.f32 $6.666666410e+01, v19  }
0x65: {  	v18 =	vmul.f32 $5.000000000e+02, v18;
	v24 =	vcvt.s32.f32 v20  }
0x66: {  	v25 =	vld [tilespmem:s20+$0xFFFFFFE0];
	v17 =	vsub.f32 v17, v19  }
0x67: {  	v18 =	vadd.f32 $5.000000000e+02, v18;
	v19 =	vmul.f32 $6.666666410e+01, v24;
	v24 =	vmul.f32 $7.500000000e+00, v23  }
0x68: {  	v17 =	vmul.f32 $1.442695020e+00, v17  }
0x69: {  	v22 =	vtrunc.f32 v22;
	v18 =	vsub.f32 v18, v19;
	v19 =	vadd.f32 $8.000000000e+00, v24  }
0x6a: {  	v26 =	vld [tilespmem:s20+$0xFFFFFFF0];
	v22 =	vcvt.f32.s32 v22;
	(erf) = vpow2.f32 v17  }
0x6b: {  	v17 =	vmul.f32 $7.500000000e+00, v25;
	v19 =	vtrunc.f32 v19  }
0x6c: {  	v20 =	vshll.u32 v20, $0x9;
	v18 =	vmul.f32 $1.442695020e+00, v18;
	v19 =	vcvt.f32.s32 v19  }
0x6d: {  	v21 =	vshll.u32 v21, $0x9;
	v27 =	vadd.s32 v22, v20;
	v17 =	vadd.f32 $8.000000000e+00, v17  }
0x6e: {  	v23 =	vmul.f32 $5.000000000e+02, v23;
	(erf) = vpow2.f32 v18;
	vm12 =	vgt.s32 v19, $0x0  }
0x6f: {  	v18 =	vtrunc.f32 v26;
	v26 =	vld [tilespmem:s31+$0x10];
	v17 =	vtrunc.f32 v17;
	v19 =	vnsel vm12, $0x0, v19  }
0x70: {  	v24 =	vand.u32 $0x7, v22;
	v17 =	vcvt.f32.s32 v17;
	v19 =	vmin.u32 v19, $0xF  }
0x71: {  	v22 =	vand.u32 $0xFFFFFFF8, v27;
	v25 =	vmul.f32 $5.000000000e+02, v25;
	v28 =	vcvt.s32.f32 v19  }
0x72: {  	v23 =	vadd.f32 $5.000000000e+02, v23;
	v22 =	vor.u32 v24, v22;
	vm13 =	vgt.s32 v17, $0x0  }
0x73: {  	s0 =	simm.s32 $0x112A0;
	v20 =	vadd.f32 $5.000000000e+02, v25;
	v17 =	vnsel vm13, $0x0, v17;
	v28 =	vmul.f32 $6.666666410e+01, v28  }
0x74: {  	v30 =	vld [tilespmem:s0+$0x0];
	v18 =	vcvt.f32.s32 v18;
	v26 =	vtrunc.f32 v26;
	v29 =	vpop (erf);
	v24 =	vmin.u32 v17, $0xF  }
0x75: {  	v26 =	vcvt.f32.s32 v26;
	v29 =	vadd.f32 $1.000000000e+00, v29;
	v31 =	vcvt.s32.f32 v24  }
0x76: {  	v17 =	vadd.s32 $0x200, v22;
	v22 =	vshll.u32 v24, $0x9;
	v24 =	vld [tilespmem:s0+$0xFFFFFFE0];
	v23 =	vsub.f32 v23, v28  }
0x77: {  	v25 =	vand.u32 $0x7, v18;
	(erf) = vrcp.f32 v29;
	v29 =	vmul.f32 $6.666666410e+01, v31;
	v28 =	vpop (erf)  }
0x78: {  	v18 =	vadd.s32 v18, v22;
	v23 =	vmul.f32 $1.442695020e+00, v23;
	v22 =	vadd.f32 $1.000000000e+00, v28;
	v28 =	vld [tilespmem:s0+$0xFFFFFFF0]  }
0x79: {  	v31 =	vadd.s32 v26, v21;
	v20 =	vsub.f32 v20, v29;
	v29 =	vmul.f32 $7.500000000e+00, v30  }
0x7a: {  	v21 =	vand.u32 $0xFFFFFFF8, v31;
	(erf) = vrcp.f32 v22;
	v22 =	vand.u32 $0x7, v26  }
0x7b: {  	(erf) = vpow2.f32 v23;
	v23 =	vmul.f32 $7.500000000e+00, v24;
	v26 =	vadd.f32 $8.000000000e+00, v29  }
0x7c: {  	v21 =	vor.u32 v22, v21;
	v22 =	vmul.f32 $5.000000000e+02, v24;
	v20 =	vmul.f32 $1.442695020e+00, v20  }
0x7d: {  	v24 =	vadd.s32 $0x200, v21;
	v21 =	vtrunc.f32 v28;
	v28 =	vadd.f32 $8.000000000e+00, v23  }
0x7e: {  	v26 =	vtrunc.f32 v26  }
0x7f: {  	v23 =	vadd.f32 $5.000000000e+02, v22;
	v22 =	vcvt.f32.s32 v26;
	v26 =	vtrunc.f32 v28  }
0x80: {  	(erf) = vpow2.f32 v20;
	v29 =	vcvt.f32.s32 v26;
	v26 =	vand.u32 $0xFFFFFFF8, v18  }
0x81: {  	s19 =	simm.s32 $0x0;
	v21 =	vcvt.f32.s32 v21;
	v20 =	vpop (erf);
	v25 =	vor.u32 v25, v26  }
0x82: {  	vm14 =	vgt.s32 v22, $0x0;
	v28 =	vsub.f32 $1.000000000e+00, v20;
	[tilespmem:v31+s19+$0x0] =	vst.idx.add.f32.msk $0xffff, v20  }
0x83: {  	v20 =	vand.u32 $0x7, v21;
	v22 =	vnsel vm14, $0x0, v22;
	v26 =	vld [tilespmem:s20+$0x10]  }
0x84: {  	vm15 =	vgt.s32 v29, $0x0;
	[tilespmem:v24+s19+$0x0] =	vst.idx.add.f32.msk $0xffff, v28;
	v24 =	vmin.u32 v22, $0xF;
	v22 =	vadd.s32 $0x200, v25;
	v25 =	vpop (erf)  }
0x85: {  	v31 =	vnsel vm15, $0x0, v29;
	v28 =	vmul.f32 $5.000000000e+02, v30;
	v29 =	vcvt.s32.f32 v24;
	v30 =	vpop (erf)  }
0x86: {  	s25 =	simm.s32 $0x112E0;
	s20 =	simm.s32 $0x4;
	[tilespmem:v27+s19+$0x0] =	vst.idx.add.f32.msk $0xffff, v25;
	v27 =	vmin.u32 v31, $0xF;
	v25 =	vsub.f32 $1.000000000e+00, v25;
	v30 =	vadd.f32 $1.000000000e+00, v30  }
.LBB2_4:
0x87: {  	v31 =	vld [tilespmem:s25+$0x0];
	s20 =	sadd.s32 $0x2, s20;
	v32 =	vcvt.s32.f32 v27;
	v28 =	vadd.f32 $5.000000000e+02, v28;
	v34 =	vmul.f32 $6.666666410e+01, v29  }
0x88: {  	v27 =	vshll.u32 v27, $0x9;
	v33 =	vld [tilespmem:s25+$0xFFFFFFE0];
	p0 =	slt.u32 s20, $0x13E;
	(erf) = vrcp.f32 v30  }
0x89: {  	v30 =	vld [tilespmem:s25+$0xFFFFFFF0];
	v32 =	vmul.f32 $6.666666410e+01, v32;
	v28 =	vsub.f32 v28, v34;
	v26 =	vtrunc.f32 v26;
	v29 =	vpop (erf)  }
0x8a: {  	v34 =	vadd.s32 v21, v27;
	v21 =	vadd.f32 $1.000000000e+00, v29;
	v26 =	vcvt.f32.s32 v26;
	[tilespmem:v17+s19+$0x0] =	vst.idx.add.f32.msk $0xffff, v25;
	v17 =	vmovc v22  }
0x8b: {  	v25 =	vshll.u32 v19, $0x9;
	v19 =	vmovc v24;
	v22 =	vsub.f32 v23, v32;
	v23 =	vmul.f32 $1.442695020e+00, v28  }
0x8c: {  	v24 =	vmul.f32 $7.500000000e+00, v31;
	v25 =	vadd.s32 v26, v25;
	(erf) = vrcp.f32 v21  }
0x8d: {  	(erf) = vpow2.f32 v23;
	v21 =	vand.u32 $0xFFFFFFF8, v25;
	v23 =	vand.u32 $0x7, v26  }
0x8e: {  	v26 =	vmul.f32 $7.500000000e+00, v33;
	v24 =	vadd.f32 $8.000000000e+00, v24;
	v21 =	vor.u32 v23, v21  }
0x8f: {  	v28 =	vmul.f32 $1.442695020e+00, v22;
	v23 =	vmul.f32 $5.000000000e+02, v33;
	v27 =	vadd.s32 $0x200, v21  }
0x90: {  	v21 =	vtrunc.f32 v30;
	v26 =	vadd.f32 $8.000000000e+00, v26;
	v24 =	vtrunc.f32 v24  }
0x91: {  	v23 =	vadd.f32 $5.000000000e+02, v23;
	v24 =	vcvt.f32.s32 v24;
	(erf) = vpow2.f32 v28;
	v22 =	vpop (erf)  }
0x92: {  	v21 =	vcvt.f32.s32 v21;
	v26 =	vtrunc.f32 v26;
	v28 =	vsub.f32 $1.000000000e+00, v22  }
.Ltmp3:
0x93: {  	v29 =	vcvt.f32.s32 v26;
	v26 =	vand.u32 $0xFFFFFFF8, v34;
	vm0 =	vgt.s32 v24, $0x0;
	[tilespmem:v25+s19+$0x0] =	vst.idx.add.f32.msk $0xffff, v22;
	(pc) =	sbr.rel @p0 .LBB2_4-.Ltmp3, $4  }
0x94: {  	v32 =	vor.u32 v20, v26;
	v20 =	vand.u32 $0x7, v21;
	v22 =	vnsel vm0, $0x0, v24;
	[tilespmem:v27+s19+$0x0] =	vst.idx.add.f32.msk $0xffff, v28  }
0x95: {  	vm0 =	vgt.s32 v29, $0x0;
	v24 =	vmin.u32 v22, $0xF;
	v22 =	vadd.s32 $0x200, v32;
	v26 =	vld [tilespmem:s0+$0x10];
	v25 =	vpop (erf);
	s0 =	smov.u32 s25  }
0x96: {  	v28 =	vmul.f32 $5.000000000e+02, v31;
	v27 =	vnsel vm0, $0x0, v29;
	v29 =	vcvt.s32.f32 v24;
	v30 =	vpop (erf);
	[tilespmem:v18+s19+$0x0] =	vst.idx.add.f32.msk $0xffff, v25  }
0x97: {  	s25 =	sadd.s32 $0x40, s25;
	v27 =	vmin.u32 v27, $0xF;
	v25 =	vsub.f32 $1.000000000e+00, v25;
	v18 =	vmovc v34;
	v30 =	vadd.f32 $1.000000000e+00, v30  }
0x98: {  	v31 =	vcvt.s32.f32 v27;
	v28 =	vadd.f32 $5.000000000e+02, v28;
	v29 =	vmul.f32 $6.666666410e+01, v29;
	_ =	sdelay $0x1  }
0x99: {  	v31 =	vmul.f32 $6.666666410e+01, v31;
	v28 =	vsub.f32 v28, v29;
	v54 =	vpop (erf)  }
0x9a: {  	v29 =	vadd.f32 $1.000000000e+00, v54  }
0x9b: {  	(erf) = vrcp.f32 v30;
	v23 =	vsub.f32 v23, v31;
	v28 =	vmul.f32 $1.442695020e+00, v28  }
0x9c: {  	(erf) = vrcp.f32 v29  }
0x9d: {  	(erf) = vpow2.f32 v28;
	v23 =	vmul.f32 $1.442695020e+00, v23;
	_ =	sdelay $0x1  }
0x9e: {  	(erf) = vpow2.f32 v23;
	_ =	sdelay $0x4  }
0x9f: {  	v55 =	vpop (erf)  }
0xa0: {  	v56 =	vld [tilespmem:s0+$0x10];
	v29 =	vpop (erf)  }
0xa1: {  	v26 =	vtrunc.f32 v26;
	v57 =	vpop (erf)  }
0xa2: {  	v26 =	vcvt.f32.s32 v26;
	v30 =	vadd.f32 $1.000000000e+00, v57  }
0xa3: {  	v19 =	vshll.u32 v19, $0x9;
	v58 =	vpop (erf)  }
0xa4: {  	v19 =	vadd.s32 v26, v19;
	(erf) = vrcp.f32 v30;
	v59 =	vadd.f32 $1.000000000e+00, v58  }
0xa5: {  	v26 =	vand.u32 $0x7, v26;
	v60 =	vand.u32 $0xFFFFFFF8, v19;
	v28 =	vtrunc.f32 v56  }
0xa6: {  	v26 =	vor.u32 v26, v60;
	v28 =	vcvt.f32.s32 v28;
	(erf) = vrcp.f32 v59  }
0xa7: {  	v24 =	vshll.u32 v24, $0x9;
	v26 =	vadd.s32 $0x200, v26  }
0xa8: {  	v24 =	vadd.s32 v28, v24  }
0xa9: {  	v61 =	vshll.u32 v27, $0x9;
	v28 =	vand.u32 $0x7, v28;
	v62 =	vand.u32 $0xFFFFFFF8, v24  }
0xaa: {  	s30 =	simm.s32 $0x0;
	v21 =	vadd.s32 v21, v61;
	[tilespmem:v17+s19+$0x0] =	vst.idx.add.f32.msk $0xffff, v25;
	v63 =	vor.u32 v28, v62;
	v17 =	vsub.f32 $1.000000000e+00, v55  }
0xab: {  	v27 =	vand.u32 $0xFFFFFFF8, v21;
	[tilespmem:v19+s30+$0x0] =	vst.idx.add.f32.msk $0xffff, v55;
	v19 =	vadd.s32 $0x200, v63  }
0xac: {  	v20 =	vor.u32 v20, v27;
	[tilespmem:v26+s30+$0x0] =	vst.idx.add.f32.msk $0xffff, v17;
	v17 =	vsub.f32 $1.000000000e+00, v29  }
0xad: {  	v20 =	vadd.s32 $0x200, v20;
	[tilespmem:v18+s30+$0x0] =	vst.idx.add.f32.msk $0xffff, v29;
	v18 =	vpop (erf)  }
0xae: {  	[tilespmem:v22+s30+$0x0] =	vst.idx.add.f32.msk $0xffff, v17;
	v17 =	vsub.f32 $1.000000000e+00, v18  }
0xaf: {  	[tilespmem:v24+s30+$0x0] =	vst.idx.add.f32.msk $0xffff, v18;
	v18 =	vpop (erf)  }
0xb0: {  	[tilespmem:v19+s30+$0x0] =	vst.idx.add.f32.msk $0xffff, v17;
	v17 =	vsub.f32 $1.000000000e+00, v18  }
0xb1: {  	[tilespmem:v21+s30+$0x0] =	vst.idx.add.f32.msk $0xffff, v18  }
0xb2: {  	[tilespmem:v20+s30+$0x0] =	vst.idx.add.f32.msk $0xffff, v17  }
.LBB2_6:
0xb3: {  	_ =	swait.ge [sflag:s28], $0x280  }
0xb4: {  	[sflag:s28] =	ssyncset.done $0x0  }
0xb5: {  	[sflag:s28] =	ssyncadd.s32 $0xFFFFFD80  }
0xb6: {  	_ =	swait.ge [sflag:s28], $0x280  }
0xb7: {  	[sflag:s28] =	ssyncset.done $0x0  }
0xb8: {  	[sflag:s28] =	ssyncadd.s32 $0xFFFFFD80  }
0xb9: {  	_ =	swait.ge [sflag:s28], $0x280  }
0xba: {  	[sflag:s28] =	ssyncset.done $0x0  }
0xbb: {  	s0 =	simm.s32 $0x7200;
	[sflag:s28] =	ssyncadd.s32 $0xFFFFFD80  }
0xbc: {  	[tilespmem:s0], [sflag:$0x5] =	stream.indirect.gather [hbm4b:s3+s23], $0x20, s1, s23, $0xb8;
	[tilespmem:$0x14900] =	vst v63  }
0xbd: {  	s20 =	simm.s32 $0xEA00  }
0xbe: {  	[tilespmem:s20], [sflag:$0x5] =	stream.indirect.gather [hbm4b:s4+s23], $0x10, s21, s23, $0xb8;
	[tilespmem:$0x14900] =	vst v63  }
0xbf: {  	s25 =	simm.s32 $0x13D00;
	s8 =	simm.s32 $0x8200  }
0xc0: {  	[tilespmem:s8], [sflag:$0x5] =	stream.indirect.gather [hbm4b:s3+s23], $0x20, s25, s23, $0xb8;
	[tilespmem:$0x14900] =	vst v63  }
0xc1: {  	s19 =	simm.s32 $0xF200;
	s8 =	simm.s32 $0x14200  }
0xc2: {  	[tilespmem:s19], [sflag:$0x5] =	stream.indirect.gather [hbm4b:s4+s23], $0x10, s8, s23, $0xb8;
	[tilespmem:$0x14900] =	vst v63  }
0xc3: {  	s20 =	simm.s32 $0x13D80;
	s25 =	simm.s32 $0x9200  }
0xc4: {  	[tilespmem:s25], [sflag:$0x5] =	stream.indirect.gather [hbm4b:s3+s23], $0x20, s20, s23, $0xb8;
	[tilespmem:$0x14900] =	vst v63  }
0xc5: {  	_ = 	snop  }
0xc6: {  	[tilespmem:s10], [sflag:$0x5] =	stream.indirect.gather [hbm4b:s4+s23], $0x10, s9, s23, $0xb8;
	[tilespmem:$0x14900] =	vst v63  }
0xc7: {  	_ = 	snop  }
0xc8: {  	[tilespmem:s12], [sflag:$0x5] =	stream.indirect.gather [hbm4b:s3+s23], $0x20, s11, s23, $0xb8;
	[tilespmem:$0x14900] =	vst v63  }
0xc9: {  	_ = 	snop  }
0xca: {  	[tilespmem:s14], [sflag:$0x5] =	stream.indirect.gather [hbm4b:s4+s23], $0x10, s13, s23, $0xb8;
	[tilespmem:$0x14900] =	vst v63  }
0xcb: {  	_ = 	snop  }
0xcc: {  	[tilespmem:s18], [sflag:$0x5] =	stream.indirect.gather [hbm4b:s3+s23], $0x20, s17, s23, $0xb8;
	[tilespmem:$0x14900] =	vst v63  }
0xcd: {  	_ = 	snop  }
0xce: {  	[tilespmem:s22], [sflag:$0x5] =	stream.indirect.gather [hbm4b:s4+s23], $0x10, s26, s23, $0xb8;
	[tilespmem:$0x14900] =	vst v63  }
0xcf: {  	_ =	swait.ge [sflag:s24], $0x1000  }
0xd0: {  	[sflag:s24] =	ssyncset.done $0x0  }
0xd1: {  	[sflag:s24] =	ssyncadd.s32 $0xFFFFF000  }
0xd2: {  	_ =	swait.ge [sflag:s24], $0x800  }
0xd3: {  	[sflag:s24] =	ssyncset.done $0x0  }
0xd4: {  	[sflag:s24] =	ssyncadd.s32 $0xFFFFF800  }
0xd5: {  	_ =	swait.ge [sflag:s24], $0x1000  }
0xd6: {  	[sflag:s24] =	ssyncset.done $0x0  }
0xd7: {  	[sflag:s24] =	ssyncadd.s32 $0xFFFFF000  }
0xd8: {  	_ =	swait.ge [sflag:s24], $0x800  }
0xd9: {  	[sflag:s24] =	ssyncset.done $0x0  }
0xda: {  	[sflag:s24] =	ssyncadd.s32 $0xFFFFF800  }
0xdb: {  	_ =	swait.ge [sflag:s24], $0x1000  }
0xdc: {  	[sflag:s24] =	ssyncset.done $0x0  }
0xdd: {  	[sflag:s24] =	ssyncadd.s32 $0xFFFFF000  }
0xde: {  	_ =	swait.ge [sflag:s24], $0x800  }
0xdf: {  	[sflag:s24] =	ssyncset.done $0x0  }
0xe0: {  	[sflag:s24] =	ssyncadd.s32 $0xFFFFF800  }
0xe1: {  	_ =	swait.ge [sflag:s24], $0x1000  }
0xe2: {  	[sflag:s24] =	ssyncset.done $0x0  }
0xe3: {  	[sflag:s24] =	ssyncadd.s32 $0xFFFFF000  }
0xe4: {  	_ =	swait.ge [sflag:s24], $0x800  }
0xe5: {  	[sflag:s24] =	ssyncset.done $0x0  }
0xe6: {  	[sflag:s24] =	ssyncadd.s32 $0xFFFFF800  }
0xe7: {  	_ =	swait.ge [sflag:s24], $0x1000  }
0xe8: {  	[sflag:s24] =	ssyncset.done $0x0  }
0xe9: {  	[sflag:s24] =	ssyncadd.s32 $0xFFFFF000  }
0xea: {  	_ =	swait.ge [sflag:s24], $0x800  }
0xeb: {  	s31 =	simm.s32 $0xFFFFFFFE;
	s0 =	simm.s32 $0x14410;
	[sflag:s24] =	ssyncset.done $0x0  }
0xec: {  	s19 =	simm.s32 $0xC300;
	s25 =	simm.s32 $0x2400;
	[sflag:s24] =	ssyncadd.s32 $0xFFFFF800  }
.LBB2_7:
0xed: {  	v17 =	vld [tilespmem:s0+$0xFFFFFFF0]  }
0xee: {  	v18 =	vld [tilespmem:s25+$0xFFFFFE00]  }
0xef: {  	v19 =	vld [tilespmem:s19+$0xFFFFFF00];
	_ =	sdelay $0x3  }
0xf0: {  	v20 =	vperm.xlane v17, v1  }
0xf1: {  	v18 =	vmax.f32 v18, v19  }
0xf2: {  	v18 =	vmul.f32 v20, v18;
	_ =	sdelay $0x1  }
0xf3: {  	v19 =	vmul.f32 $7.500000000e+00, v18;
	_ =	sdelay $0x1  }
0xf4: {  	v19 =	vadd.f32 $8.000000000e+00, v19;
	_ =	sdelay $0x1  }
0xf5: {  	v19 =	vtrunc.f32 v19  }
0xf6: {  	v19 =	vcvt.f32.s32 v19;
	_ =	sdelay $0x1  }
0xf7: {  	vm0 =	vgt.s32 v19, $0x0  }
0xf8: {  	v19 =	vnsel vm0, $0x0, v19  }
0xf9: {  	v19 =	vmin.u32 v19, $0xF  }
0xfa: {  	v18 =	vmul.f32 $5.000000000e+02, v18;
	v45 =	vcvt.s32.f32 v19;
	_ =	sdelay $0x1  }
0xfb: {  	v18 =	vadd.f32 $5.000000000e+02, v18;
	v20 =	vmul.f32 $6.666666410e+01, v45;
	_ =	sdelay $0x1  }
0xfc: {  	v18 =	vsub.f32 v18, v20;
	_ =	sdelay $0x1  }
0xfd: {  	v18 =	vmul.f32 $1.442695020e+00, v18;
	_ =	sdelay $0x1  }
0xfe: {  	(erf) = vpow2.f32 v18;
	_ =	sdelay $0x7  }
0xff: {  	v18 =	vld [tilespmem:s25+$0xFFFFFE10]  }
0x100: {  	v46 =	vpop (erf)  }
0x101: {  	v20 =	vadd.f32 $1.000000000e+00, v46;
	_ =	sdelay $0x1  }
0x102: {  	(erf) = vrcp.f32 v20  }
0x103: {  	v18 =	vtrunc.f32 v18  }
0x104: {  	v18 =	vcvt.f32.s32 v18  }
0x105: {  	v19 =	vshll.u32 v19, $0x9  }
0x106: {  	v19 =	vadd.s32 v18, v19  }
0x107: {  	v18 =	vand.u32 $0x7, v18;
	v47 =	vand.u32 $0xFFFFFFF8, v19  }
0x108: {  	v18 =	vor.u32 v18, v47  }
0x109: {  	v18 =	vadd.s32 $0x200, v18;
	_ =	sdelay $0x1  }
0x10a: {  	v48 =	vpop (erf)  }
0x10b: {  	v21 =	vxor.u32 $0x80000000, v48;
	v20 =	vadd.f32 $-1.000000000e+00, v48  }
0x10c: {  	[tilespmem:v19+s2+$0x0] =	vst.idx.add.f32.msk $0xffff, v21  }
0x10d: {  	[tilespmem:v18+s2+$0x0] =	vst.idx.add.f32.msk $0xffff, v20  }
0x10e: {  	v18 =	vld [tilespmem:s25+$0xFFFFFE20]  }
0x10f: {  	v19 =	vld [tilespmem:s19+$0xFFFFFF10];
	_ =	sdelay $0x3  }
0x110: {  	v49 =	vperm.xlane v17, v5  }
0x111: {  	v18 =	vmax.f32 v18, v19  }
0x112: {  	v18 =	vmul.f32 v49, v18;
	_ =	sdelay $0x1  }
0x113: {  	v19 =	vmul.f32 $7.500000000e+00, v18;
	_ =	sdelay $0x1  }
0x114: {  	v19 =	vadd.f32 $8.000000000e+00, v19;
	_ =	sdelay $0x1  }
0x115: {  	v19 =	vtrunc.f32 v19  }
0x116: {  	v19 =	vcvt.f32.s32 v19;
	_ =	sdelay $0x1  }
0x117: {  	vm9 =	vgt.s32 v19, $0x0  }
0x118: {  	v19 =	vnsel vm9, $0x0, v19  }
0x119: {  	v19 =	vmin.u32 v19, $0xF  }
0x11a: {  	v18 =	vmul.f32 $5.000000000e+02, v18;
	v50 =	vcvt.s32.f32 v19;
	_ =	sdelay $0x1  }
0x11b: {  	v18 =	vadd.f32 $5.000000000e+02, v18;
	v20 =	vmul.f32 $6.666666410e+01, v50;
	_ =	sdelay $0x1  }
0x11c: {  	v18 =	vsub.f32 v18, v20;
	_ =	sdelay $0x1  }
0x11d: {  	v18 =	vmul.f32 $1.442695020e+00, v18;
	_ =	sdelay $0x1  }
0x11e: {  	(erf) = vpow2.f32 v18;
	_ =	sdelay $0x7  }
0x11f: {  	v18 =	vld [tilespmem:s25+$0xFFFFFE30]  }
0x120: {  	v51 =	vpop (erf)  }
0x121: {  	v20 =	vadd.f32 $1.000000000e+00, v51;
	_ =	sdelay $0x1  }
0x122: {  	(erf) = vrcp.f32 v20  }
0x123: {  	v18 =	vtrunc.f32 v18  }
0x124: {  	v18 =	vcvt.f32.s32 v18  }
0x125: {  	v19 =	vshll.u32 v19, $0x9  }
0x126: {  	v19 =	vadd.s32 v18, v19  }
0x127: {  	v18 =	vand.u32 $0x7, v18;
	v52 =	vand.u32 $0xFFFFFFF8, v19  }
0x128: {  	v18 =	vor.u32 v18, v52  }
0x129: {  	v18 =	vadd.s32 $0x200, v18;
	_ =	sdelay $0x1  }
0x12a: {  	v53 =	vpop (erf)  }
0x12b: {  	v54 =	vxor.u32 $0x80000000, v53;
	v20 =	vadd.f32 $-1.000000000e+00, v53  }
0x12c: {  	[tilespmem:v19+s2+$0x0] =	vst.idx.add.f32.msk $0xffff, v54  }
0x12d: {  	[tilespmem:v18+s2+$0x0] =	vst.idx.add.f32.msk $0xffff, v20  }
0x12e: {  	v18 =	vld [tilespmem:s25+$0xFFFFFE40]  }
0x12f: {  	v19 =	vld [tilespmem:s19+$0xFFFFFF20];
	_ =	sdelay $0x3  }
0x130: {  	v55 =	vperm.xlane v17, v6  }
0x131: {  	v18 =	vmax.f32 v18, v19  }
0x132: {  	v18 =	vmul.f32 v55, v18;
	_ =	sdelay $0x1  }
0x133: {  	v19 =	vmul.f32 $7.500000000e+00, v18;
	_ =	sdelay $0x1  }
0x134: {  	v19 =	vadd.f32 $8.000000000e+00, v19;
	_ =	sdelay $0x1  }
0x135: {  	v19 =	vtrunc.f32 v19  }
0x136: {  	v19 =	vcvt.f32.s32 v19;
	_ =	sdelay $0x1  }
0x137: {  	vm10 =	vgt.s32 v19, $0x0  }
0x138: {  	v19 =	vnsel vm10, $0x0, v19  }
0x139: {  	v19 =	vmin.u32 v19, $0xF  }
0x13a: {  	v18 =	vmul.f32 $5.000000000e+02, v18;
	v56 =	vcvt.s32.f32 v19;
	_ =	sdelay $0x1  }
0x13b: {  	v18 =	vadd.f32 $5.000000000e+02, v18;
	v20 =	vmul.f32 $6.666666410e+01, v56;
	_ =	sdelay $0x1  }
0x13c: {  	v18 =	vsub.f32 v18, v20;
	_ =	sdelay $0x1  }
0x13d: {  	v18 =	vmul.f32 $1.442695020e+00, v18;
	_ =	sdelay $0x1  }
0x13e: {  	(erf) = vpow2.f32 v18;
	_ =	sdelay $0x7  }
0x13f: {  	v18 =	vld [tilespmem:s25+$0xFFFFFE50]  }
0x140: {  	v57 =	vpop (erf)  }
0x141: {  	v20 =	vadd.f32 $1.000000000e+00, v57;
	_ =	sdelay $0x1  }
0x142: {  	(erf) = vrcp.f32 v20  }
0x143: {  	v18 =	vtrunc.f32 v18  }
0x144: {  	v18 =	vcvt.f32.s32 v18  }
0x145: {  	v19 =	vshll.u32 v19, $0x9  }
0x146: {  	v19 =	vadd.s32 v18, v19  }
0x147: {  	v18 =	vand.u32 $0x7, v18;
	v58 =	vand.u32 $0xFFFFFFF8, v19  }
0x148: {  	v18 =	vor.u32 v18, v58  }
0x149: {  	v18 =	vadd.s32 $0x200, v18;
	_ =	sdelay $0x1  }
0x14a: {  	v59 =	vpop (erf)  }
0x14b: {  	v60 =	vxor.u32 $0x80000000, v59;
	v20 =	vadd.f32 $-1.000000000e+00, v59  }
0x14c: {  	[tilespmem:v19+s2+$0x0] =	vst.idx.add.f32.msk $0xffff, v60  }
0x14d: {  	[tilespmem:v18+s2+$0x0] =	vst.idx.add.f32.msk $0xffff, v20  }
0x14e: {  	v18 =	vld [tilespmem:s25+$0xFFFFFE60]  }
0x14f: {  	v19 =	vld [tilespmem:s19+$0xFFFFFF30];
	_ =	sdelay $0x3  }
0x150: {  	v61 =	vperm.xlane v17, v7  }
0x151: {  	v18 =	vmax.f32 v18, v19  }
0x152: {  	v18 =	vmul.f32 v61, v18;
	_ =	sdelay $0x1  }
0x153: {  	v19 =	vmul.f32 $7.500000000e+00, v18;
	_ =	sdelay $0x1  }
0x154: {  	v19 =	vadd.f32 $8.000000000e+00, v19;
	_ =	sdelay $0x1  }
0x155: {  	v19 =	vtrunc.f32 v19  }
0x156: {  	v19 =	vcvt.f32.s32 v19;
	_ =	sdelay $0x1  }
0x157: {  	vm11 =	vgt.s32 v19, $0x0  }
0x158: {  	v19 =	vnsel vm11, $0x0, v19  }
0x159: {  	v19 =	vmin.u32 v19, $0xF  }
0x15a: {  	v18 =	vmul.f32 $5.000000000e+02, v18;
	v62 =	vcvt.s32.f32 v19;
	_ =	sdelay $0x1  }
0x15b: {  	v18 =	vadd.f32 $5.000000000e+02, v18;
	v20 =	vmul.f32 $6.666666410e+01, v62;
	_ =	sdelay $0x1  }
0x15c: {  	v18 =	vsub.f32 v18, v20;
	_ =	sdelay $0x1  }
0x15d: {  	v18 =	vmul.f32 $1.442695020e+00, v18;
	_ =	sdelay $0x1  }
0x15e: {  	(erf) = vpow2.f32 v18;
	_ =	sdelay $0x7  }
0x15f: {  	v18 =	vld [tilespmem:s25+$0xFFFFFE70]  }
0x160: {  	v63 =	vpop (erf)  }
0x161: {  	v20 =	vadd.f32 $1.000000000e+00, v63;
	_ =	sdelay $0x1  }
0x162: {  	(erf) = vrcp.f32 v20  }
0x163: {  	v18 =	vtrunc.f32 v18  }
0x164: {  	v18 =	vcvt.f32.s32 v18  }
0x165: {  	v19 =	vshll.u32 v19, $0x9  }
0x166: {  	v19 =	vadd.s32 v18, v19  }
0x167: {  	v18 =	vand.u32 $0x7, v18;
	v24 =	vand.u32 $0xFFFFFFF8, v19  }
0x168: {  	v18 =	vor.u32 v18, v24  }
0x169: {  	v18 =	vadd.s32 $0x200, v18;
	_ =	sdelay $0x1  }
0x16a: {  	v25 =	vpop (erf)  }
0x16b: {  	v26 =	vxor.u32 $0x80000000, v25;
	v20 =	vadd.f32 $-1.000000000e+00, v25  }
0x16c: {  	[tilespmem:v19+s2+$0x0] =	vst.idx.add.f32.msk $0xffff, v26  }
0x16d: {  	[tilespmem:v18+s2+$0x0] =	vst.idx.add.f32.msk $0xffff, v20  }
0x16e: {  	v18 =	vld [tilespmem:s25+$0xFFFFFE80]  }
0x16f: {  	v19 =	vld [tilespmem:s19+$0xFFFFFF40];
	_ =	sdelay $0x3  }
0x170: {  	v27 =	vperm.xlane v17, v8  }
0x171: {  	v18 =	vmax.f32 v18, v19  }
0x172: {  	v18 =	vmul.f32 v27, v18;
	_ =	sdelay $0x1  }
0x173: {  	v19 =	vmul.f32 $7.500000000e+00, v18;
	_ =	sdelay $0x1  }
0x174: {  	v19 =	vadd.f32 $8.000000000e+00, v19;
	_ =	sdelay $0x1  }
0x175: {  	v19 =	vtrunc.f32 v19  }
0x176: {  	v19 =	vcvt.f32.s32 v19;
	_ =	sdelay $0x1  }
0x177: {  	vm12 =	vgt.s32 v19, $0x0  }
0x178: {  	v19 =	vnsel vm12, $0x0, v19  }
0x179: {  	v19 =	vmin.u32 v19, $0xF  }
0x17a: {  	v18 =	vmul.f32 $5.000000000e+02, v18;
	v28 =	vcvt.s32.f32 v19;
	_ =	sdelay $0x1  }
0x17b: {  	v18 =	vadd.f32 $5.000000000e+02, v18;
	v20 =	vmul.f32 $6.666666410e+01, v28;
	_ =	sdelay $0x1  }
0x17c: {  	v18 =	vsub.f32 v18, v20;
	_ =	sdelay $0x1  }
0x17d: {  	v18 =	vmul.f32 $1.442695020e+00, v18;
	_ =	sdelay $0x1  }
0x17e: {  	(erf) = vpow2.f32 v18;
	_ =	sdelay $0x7  }
0x17f: {  	v18 =	vld [tilespmem:s25+$0xFFFFFE90]  }
0x180: {  	v29 =	vpop (erf)  }
0x181: {  	v20 =	vadd.f32 $1.000000000e+00, v29;
	_ =	sdelay $0x1  }
0x182: {  	(erf) = vrcp.f32 v20  }
0x183: {  	v18 =	vtrunc.f32 v18  }
0x184: {  	v18 =	vcvt.f32.s32 v18  }
0x185: {  	v19 =	vshll.u32 v19, $0x9  }
0x186: {  	v19 =	vadd.s32 v18, v19  }
0x187: {  	v18 =	vand.u32 $0x7, v18;
	v30 =	vand.u32 $0xFFFFFFF8, v19  }
0x188: {  	v18 =	vor.u32 v18, v30  }
0x189: {  	v18 =	vadd.s32 $0x200, v18;
	_ =	sdelay $0x1  }
0x18a: {  	v31 =	vpop (erf)  }
0x18b: {  	v32 =	vxor.u32 $0x80000000, v31;
	v20 =	vadd.f32 $-1.000000000e+00, v31  }
0x18c: {  	[tilespmem:v19+s2+$0x0] =	vst.idx.add.f32.msk $0xffff, v32  }
0x18d: {  	[tilespmem:v18+s2+$0x0] =	vst.idx.add.f32.msk $0xffff, v20  }
0x18e: {  	v18 =	vld [tilespmem:s25+$0xFFFFFEA0]  }
0x18f: {  	v19 =	vld [tilespmem:s19+$0xFFFFFF50];
	_ =	sdelay $0x3  }
0x190: {  	v33 =	vperm.xlane v17, v9  }
0x191: {  	v18 =	vmax.f32 v18, v19  }
0x192: {  	v18 =	vmul.f32 v33, v18;
	_ =	sdelay $0x1  }
0x193: {  	v19 =	vmul.f32 $7.500000000e+00, v18;
	_ =	sdelay $0x1  }
0x194: {  	v19 =	vadd.f32 $8.000000000e+00, v19;
	_ =	sdelay $0x1  }
0x195: {  	v19 =	vtrunc.f32 v19  }
0x196: {  	v19 =	vcvt.f32.s32 v19;
	_ =	sdelay $0x1  }
0x197: {  	vm13 =	vgt.s32 v19, $0x0  }
0x198: {  	v19 =	vnsel vm13, $0x0, v19  }
0x199: {  	v19 =	vmin.u32 v19, $0xF  }
0x19a: {  	v18 =	vmul.f32 $5.000000000e+02, v18;
	v34 =	vcvt.s32.f32 v19;
	_ =	sdelay $0x1  }
0x19b: {  	v18 =	vadd.f32 $5.000000000e+02, v18;
	v20 =	vmul.f32 $6.666666410e+01, v34;
	_ =	sdelay $0x1  }
0x19c: {  	v18 =	vsub.f32 v18, v20;
	_ =	sdelay $0x1  }
0x19d: {  	v18 =	vmul.f32 $1.442695020e+00, v18;
	_ =	sdelay $0x1  }
0x19e: {  	(erf) = vpow2.f32 v18;
	_ =	sdelay $0x7  }
0x19f: {  	v18 =	vld [tilespmem:s25+$0xFFFFFEB0]  }
0x1a0: {  	v35 =	vpop (erf)  }
0x1a1: {  	v20 =	vadd.f32 $1.000000000e+00, v35;
	_ =	sdelay $0x1  }
0x1a2: {  	(erf) = vrcp.f32 v20  }
0x1a3: {  	v18 =	vtrunc.f32 v18  }
0x1a4: {  	v18 =	vcvt.f32.s32 v18  }
0x1a5: {  	v19 =	vshll.u32 v19, $0x9  }
0x1a6: {  	v19 =	vadd.s32 v18, v19  }
0x1a7: {  	v18 =	vand.u32 $0x7, v18;
	v36 =	vand.u32 $0xFFFFFFF8, v19  }
0x1a8: {  	v18 =	vor.u32 v18, v36  }
0x1a9: {  	v18 =	vadd.s32 $0x200, v18;
	_ =	sdelay $0x1  }
0x1aa: {  	v37 =	vpop (erf)  }
0x1ab: {  	v38 =	vxor.u32 $0x80000000, v37;
	v20 =	vadd.f32 $-1.000000000e+00, v37  }
0x1ac: {  	[tilespmem:v19+s2+$0x0] =	vst.idx.add.f32.msk $0xffff, v38  }
0x1ad: {  	[tilespmem:v18+s2+$0x0] =	vst.idx.add.f32.msk $0xffff, v20  }
0x1ae: {  	v18 =	vld [tilespmem:s25+$0xFFFFFEC0]  }
0x1af: {  	v19 =	vld [tilespmem:s19+$0xFFFFFF60];
	_ =	sdelay $0x3  }
0x1b0: {  	v39 =	vperm.xlane v17, v10  }
0x1b1: {  	v18 =	vmax.f32 v18, v19  }
0x1b2: {  	v18 =	vmul.f32 v39, v18;
	_ =	sdelay $0x1  }
0x1b3: {  	v19 =	vmul.f32 $7.500000000e+00, v18;
	_ =	sdelay $0x1  }
0x1b4: {  	v19 =	vadd.f32 $8.000000000e+00, v19;
	_ =	sdelay $0x1  }
0x1b5: {  	v19 =	vtrunc.f32 v19  }
0x1b6: {  	v19 =	vcvt.f32.s32 v19;
	_ =	sdelay $0x1  }
0x1b7: {  	vm14 =	vgt.s32 v19, $0x0  }
0x1b8: {  	v19 =	vnsel vm14, $0x0, v19  }
0x1b9: {  	v19 =	vmin.u32 v19, $0xF  }
0x1ba: {  	v18 =	vmul.f32 $5.000000000e+02, v18;
	v40 =	vcvt.s32.f32 v19;
	_ =	sdelay $0x1  }
0x1bb: {  	v18 =	vadd.f32 $5.000000000e+02, v18;
	v20 =	vmul.f32 $6.666666410e+01, v40;
	_ =	sdelay $0x1  }
0x1bc: {  	v18 =	vsub.f32 v18, v20;
	_ =	sdelay $0x1  }
0x1bd: {  	v18 =	vmul.f32 $1.442695020e+00, v18;
	_ =	sdelay $0x1  }
0x1be: {  	(erf) = vpow2.f32 v18;
	_ =	sdelay $0x7  }
0x1bf: {  	v18 =	vld [tilespmem:s25+$0xFFFFFED0]  }
0x1c0: {  	v41 =	vpop (erf)  }
0x1c1: {  	v20 =	vadd.f32 $1.000000000e+00, v41;
	_ =	sdelay $0x1  }
0x1c2: {  	(erf) = vrcp.f32 v20  }
0x1c3: {  	v18 =	vtrunc.f32 v18  }
0x1c4: {  	v18 =	vcvt.f32.s32 v18  }
0x1c5: {  	v19 =	vshll.u32 v19, $0x9  }
0x1c6: {  	v19 =	vadd.s32 v18, v19  }
0x1c7: {  	v18 =	vand.u32 $0x7, v18;
	v42 =	vand.u32 $0xFFFFFFF8, v19  }
0x1c8: {  	v18 =	vor.u32 v18, v42  }
0x1c9: {  	v18 =	vadd.s32 $0x200, v18;
	_ =	sdelay $0x1  }
0x1ca: {  	v43 =	vpop (erf)  }
0x1cb: {  	v44 =	vxor.u32 $0x80000000, v43;
	v20 =	vadd.f32 $-1.000000000e+00, v43  }
0x1cc: {  	[tilespmem:v19+s2+$0x0] =	vst.idx.add.f32.msk $0xffff, v44  }
0x1cd: {  	[tilespmem:v18+s2+$0x0] =	vst.idx.add.f32.msk $0xffff, v20  }
0x1ce: {  	v18 =	vld [tilespmem:s25+$0xFFFFFEE0]  }
0x1cf: {  	v19 =	vld [tilespmem:s19+$0xFFFFFF70];
	_ =	sdelay $0x3  }
0x1d0: {  	v45 =	vperm.xlane v17, v4  }
0x1d1: {  	v18 =	vmax.f32 v18, v19  }
0x1d2: {  	v18 =	vmul.f32 v45, v18;
	_ =	sdelay $0x1  }
0x1d3: {  	v19 =	vmul.f32 $7.500000000e+00, v18;
	_ =	sdelay $0x1  }
0x1d4: {  	v19 =	vadd.f32 $8.000000000e+00, v19;
	_ =	sdelay $0x1  }
0x1d5: {  	v19 =	vtrunc.f32 v19  }
0x1d6: {  	v19 =	vcvt.f32.s32 v19;
	_ =	sdelay $0x1  }
0x1d7: {  	vm15 =	vgt.s32 v19, $0x0  }
0x1d8: {  	v19 =	vnsel vm15, $0x0, v19  }
0x1d9: {  	v19 =	vmin.u32 v19, $0xF  }
0x1da: {  	v18 =	vmul.f32 $5.000000000e+02, v18;
	v46 =	vcvt.s32.f32 v19;
	_ =	sdelay $0x1  }
0x1db: {  	v18 =	vadd.f32 $5.000000000e+02, v18;
	v20 =	vmul.f32 $6.666666410e+01, v46;
	_ =	sdelay $0x1  }
0x1dc: {  	v18 =	vsub.f32 v18, v20;
	_ =	sdelay $0x1  }
0x1dd: {  	v18 =	vmul.f32 $1.442695020e+00, v18;
	_ =	sdelay $0x1  }
0x1de: {  	(erf) = vpow2.f32 v18;
	_ =	sdelay $0x7  }
0x1df: {  	v18 =	vld [tilespmem:s25+$0xFFFFFEF0]  }
0x1e0: {  	v47 =	vpop (erf)  }
0x1e1: {  	v20 =	vadd.f32 $1.000000000e+00, v47;
	_ =	sdelay $0x1  }
0x1e2: {  	(erf) = vrcp.f32 v20  }
0x1e3: {  	v18 =	vtrunc.f32 v18  }
0x1e4: {  	v18 =	vcvt.f32.s32 v18  }
0x1e5: {  	v19 =	vshll.u32 v19, $0x9  }
0x1e6: {  	v19 =	vadd.s32 v18, v19  }
0x1e7: {  	v18 =	vand.u32 $0x7, v18;
	v48 =	vand.u32 $0xFFFFFFF8, v19  }
0x1e8: {  	v18 =	vor.u32 v18, v48  }
0x1e9: {  	v18 =	vadd.s32 $0x200, v18;
	_ =	sdelay $0x1  }
0x1ea: {  	v49 =	vpop (erf)  }
0x1eb: {  	v50 =	vxor.u32 $0x80000000, v49;
	v20 =	vadd.f32 $-1.000000000e+00, v49  }
0x1ec: {  	[tilespmem:v19+s2+$0x0] =	vst.idx.add.f32.msk $0xffff, v50  }
0x1ed: {  	[tilespmem:v18+s2+$0x0] =	vst.idx.add.f32.msk $0xffff, v20  }
0x1ee: {  	v18 =	vld [tilespmem:s25+$0xFFFFFF00]  }
0x1ef: {  	v19 =	vld [tilespmem:s19+$0xFFFFFF80];
	_ =	sdelay $0x3  }
0x1f0: {  	v51 =	vperm.xlane v17, v11  }
0x1f1: {  	v18 =	vmax.f32 v18, v19  }
0x1f2: {  	v18 =	vmul.f32 v51, v18;
	_ =	sdelay $0x1  }
0x1f3: {  	v19 =	vmul.f32 $7.500000000e+00, v18;
	_ =	sdelay $0x1  }
0x1f4: {  	v19 =	vadd.f32 $8.000000000e+00, v19;
	_ =	sdelay $0x1  }
0x1f5: {  	v19 =	vtrunc.f32 v19  }
0x1f6: {  	v19 =	vcvt.f32.s32 v19;
	_ =	sdelay $0x1  }
0x1f7: {  	vm4 =	vgt.s32 v19, $0x0  }
0x1f8: {  	v19 =	vnsel vm4, $0x0, v19  }
0x1f9: {  	v19 =	vmin.u32 v19, $0xF  }
0x1fa: {  	v18 =	vmul.f32 $5.000000000e+02, v18;
	v52 =	vcvt.s32.f32 v19;
	_ =	sdelay $0x1  }
0x1fb: {  	v18 =	vadd.f32 $5.000000000e+02, v18;
	v20 =	vmul.f32 $6.666666410e+01, v52;
	_ =	sdelay $0x1  }
0x1fc: {  	v18 =	vsub.f32 v18, v20;
	_ =	sdelay $0x1  }
0x1fd: {  	v18 =	vmul.f32 $1.442695020e+00, v18;
	_ =	sdelay $0x1  }
0x1fe: {  	(erf) = vpow2.f32 v18;
	_ =	sdelay $0x7  }
0x1ff: {  	v18 =	vld [tilespmem:s25+$0xFFFFFF10]  }
0x200: {  	v53 =	vpop (erf)  }
0x201: {  	v20 =	vadd.f32 $1.000000000e+00, v53;
	_ =	sdelay $0x1  }
0x202: {  	(erf) = vrcp.f32 v20  }
0x203: {  	v18 =	vtrunc.f32 v18  }
0x204: {  	v18 =	vcvt.f32.s32 v18  }
0x205: {  	v19 =	vshll.u32 v19, $0x9  }
0x206: {  	v19 =	vadd.s32 v18, v19  }
0x207: {  	v18 =	vand.u32 $0x7, v18;
	v54 =	vand.u32 $0xFFFFFFF8, v19  }
0x208: {  	v18 =	vor.u32 v18, v54  }
0x209: {  	v18 =	vadd.s32 $0x200, v18;
	_ =	sdelay $0x1  }
0x20a: {  	v55 =	vpop (erf)  }
0x20b: {  	v56 =	vxor.u32 $0x80000000, v55;
	v20 =	vadd.f32 $-1.000000000e+00, v55  }
0x20c: {  	[tilespmem:v19+s2+$0x0] =	vst.idx.add.f32.msk $0xffff, v56  }
0x20d: {  	[tilespmem:v18+s2+$0x0] =	vst.idx.add.f32.msk $0xffff, v20  }
0x20e: {  	v18 =	vld [tilespmem:s25+$0xFFFFFF20]  }
0x20f: {  	v19 =	vld [tilespmem:s19+$0xFFFFFF90];
	_ =	sdelay $0x3  }
0x210: {  	v57 =	vperm.xlane v17, v3  }
0x211: {  	v18 =	vmax.f32 v18, v19  }
0x212: {  	v18 =	vmul.f32 v57, v18;
	_ =	sdelay $0x1  }
0x213: {  	v19 =	vmul.f32 $7.500000000e+00, v18;
	_ =	sdelay $0x1  }
0x214: {  	v19 =	vadd.f32 $8.000000000e+00, v19;
	_ =	sdelay $0x1  }
0x215: {  	v19 =	vtrunc.f32 v19  }
0x216: {  	v19 =	vcvt.f32.s32 v19;
	_ =	sdelay $0x1  }
0x217: {  	vm5 =	vgt.s32 v19, $0x0  }
0x218: {  	v19 =	vnsel vm5, $0x0, v19  }
0x219: {  	v19 =	vmin.u32 v19, $0xF  }
0x21a: {  	v18 =	vmul.f32 $5.000000000e+02, v18;
	v58 =	vcvt.s32.f32 v19;
	_ =	sdelay $0x1  }
0x21b: {  	v18 =	vadd.f32 $5.000000000e+02, v18;
	v20 =	vmul.f32 $6.666666410e+01, v58;
	_ =	sdelay $0x1  }
0x21c: {  	v18 =	vsub.f32 v18, v20;
	_ =	sdelay $0x1  }
0x21d: {  	v18 =	vmul.f32 $1.442695020e+00, v18;
	_ =	sdelay $0x1  }
0x21e: {  	(erf) = vpow2.f32 v18;
	_ =	sdelay $0x7  }
0x21f: {  	v18 =	vld [tilespmem:s25+$0xFFFFFF30]  }
0x220: {  	v59 =	vpop (erf)  }
0x221: {  	v20 =	vadd.f32 $1.000000000e+00, v59;
	_ =	sdelay $0x1  }
0x222: {  	(erf) = vrcp.f32 v20  }
0x223: {  	v18 =	vtrunc.f32 v18  }
0x224: {  	v18 =	vcvt.f32.s32 v18  }
0x225: {  	v19 =	vshll.u32 v19, $0x9  }
0x226: {  	v19 =	vadd.s32 v18, v19  }
0x227: {  	v18 =	vand.u32 $0x7, v18;
	v60 =	vand.u32 $0xFFFFFFF8, v19  }
0x228: {  	v18 =	vor.u32 v18, v60  }
0x229: {  	v18 =	vadd.s32 $0x200, v18;
	_ =	sdelay $0x1  }
0x22a: {  	v61 =	vpop (erf)  }
0x22b: {  	v62 =	vxor.u32 $0x80000000, v61;
	v20 =	vadd.f32 $-1.000000000e+00, v61  }
0x22c: {  	[tilespmem:v19+s2+$0x0] =	vst.idx.add.f32.msk $0xffff, v62  }
0x22d: {  	[tilespmem:v18+s2+$0x0] =	vst.idx.add.f32.msk $0xffff, v20  }
0x22e: {  	v18 =	vld [tilespmem:s25+$0xFFFFFF40]  }
0x22f: {  	v19 =	vld [tilespmem:s19+$0xFFFFFFA0];
	_ =	sdelay $0x3  }
0x230: {  	v63 =	vperm.xlane v17, v12  }
0x231: {  	v18 =	vmax.f32 v18, v19  }
0x232: {  	v18 =	vmul.f32 v63, v18;
	_ =	sdelay $0x1  }
0x233: {  	v19 =	vmul.f32 $7.500000000e+00, v18;
	_ =	sdelay $0x1  }
0x234: {  	v19 =	vadd.f32 $8.000000000e+00, v19;
	_ =	sdelay $0x1  }
0x235: {  	v19 =	vtrunc.f32 v19  }
0x236: {  	v19 =	vcvt.f32.s32 v19;
	_ =	sdelay $0x1  }
0x237: {  	vm6 =	vgt.s32 v19, $0x0  }
0x238: {  	v19 =	vnsel vm6, $0x0, v19  }
0x239: {  	v19 =	vmin.u32 v19, $0xF  }
0x23a: {  	v18 =	vmul.f32 $5.000000000e+02, v18;
	v24 =	vcvt.s32.f32 v19;
	_ =	sdelay $0x1  }
0x23b: {  	v18 =	vadd.f32 $5.000000000e+02, v18;
	v20 =	vmul.f32 $6.666666410e+01, v24;
	_ =	sdelay $0x1  }
0x23c: {  	v18 =	vsub.f32 v18, v20;
	_ =	sdelay $0x1  }
0x23d: {  	v18 =	vmul.f32 $1.442695020e+00, v18;
	_ =	sdelay $0x1  }
0x23e: {  	(erf) = vpow2.f32 v18;
	_ =	sdelay $0x7  }
0x23f: {  	v18 =	vld [tilespmem:s25+$0xFFFFFF50]  }
0x240: {  	v25 =	vpop (erf)  }
0x241: {  	v20 =	vadd.f32 $1.000000000e+00, v25;
	_ =	sdelay $0x1  }
0x242: {  	(erf) = vrcp.f32 v20  }
0x243: {  	v18 =	vtrunc.f32 v18  }
0x244: {  	v18 =	vcvt.f32.s32 v18  }
0x245: {  	v19 =	vshll.u32 v19, $0x9  }
0x246: {  	v19 =	vadd.s32 v18, v19  }
0x247: {  	v18 =	vand.u32 $0x7, v18;
	v26 =	vand.u32 $0xFFFFFFF8, v19  }
0x248: {  	v18 =	vor.u32 v18, v26  }
0x249: {  	v18 =	vadd.s32 $0x200, v18;
	_ =	sdelay $0x1  }
0x24a: {  	v27 =	vpop (erf)  }
0x24b: {  	v28 =	vxor.u32 $0x80000000, v27;
	v20 =	vadd.f32 $-1.000000000e+00, v27  }
0x24c: {  	[tilespmem:v19+s2+$0x0] =	vst.idx.add.f32.msk $0xffff, v28  }
0x24d: {  	[tilespmem:v18+s2+$0x0] =	vst.idx.add.f32.msk $0xffff, v20  }
0x24e: {  	v18 =	vld [tilespmem:s25+$0xFFFFFF60]  }
0x24f: {  	v19 =	vld [tilespmem:s19+$0xFFFFFFB0];
	_ =	sdelay $0x3  }
0x250: {  	v29 =	vperm.xlane v17, v13  }
0x251: {  	v18 =	vmax.f32 v18, v19  }
0x252: {  	v18 =	vmul.f32 v29, v18;
	_ =	sdelay $0x1  }
0x253: {  	v19 =	vmul.f32 $7.500000000e+00, v18;
	_ =	sdelay $0x1  }
0x254: {  	v19 =	vadd.f32 $8.000000000e+00, v19;
	_ =	sdelay $0x1  }
0x255: {  	v19 =	vtrunc.f32 v19  }
0x256: {  	v19 =	vcvt.f32.s32 v19;
	_ =	sdelay $0x1  }
0x257: {  	vm7 =	vgt.s32 v19, $0x0  }
0x258: {  	v19 =	vnsel vm7, $0x0, v19  }
0x259: {  	v19 =	vmin.u32 v19, $0xF  }
0x25a: {  	v18 =	vmul.f32 $5.000000000e+02, v18;
	v30 =	vcvt.s32.f32 v19;
	_ =	sdelay $0x1  }
0x25b: {  	v18 =	vadd.f32 $5.000000000e+02, v18;
	v20 =	vmul.f32 $6.666666410e+01, v30;
	_ =	sdelay $0x1  }
0x25c: {  	v18 =	vsub.f32 v18, v20;
	_ =	sdelay $0x1  }
0x25d: {  	v18 =	vmul.f32 $1.442695020e+00, v18;
	_ =	sdelay $0x1  }
0x25e: {  	(erf) = vpow2.f32 v18;
	_ =	sdelay $0x7  }
0x25f: {  	v18 =	vld [tilespmem:s25+$0xFFFFFF70]  }
0x260: {  	v31 =	vpop (erf)  }
0x261: {  	v20 =	vadd.f32 $1.000000000e+00, v31;
	_ =	sdelay $0x1  }
0x262: {  	(erf) = vrcp.f32 v20  }
0x263: {  	v18 =	vtrunc.f32 v18  }
0x264: {  	v18 =	vcvt.f32.s32 v18  }
0x265: {  	v19 =	vshll.u32 v19, $0x9  }
0x266: {  	v19 =	vadd.s32 v18, v19  }
0x267: {  	v18 =	vand.u32 $0x7, v18;
	v32 =	vand.u32 $0xFFFFFFF8, v19  }
0x268: {  	v18 =	vor.u32 v18, v32  }
0x269: {  	v18 =	vadd.s32 $0x200, v18;
	_ =	sdelay $0x1  }
0x26a: {  	v33 =	vpop (erf)  }
0x26b: {  	v34 =	vxor.u32 $0x80000000, v33;
	v20 =	vadd.f32 $-1.000000000e+00, v33  }
0x26c: {  	[tilespmem:v19+s2+$0x0] =	vst.idx.add.f32.msk $0xffff, v34  }
0x26d: {  	[tilespmem:v18+s2+$0x0] =	vst.idx.add.f32.msk $0xffff, v20  }
0x26e: {  	v18 =	vld [tilespmem:s25+$0xFFFFFF80]  }
0x26f: {  	v19 =	vld [tilespmem:s19+$0xFFFFFFC0];
	_ =	sdelay $0x3  }
0x270: {  	v35 =	vperm.xlane v17, v14  }
0x271: {  	v18 =	vmax.f32 v18, v19  }
0x272: {  	v18 =	vmul.f32 v35, v18;
	_ =	sdelay $0x1  }
0x273: {  	v19 =	vmul.f32 $7.500000000e+00, v18;
	_ =	sdelay $0x1  }
0x274: {  	v19 =	vadd.f32 $8.000000000e+00, v19;
	_ =	sdelay $0x1  }
0x275: {  	v19 =	vtrunc.f32 v19  }
0x276: {  	v19 =	vcvt.f32.s32 v19;
	_ =	sdelay $0x1  }
0x277: {  	vm8 =	vgt.s32 v19, $0x0  }
0x278: {  	v19 =	vnsel vm8, $0x0, v19  }
0x279: {  	v19 =	vmin.u32 v19, $0xF  }
0x27a: {  	v18 =	vmul.f32 $5.000000000e+02, v18;
	v36 =	vcvt.s32.f32 v19;
	_ =	sdelay $0x1  }
0x27b: {  	v18 =	vadd.f32 $5.000000000e+02, v18;
	v20 =	vmul.f32 $6.666666410e+01, v36;
	_ =	sdelay $0x1  }
0x27c: {  	v18 =	vsub.f32 v18, v20;
	_ =	sdelay $0x1  }
0x27d: {  	v18 =	vmul.f32 $1.442695020e+00, v18;
	_ =	sdelay $0x1  }
0x27e: {  	(erf) = vpow2.f32 v18;
	_ =	sdelay $0x7  }
0x27f: {  	v18 =	vld [tilespmem:s25+$0xFFFFFF90]  }
0x280: {  	v37 =	vpop (erf)  }
0x281: {  	v20 =	vadd.f32 $1.000000000e+00, v37;
	_ =	sdelay $0x1  }
0x282: {  	(erf) = vrcp.f32 v20  }
0x283: {  	v18 =	vtrunc.f32 v18  }
0x284: {  	v18 =	vcvt.f32.s32 v18  }
0x285: {  	v19 =	vshll.u32 v19, $0x9  }
0x286: {  	v19 =	vadd.s32 v18, v19  }
0x287: {  	v18 =	vand.u32 $0x7, v18;
	v38 =	vand.u32 $0xFFFFFFF8, v19  }
0x288: {  	v18 =	vor.u32 v18, v38  }
0x289: {  	v18 =	vadd.s32 $0x200, v18;
	_ =	sdelay $0x1  }
0x28a: {  	v39 =	vpop (erf)  }
0x28b: {  	v40 =	vxor.u32 $0x80000000, v39;
	v20 =	vadd.f32 $-1.000000000e+00, v39  }
0x28c: {  	[tilespmem:v19+s2+$0x0] =	vst.idx.add.f32.msk $0xffff, v40  }
0x28d: {  	[tilespmem:v18+s2+$0x0] =	vst.idx.add.f32.msk $0xffff, v20  }
0x28e: {  	v18 =	vld [tilespmem:s25+$0xFFFFFFA0]  }
0x28f: {  	v19 =	vld [tilespmem:s19+$0xFFFFFFD0];
	_ =	sdelay $0x3  }
0x290: {  	v41 =	vperm.xlane v17, v15  }
0x291: {  	v18 =	vmax.f32 v18, v19  }
0x292: {  	v18 =	vmul.f32 v41, v18;
	_ =	sdelay $0x1  }
0x293: {  	v19 =	vmul.f32 $7.500000000e+00, v18;
	_ =	sdelay $0x1  }
0x294: {  	v19 =	vadd.f32 $8.000000000e+00, v19;
	_ =	sdelay $0x1  }
0x295: {  	v19 =	vtrunc.f32 v19  }
0x296: {  	v19 =	vcvt.f32.s32 v19;
	_ =	sdelay $0x1  }
0x297: {  	vm9 =	vgt.s32 v19, $0x0  }
0x298: {  	v19 =	vnsel vm9, $0x0, v19  }
0x299: {  	v19 =	vmin.u32 v19, $0xF  }
0x29a: {  	v18 =	vmul.f32 $5.000000000e+02, v18;
	v42 =	vcvt.s32.f32 v19;
	_ =	sdelay $0x1  }
0x29b: {  	v18 =	vadd.f32 $5.000000000e+02, v18;
	v20 =	vmul.f32 $6.666666410e+01, v42;
	_ =	sdelay $0x1  }
0x29c: {  	v18 =	vsub.f32 v18, v20;
	_ =	sdelay $0x1  }
0x29d: {  	v18 =	vmul.f32 $1.442695020e+00, v18;
	_ =	sdelay $0x1  }
0x29e: {  	(erf) = vpow2.f32 v18;
	_ =	sdelay $0x7  }
0x29f: {  	v18 =	vld [tilespmem:s25+$0xFFFFFFB0]  }
0x2a0: {  	v43 =	vpop (erf)  }
0x2a1: {  	v20 =	vadd.f32 $1.000000000e+00, v43;
	_ =	sdelay $0x1  }
0x2a2: {  	(erf) = vrcp.f32 v20  }
0x2a3: {  	v18 =	vtrunc.f32 v18  }
0x2a4: {  	v18 =	vcvt.f32.s32 v18  }
0x2a5: {  	v19 =	vshll.u32 v19, $0x9  }
0x2a6: {  	v19 =	vadd.s32 v18, v19  }
0x2a7: {  	v18 =	vand.u32 $0x7, v18;
	v44 =	vand.u32 $0xFFFFFFF8, v19  }
0x2a8: {  	v18 =	vor.u32 v18, v44  }
0x2a9: {  	v18 =	vadd.s32 $0x200, v18;
	_ =	sdelay $0x1  }
0x2aa: {  	v45 =	vpop (erf)  }
0x2ab: {  	v46 =	vxor.u32 $0x80000000, v45;
	v20 =	vadd.f32 $-1.000000000e+00, v45  }
0x2ac: {  	[tilespmem:v19+s2+$0x0] =	vst.idx.add.f32.msk $0xffff, v46  }
0x2ad: {  	[tilespmem:v18+s2+$0x0] =	vst.idx.add.f32.msk $0xffff, v20  }
0x2ae: {  	v18 =	vld [tilespmem:s25+$0xFFFFFFC0]  }
0x2af: {  	v19 =	vld [tilespmem:s19+$0xFFFFFFE0];
	_ =	sdelay $0x3  }
0x2b0: {  	v47 =	vperm.xlane v17, v16  }
0x2b1: {  	v18 =	vmax.f32 v18, v19  }
0x2b2: {  	v18 =	vmul.f32 v47, v18;
	_ =	sdelay $0x1  }
0x2b3: {  	v19 =	vmul.f32 $7.500000000e+00, v18;
	_ =	sdelay $0x1  }
0x2b4: {  	v19 =	vadd.f32 $8.000000000e+00, v19;
	_ =	sdelay $0x1  }
0x2b5: {  	v19 =	vtrunc.f32 v19  }
0x2b6: {  	v19 =	vcvt.f32.s32 v19;
	_ =	sdelay $0x1  }
0x2b7: {  	vm10 =	vgt.s32 v19, $0x0  }
0x2b8: {  	v19 =	vnsel vm10, $0x0, v19  }
0x2b9: {  	v19 =	vmin.u32 v19, $0xF  }
0x2ba: {  	v18 =	vmul.f32 $5.000000000e+02, v18;
	v48 =	vcvt.s32.f32 v19;
	_ =	sdelay $0x1  }
0x2bb: {  	v18 =	vadd.f32 $5.000000000e+02, v18;
	v20 =	vmul.f32 $6.666666410e+01, v48;
	_ =	sdelay $0x1  }
0x2bc: {  	v18 =	vsub.f32 v18, v20;
	_ =	sdelay $0x1  }
0x2bd: {  	v18 =	vmul.f32 $1.442695020e+00, v18;
	_ =	sdelay $0x1  }
0x2be: {  	(erf) = vpow2.f32 v18;
	_ =	sdelay $0x7  }
0x2bf: {  	v18 =	vld [tilespmem:s25+$0xFFFFFFD0]  }
0x2c0: {  	v49 =	vpop (erf)  }
0x2c1: {  	v20 =	vadd.f32 $1.000000000e+00, v49;
	_ =	sdelay $0x1  }
0x2c2: {  	(erf) = vrcp.f32 v20  }
0x2c3: {  	v18 =	vtrunc.f32 v18  }
0x2c4: {  	v18 =	vcvt.f32.s32 v18  }
0x2c5: {  	v19 =	vshll.u32 v19, $0x9  }
0x2c6: {  	v19 =	vadd.s32 v18, v19  }
0x2c7: {  	v18 =	vand.u32 $0x7, v18;
	v50 =	vand.u32 $0xFFFFFFF8, v19  }
0x2c8: {  	v18 =	vor.u32 v18, v50  }
0x2c9: {  	v18 =	vadd.s32 $0x200, v18;
	_ =	sdelay $0x1  }
0x2ca: {  	v51 =	vpop (erf)  }
0x2cb: {  	v52 =	vxor.u32 $0x80000000, v51;
	v20 =	vadd.f32 $-1.000000000e+00, v51  }
0x2cc: {  	[tilespmem:v19+s2+$0x0] =	vst.idx.add.f32.msk $0xffff, v52  }
0x2cd: {  	[tilespmem:v18+s2+$0x0] =	vst.idx.add.f32.msk $0xffff, v20  }
0x2ce: {  	v18 =	vld [tilespmem:s25+$0xFFFFFFE0]  }
0x2cf: {  	v19 =	vld [tilespmem:s19+$0xFFFFFFF0];
	_ =	sdelay $0x3  }
0x2d0: {  	v17 =	vperm.xlane v17, v2  }
0x2d1: {  	v18 =	vmax.f32 v18, v19  }
0x2d2: {  	v18 =	vmul.f32 v17, v18;
	_ =	sdelay $0x1  }
0x2d3: {  	v17 =	vmul.f32 $7.500000000e+00, v18;
	_ =	sdelay $0x1  }
0x2d4: {  	v17 =	vadd.f32 $8.000000000e+00, v17  }
0x2d5: {  	v53 =	vld [tilespmem:s25+$0x0]  }
0x2d6: {  	v19 =	vld [tilespmem:s0+$0x0];
	v17 =	vtrunc.f32 v17  }
0x2d7: {  	v54 =	vld [tilespmem:s19+$0x0];
	v17 =	vcvt.f32.s32 v17;
	_ =	sdelay $0x1  }
0x2d8: {  	vm11 =	vgt.s32 v17, $0x0  }
0x2d9: {  	v17 =	vnsel vm11, $0x0, v17  }
0x2da: {  	v22 =	vperm.xlane v19, v1;
	v17 =	vmin.u32 v17, $0xF  }
0x2db: {  	v20 =	vmax.f32 v53, v54;
	v18 =	vmul.f32 $5.000000000e+02, v18;
	v23 =	vcvt.s32.f32 v17  }
0x2dc: {  	v20 =	vmul.f32 v22, v20  }
0x2dd: {  	v18 =	vadd.f32 $5.000000000e+02, v18;
	v55 =	vmul.f32 $6.666666410e+01, v23  }
0x2de: {  	v22 =	vmul.f32 $7.500000000e+00, v20  }
0x2df: {  	v18 =	vsub.f32 v18, v55  }
0x2e0: {  	v56 =	vadd.f32 $8.000000000e+00, v22  }
0x2e1: {  	v18 =	vmul.f32 $1.442695020e+00, v18  }
0x2e2: {  	v21 =	vtrunc.f32 v56  }
0x2e3: {  	(erf) = vpow2.f32 v18;
	v18 =	vcvt.f32.s32 v21;
	_ =	sdelay $0x1  }
0x2e4: {  	vm12 =	vgt.s32 v18, $0x0  }
0x2e5: {  	v18 =	vnsel vm12, $0x0, v18  }
0x2e6: {  	v57 =	vmin.u32 v18, $0xF  }
0x2e7: {  	v18 =	vmul.f32 $5.000000000e+02, v20;
	v58 =	vcvt.s32.f32 v57;
	_ =	sdelay $0x1  }
0x2e8: {  	v18 =	vadd.f32 $5.000000000e+02, v18;
	v20 =	vmul.f32 $6.666666410e+01, v58;
	_ =	sdelay $0x1  }
0x2e9: {  	v59 =	vpop (erf);
	v18 =	vsub.f32 v18, v20  }
0x2ea: {  	v60 =	vadd.f32 $1.000000000e+00, v59  }
0x2eb: {  	v18 =	vmul.f32 $1.442695020e+00, v18  }
0x2ec: {  	(erf) = vrcp.f32 v60  }
0x2ed: {  	(erf) = vpow2.f32 v18;
	_ =	sdelay $0x7  }
0x2ee: {  	v61 =	vld [tilespmem:s25+$0x10];
	v18 =	vpop (erf)  }
0x2ef: {  	v62 =	vpop (erf)  }
0x2f0: {  	v22 =	vadd.f32 $1.000000000e+00, v62;
	_ =	sdelay $0x1  }
0x2f1: {  	(erf) = vrcp.f32 v22  }
0x2f2: {  	v20 =	vtrunc.f32 v61  }
0x2f3: {  	v20 =	vcvt.f32.s32 v20  }
0x2f4: {  	v21 =	vshll.u32 v57, $0x9  }
0x2f5: {  	v21 =	vadd.s32 v20, v21  }
0x2f6: {  	v20 =	vand.u32 $0x7, v20;
	v63 =	vand.u32 $0xFFFFFFF8, v21  }
0x2f7: {  	v20 =	vor.u32 v20, v63  }
0x2f8: {  	v20 =	vadd.s32 $0x200, v20;
	_ =	sdelay $0x1  }
0x2f9: {  	v24 =	vpop (erf)  }
0x2fa: {  	v25 =	vxor.u32 $0x80000000, v24;
	v22 =	vadd.f32 $-1.000000000e+00, v24  }
0x2fb: {  	[tilespmem:v21+s2+$0x0] =	vst.idx.add.f32.msk $0xffff, v25  }
0x2fc: {  	[tilespmem:v20+s2+$0x0] =	vst.idx.add.f32.msk $0xffff, v22  }
0x2fd: {  	v20 =	vld [tilespmem:s25+$0x20]  }
0x2fe: {  	v21 =	vld [tilespmem:s19+$0x10];
	_ =	sdelay $0x3  }
0x2ff: {  	v26 =	vperm.xlane v19, v5  }
0x300: {  	v20 =	vmax.f32 v20, v21  }
0x301: {  	v20 =	vmul.f32 v26, v20;
	_ =	sdelay $0x1  }
0x302: {  	v27 =	vmul.f32 $7.500000000e+00, v20;
	_ =	sdelay $0x1  }
0x303: {  	v21 =	vadd.f32 $8.000000000e+00, v27;
	_ =	sdelay $0x1  }
0x304: {  	v21 =	vtrunc.f32 v21  }
0x305: {  	v21 =	vcvt.f32.s32 v21;
	_ =	sdelay $0x1  }
0x306: {  	vm13 =	vgt.s32 v21, $0x0  }
0x307: {  	v21 =	vnsel vm13, $0x0, v21  }
0x308: {  	v21 =	vmin.u32 v21, $0xF  }
0x309: {  	v20 =	vmul.f32 $5.000000000e+02, v20;
	v28 =	vcvt.s32.f32 v21;
	_ =	sdelay $0x1  }
0x30a: {  	v20 =	vadd.f32 $5.000000000e+02, v20;
	v22 =	vmul.f32 $6.666666410e+01, v28;
	_ =	sdelay $0x1  }
0x30b: {  	v20 =	vsub.f32 v20, v22;
	_ =	sdelay $0x1  }
0x30c: {  	v20 =	vmul.f32 $1.442695020e+00, v20;
	_ =	sdelay $0x1  }
0x30d: {  	(erf) = vpow2.f32 v20;
	_ =	sdelay $0x7  }
0x30e: {  	v29 =	vld [tilespmem:s25+$0x30]  }
0x30f: {  	v30 =	vpop (erf)  }
0x310: {  	v22 =	vadd.f32 $1.000000000e+00, v30;
	_ =	sdelay $0x1  }
0x311: {  	(erf) = vrcp.f32 v22  }
0x312: {  	v20 =	vtrunc.f32 v29  }
0x313: {  	v20 =	vcvt.f32.s32 v20  }
0x314: {  	v21 =	vshll.u32 v21, $0x9  }
0x315: {  	v21 =	vadd.s32 v20, v21  }
0x316: {  	v20 =	vand.u32 $0x7, v20;
	v31 =	vand.u32 $0xFFFFFFF8, v21  }
0x317: {  	v20 =	vor.u32 v20, v31  }
0x318: {  	v20 =	vadd.s32 $0x200, v20;
	_ =	sdelay $0x1  }
0x319: {  	v32 =	vpop (erf)  }
0x31a: {  	v33 =	vxor.u32 $0x80000000, v32;
	v22 =	vadd.f32 $-1.000000000e+00, v32  }
0x31b: {  	[tilespmem:v21+s2+$0x0] =	vst.idx.add.f32.msk $0xffff, v33  }
0x31c: {  	[tilespmem:v20+s2+$0x0] =	vst.idx.add.f32.msk $0xffff, v22  }
0x31d: {  	v20 =	vld [tilespmem:s25+$0x40]  }
0x31e: {  	v21 =	vld [tilespmem:s19+$0x20];
	_ =	sdelay $0x3  }
0x31f: {  	v34 =	vperm.xlane v19, v6  }
0x320: {  	v20 =	vmax.f32 v20, v21  }
0x321: {  	v20 =	vmul.f32 v34, v20;
	_ =	sdelay $0x1  }
0x322: {  	v35 =	vmul.f32 $7.500000000e+00, v20;
	_ =	sdelay $0x1  }
0x323: {  	v21 =	vadd.f32 $8.000000000e+00, v35;
	_ =	sdelay $0x1  }
0x324: {  	v21 =	vtrunc.f32 v21  }
0x325: {  	v21 =	vcvt.f32.s32 v21;
	_ =	sdelay $0x1  }
0x326: {  	vm14 =	vgt.s32 v21, $0x0  }
0x327: {  	v21 =	vnsel vm14, $0x0, v21  }
0x328: {  	v21 =	vmin.u32 v21, $0xF  }
0x329: {  	v20 =	vmul.f32 $5.000000000e+02, v20;
	v36 =	vcvt.s32.f32 v21;
	_ =	sdelay $0x1  }
0x32a: {  	v20 =	vadd.f32 $5.000000000e+02, v20;
	v22 =	vmul.f32 $6.666666410e+01, v36;
	_ =	sdelay $0x1  }
0x32b: {  	v20 =	vsub.f32 v20, v22;
	_ =	sdelay $0x1  }
0x32c: {  	v20 =	vmul.f32 $1.442695020e+00, v20;
	_ =	sdelay $0x1  }
0x32d: {  	(erf) = vpow2.f32 v20;
	_ =	sdelay $0x7  }
0x32e: {  	v37 =	vld [tilespmem:s25+$0x50]  }
0x32f: {  	v38 =	vpop (erf)  }
0x330: {  	v22 =	vadd.f32 $1.000000000e+00, v38;
	_ =	sdelay $0x1  }
0x331: {  	(erf) = vrcp.f32 v22  }
0x332: {  	v20 =	vtrunc.f32 v37  }
0x333: {  	v20 =	vcvt.f32.s32 v20  }
0x334: {  	v21 =	vshll.u32 v21, $0x9  }
0x335: {  	v21 =	vadd.s32 v20, v21  }
0x336: {  	v20 =	vand.u32 $0x7, v20;
	v39 =	vand.u32 $0xFFFFFFF8, v21  }
0x337: {  	v20 =	vor.u32 v20, v39  }
0x338: {  	v20 =	vadd.s32 $0x200, v20;
	_ =	sdelay $0x1  }
0x339: {  	v40 =	vpop (erf)  }
0x33a: {  	v41 =	vxor.u32 $0x80000000, v40;
	v22 =	vadd.f32 $-1.000000000e+00, v40  }
0x33b: {  	[tilespmem:v21+s2+$0x0] =	vst.idx.add.f32.msk $0xffff, v41  }
0x33c: {  	[tilespmem:v20+s2+$0x0] =	vst.idx.add.f32.msk $0xffff, v22  }
0x33d: {  	v20 =	vld [tilespmem:s25+$0x60]  }
0x33e: {  	v21 =	vld [tilespmem:s19+$0x30];
	_ =	sdelay $0x3  }
0x33f: {  	v42 =	vperm.xlane v19, v7  }
0x340: {  	v20 =	vmax.f32 v20, v21  }
0x341: {  	v20 =	vmul.f32 v42, v20;
	_ =	sdelay $0x1  }
0x342: {  	v43 =	vmul.f32 $7.500000000e+00, v20;
	_ =	sdelay $0x1  }
0x343: {  	v21 =	vadd.f32 $8.000000000e+00, v43;
	_ =	sdelay $0x1  }
0x344: {  	v21 =	vtrunc.f32 v21  }
0x345: {  	v21 =	vcvt.f32.s32 v21;
	_ =	sdelay $0x1  }
0x346: {  	vm15 =	vgt.s32 v21, $0x0  }
0x347: {  	v21 =	vnsel vm15, $0x0, v21  }
0x348: {  	v21 =	vmin.u32 v21, $0xF  }
0x349: {  	v20 =	vmul.f32 $5.000000000e+02, v20;
	v44 =	vcvt.s32.f32 v21;
	_ =	sdelay $0x1  }
0x34a: {  	v20 =	vadd.f32 $5.000000000e+02, v20;
	v22 =	vmul.f32 $6.666666410e+01, v44;
	_ =	sdelay $0x1  }
0x34b: {  	v20 =	vsub.f32 v20, v22;
	_ =	sdelay $0x1  }
0x34c: {  	v20 =	vmul.f32 $1.442695020e+00, v20;
	_ =	sdelay $0x1  }
0x34d: {  	(erf) = vpow2.f32 v20;
	_ =	sdelay $0x7  }
0x34e: {  	v45 =	vld [tilespmem:s25+$0x70]  }
0x34f: {  	v46 =	vpop (erf)  }
0x350: {  	v22 =	vadd.f32 $1.000000000e+00, v46;
	_ =	sdelay $0x1  }
0x351: {  	(erf) = vrcp.f32 v22  }
0x352: {  	v20 =	vtrunc.f32 v45  }
0x353: {  	v20 =	vcvt.f32.s32 v20  }
0x354: {  	v21 =	vshll.u32 v21, $0x9  }
0x355: {  	v21 =	vadd.s32 v20, v21  }
0x356: {  	v20 =	vand.u32 $0x7, v20;
	v47 =	vand.u32 $0xFFFFFFF8, v21  }
0x357: {  	v20 =	vor.u32 v20, v47  }
0x358: {  	v20 =	vadd.s32 $0x200, v20;
	_ =	sdelay $0x1  }
0x359: {  	v48 =	vpop (erf)  }
0x35a: {  	v49 =	vxor.u32 $0x80000000, v48;
	v22 =	vadd.f32 $-1.000000000e+00, v48  }
0x35b: {  	[tilespmem:v21+s2+$0x0] =	vst.idx.add.f32.msk $0xffff, v49  }
0x35c: {  	[tilespmem:v20+s2+$0x0] =	vst.idx.add.f32.msk $0xffff, v22  }
0x35d: {  	v20 =	vld [tilespmem:s25+$0x80]  }
0x35e: {  	v21 =	vld [tilespmem:s19+$0x40];
	_ =	sdelay $0x3  }
0x35f: {  	v50 =	vperm.xlane v19, v8  }
0x360: {  	v20 =	vmax.f32 v20, v21  }
0x361: {  	v20 =	vmul.f32 v50, v20;
	_ =	sdelay $0x1  }
0x362: {  	v51 =	vmul.f32 $7.500000000e+00, v20;
	_ =	sdelay $0x1  }
0x363: {  	v21 =	vadd.f32 $8.000000000e+00, v51;
	_ =	sdelay $0x1  }
0x364: {  	v21 =	vtrunc.f32 v21  }
0x365: {  	v21 =	vcvt.f32.s32 v21;
	_ =	sdelay $0x1  }
0x366: {  	vm4 =	vgt.s32 v21, $0x0  }
0x367: {  	v21 =	vnsel vm4, $0x0, v21  }
0x368: {  	v21 =	vmin.u32 v21, $0xF  }
0x369: {  	v20 =	vmul.f32 $5.000000000e+02, v20;
	v52 =	vcvt.s32.f32 v21;
	_ =	sdelay $0x1  }
0x36a: {  	v20 =	vadd.f32 $5.000000000e+02, v20;
	v22 =	vmul.f32 $6.666666410e+01, v52;
	_ =	sdelay $0x1  }
0x36b: {  	v20 =	vsub.f32 v20, v22;
	_ =	sdelay $0x1  }
0x36c: {  	v20 =	vmul.f32 $1.442695020e+00, v20;
	_ =	sdelay $0x1  }
0x36d: {  	(erf) = vpow2.f32 v20;
	_ =	sdelay $0x7  }
0x36e: {  	v53 =	vld [tilespmem:s25+$0x90]  }
0x36f: {  	v54 =	vpop (erf)  }
0x370: {  	v22 =	vadd.f32 $1.000000000e+00, v54;
	_ =	sdelay $0x1  }
0x371: {  	(erf) = vrcp.f32 v22  }
0x372: {  	v20 =	vtrunc.f32 v53  }
0x373: {  	v20 =	vcvt.f32.s32 v20  }
0x374: {  	v21 =	vshll.u32 v21, $0x9  }
0x375: {  	v21 =	vadd.s32 v20, v21  }
0x376: {  	v20 =	vand.u32 $0x7, v20;
	v55 =	vand.u32 $0xFFFFFFF8, v21  }
0x377: {  	v20 =	vor.u32 v20, v55  }
0x378: {  	v20 =	vadd.s32 $0x200, v20;
	_ =	sdelay $0x1  }
0x379: {  	v56 =	vpop (erf)  }
0x37a: {  	v57 =	vxor.u32 $0x80000000, v56;
	v22 =	vadd.f32 $-1.000000000e+00, v56  }
0x37b: {  	[tilespmem:v21+s2+$0x0] =	vst.idx.add.f32.msk $0xffff, v57  }
0x37c: {  	[tilespmem:v20+s2+$0x0] =	vst.idx.add.f32.msk $0xffff, v22  }
0x37d: {  	v20 =	vld [tilespmem:s25+$0xA0]  }
0x37e: {  	v21 =	vld [tilespmem:s19+$0x50];
	_ =	sdelay $0x3  }
0x37f: {  	v58 =	vperm.xlane v19, v9  }
0x380: {  	v20 =	vmax.f32 v20, v21  }
0x381: {  	v20 =	vmul.f32 v58, v20;
	_ =	sdelay $0x1  }
0x382: {  	v59 =	vmul.f32 $7.500000000e+00, v20;
	_ =	sdelay $0x1  }
0x383: {  	v21 =	vadd.f32 $8.000000000e+00, v59;
	_ =	sdelay $0x1  }
0x384: {  	v21 =	vtrunc.f32 v21  }
0x385: {  	v21 =	vcvt.f32.s32 v21;
	_ =	sdelay $0x1  }
0x386: {  	vm5 =	vgt.s32 v21, $0x0  }
0x387: {  	v21 =	vnsel vm5, $0x0, v21  }
0x388: {  	v21 =	vmin.u32 v21, $0xF  }
0x389: {  	v20 =	vmul.f32 $5.000000000e+02, v20;
	v60 =	vcvt.s32.f32 v21;
	_ =	sdelay $0x1  }
0x38a: {  	v20 =	vadd.f32 $5.000000000e+02, v20;
	v22 =	vmul.f32 $6.666666410e+01, v60;
	_ =	sdelay $0x1  }
0x38b: {  	v20 =	vsub.f32 v20, v22;
	_ =	sdelay $0x1  }
0x38c: {  	v20 =	vmul.f32 $1.442695020e+00, v20;
	_ =	sdelay $0x1  }
0x38d: {  	(erf) = vpow2.f32 v20;
	_ =	sdelay $0x7  }
0x38e: {  	v61 =	vld [tilespmem:s25+$0xB0]  }
0x38f: {  	v62 =	vpop (erf)  }
0x390: {  	v22 =	vadd.f32 $1.000000000e+00, v62;
	_ =	sdelay $0x1  }
0x391: {  	(erf) = vrcp.f32 v22  }
0x392: {  	v20 =	vtrunc.f32 v61  }
0x393: {  	v20 =	vcvt.f32.s32 v20  }
0x394: {  	v21 =	vshll.u32 v21, $0x9  }
0x395: {  	v21 =	vadd.s32 v20, v21  }
0x396: {  	v20 =	vand.u32 $0x7, v20;
	v63 =	vand.u32 $0xFFFFFFF8, v21  }
0x397: {  	v20 =	vor.u32 v20, v63  }
0x398: {  	v20 =	vadd.s32 $0x200, v20;
	_ =	sdelay $0x1  }
0x399: {  	v24 =	vpop (erf)  }
0x39a: {  	v25 =	vxor.u32 $0x80000000, v24;
	v22 =	vadd.f32 $-1.000000000e+00, v24  }
0x39b: {  	[tilespmem:v21+s2+$0x0] =	vst.idx.add.f32.msk $0xffff, v25  }
0x39c: {  	[tilespmem:v20+s2+$0x0] =	vst.idx.add.f32.msk $0xffff, v22  }
0x39d: {  	v20 =	vld [tilespmem:s25+$0xC0]  }
0x39e: {  	v21 =	vld [tilespmem:s19+$0x60];
	_ =	sdelay $0x3  }
0x39f: {  	v26 =	vperm.xlane v19, v10  }
0x3a0: {  	v20 =	vmax.f32 v20, v21  }
0x3a1: {  	v20 =	vmul.f32 v26, v20;
	_ =	sdelay $0x1  }
0x3a2: {  	v27 =	vmul.f32 $7.500000000e+00, v20;
	_ =	sdelay $0x1  }
0x3a3: {  	v21 =	vadd.f32 $8.000000000e+00, v27;
	_ =	sdelay $0x1  }
0x3a4: {  	v21 =	vtrunc.f32 v21  }
0x3a5: {  	v21 =	vcvt.f32.s32 v21;
	_ =	sdelay $0x1  }
0x3a6: {  	vm6 =	vgt.s32 v21, $0x0  }
0x3a7: {  	v21 =	vnsel vm6, $0x0, v21  }
0x3a8: {  	v21 =	vmin.u32 v21, $0xF  }
0x3a9: {  	v20 =	vmul.f32 $5.000000000e+02, v20;
	v28 =	vcvt.s32.f32 v21;
	_ =	sdelay $0x1  }
0x3aa: {  	v20 =	vadd.f32 $5.000000000e+02, v20;
	v22 =	vmul.f32 $6.666666410e+01, v28;
	_ =	sdelay $0x1  }
0x3ab: {  	v20 =	vsub.f32 v20, v22;
	_ =	sdelay $0x1  }
0x3ac: {  	v20 =	vmul.f32 $1.442695020e+00, v20;
	_ =	sdelay $0x1  }
0x3ad: {  	(erf) = vpow2.f32 v20;
	_ =	sdelay $0x7  }
0x3ae: {  	v29 =	vld [tilespmem:s25+$0xD0]  }
0x3af: {  	v30 =	vpop (erf)  }
0x3b0: {  	v22 =	vadd.f32 $1.000000000e+00, v30;
	_ =	sdelay $0x1  }
0x3b1: {  	(erf) = vrcp.f32 v22  }
0x3b2: {  	v20 =	vtrunc.f32 v29  }
0x3b3: {  	v20 =	vcvt.f32.s32 v20  }
0x3b4: {  	v21 =	vshll.u32 v21, $0x9  }
0x3b5: {  	v21 =	vadd.s32 v20, v21  }
0x3b6: {  	v20 =	vand.u32 $0x7, v20;
	v31 =	vand.u32 $0xFFFFFFF8, v21  }
0x3b7: {  	v20 =	vor.u32 v20, v31  }
0x3b8: {  	v20 =	vadd.s32 $0x200, v20;
	_ =	sdelay $0x1  }
0x3b9: {  	v32 =	vpop (erf)  }
0x3ba: {  	v33 =	vxor.u32 $0x80000000, v32;
	v22 =	vadd.f32 $-1.000000000e+00, v32  }
0x3bb: {  	[tilespmem:v21+s2+$0x0] =	vst.idx.add.f32.msk $0xffff, v33  }
0x3bc: {  	[tilespmem:v20+s2+$0x0] =	vst.idx.add.f32.msk $0xffff, v22  }
0x3bd: {  	v20 =	vld [tilespmem:s25+$0xE0]  }
0x3be: {  	v21 =	vld [tilespmem:s19+$0x70];
	_ =	sdelay $0x3  }
0x3bf: {  	v34 =	vperm.xlane v19, v4  }
0x3c0: {  	v20 =	vmax.f32 v20, v21  }
0x3c1: {  	v20 =	vmul.f32 v34, v20;
	_ =	sdelay $0x1  }
0x3c2: {  	v35 =	vmul.f32 $7.500000000e+00, v20;
	_ =	sdelay $0x1  }
0x3c3: {  	v21 =	vadd.f32 $8.000000000e+00, v35;
	_ =	sdelay $0x1  }
0x3c4: {  	v21 =	vtrunc.f32 v21  }
0x3c5: {  	v21 =	vcvt.f32.s32 v21;
	_ =	sdelay $0x1  }
0x3c6: {  	vm7 =	vgt.s32 v21, $0x0  }
0x3c7: {  	v21 =	vnsel vm7, $0x0, v21  }
0x3c8: {  	v21 =	vmin.u32 v21, $0xF  }
0x3c9: {  	v20 =	vmul.f32 $5.000000000e+02, v20;
	v36 =	vcvt.s32.f32 v21;
	_ =	sdelay $0x1  }
0x3ca: {  	v20 =	vadd.f32 $5.000000000e+02, v20;
	v22 =	vmul.f32 $6.666666410e+01, v36;
	_ =	sdelay $0x1  }
0x3cb: {  	v20 =	vsub.f32 v20, v22;
	_ =	sdelay $0x1  }
0x3cc: {  	v20 =	vmul.f32 $1.442695020e+00, v20;
	_ =	sdelay $0x1  }
0x3cd: {  	(erf) = vpow2.f32 v20;
	_ =	sdelay $0x7  }
0x3ce: {  	v37 =	vld [tilespmem:s25+$0xF0]  }
0x3cf: {  	v38 =	vpop (erf)  }
0x3d0: {  	v22 =	vadd.f32 $1.000000000e+00, v38;
	_ =	sdelay $0x1  }
0x3d1: {  	(erf) = vrcp.f32 v22  }
0x3d2: {  	v20 =	vtrunc.f32 v37  }
0x3d3: {  	v20 =	vcvt.f32.s32 v20  }
0x3d4: {  	v21 =	vshll.u32 v21, $0x9  }
0x3d5: {  	v21 =	vadd.s32 v20, v21  }
0x3d6: {  	v20 =	vand.u32 $0x7, v20;
	v39 =	vand.u32 $0xFFFFFFF8, v21  }
0x3d7: {  	v20 =	vor.u32 v20, v39  }
0x3d8: {  	v20 =	vadd.s32 $0x200, v20;
	_ =	sdelay $0x1  }
0x3d9: {  	v40 =	vpop (erf)  }
0x3da: {  	v41 =	vxor.u32 $0x80000000, v40;
	v22 =	vadd.f32 $-1.000000000e+00, v40  }
0x3db: {  	[tilespmem:v21+s2+$0x0] =	vst.idx.add.f32.msk $0xffff, v41  }
0x3dc: {  	[tilespmem:v20+s2+$0x0] =	vst.idx.add.f32.msk $0xffff, v22  }
0x3dd: {  	v20 =	vld [tilespmem:s25+$0x100]  }
0x3de: {  	v21 =	vld [tilespmem:s19+$0x80];
	_ =	sdelay $0x3  }
0x3df: {  	v42 =	vperm.xlane v19, v11  }
0x3e0: {  	v20 =	vmax.f32 v20, v21  }
0x3e1: {  	v20 =	vmul.f32 v42, v20;
	_ =	sdelay $0x1  }
0x3e2: {  	v43 =	vmul.f32 $7.500000000e+00, v20;
	_ =	sdelay $0x1  }
0x3e3: {  	v21 =	vadd.f32 $8.000000000e+00, v43;
	_ =	sdelay $0x1  }
0x3e4: {  	v21 =	vtrunc.f32 v21  }
0x3e5: {  	v21 =	vcvt.f32.s32 v21;
	_ =	sdelay $0x1  }
0x3e6: {  	vm8 =	vgt.s32 v21, $0x0  }
0x3e7: {  	v21 =	vnsel vm8, $0x0, v21  }
0x3e8: {  	v21 =	vmin.u32 v21, $0xF  }
0x3e9: {  	v20 =	vmul.f32 $5.000000000e+02, v20;
	v44 =	vcvt.s32.f32 v21;
	_ =	sdelay $0x1  }
0x3ea: {  	v20 =	vadd.f32 $5.000000000e+02, v20;
	v22 =	vmul.f32 $6.666666410e+01, v44;
	_ =	sdelay $0x1  }
0x3eb: {  	v20 =	vsub.f32 v20, v22;
	_ =	sdelay $0x1  }
0x3ec: {  	v20 =	vmul.f32 $1.442695020e+00, v20;
	_ =	sdelay $0x1  }
0x3ed: {  	(erf) = vpow2.f32 v20;
	_ =	sdelay $0x7  }
0x3ee: {  	v45 =	vld [tilespmem:s25+$0x110]  }
0x3ef: {  	v46 =	vpop (erf)  }
0x3f0: {  	v22 =	vadd.f32 $1.000000000e+00, v46;
	_ =	sdelay $0x1  }
0x3f1: {  	(erf) = vrcp.f32 v22  }
0x3f2: {  	v20 =	vtrunc.f32 v45  }
0x3f3: {  	v20 =	vcvt.f32.s32 v20  }
0x3f4: {  	v21 =	vshll.u32 v21, $0x9  }
0x3f5: {  	v21 =	vadd.s32 v20, v21  }
0x3f6: {  	v20 =	vand.u32 $0x7, v20;
	v47 =	vand.u32 $0xFFFFFFF8, v21  }
0x3f7: {  	v20 =	vor.u32 v20, v47  }
0x3f8: {  	v20 =	vadd.s32 $0x200, v20;
	_ =	sdelay $0x1  }
0x3f9: {  	v48 =	vpop (erf)  }
0x3fa: {  	v49 =	vxor.u32 $0x80000000, v48;
	v22 =	vadd.f32 $-1.000000000e+00, v48  }
0x3fb: {  	[tilespmem:v21+s2+$0x0] =	vst.idx.add.f32.msk $0xffff, v49  }
0x3fc: {  	[tilespmem:v20+s2+$0x0] =	vst.idx.add.f32.msk $0xffff, v22  }
0x3fd: {  	v20 =	vld [tilespmem:s25+$0x120]  }
0x3fe: {  	v21 =	vld [tilespmem:s19+$0x90];
	_ =	sdelay $0x3  }
0x3ff: {  	v50 =	vperm.xlane v19, v3  }
0x400: {  	v20 =	vmax.f32 v20, v21  }
0x401: {  	v20 =	vmul.f32 v50, v20;
	_ =	sdelay $0x1  }
0x402: {  	v51 =	vmul.f32 $7.500000000e+00, v20;
	_ =	sdelay $0x1  }
0x403: {  	v21 =	vadd.f32 $8.000000000e+00, v51;
	_ =	sdelay $0x1  }
0x404: {  	v21 =	vtrunc.f32 v21  }
0x405: {  	v21 =	vcvt.f32.s32 v21;
	_ =	sdelay $0x1  }
0x406: {  	vm9 =	vgt.s32 v21, $0x0  }
0x407: {  	v21 =	vnsel vm9, $0x0, v21  }
0x408: {  	v21 =	vmin.u32 v21, $0xF  }
0x409: {  	v20 =	vmul.f32 $5.000000000e+02, v20;
	v52 =	vcvt.s32.f32 v21;
	_ =	sdelay $0x1  }
0x40a: {  	v20 =	vadd.f32 $5.000000000e+02, v20;
	v22 =	vmul.f32 $6.666666410e+01, v52;
	_ =	sdelay $0x1  }
0x40b: {  	v20 =	vsub.f32 v20, v22;
	_ =	sdelay $0x1  }
0x40c: {  	v20 =	vmul.f32 $1.442695020e+00, v20;
	_ =	sdelay $0x1  }
0x40d: {  	(erf) = vpow2.f32 v20;
	_ =	sdelay $0x7  }
0x40e: {  	v53 =	vld [tilespmem:s25+$0x130]  }
0x40f: {  	v54 =	vpop (erf)  }
0x410: {  	v22 =	vadd.f32 $1.000000000e+00, v54;
	_ =	sdelay $0x1  }
0x411: {  	(erf) = vrcp.f32 v22  }
0x412: {  	v20 =	vtrunc.f32 v53  }
0x413: {  	v20 =	vcvt.f32.s32 v20  }
0x414: {  	v21 =	vshll.u32 v21, $0x9  }
0x415: {  	v21 =	vadd.s32 v20, v21  }
0x416: {  	v20 =	vand.u32 $0x7, v20;
	v55 =	vand.u32 $0xFFFFFFF8, v21  }
0x417: {  	v20 =	vor.u32 v20, v55  }
0x418: {  	v20 =	vadd.s32 $0x200, v20;
	_ =	sdelay $0x1  }
0x419: {  	v56 =	vpop (erf)  }
0x41a: {  	v57 =	vxor.u32 $0x80000000, v56;
	v22 =	vadd.f32 $-1.000000000e+00, v56  }
0x41b: {  	[tilespmem:v21+s2+$0x0] =	vst.idx.add.f32.msk $0xffff, v57  }
0x41c: {  	[tilespmem:v20+s2+$0x0] =	vst.idx.add.f32.msk $0xffff, v22  }
0x41d: {  	v20 =	vld [tilespmem:s25+$0x140]  }
0x41e: {  	v21 =	vld [tilespmem:s19+$0xA0];
	_ =	sdelay $0x3  }
0x41f: {  	v58 =	vperm.xlane v19, v12  }
0x420: {  	v20 =	vmax.f32 v20, v21  }
0x421: {  	v20 =	vmul.f32 v58, v20;
	_ =	sdelay $0x1  }
0x422: {  	v59 =	vmul.f32 $7.500000000e+00, v20;
	_ =	sdelay $0x1  }
0x423: {  	v21 =	vadd.f32 $8.000000000e+00, v59;
	_ =	sdelay $0x1  }
0x424: {  	v21 =	vtrunc.f32 v21  }
0x425: {  	v21 =	vcvt.f32.s32 v21;
	_ =	sdelay $0x1  }
0x426: {  	vm10 =	vgt.s32 v21, $0x0  }
0x427: {  	v21 =	vnsel vm10, $0x0, v21  }
0x428: {  	v21 =	vmin.u32 v21, $0xF  }
0x429: {  	v20 =	vmul.f32 $5.000000000e+02, v20;
	v60 =	vcvt.s32.f32 v21;
	_ =	sdelay $0x1  }
0x42a: {  	v20 =	vadd.f32 $5.000000000e+02, v20;
	v22 =	vmul.f32 $6.666666410e+01, v60;
	_ =	sdelay $0x1  }
0x42b: {  	v20 =	vsub.f32 v20, v22;
	_ =	sdelay $0x1  }
0x42c: {  	v20 =	vmul.f32 $1.442695020e+00, v20;
	_ =	sdelay $0x1  }
0x42d: {  	(erf) = vpow2.f32 v20;
	_ =	sdelay $0x7  }
0x42e: {  	v61 =	vld [tilespmem:s25+$0x150]  }
0x42f: {  	v62 =	vpop (erf)  }
0x430: {  	v22 =	vadd.f32 $1.000000000e+00, v62;
	_ =	sdelay $0x1  }
0x431: {  	(erf) = vrcp.f32 v22  }
0x432: {  	v20 =	vtrunc.f32 v61  }
0x433: {  	v20 =	vcvt.f32.s32 v20  }
0x434: {  	v21 =	vshll.u32 v21, $0x9  }
0x435: {  	v21 =	vadd.s32 v20, v21  }
0x436: {  	v20 =	vand.u32 $0x7, v20;
	v63 =	vand.u32 $0xFFFFFFF8, v21  }
0x437: {  	v20 =	vor.u32 v20, v63  }
0x438: {  	v20 =	vadd.s32 $0x200, v20;
	_ =	sdelay $0x1  }
0x439: {  	v24 =	vpop (erf)  }
0x43a: {  	v25 =	vxor.u32 $0x80000000, v24;
	v22 =	vadd.f32 $-1.000000000e+00, v24  }
0x43b: {  	[tilespmem:v21+s2+$0x0] =	vst.idx.add.f32.msk $0xffff, v25  }
0x43c: {  	[tilespmem:v20+s2+$0x0] =	vst.idx.add.f32.msk $0xffff, v22  }
0x43d: {  	v20 =	vld [tilespmem:s25+$0x160]  }
0x43e: {  	v21 =	vld [tilespmem:s19+$0xB0];
	_ =	sdelay $0x3  }
0x43f: {  	v26 =	vperm.xlane v19, v13  }
0x440: {  	v20 =	vmax.f32 v20, v21  }
0x441: {  	v20 =	vmul.f32 v26, v20;
	_ =	sdelay $0x1  }
0x442: {  	v27 =	vmul.f32 $7.500000000e+00, v20;
	_ =	sdelay $0x1  }
0x443: {  	v21 =	vadd.f32 $8.000000000e+00, v27;
	_ =	sdelay $0x1  }
0x444: {  	v21 =	vtrunc.f32 v21  }
0x445: {  	v21 =	vcvt.f32.s32 v21;
	_ =	sdelay $0x1  }
0x446: {  	vm11 =	vgt.s32 v21, $0x0  }
0x447: {  	v21 =	vnsel vm11, $0x0, v21  }
0x448: {  	v21 =	vmin.u32 v21, $0xF  }
0x449: {  	v20 =	vmul.f32 $5.000000000e+02, v20;
	v28 =	vcvt.s32.f32 v21;
	_ =	sdelay $0x1  }
0x44a: {  	v20 =	vadd.f32 $5.000000000e+02, v20;
	v22 =	vmul.f32 $6.666666410e+01, v28;
	_ =	sdelay $0x1  }
0x44b: {  	v20 =	vsub.f32 v20, v22;
	_ =	sdelay $0x1  }
0x44c: {  	v20 =	vmul.f32 $1.442695020e+00, v20;
	_ =	sdelay $0x1  }
0x44d: {  	(erf) = vpow2.f32 v20;
	_ =	sdelay $0x7  }
0x44e: {  	v29 =	vld [tilespmem:s25+$0x170]  }
0x44f: {  	v30 =	vpop (erf)  }
0x450: {  	v22 =	vadd.f32 $1.000000000e+00, v30;
	_ =	sdelay $0x1  }
0x451: {  	(erf) = vrcp.f32 v22  }
0x452: {  	v20 =	vtrunc.f32 v29  }
0x453: {  	v20 =	vcvt.f32.s32 v20  }
0x454: {  	v21 =	vshll.u32 v21, $0x9  }
0x455: {  	v21 =	vadd.s32 v20, v21  }
0x456: {  	v20 =	vand.u32 $0x7, v20;
	v31 =	vand.u32 $0xFFFFFFF8, v21  }
0x457: {  	v20 =	vor.u32 v20, v31  }
0x458: {  	v20 =	vadd.s32 $0x200, v20;
	_ =	sdelay $0x1  }
0x459: {  	v32 =	vpop (erf)  }
0x45a: {  	v33 =	vxor.u32 $0x80000000, v32;
	v22 =	vadd.f32 $-1.000000000e+00, v32  }
0x45b: {  	[tilespmem:v21+s2+$0x0] =	vst.idx.add.f32.msk $0xffff, v33  }
0x45c: {  	[tilespmem:v20+s2+$0x0] =	vst.idx.add.f32.msk $0xffff, v22  }
0x45d: {  	v20 =	vld [tilespmem:s25+$0x180]  }
0x45e: {  	v21 =	vld [tilespmem:s19+$0xC0];
	_ =	sdelay $0x3  }
0x45f: {  	v34 =	vperm.xlane v19, v14  }
0x460: {  	v20 =	vmax.f32 v20, v21  }
0x461: {  	v20 =	vmul.f32 v34, v20;
	_ =	sdelay $0x1  }
0x462: {  	v35 =	vmul.f32 $7.500000000e+00, v20;
	_ =	sdelay $0x1  }
0x463: {  	v21 =	vadd.f32 $8.000000000e+00, v35;
	_ =	sdelay $0x1  }
0x464: {  	v21 =	vtrunc.f32 v21  }
0x465: {  	v21 =	vcvt.f32.s32 v21;
	_ =	sdelay $0x1  }
0x466: {  	vm12 =	vgt.s32 v21, $0x0  }
0x467: {  	v21 =	vnsel vm12, $0x0, v21  }
0x468: {  	v21 =	vmin.u32 v21, $0xF  }
0x469: {  	v20 =	vmul.f32 $5.000000000e+02, v20;
	v36 =	vcvt.s32.f32 v21;
	_ =	sdelay $0x1  }
0x46a: {  	v20 =	vadd.f32 $5.000000000e+02, v20;
	v22 =	vmul.f32 $6.666666410e+01, v36;
	_ =	sdelay $0x1  }
0x46b: {  	v20 =	vsub.f32 v20, v22;
	_ =	sdelay $0x1  }
0x46c: {  	v20 =	vmul.f32 $1.442695020e+00, v20;
	_ =	sdelay $0x1  }
0x46d: {  	(erf) = vpow2.f32 v20;
	_ =	sdelay $0x7  }
0x46e: {  	v37 =	vld [tilespmem:s25+$0x190]  }
0x46f: {  	v38 =	vpop (erf)  }
0x470: {  	v22 =	vadd.f32 $1.000000000e+00, v38;
	_ =	sdelay $0x1  }
0x471: {  	(erf) = vrcp.f32 v22  }
0x472: {  	v20 =	vtrunc.f32 v37  }
0x473: {  	v20 =	vcvt.f32.s32 v20  }
0x474: {  	v21 =	vshll.u32 v21, $0x9  }
0x475: {  	v21 =	vadd.s32 v20, v21  }
0x476: {  	v20 =	vand.u32 $0x7, v20;
	v39 =	vand.u32 $0xFFFFFFF8, v21  }
0x477: {  	v20 =	vor.u32 v20, v39  }
0x478: {  	v20 =	vadd.s32 $0x200, v20;
	_ =	sdelay $0x1  }
0x479: {  	v40 =	vpop (erf)  }
0x47a: {  	v41 =	vxor.u32 $0x80000000, v40;
	v22 =	vadd.f32 $-1.000000000e+00, v40  }
0x47b: {  	[tilespmem:v21+s2+$0x0] =	vst.idx.add.f32.msk $0xffff, v41  }
0x47c: {  	[tilespmem:v20+s2+$0x0] =	vst.idx.add.f32.msk $0xffff, v22  }
0x47d: {  	v20 =	vld [tilespmem:s25+$0x1A0]  }
0x47e: {  	v21 =	vld [tilespmem:s19+$0xD0];
	_ =	sdelay $0x3  }
0x47f: {  	v42 =	vperm.xlane v19, v15  }
0x480: {  	v20 =	vmax.f32 v20, v21  }
0x481: {  	v20 =	vmul.f32 v42, v20;
	_ =	sdelay $0x1  }
0x482: {  	v43 =	vmul.f32 $7.500000000e+00, v20;
	_ =	sdelay $0x1  }
0x483: {  	v21 =	vadd.f32 $8.000000000e+00, v43;
	_ =	sdelay $0x1  }
0x484: {  	v21 =	vtrunc.f32 v21  }
0x485: {  	v21 =	vcvt.f32.s32 v21;
	_ =	sdelay $0x1  }
0x486: {  	vm13 =	vgt.s32 v21, $0x0  }
0x487: {  	v21 =	vnsel vm13, $0x0, v21  }
0x488: {  	v21 =	vmin.u32 v21, $0xF  }
0x489: {  	v20 =	vmul.f32 $5.000000000e+02, v20;
	v44 =	vcvt.s32.f32 v21;
	_ =	sdelay $0x1  }
0x48a: {  	v20 =	vadd.f32 $5.000000000e+02, v20;
	v22 =	vmul.f32 $6.666666410e+01, v44;
	_ =	sdelay $0x1  }
0x48b: {  	v20 =	vsub.f32 v20, v22;
	_ =	sdelay $0x1  }
0x48c: {  	v20 =	vmul.f32 $1.442695020e+00, v20;
	_ =	sdelay $0x1  }
0x48d: {  	(erf) = vpow2.f32 v20;
	_ =	sdelay $0x7  }
0x48e: {  	v45 =	vld [tilespmem:s25+$0x1B0]  }
0x48f: {  	v46 =	vpop (erf)  }
0x490: {  	v22 =	vadd.f32 $1.000000000e+00, v46;
	_ =	sdelay $0x1  }
0x491: {  	(erf) = vrcp.f32 v22  }
0x492: {  	v20 =	vtrunc.f32 v45  }
0x493: {  	v20 =	vcvt.f32.s32 v20  }
0x494: {  	v21 =	vshll.u32 v21, $0x9  }
0x495: {  	v21 =	vadd.s32 v20, v21  }
0x496: {  	v20 =	vand.u32 $0x7, v20;
	v47 =	vand.u32 $0xFFFFFFF8, v21  }
0x497: {  	v20 =	vor.u32 v20, v47  }
0x498: {  	v20 =	vadd.s32 $0x200, v20;
	_ =	sdelay $0x1  }
0x499: {  	v48 =	vpop (erf)  }
0x49a: {  	v49 =	vxor.u32 $0x80000000, v48;
	v22 =	vadd.f32 $-1.000000000e+00, v48  }
0x49b: {  	[tilespmem:v21+s2+$0x0] =	vst.idx.add.f32.msk $0xffff, v49  }
0x49c: {  	[tilespmem:v20+s2+$0x0] =	vst.idx.add.f32.msk $0xffff, v22  }
0x49d: {  	v20 =	vld [tilespmem:s25+$0x1C0]  }
0x49e: {  	v21 =	vld [tilespmem:s19+$0xE0];
	_ =	sdelay $0x3  }
0x49f: {  	v50 =	vperm.xlane v19, v16  }
0x4a0: {  	v20 =	vmax.f32 v20, v21  }
0x4a1: {  	v20 =	vmul.f32 v50, v20;
	_ =	sdelay $0x1  }
0x4a2: {  	v51 =	vmul.f32 $7.500000000e+00, v20;
	_ =	sdelay $0x1  }
0x4a3: {  	v21 =	vadd.f32 $8.000000000e+00, v51;
	_ =	sdelay $0x1  }
0x4a4: {  	v21 =	vtrunc.f32 v21  }
0x4a5: {  	v21 =	vcvt.f32.s32 v21;
	_ =	sdelay $0x1  }
0x4a6: {  	vm14 =	vgt.s32 v21, $0x0  }
0x4a7: {  	v21 =	vnsel vm14, $0x0, v21  }
0x4a8: {  	v21 =	vmin.u32 v21, $0xF  }
0x4a9: {  	v20 =	vmul.f32 $5.000000000e+02, v20;
	v52 =	vcvt.s32.f32 v21;
	_ =	sdelay $0x1  }
0x4aa: {  	v20 =	vadd.f32 $5.000000000e+02, v20;
	v22 =	vmul.f32 $6.666666410e+01, v52;
	_ =	sdelay $0x1  }
0x4ab: {  	v20 =	vsub.f32 v20, v22;
	_ =	sdelay $0x1  }
0x4ac: {  	v20 =	vmul.f32 $1.442695020e+00, v20;
	_ =	sdelay $0x1  }
0x4ad: {  	(erf) = vpow2.f32 v20;
	_ =	sdelay $0x7  }
0x4ae: {  	v53 =	vld [tilespmem:s25+$0x1D0]  }
0x4af: {  	v54 =	vpop (erf)  }
0x4b0: {  	v22 =	vadd.f32 $1.000000000e+00, v54;
	_ =	sdelay $0x1  }
0x4b1: {  	(erf) = vrcp.f32 v22  }
0x4b2: {  	v20 =	vtrunc.f32 v53  }
0x4b3: {  	v20 =	vcvt.f32.s32 v20  }
0x4b4: {  	v21 =	vshll.u32 v21, $0x9  }
0x4b5: {  	v21 =	vadd.s32 v20, v21  }
0x4b6: {  	v20 =	vand.u32 $0x7, v20;
	v55 =	vand.u32 $0xFFFFFFF8, v21  }
0x4b7: {  	v20 =	vor.u32 v20, v55  }
0x4b8: {  	v20 =	vadd.s32 $0x200, v20;
	_ =	sdelay $0x1  }
0x4b9: {  	v56 =	vpop (erf)  }
0x4ba: {  	v57 =	vxor.u32 $0x80000000, v56;
	v22 =	vadd.f32 $-1.000000000e+00, v56  }
0x4bb: {  	[tilespmem:v21+s2+$0x0] =	vst.idx.add.f32.msk $0xffff, v57  }
0x4bc: {  	[tilespmem:v20+s2+$0x0] =	vst.idx.add.f32.msk $0xffff, v22  }
0x4bd: {  	v20 =	vld [tilespmem:s25+$0x1E0]  }
0x4be: {  	v21 =	vld [tilespmem:s19+$0xF0];
	_ =	sdelay $0x3  }
0x4bf: {  	v19 =	vperm.xlane v19, v2  }
0x4c0: {  	v20 =	vmax.f32 v20, v21  }
0x4c1: {  	v19 =	vmul.f32 v19, v20;
	_ =	sdelay $0x1  }
0x4c2: {  	v20 =	vmul.f32 $7.500000000e+00, v19;
	_ =	sdelay $0x1  }
0x4c3: {  	v20 =	vadd.f32 $8.000000000e+00, v20;
	_ =	sdelay $0x1  }
0x4c4: {  	v20 =	vtrunc.f32 v20  }
0x4c5: {  	v20 =	vcvt.f32.s32 v20;
	_ =	sdelay $0x1  }
0x4c6: {  	vm15 =	vgt.s32 v20, $0x0  }
0x4c7: {  	v20 =	vnsel vm15, $0x0, v20  }
0x4c8: {  	v20 =	vmin.u32 v20, $0xF  }
0x4c9: {  	v19 =	vmul.f32 $5.000000000e+02, v19;
	v58 =	vcvt.s32.f32 v20;
	_ =	sdelay $0x1  }
0x4ca: {  	v19 =	vadd.f32 $5.000000000e+02, v19;
	v21 =	vmul.f32 $6.666666410e+01, v58;
	_ =	sdelay $0x1  }
0x4cb: {  	v19 =	vsub.f32 v19, v21;
	_ =	sdelay $0x1  }
0x4cc: {  	v19 =	vmul.f32 $1.442695020e+00, v19;
	_ =	sdelay $0x1  }
0x4cd: {  	(erf) = vpow2.f32 v19;
	_ =	sdelay $0x5  }
0x4ce: {  	v19 =	vld [tilespmem:s25+$0xFFFFFFF0];
	_ =	sdelay $0x1  }
0x4cf: {  	v59 =	vld [tilespmem:s25+$0x1F0]  }
0x4d0: {  	v60 =	vpop (erf)  }
0x4d1: {  	v22 =	vadd.f32 $1.000000000e+00, v60  }
0x4d2: {  	v19 =	vtrunc.f32 v19  }
0x4d3: {  	v19 =	vcvt.f32.s32 v19;
	(erf) = vrcp.f32 v22  }
0x4d4: {  	v17 =	vshll.u32 v17, $0x9;
	v21 =	vtrunc.f32 v59  }
0x4d5: {  	v21 =	vcvt.f32.s32 v21;
	v17 =	vadd.s32 v19, v17  }
0x4d6: {  	v20 =	vshll.u32 v20, $0x9;
	v19 =	vand.u32 $0x7, v19;
	v61 =	vand.u32 $0xFFFFFFF8, v17  }
0x4d7: {  	v20 =	vadd.s32 v21, v20;
	v19 =	vor.u32 v19, v61  }
0x4d8: {  	v21 =	vand.u32 $0x7, v21;
	v62 =	vand.u32 $0xFFFFFFF8, v20;
	v19 =	vadd.s32 $0x200, v19  }
0x4d9: {  	s31 =	sadd.s32 $0x2, s31;
	v21 =	vor.u32 v21, v62  }
0x4da: {  	p0 =	slt.u32 s31, $0x26;
	v21 =	vadd.s32 $0x200, v21  }
.Ltmp4:
0x4db: {  	v63 =	vxor.u32 $0x80000000, v18;
	v18 =	vadd.f32 $-1.000000000e+00, v18;
	(pc) =	sbr.rel @p0 .LBB2_7-.Ltmp4, $4  }
0x4dc: {  	[tilespmem:v17+s2+$0x0] =	vst.idx.add.f32.msk $0xffff, v63;
	v17 =	vpop (erf)  }
0x4dd: {  	[tilespmem:v19+s2+$0x0] =	vst.idx.add.f32.msk $0xffff, v18;
	v18 =	vxor.u32 $0x80000000, v17;
	v17 =	vadd.f32 $-1.000000000e+00, v17  }
0x4de: {  	[tilespmem:v20+s2+$0x0] =	vst.idx.add.f32.msk $0xffff, v18  }
0x4df: {  	s0 =	sadd.s32 $0x20, s0;
	s19 =	sadd.s32 $0x200, s19;
	s25 =	sadd.s32 $0x400, s25;
	[tilespmem:v21+s2+$0x0] =	vst.idx.add.f32.msk $0xffff, v17  }
0x4e0: {  	s31 =	sshll.u32 s30, $0x1;
	p0 =	seq.s32 s30, $0x3  }
0x4e1: {  	s0 =	sadd.s32 @!p0 s31, s15  }
0x4e2: {  	s0 =	smul.u32 @!p0 $0x50, s0;
	_ =	sdelay $0x1  }
0x4e3: {  	s20 =	simm.s32 @!p0 $0x0;
	s25 =	simm.s32 @!p0 $0x13A00;
	s19 =	sadd.s32 @!p0 s5, s0  }
0x4e4: {  	[tilespmem:s25], [sflag:$0x2] =	stream.linear.gather @!p0 [hbm4b:s19+s20], $0x280, $0x38;
	[tilespmem:$0x14900] =	vst v63  }
0x4e5: {  	s8 =	simm.s32 @!p0 $0x13F00;
	s19 =	sadd.s32 @!p0 s6, s0  }
0x4e6: {  	[tilespmem:s8], [sflag:$0x2] =	stream.linear.gather @!p0 [hbm4b:s19+s20], $0x280, $0x38;
	[tilespmem:$0x14900] =	vst v63  }
0x4e7: {  	s0 =	sadd.s32 @!p0 s7, s0;
	s19 =	simm.s32 @!p0 $0x14400  }
0x4e8: {  	[tilespmem:s19], [sflag:$0x2] =	stream.linear.gather @!p0 [hbm4b:s0+s20], $0x280, $0x38;
	[tilespmem:$0x14900] =	vst v63  }
0x4e9: {  	s0 =	simm.s32 @!p0 $0x2  }
0x4ea: {  	_ =	swait.ge @!p0 [sflag:s0], $0x280  }
0x4eb: {  	[sflag:s0] =	ssyncset.done @!p0 $0x0  }
0x4ec: {  	[sflag:s0] =	ssyncadd.s32 @!p0 $0xFFFFFD80  }
0x4ed: {  	_ =	swait.ge @!p0 [sflag:s0], $0x280  }
0x4ee: {  	[sflag:s0] =	ssyncset.done @!p0 $0x0  }
0x4ef: {  	[sflag:s0] =	ssyncadd.s32 @!p0 $0xFFFFFD80  }
0x4f0: {  	_ =	swait.ge @!p0 [sflag:s0], $0x280  }
0x4f1: {  	[sflag:s0] =	ssyncset.done @!p0 $0x0  }
0x4f2: {  	s19 =	simm.s32 @!p0 $0x2200;
	[sflag:s0] =	ssyncadd.s32 @!p0 $0xFFFFFD80;
	s0 =	simm.s32 @!p0 $0x80  }
0x4f3: {  	[tilespmem:s19], [sflag:$0x4] =	stream.indirect.gather @!p0 [hbm4b:s3+s0], $0x20, s25, s0, $0xb8;
	[tilespmem:$0x14900] =	vst v63  }
0x4f4: {  	s19 =	simm.s32 @!p0 $0xC200  }
0x4f5: {  	[tilespmem:s19], [sflag:$0x4] =	stream.indirect.gather @!p0 [hbm4b:s4+s0], $0x10, s8, s0, $0xb8;
	[tilespmem:$0x14900] =	vst v63  }
0x4f6: {  	s8 =	simm.s32 @!p0 $0x13A80;
	s19 =	simm.s32 @!p0 $0x3200  }
0x4f7: {  	[tilespmem:s19], [sflag:$0x4] =	stream.indirect.gather @!p0 [hbm4b:s3+s0], $0x20, s8, s0, $0xb8;
	[tilespmem:$0x14900] =	vst v63  }
0x4f8: {  	s8 =	simm.s32 @!p0 $0x13F80;
	s19 =	simm.s32 @!p0 $0xCA00  }
0x4f9: {  	[tilespmem:s19], [sflag:$0x4] =	stream.indirect.gather @!p0 [hbm4b:s4+s0], $0x10, s8, s0, $0xb8;
	[tilespmem:$0x14900] =	vst v63  }
0x4fa: {  	s8 =	simm.s32 @!p0 $0x13B00;
	s19 =	simm.s32 @!p0 $0x4200  }
0x4fb: {  	[tilespmem:s19], [sflag:$0x4] =	stream.indirect.gather @!p0 [hbm4b:s3+s0], $0x20, s8, s0, $0xb8;
	[tilespmem:$0x14900] =	vst v63  }
0x4fc: {  	s8 =	simm.s32 @!p0 $0x14000;
	s19 =	simm.s32 @!p0 $0xD200  }
0x4fd: {  	[tilespmem:s19], [sflag:$0x4] =	stream.indirect.gather @!p0 [hbm4b:s4+s0], $0x10, s8, s0, $0xb8;
	[tilespmem:$0x14900] =	vst v63  }
0x4fe: {  	s8 =	simm.s32 @!p0 $0x13B80;
	s19 =	simm.s32 @!p0 $0x5200  }
0x4ff: {  	[tilespmem:s19], [sflag:$0x4] =	stream.indirect.gather @!p0 [hbm4b:s3+s0], $0x20, s8, s0, $0xb8;
	[tilespmem:$0x14900] =	vst v63  }
0x500: {  	s8 =	simm.s32 @!p0 $0x14080;
	s19 =	simm.s32 @!p0 $0xDA00  }
0x501: {  	[tilespmem:s19], [sflag:$0x4] =	stream.indirect.gather @!p0 [hbm4b:s4+s0], $0x10, s8, s0, $0xb8;
	[tilespmem:$0x14900] =	vst v63  }
0x502: {  	s8 =	simm.s32 @!p0 $0x13C00;
	s19 =	simm.s32 @!p0 $0x6200  }
0x503: {  	[tilespmem:s19], [sflag:$0x4] =	stream.indirect.gather @!p0 [hbm4b:s3+s0], $0x20, s8, s0, $0xb8;
	[tilespmem:$0x14900] =	vst v63  }
0x504: {  	s8 =	simm.s32 @!p0 $0x14100;
	s19 =	simm.s32 @!p0 $0xE200  }
0x505: {  	[tilespmem:s19], [sflag:$0x4] =	stream.indirect.gather @!p0 [hbm4b:s4+s0], $0x10, s8, s0, $0xb8;
	[tilespmem:$0x14900] =	vst v63  }
0x506: {  	_ =	swait.ge [sflag:s29], $0x1000  }
0x507: {  	[sflag:s29] =	ssyncset.done $0x0  }
0x508: {  	[sflag:s29] =	ssyncadd.s32 $0xFFFFF000  }
0x509: {  	_ =	swait.ge [sflag:s29], $0x800  }
0x50a: {  	[sflag:s29] =	ssyncset.done $0x0  }
0x50b: {  	[sflag:s29] =	ssyncadd.s32 $0xFFFFF800  }
0x50c: {  	_ =	swait.ge [sflag:s29], $0x1000  }
0x50d: {  	[sflag:s29] =	ssyncset.done $0x0  }
0x50e: {  	[sflag:s29] =	ssyncadd.s32 $0xFFFFF000  }
0x50f: {  	_ =	swait.ge [sflag:s29], $0x800  }
0x510: {  	[sflag:s29] =	ssyncset.done $0x0  }
0x511: {  	[sflag:s29] =	ssyncadd.s32 $0xFFFFF800  }
0x512: {  	_ =	swait.ge [sflag:s29], $0x1000  }
0x513: {  	[sflag:s29] =	ssyncset.done $0x0  }
0x514: {  	[sflag:s29] =	ssyncadd.s32 $0xFFFFF000  }
0x515: {  	_ =	swait.ge [sflag:s29], $0x800  }
0x516: {  	[sflag:s29] =	ssyncset.done $0x0  }
0x517: {  	[sflag:s29] =	ssyncadd.s32 $0xFFFFF800  }
0x518: {  	_ =	swait.ge [sflag:s29], $0x1000  }
0x519: {  	[sflag:s29] =	ssyncset.done $0x0  }
0x51a: {  	[sflag:s29] =	ssyncadd.s32 $0xFFFFF000  }
0x51b: {  	_ =	swait.ge [sflag:s29], $0x800  }
0x51c: {  	[sflag:s29] =	ssyncset.done $0x0  }
0x51d: {  	[sflag:s29] =	ssyncadd.s32 $0xFFFFF800  }
0x51e: {  	_ =	swait.ge [sflag:s29], $0x1000  }
0x51f: {  	[sflag:s29] =	ssyncset.done $0x0  }
0x520: {  	[sflag:s29] =	ssyncadd.s32 $0xFFFFF000  }
0x521: {  	_ =	swait.ge [sflag:s29], $0x800  }
0x522: {  	s20 =	simm.s32 $0xEB00;
	s25 =	simm.s32 $0x14690;
	[sflag:s29] =	ssyncset.done $0x0  }
0x523: {  	s0 =	simm.s32 $0xFFFFFFFE;
	s19 =	simm.s32 $0x7400;
	[sflag:s29] =	ssyncadd.s32 $0xFFFFF800  }
.LBB2_9:
0x524: {  	v17 =	vld [tilespmem:s25+$0xFFFFFFF0]  }
0x525: {  	v18 =	vld [tilespmem:s19+$0xFFFFFE00]  }
0x526: {  	v19 =	vld [tilespmem:s20+$0xFFFFFF00];
	_ =	sdelay $0x3  }
0x527: {  	v20 =	vperm.xlane v17, v1  }
0x528: {  	v18 =	vmax.f32 v18, v19  }
0x529: {  	v18 =	vmul.f32 v20, v18;
	_ =	sdelay $0x1  }
0x52a: {  	v19 =	vmul.f32 $7.500000000e+00, v18;
	_ =	sdelay $0x1  }
0x52b: {  	v19 =	vadd.f32 $8.000000000e+00, v19;
	_ =	sdelay $0x1  }
0x52c: {  	v19 =	vtrunc.f32 v19  }
0x52d: {  	v19 =	vcvt.f32.s32 v19;
	_ =	sdelay $0x1  }
0x52e: {  	vm0 =	vgt.s32 v19, $0x0  }
0x52f: {  	v19 =	vnsel vm0, $0x0, v19  }
0x530: {  	v19 =	vmin.u32 v19, $0xF  }
0x531: {  	v18 =	vmul.f32 $5.000000000e+02, v18;
	v45 =	vcvt.s32.f32 v19;
	_ =	sdelay $0x1  }
0x532: {  	v18 =	vadd.f32 $5.000000000e+02, v18;
	v20 =	vmul.f32 $6.666666410e+01, v45;
	_ =	sdelay $0x1  }
0x533: {  	v18 =	vsub.f32 v18, v20;
	_ =	sdelay $0x1  }
0x534: {  	v18 =	vmul.f32 $1.442695020e+00, v18;
	_ =	sdelay $0x1  }
0x535: {  	(erf) = vpow2.f32 v18;
	_ =	sdelay $0x7  }
0x536: {  	v18 =	vld [tilespmem:s19+$0xFFFFFE10]  }
0x537: {  	v46 =	vpop (erf)  }
0x538: {  	v20 =	vadd.f32 $1.000000000e+00, v46;
	_ =	sdelay $0x1  }
0x539: {  	(erf) = vrcp.f32 v20  }
0x53a: {  	v18 =	vtrunc.f32 v18  }
0x53b: {  	v18 =	vcvt.f32.s32 v18  }
0x53c: {  	v19 =	vshll.u32 v19, $0x9  }
0x53d: {  	v19 =	vadd.s32 v18, v19  }
0x53e: {  	v18 =	vand.u32 $0x7, v18;
	v47 =	vand.u32 $0xFFFFFFF8, v19  }
0x53f: {  	v18 =	vor.u32 v18, v47  }
0x540: {  	v18 =	vadd.s32 $0x200, v18;
	_ =	sdelay $0x1  }
0x541: {  	v48 =	vpop (erf)  }
0x542: {  	v21 =	vxor.u32 $0x80000000, v48;
	v20 =	vadd.f32 $-1.000000000e+00, v48  }
0x543: {  	[tilespmem:v19+s2+$0x0] =	vst.idx.add.f32.msk $0xffff, v21  }
0x544: {  	[tilespmem:v18+s2+$0x0] =	vst.idx.add.f32.msk $0xffff, v20  }
0x545: {  	v18 =	vld [tilespmem:s19+$0xFFFFFE20]  }
0x546: {  	v19 =	vld [tilespmem:s20+$0xFFFFFF10];
	_ =	sdelay $0x3  }
0x547: {  	v49 =	vperm.xlane v17, v5  }
0x548: {  	v18 =	vmax.f32 v18, v19  }
0x549: {  	v18 =	vmul.f32 v49, v18;
	_ =	sdelay $0x1  }
0x54a: {  	v19 =	vmul.f32 $7.500000000e+00, v18;
	_ =	sdelay $0x1  }
0x54b: {  	v19 =	vadd.f32 $8.000000000e+00, v19;
	_ =	sdelay $0x1  }
0x54c: {  	v19 =	vtrunc.f32 v19  }
0x54d: {  	v19 =	vcvt.f32.s32 v19;
	_ =	sdelay $0x1  }
0x54e: {  	vm9 =	vgt.s32 v19, $0x0  }
0x54f: {  	v19 =	vnsel vm9, $0x0, v19  }
0x550: {  	v19 =	vmin.u32 v19, $0xF  }
0x551: {  	v18 =	vmul.f32 $5.000000000e+02, v18;
	v50 =	vcvt.s32.f32 v19;
	_ =	sdelay $0x1  }
0x552: {  	v18 =	vadd.f32 $5.000000000e+02, v18;
	v20 =	vmul.f32 $6.666666410e+01, v50;
	_ =	sdelay $0x1  }
0x553: {  	v18 =	vsub.f32 v18, v20;
	_ =	sdelay $0x1  }
0x554: {  	v18 =	vmul.f32 $1.442695020e+00, v18;
	_ =	sdelay $0x1  }
0x555: {  	(erf) = vpow2.f32 v18;
	_ =	sdelay $0x7  }
0x556: {  	v18 =	vld [tilespmem:s19+$0xFFFFFE30]  }
0x557: {  	v51 =	vpop (erf)  }
0x558: {  	v20 =	vadd.f32 $1.000000000e+00, v51;
	_ =	sdelay $0x1  }
0x559: {  	(erf) = vrcp.f32 v20  }
0x55a: {  	v18 =	vtrunc.f32 v18  }
0x55b: {  	v18 =	vcvt.f32.s32 v18  }
0x55c: {  	v19 =	vshll.u32 v19, $0x9  }
0x55d: {  	v19 =	vadd.s32 v18, v19  }
0x55e: {  	v18 =	vand.u32 $0x7, v18;
	v52 =	vand.u32 $0xFFFFFFF8, v19  }
0x55f: {  	v18 =	vor.u32 v18, v52  }
0x560: {  	v18 =	vadd.s32 $0x200, v18;
	_ =	sdelay $0x1  }
0x561: {  	v53 =	vpop (erf)  }
0x562: {  	v54 =	vxor.u32 $0x80000000, v53;
	v20 =	vadd.f32 $-1.000000000e+00, v53  }
0x563: {  	[tilespmem:v19+s2+$0x0] =	vst.idx.add.f32.msk $0xffff, v54  }
0x564: {  	[tilespmem:v18+s2+$0x0] =	vst.idx.add.f32.msk $0xffff, v20  }
0x565: {  	v18 =	vld [tilespmem:s19+$0xFFFFFE40]  }
0x566: {  	v19 =	vld [tilespmem:s20+$0xFFFFFF20];
	_ =	sdelay $0x3  }
0x567: {  	v55 =	vperm.xlane v17, v6  }
0x568: {  	v18 =	vmax.f32 v18, v19  }
0x569: {  	v18 =	vmul.f32 v55, v18;
	_ =	sdelay $0x1  }
0x56a: {  	v19 =	vmul.f32 $7.500000000e+00, v18;
	_ =	sdelay $0x1  }
0x56b: {  	v19 =	vadd.f32 $8.000000000e+00, v19;
	_ =	sdelay $0x1  }
0x56c: {  	v19 =	vtrunc.f32 v19  }
0x56d: {  	v19 =	vcvt.f32.s32 v19;
	_ =	sdelay $0x1  }
0x56e: {  	vm10 =	vgt.s32 v19, $0x0  }
0x56f: {  	v19 =	vnsel vm10, $0x0, v19  }
0x570: {  	v19 =	vmin.u32 v19, $0xF  }
0x571: {  	v18 =	vmul.f32 $5.000000000e+02, v18;
	v56 =	vcvt.s32.f32 v19;
	_ =	sdelay $0x1  }
0x572: {  	v18 =	vadd.f32 $5.000000000e+02, v18;
	v20 =	vmul.f32 $6.666666410e+01, v56;
	_ =	sdelay $0x1  }
0x573: {  	v18 =	vsub.f32 v18, v20;
	_ =	sdelay $0x1  }
0x574: {  	v18 =	vmul.f32 $1.442695020e+00, v18;
	_ =	sdelay $0x1  }
0x575: {  	(erf) = vpow2.f32 v18;
	_ =	sdelay $0x7  }
0x576: {  	v18 =	vld [tilespmem:s19+$0xFFFFFE50]  }
0x577: {  	v57 =	vpop (erf)  }
0x578: {  	v20 =	vadd.f32 $1.000000000e+00, v57;
	_ =	sdelay $0x1  }
0x579: {  	(erf) = vrcp.f32 v20  }
0x57a: {  	v18 =	vtrunc.f32 v18  }
0x57b: {  	v18 =	vcvt.f32.s32 v18  }
0x57c: {  	v19 =	vshll.u32 v19, $0x9  }
0x57d: {  	v19 =	vadd.s32 v18, v19  }
0x57e: {  	v18 =	vand.u32 $0x7, v18;
	v58 =	vand.u32 $0xFFFFFFF8, v19  }
0x57f: {  	v18 =	vor.u32 v18, v58  }
0x580: {  	v18 =	vadd.s32 $0x200, v18;
	_ =	sdelay $0x1  }
0x581: {  	v59 =	vpop (erf)  }
0x582: {  	v60 =	vxor.u32 $0x80000000, v59;
	v20 =	vadd.f32 $-1.000000000e+00, v59  }
0x583: {  	[tilespmem:v19+s2+$0x0] =	vst.idx.add.f32.msk $0xffff, v60  }
0x584: {  	[tilespmem:v18+s2+$0x0] =	vst.idx.add.f32.msk $0xffff, v20  }
0x585: {  	v18 =	vld [tilespmem:s19+$0xFFFFFE60]  }
0x586: {  	v19 =	vld [tilespmem:s20+$0xFFFFFF30];
	_ =	sdelay $0x3  }
0x587: {  	v61 =	vperm.xlane v17, v7  }
0x588: {  	v18 =	vmax.f32 v18, v19  }
0x589: {  	v18 =	vmul.f32 v61, v18;
	_ =	sdelay $0x1  }
0x58a: {  	v19 =	vmul.f32 $7.500000000e+00, v18;
	_ =	sdelay $0x1  }
0x58b: {  	v19 =	vadd.f32 $8.000000000e+00, v19;
	_ =	sdelay $0x1  }
0x58c: {  	v19 =	vtrunc.f32 v19  }
0x58d: {  	v19 =	vcvt.f32.s32 v19;
	_ =	sdelay $0x1  }
0x58e: {  	vm11 =	vgt.s32 v19, $0x0  }
0x58f: {  	v19 =	vnsel vm11, $0x0, v19  }
0x590: {  	v19 =	vmin.u32 v19, $0xF  }
0x591: {  	v18 =	vmul.f32 $5.000000000e+02, v18;
	v62 =	vcvt.s32.f32 v19;
	_ =	sdelay $0x1  }
0x592: {  	v18 =	vadd.f32 $5.000000000e+02, v18;
	v20 =	vmul.f32 $6.666666410e+01, v62;
	_ =	sdelay $0x1  }
0x593: {  	v18 =	vsub.f32 v18, v20;
	_ =	sdelay $0x1  }
0x594: {  	v18 =	vmul.f32 $1.442695020e+00, v18;
	_ =	sdelay $0x1  }
0x595: {  	(erf) = vpow2.f32 v18;
	_ =	sdelay $0x7  }
0x596: {  	v18 =	vld [tilespmem:s19+$0xFFFFFE70]  }
0x597: {  	v63 =	vpop (erf)  }
0x598: {  	v20 =	vadd.f32 $1.000000000e+00, v63;
	_ =	sdelay $0x1  }
0x599: {  	(erf) = vrcp.f32 v20  }
0x59a: {  	v18 =	vtrunc.f32 v18  }
0x59b: {  	v18 =	vcvt.f32.s32 v18  }
0x59c: {  	v19 =	vshll.u32 v19, $0x9  }
0x59d: {  	v19 =	vadd.s32 v18, v19  }
0x59e: {  	v18 =	vand.u32 $0x7, v18;
	v24 =	vand.u32 $0xFFFFFFF8, v19  }
0x59f: {  	v18 =	vor.u32 v18, v24  }
0x5a0: {  	v18 =	vadd.s32 $0x200, v18;
	_ =	sdelay $0x1  }
0x5a1: {  	v25 =	vpop (erf)  }
0x5a2: {  	v26 =	vxor.u32 $0x80000000, v25;
	v20 =	vadd.f32 $-1.000000000e+00, v25  }
0x5a3: {  	[tilespmem:v19+s2+$0x0] =	vst.idx.add.f32.msk $0xffff, v26  }
0x5a4: {  	[tilespmem:v18+s2+$0x0] =	vst.idx.add.f32.msk $0xffff, v20  }
0x5a5: {  	v18 =	vld [tilespmem:s19+$0xFFFFFE80]  }
0x5a6: {  	v19 =	vld [tilespmem:s20+$0xFFFFFF40];
	_ =	sdelay $0x3  }
0x5a7: {  	v27 =	vperm.xlane v17, v8  }
0x5a8: {  	v18 =	vmax.f32 v18, v19  }
0x5a9: {  	v18 =	vmul.f32 v27, v18;
	_ =	sdelay $0x1  }
0x5aa: {  	v19 =	vmul.f32 $7.500000000e+00, v18;
	_ =	sdelay $0x1  }
0x5ab: {  	v19 =	vadd.f32 $8.000000000e+00, v19;
	_ =	sdelay $0x1  }
0x5ac: {  	v19 =	vtrunc.f32 v19  }
0x5ad: {  	v19 =	vcvt.f32.s32 v19;
	_ =	sdelay $0x1  }
0x5ae: {  	vm12 =	vgt.s32 v19, $0x0  }
0x5af: {  	v19 =	vnsel vm12, $0x0, v19  }
0x5b0: {  	v19 =	vmin.u32 v19, $0xF  }
0x5b1: {  	v18 =	vmul.f32 $5.000000000e+02, v18;
	v28 =	vcvt.s32.f32 v19;
	_ =	sdelay $0x1  }
0x5b2: {  	v18 =	vadd.f32 $5.000000000e+02, v18;
	v20 =	vmul.f32 $6.666666410e+01, v28;
	_ =	sdelay $0x1  }
0x5b3: {  	v18 =	vsub.f32 v18, v20;
	_ =	sdelay $0x1  }
0x5b4: {  	v18 =	vmul.f32 $1.442695020e+00, v18;
	_ =	sdelay $0x1  }
0x5b5: {  	(erf) = vpow2.f32 v18;
	_ =	sdelay $0x7  }
0x5b6: {  	v18 =	vld [tilespmem:s19+$0xFFFFFE90]  }
0x5b7: {  	v29 =	vpop (erf)  }
0x5b8: {  	v20 =	vadd.f32 $1.000000000e+00, v29;
	_ =	sdelay $0x1  }
0x5b9: {  	(erf) = vrcp.f32 v20  }
0x5ba: {  	v18 =	vtrunc.f32 v18  }
0x5bb: {  	v18 =	vcvt.f32.s32 v18  }
0x5bc: {  	v19 =	vshll.u32 v19, $0x9  }
0x5bd: {  	v19 =	vadd.s32 v18, v19  }
0x5be: {  	v18 =	vand.u32 $0x7, v18;
	v30 =	vand.u32 $0xFFFFFFF8, v19  }
0x5bf: {  	v18 =	vor.u32 v18, v30  }
0x5c0: {  	v18 =	vadd.s32 $0x200, v18;
	_ =	sdelay $0x1  }
0x5c1: {  	v31 =	vpop (erf)  }
0x5c2: {  	v32 =	vxor.u32 $0x80000000, v31;
	v20 =	vadd.f32 $-1.000000000e+00, v31  }
0x5c3: {  	[tilespmem:v19+s2+$0x0] =	vst.idx.add.f32.msk $0xffff, v32  }
0x5c4: {  	[tilespmem:v18+s2+$0x0] =	vst.idx.add.f32.msk $0xffff, v20  }
0x5c5: {  	v18 =	vld [tilespmem:s19+$0xFFFFFEA0]  }
0x5c6: {  	v19 =	vld [tilespmem:s20+$0xFFFFFF50];
	_ =	sdelay $0x3  }
0x5c7: {  	v33 =	vperm.xlane v17, v9  }
0x5c8: {  	v18 =	vmax.f32 v18, v19  }
0x5c9: {  	v18 =	vmul.f32 v33, v18;
	_ =	sdelay $0x1  }
0x5ca: {  	v19 =	vmul.f32 $7.500000000e+00, v18;
	_ =	sdelay $0x1  }
0x5cb: {  	v19 =	vadd.f32 $8.000000000e+00, v19;
	_ =	sdelay $0x1  }
0x5cc: {  	v19 =	vtrunc.f32 v19  }
0x5cd: {  	v19 =	vcvt.f32.s32 v19;
	_ =	sdelay $0x1  }
0x5ce: {  	vm13 =	vgt.s32 v19, $0x0  }
0x5cf: {  	v19 =	vnsel vm13, $0x0, v19  }
0x5d0: {  	v19 =	vmin.u32 v19, $0xF  }
0x5d1: {  	v18 =	vmul.f32 $5.000000000e+02, v18;
	v34 =	vcvt.s32.f32 v19;
	_ =	sdelay $0x1  }
0x5d2: {  	v18 =	vadd.f32 $5.000000000e+02, v18;
	v20 =	vmul.f32 $6.666666410e+01, v34;
	_ =	sdelay $0x1  }
0x5d3: {  	v18 =	vsub.f32 v18, v20;
	_ =	sdelay $0x1  }
0x5d4: {  	v18 =	vmul.f32 $1.442695020e+00, v18;
	_ =	sdelay $0x1  }
0x5d5: {  	(erf) = vpow2.f32 v18;
	_ =	sdelay $0x7  }
0x5d6: {  	v18 =	vld [tilespmem:s19+$0xFFFFFEB0]  }
0x5d7: {  	v35 =	vpop (erf)  }
0x5d8: {  	v20 =	vadd.f32 $1.000000000e+00, v35;
	_ =	sdelay $0x1  }
0x5d9: {  	(erf) = vrcp.f32 v20  }
0x5da: {  	v18 =	vtrunc.f32 v18  }
0x5db: {  	v18 =	vcvt.f32.s32 v18  }
0x5dc: {  	v19 =	vshll.u32 v19, $0x9  }
0x5dd: {  	v19 =	vadd.s32 v18, v19  }
0x5de: {  	v18 =	vand.u32 $0x7, v18;
	v36 =	vand.u32 $0xFFFFFFF8, v19  }
0x5df: {  	v18 =	vor.u32 v18, v36  }
0x5e0: {  	v18 =	vadd.s32 $0x200, v18;
	_ =	sdelay $0x1  }
0x5e1: {  	v37 =	vpop (erf)  }
0x5e2: {  	v38 =	vxor.u32 $0x80000000, v37;
	v20 =	vadd.f32 $-1.000000000e+00, v37  }
0x5e3: {  	[tilespmem:v19+s2+$0x0] =	vst.idx.add.f32.msk $0xffff, v38  }
0x5e4: {  	[tilespmem:v18+s2+$0x0] =	vst.idx.add.f32.msk $0xffff, v20  }
0x5e5: {  	v18 =	vld [tilespmem:s19+$0xFFFFFEC0]  }
0x5e6: {  	v19 =	vld [tilespmem:s20+$0xFFFFFF60];
	_ =	sdelay $0x3  }
0x5e7: {  	v39 =	vperm.xlane v17, v10  }
0x5e8: {  	v18 =	vmax.f32 v18, v19  }
0x5e9: {  	v18 =	vmul.f32 v39, v18;
	_ =	sdelay $0x1  }
0x5ea: {  	v19 =	vmul.f32 $7.500000000e+00, v18;
	_ =	sdelay $0x1  }
0x5eb: {  	v19 =	vadd.f32 $8.000000000e+00, v19;
	_ =	sdelay $0x1  }
0x5ec: {  	v19 =	vtrunc.f32 v19  }
0x5ed: {  	v19 =	vcvt.f32.s32 v19;
	_ =	sdelay $0x1  }
0x5ee: {  	vm14 =	vgt.s32 v19, $0x0  }
0x5ef: {  	v19 =	vnsel vm14, $0x0, v19  }
0x5f0: {  	v19 =	vmin.u32 v19, $0xF  }
0x5f1: {  	v18 =	vmul.f32 $5.000000000e+02, v18;
	v40 =	vcvt.s32.f32 v19;
	_ =	sdelay $0x1  }
0x5f2: {  	v18 =	vadd.f32 $5.000000000e+02, v18;
	v20 =	vmul.f32 $6.666666410e+01, v40;
	_ =	sdelay $0x1  }
0x5f3: {  	v18 =	vsub.f32 v18, v20;
	_ =	sdelay $0x1  }
0x5f4: {  	v18 =	vmul.f32 $1.442695020e+00, v18;
	_ =	sdelay $0x1  }
0x5f5: {  	(erf) = vpow2.f32 v18;
	_ =	sdelay $0x7  }
0x5f6: {  	v18 =	vld [tilespmem:s19+$0xFFFFFED0]  }
0x5f7: {  	v41 =	vpop (erf)  }
0x5f8: {  	v20 =	vadd.f32 $1.000000000e+00, v41;
	_ =	sdelay $0x1  }
0x5f9: {  	(erf) = vrcp.f32 v20  }
0x5fa: {  	v18 =	vtrunc.f32 v18  }
0x5fb: {  	v18 =	vcvt.f32.s32 v18  }
0x5fc: {  	v19 =	vshll.u32 v19, $0x9  }
0x5fd: {  	v19 =	vadd.s32 v18, v19  }
0x5fe: {  	v18 =	vand.u32 $0x7, v18;
	v42 =	vand.u32 $0xFFFFFFF8, v19  }
0x5ff: {  	v18 =	vor.u32 v18, v42  }
0x600: {  	v18 =	vadd.s32 $0x200, v18;
	_ =	sdelay $0x1  }
0x601: {  	v43 =	vpop (erf)  }
0x602: {  	v44 =	vxor.u32 $0x80000000, v43;
	v20 =	vadd.f32 $-1.000000000e+00, v43  }
0x603: {  	[tilespmem:v19+s2+$0x0] =	vst.idx.add.f32.msk $0xffff, v44  }
0x604: {  	[tilespmem:v18+s2+$0x0] =	vst.idx.add.f32.msk $0xffff, v20  }
0x605: {  	v18 =	vld [tilespmem:s19+$0xFFFFFEE0]  }
0x606: {  	v19 =	vld [tilespmem:s20+$0xFFFFFF70];
	_ =	sdelay $0x3  }
0x607: {  	v45 =	vperm.xlane v17, v4  }
0x608: {  	v18 =	vmax.f32 v18, v19  }
0x609: {  	v18 =	vmul.f32 v45, v18;
	_ =	sdelay $0x1  }
0x60a: {  	v19 =	vmul.f32 $7.500000000e+00, v18;
	_ =	sdelay $0x1  }
0x60b: {  	v19 =	vadd.f32 $8.000000000e+00, v19;
	_ =	sdelay $0x1  }
0x60c: {  	v19 =	vtrunc.f32 v19  }
0x60d: {  	v19 =	vcvt.f32.s32 v19;
	_ =	sdelay $0x1  }
0x60e: {  	vm15 =	vgt.s32 v19, $0x0  }
0x60f: {  	v19 =	vnsel vm15, $0x0, v19  }
0x610: {  	v19 =	vmin.u32 v19, $0xF  }
0x611: {  	v18 =	vmul.f32 $5.000000000e+02, v18;
	v46 =	vcvt.s32.f32 v19;
	_ =	sdelay $0x1  }
0x612: {  	v18 =	vadd.f32 $5.000000000e+02, v18;
	v20 =	vmul.f32 $6.666666410e+01, v46;
	_ =	sdelay $0x1  }
0x613: {  	v18 =	vsub.f32 v18, v20;
	_ =	sdelay $0x1  }
0x614: {  	v18 =	vmul.f32 $1.442695020e+00, v18;
	_ =	sdelay $0x1  }
0x615: {  	(erf) = vpow2.f32 v18;
	_ =	sdelay $0x7  }
0x616: {  	v18 =	vld [tilespmem:s19+$0xFFFFFEF0]  }
0x617: {  	v47 =	vpop (erf)  }
0x618: {  	v20 =	vadd.f32 $1.000000000e+00, v47;
	_ =	sdelay $0x1  }
0x619: {  	(erf) = vrcp.f32 v20  }
0x61a: {  	v18 =	vtrunc.f32 v18  }
0x61b: {  	v18 =	vcvt.f32.s32 v18  }
0x61c: {  	v19 =	vshll.u32 v19, $0x9  }
0x61d: {  	v19 =	vadd.s32 v18, v19  }
0x61e: {  	v18 =	vand.u32 $0x7, v18;
	v48 =	vand.u32 $0xFFFFFFF8, v19  }
0x61f: {  	v18 =	vor.u32 v18, v48  }
0x620: {  	v18 =	vadd.s32 $0x200, v18;
	_ =	sdelay $0x1  }
0x621: {  	v49 =	vpop (erf)  }
0x622: {  	v50 =	vxor.u32 $0x80000000, v49;
	v20 =	vadd.f32 $-1.000000000e+00, v49  }
0x623: {  	[tilespmem:v19+s2+$0x0] =	vst.idx.add.f32.msk $0xffff, v50  }
0x624: {  	[tilespmem:v18+s2+$0x0] =	vst.idx.add.f32.msk $0xffff, v20  }
0x625: {  	v18 =	vld [tilespmem:s19+$0xFFFFFF00]  }
0x626: {  	v19 =	vld [tilespmem:s20+$0xFFFFFF80];
	_ =	sdelay $0x3  }
0x627: {  	v51 =	vperm.xlane v17, v11  }
0x628: {  	v18 =	vmax.f32 v18, v19  }
0x629: {  	v18 =	vmul.f32 v51, v18;
	_ =	sdelay $0x1  }
0x62a: {  	v19 =	vmul.f32 $7.500000000e+00, v18;
	_ =	sdelay $0x1  }
0x62b: {  	v19 =	vadd.f32 $8.000000000e+00, v19;
	_ =	sdelay $0x1  }
0x62c: {  	v19 =	vtrunc.f32 v19  }
0x62d: {  	v19 =	vcvt.f32.s32 v19;
	_ =	sdelay $0x1  }
0x62e: {  	vm4 =	vgt.s32 v19, $0x0  }
0x62f: {  	v19 =	vnsel vm4, $0x0, v19  }
0x630: {  	v19 =	vmin.u32 v19, $0xF  }
0x631: {  	v18 =	vmul.f32 $5.000000000e+02, v18;
	v52 =	vcvt.s32.f32 v19;
	_ =	sdelay $0x1  }
0x632: {  	v18 =	vadd.f32 $5.000000000e+02, v18;
	v20 =	vmul.f32 $6.666666410e+01, v52;
	_ =	sdelay $0x1  }
0x633: {  	v18 =	vsub.f32 v18, v20;
	_ =	sdelay $0x1  }
0x634: {  	v18 =	vmul.f32 $1.442695020e+00, v18;
	_ =	sdelay $0x1  }
0x635: {  	(erf) = vpow2.f32 v18;
	_ =	sdelay $0x7  }
0x636: {  	v18 =	vld [tilespmem:s19+$0xFFFFFF10]  }
0x637: {  	v53 =	vpop (erf)  }
0x638: {  	v20 =	vadd.f32 $1.000000000e+00, v53;
	_ =	sdelay $0x1  }
0x639: {  	(erf) = vrcp.f32 v20  }
0x63a: {  	v18 =	vtrunc.f32 v18  }
0x63b: {  	v18 =	vcvt.f32.s32 v18  }
0x63c: {  	v19 =	vshll.u32 v19, $0x9  }
0x63d: {  	v19 =	vadd.s32 v18, v19  }
0x63e: {  	v18 =	vand.u32 $0x7, v18;
	v54 =	vand.u32 $0xFFFFFFF8, v19  }
0x63f: {  	v18 =	vor.u32 v18, v54  }
0x640: {  	v18 =	vadd.s32 $0x200, v18;
	_ =	sdelay $0x1  }
0x641: {  	v55 =	vpop (erf)  }
0x642: {  	v56 =	vxor.u32 $0x80000000, v55;
	v20 =	vadd.f32 $-1.000000000e+00, v55  }
0x643: {  	[tilespmem:v19+s2+$0x0] =	vst.idx.add.f32.msk $0xffff, v56  }
0x644: {  	[tilespmem:v18+s2+$0x0] =	vst.idx.add.f32.msk $0xffff, v20  }
0x645: {  	v18 =	vld [tilespmem:s19+$0xFFFFFF20]  }
0x646: {  	v19 =	vld [tilespmem:s20+$0xFFFFFF90];
	_ =	sdelay $0x3  }
0x647: {  	v57 =	vperm.xlane v17, v3  }
0x648: {  	v18 =	vmax.f32 v18, v19  }
0x649: {  	v18 =	vmul.f32 v57, v18;
	_ =	sdelay $0x1  }
0x64a: {  	v19 =	vmul.f32 $7.500000000e+00, v18;
	_ =	sdelay $0x1  }
0x64b: {  	v19 =	vadd.f32 $8.000000000e+00, v19;
	_ =	sdelay $0x1  }
0x64c: {  	v19 =	vtrunc.f32 v19  }
0x64d: {  	v19 =	vcvt.f32.s32 v19;
	_ =	sdelay $0x1  }
0x64e: {  	vm5 =	vgt.s32 v19, $0x0  }
0x64f: {  	v19 =	vnsel vm5, $0x0, v19  }
0x650: {  	v19 =	vmin.u32 v19, $0xF  }
0x651: {  	v18 =	vmul.f32 $5.000000000e+02, v18;
	v58 =	vcvt.s32.f32 v19;
	_ =	sdelay $0x1  }
0x652: {  	v18 =	vadd.f32 $5.000000000e+02, v18;
	v20 =	vmul.f32 $6.666666410e+01, v58;
	_ =	sdelay $0x1  }
0x653: {  	v18 =	vsub.f32 v18, v20;
	_ =	sdelay $0x1  }
0x654: {  	v18 =	vmul.f32 $1.442695020e+00, v18;
	_ =	sdelay $0x1  }
0x655: {  	(erf) = vpow2.f32 v18;
	_ =	sdelay $0x7  }
0x656: {  	v18 =	vld [tilespmem:s19+$0xFFFFFF30]  }
0x657: {  	v59 =	vpop (erf)  }
0x658: {  	v20 =	vadd.f32 $1.000000000e+00, v59;
	_ =	sdelay $0x1  }
0x659: {  	(erf) = vrcp.f32 v20  }
0x65a: {  	v18 =	vtrunc.f32 v18  }
0x65b: {  	v18 =	vcvt.f32.s32 v18  }
0x65c: {  	v19 =	vshll.u32 v19, $0x9  }
0x65d: {  	v19 =	vadd.s32 v18, v19  }
0x65e: {  	v18 =	vand.u32 $0x7, v18;
	v60 =	vand.u32 $0xFFFFFFF8, v19  }
0x65f: {  	v18 =	vor.u32 v18, v60  }
0x660: {  	v18 =	vadd.s32 $0x200, v18;
	_ =	sdelay $0x1  }
0x661: {  	v61 =	vpop (erf)  }
0x662: {  	v62 =	vxor.u32 $0x80000000, v61;
	v20 =	vadd.f32 $-1.000000000e+00, v61  }
0x663: {  	[tilespmem:v19+s2+$0x0] =	vst.idx.add.f32.msk $0xffff, v62  }
0x664: {  	[tilespmem:v18+s2+$0x0] =	vst.idx.add.f32.msk $0xffff, v20  }
0x665: {  	v18 =	vld [tilespmem:s19+$0xFFFFFF40]  }
0x666: {  	v19 =	vld [tilespmem:s20+$0xFFFFFFA0];
	_ =	sdelay $0x3  }
0x667: {  	v63 =	vperm.xlane v17, v12  }
0x668: {  	v18 =	vmax.f32 v18, v19  }
0x669: {  	v18 =	vmul.f32 v63, v18;
	_ =	sdelay $0x1  }
0x66a: {  	v19 =	vmul.f32 $7.500000000e+00, v18;
	_ =	sdelay $0x1  }
0x66b: {  	v19 =	vadd.f32 $8.000000000e+00, v19;
	_ =	sdelay $0x1  }
0x66c: {  	v19 =	vtrunc.f32 v19  }
0x66d: {  	v19 =	vcvt.f32.s32 v19;
	_ =	sdelay $0x1  }
0x66e: {  	vm6 =	vgt.s32 v19, $0x0  }
0x66f: {  	v19 =	vnsel vm6, $0x0, v19  }
0x670: {  	v19 =	vmin.u32 v19, $0xF  }
0x671: {  	v18 =	vmul.f32 $5.000000000e+02, v18;
	v24 =	vcvt.s32.f32 v19;
	_ =	sdelay $0x1  }
0x672: {  	v18 =	vadd.f32 $5.000000000e+02, v18;
	v20 =	vmul.f32 $6.666666410e+01, v24;
	_ =	sdelay $0x1  }
0x673: {  	v18 =	vsub.f32 v18, v20;
	_ =	sdelay $0x1  }
0x674: {  	v18 =	vmul.f32 $1.442695020e+00, v18;
	_ =	sdelay $0x1  }
0x675: {  	(erf) = vpow2.f32 v18;
	_ =	sdelay $0x7  }
0x676: {  	v18 =	vld [tilespmem:s19+$0xFFFFFF50]  }
0x677: {  	v25 =	vpop (erf)  }
0x678: {  	v20 =	vadd.f32 $1.000000000e+00, v25;
	_ =	sdelay $0x1  }
0x679: {  	(erf) = vrcp.f32 v20  }
0x67a: {  	v18 =	vtrunc.f32 v18  }
0x67b: {  	v18 =	vcvt.f32.s32 v18  }
0x67c: {  	v19 =	vshll.u32 v19, $0x9  }
0x67d: {  	v19 =	vadd.s32 v18, v19  }
0x67e: {  	v18 =	vand.u32 $0x7, v18;
	v26 =	vand.u32 $0xFFFFFFF8, v19  }
0x67f: {  	v18 =	vor.u32 v18, v26  }
0x680: {  	v18 =	vadd.s32 $0x200, v18;
	_ =	sdelay $0x1  }
0x681: {  	v27 =	vpop (erf)  }
0x682: {  	v28 =	vxor.u32 $0x80000000, v27;
	v20 =	vadd.f32 $-1.000000000e+00, v27  }
0x683: {  	[tilespmem:v19+s2+$0x0] =	vst.idx.add.f32.msk $0xffff, v28  }
0x684: {  	[tilespmem:v18+s2+$0x0] =	vst.idx.add.f32.msk $0xffff, v20  }
0x685: {  	v18 =	vld [tilespmem:s19+$0xFFFFFF60]  }
0x686: {  	v19 =	vld [tilespmem:s20+$0xFFFFFFB0];
	_ =	sdelay $0x3  }
0x687: {  	v29 =	vperm.xlane v17, v13  }
0x688: {  	v18 =	vmax.f32 v18, v19  }
0x689: {  	v18 =	vmul.f32 v29, v18;
	_ =	sdelay $0x1  }
0x68a: {  	v19 =	vmul.f32 $7.500000000e+00, v18;
	_ =	sdelay $0x1  }
0x68b: {  	v19 =	vadd.f32 $8.000000000e+00, v19;
	_ =	sdelay $0x1  }
0x68c: {  	v19 =	vtrunc.f32 v19  }
0x68d: {  	v19 =	vcvt.f32.s32 v19;
	_ =	sdelay $0x1  }
0x68e: {  	vm7 =	vgt.s32 v19, $0x0  }
0x68f: {  	v19 =	vnsel vm7, $0x0, v19  }
0x690: {  	v19 =	vmin.u32 v19, $0xF  }
0x691: {  	v18 =	vmul.f32 $5.000000000e+02, v18;
	v30 =	vcvt.s32.f32 v19;
	_ =	sdelay $0x1  }
0x692: {  	v18 =	vadd.f32 $5.000000000e+02, v18;
	v20 =	vmul.f32 $6.666666410e+01, v30;
	_ =	sdelay $0x1  }
0x693: {  	v18 =	vsub.f32 v18, v20;
	_ =	sdelay $0x1  }
0x694: {  	v18 =	vmul.f32 $1.442695020e+00, v18;
	_ =	sdelay $0x1  }
0x695: {  	(erf) = vpow2.f32 v18;
	_ =	sdelay $0x7  }
0x696: {  	v18 =	vld [tilespmem:s19+$0xFFFFFF70]  }
0x697: {  	v31 =	vpop (erf)  }
0x698: {  	v20 =	vadd.f32 $1.000000000e+00, v31;
	_ =	sdelay $0x1  }
0x699: {  	(erf) = vrcp.f32 v20  }
0x69a: {  	v18 =	vtrunc.f32 v18  }
0x69b: {  	v18 =	vcvt.f32.s32 v18  }
0x69c: {  	v19 =	vshll.u32 v19, $0x9  }
0x69d: {  	v19 =	vadd.s32 v18, v19  }
0x69e: {  	v18 =	vand.u32 $0x7, v18;
	v32 =	vand.u32 $0xFFFFFFF8, v19  }
0x69f: {  	v18 =	vor.u32 v18, v32  }
0x6a0: {  	v18 =	vadd.s32 $0x200, v18;
	_ =	sdelay $0x1  }
0x6a1: {  	v33 =	vpop (erf)  }
0x6a2: {  	v34 =	vxor.u32 $0x80000000, v33;
	v20 =	vadd.f32 $-1.000000000e+00, v33  }
0x6a3: {  	[tilespmem:v19+s2+$0x0] =	vst.idx.add.f32.msk $0xffff, v34  }
0x6a4: {  	[tilespmem:v18+s2+$0x0] =	vst.idx.add.f32.msk $0xffff, v20  }
0x6a5: {  	v18 =	vld [tilespmem:s19+$0xFFFFFF80]  }
0x6a6: {  	v19 =	vld [tilespmem:s20+$0xFFFFFFC0];
	_ =	sdelay $0x3  }
0x6a7: {  	v35 =	vperm.xlane v17, v14  }
0x6a8: {  	v18 =	vmax.f32 v18, v19  }
0x6a9: {  	v18 =	vmul.f32 v35, v18;
	_ =	sdelay $0x1  }
0x6aa: {  	v19 =	vmul.f32 $7.500000000e+00, v18;
	_ =	sdelay $0x1  }
0x6ab: {  	v19 =	vadd.f32 $8.000000000e+00, v19;
	_ =	sdelay $0x1  }
0x6ac: {  	v19 =	vtrunc.f32 v19  }
0x6ad: {  	v19 =	vcvt.f32.s32 v19;
	_ =	sdelay $0x1  }
0x6ae: {  	vm8 =	vgt.s32 v19, $0x0  }
0x6af: {  	v19 =	vnsel vm8, $0x0, v19  }
0x6b0: {  	v19 =	vmin.u32 v19, $0xF  }
0x6b1: {  	v18 =	vmul.f32 $5.000000000e+02, v18;
	v36 =	vcvt.s32.f32 v19;
	_ =	sdelay $0x1  }
0x6b2: {  	v18 =	vadd.f32 $5.000000000e+02, v18;
	v20 =	vmul.f32 $6.666666410e+01, v36;
	_ =	sdelay $0x1  }
0x6b3: {  	v18 =	vsub.f32 v18, v20;
	_ =	sdelay $0x1  }
0x6b4: {  	v18 =	vmul.f32 $1.442695020e+00, v18;
	_ =	sdelay $0x1  }
0x6b5: {  	(erf) = vpow2.f32 v18;
	_ =	sdelay $0x7  }
0x6b6: {  	v18 =	vld [tilespmem:s19+$0xFFFFFF90]  }
0x6b7: {  	v37 =	vpop (erf)  }
0x6b8: {  	v20 =	vadd.f32 $1.000000000e+00, v37;
	_ =	sdelay $0x1  }
0x6b9: {  	(erf) = vrcp.f32 v20  }
0x6ba: {  	v18 =	vtrunc.f32 v18  }
0x6bb: {  	v18 =	vcvt.f32.s32 v18  }
0x6bc: {  	v19 =	vshll.u32 v19, $0x9  }
0x6bd: {  	v19 =	vadd.s32 v18, v19  }
0x6be: {  	v18 =	vand.u32 $0x7, v18;
	v38 =	vand.u32 $0xFFFFFFF8, v19  }
0x6bf: {  	v18 =	vor.u32 v18, v38  }
0x6c0: {  	v18 =	vadd.s32 $0x200, v18;
	_ =	sdelay $0x1  }
0x6c1: {  	v39 =	vpop (erf)  }
0x6c2: {  	v40 =	vxor.u32 $0x80000000, v39;
	v20 =	vadd.f32 $-1.000000000e+00, v39  }
0x6c3: {  	[tilespmem:v19+s2+$0x0] =	vst.idx.add.f32.msk $0xffff, v40  }
0x6c4: {  	[tilespmem:v18+s2+$0x0] =	vst.idx.add.f32.msk $0xffff, v20  }
0x6c5: {  	v18 =	vld [tilespmem:s19+$0xFFFFFFA0]  }
0x6c6: {  	v19 =	vld [tilespmem:s20+$0xFFFFFFD0];
	_ =	sdelay $0x3  }
0x6c7: {  	v41 =	vperm.xlane v17, v15  }
0x6c8: {  	v18 =	vmax.f32 v18, v19  }
0x6c9: {  	v18 =	vmul.f32 v41, v18;
	_ =	sdelay $0x1  }
0x6ca: {  	v19 =	vmul.f32 $7.500000000e+00, v18;
	_ =	sdelay $0x1  }
0x6cb: {  	v19 =	vadd.f32 $8.000000000e+00, v19;
	_ =	sdelay $0x1  }
0x6cc: {  	v19 =	vtrunc.f32 v19  }
0x6cd: {  	v19 =	vcvt.f32.s32 v19;
	_ =	sdelay $0x1  }
0x6ce: {  	vm9 =	vgt.s32 v19, $0x0  }
0x6cf: {  	v19 =	vnsel vm9, $0x0, v19  }
0x6d0: {  	v19 =	vmin.u32 v19, $0xF  }
0x6d1: {  	v18 =	vmul.f32 $5.000000000e+02, v18;
	v42 =	vcvt.s32.f32 v19;
	_ =	sdelay $0x1  }
0x6d2: {  	v18 =	vadd.f32 $5.000000000e+02, v18;
	v20 =	vmul.f32 $6.666666410e+01, v42;
	_ =	sdelay $0x1  }
0x6d3: {  	v18 =	vsub.f32 v18, v20;
	_ =	sdelay $0x1  }
0x6d4: {  	v18 =	vmul.f32 $1.442695020e+00, v18;
	_ =	sdelay $0x1  }
0x6d5: {  	(erf) = vpow2.f32 v18;
	_ =	sdelay $0x7  }
0x6d6: {  	v18 =	vld [tilespmem:s19+$0xFFFFFFB0]  }
0x6d7: {  	v43 =	vpop (erf)  }
0x6d8: {  	v20 =	vadd.f32 $1.000000000e+00, v43;
	_ =	sdelay $0x1  }
0x6d9: {  	(erf) = vrcp.f32 v20  }
0x6da: {  	v18 =	vtrunc.f32 v18  }
0x6db: {  	v18 =	vcvt.f32.s32 v18  }
0x6dc: {  	v19 =	vshll.u32 v19, $0x9  }
0x6dd: {  	v19 =	vadd.s32 v18, v19  }
0x6de: {  	v18 =	vand.u32 $0x7, v18;
	v44 =	vand.u32 $0xFFFFFFF8, v19  }
0x6df: {  	v18 =	vor.u32 v18, v44  }
0x6e0: {  	v18 =	vadd.s32 $0x200, v18;
	_ =	sdelay $0x1  }
0x6e1: {  	v45 =	vpop (erf)  }
0x6e2: {  	v46 =	vxor.u32 $0x80000000, v45;
	v20 =	vadd.f32 $-1.000000000e+00, v45  }
0x6e3: {  	[tilespmem:v19+s2+$0x0] =	vst.idx.add.f32.msk $0xffff, v46  }
0x6e4: {  	[tilespmem:v18+s2+$0x0] =	vst.idx.add.f32.msk $0xffff, v20  }
0x6e5: {  	v18 =	vld [tilespmem:s19+$0xFFFFFFC0]  }
0x6e6: {  	v19 =	vld [tilespmem:s20+$0xFFFFFFE0];
	_ =	sdelay $0x3  }
0x6e7: {  	v47 =	vperm.xlane v17, v16  }
0x6e8: {  	v18 =	vmax.f32 v18, v19  }
0x6e9: {  	v18 =	vmul.f32 v47, v18;
	_ =	sdelay $0x1  }
0x6ea: {  	v19 =	vmul.f32 $7.500000000e+00, v18;
	_ =	sdelay $0x1  }
0x6eb: {  	v19 =	vadd.f32 $8.000000000e+00, v19;
	_ =	sdelay $0x1  }
0x6ec: {  	v19 =	vtrunc.f32 v19  }
0x6ed: {  	v19 =	vcvt.f32.s32 v19;
	_ =	sdelay $0x1  }
0x6ee: {  	vm10 =	vgt.s32 v19, $0x0  }
0x6ef: {  	v19 =	vnsel vm10, $0x0, v19  }
0x6f0: {  	v19 =	vmin.u32 v19, $0xF  }
0x6f1: {  	v18 =	vmul.f32 $5.000000000e+02, v18;
	v48 =	vcvt.s32.f32 v19;
	_ =	sdelay $0x1  }
0x6f2: {  	v18 =	vadd.f32 $5.000000000e+02, v18;
	v20 =	vmul.f32 $6.666666410e+01, v48;
	_ =	sdelay $0x1  }
0x6f3: {  	v18 =	vsub.f32 v18, v20;
	_ =	sdelay $0x1  }
0x6f4: {  	v18 =	vmul.f32 $1.442695020e+00, v18;
	_ =	sdelay $0x1  }
0x6f5: {  	(erf) = vpow2.f32 v18;
	_ =	sdelay $0x7  }
0x6f6: {  	v18 =	vld [tilespmem:s19+$0xFFFFFFD0]  }
0x6f7: {  	v49 =	vpop (erf)  }
0x6f8: {  	v20 =	vadd.f32 $1.000000000e+00, v49;
	_ =	sdelay $0x1  }
0x6f9: {  	(erf) = vrcp.f32 v20  }
0x6fa: {  	v18 =	vtrunc.f32 v18  }
0x6fb: {  	v18 =	vcvt.f32.s32 v18  }
0x6fc: {  	v19 =	vshll.u32 v19, $0x9  }
0x6fd: {  	v19 =	vadd.s32 v18, v19  }
0x6fe: {  	v18 =	vand.u32 $0x7, v18;
	v50 =	vand.u32 $0xFFFFFFF8, v19  }
0x6ff: {  	v18 =	vor.u32 v18, v50  }
0x700: {  	v18 =	vadd.s32 $0x200, v18;
	_ =	sdelay $0x1  }
0x701: {  	v51 =	vpop (erf)  }
0x702: {  	v52 =	vxor.u32 $0x80000000, v51;
	v20 =	vadd.f32 $-1.000000000e+00, v51  }
0x703: {  	[tilespmem:v19+s2+$0x0] =	vst.idx.add.f32.msk $0xffff, v52  }
0x704: {  	[tilespmem:v18+s2+$0x0] =	vst.idx.add.f32.msk $0xffff, v20  }
0x705: {  	v18 =	vld [tilespmem:s19+$0xFFFFFFE0]  }
0x706: {  	v19 =	vld [tilespmem:s20+$0xFFFFFFF0];
	_ =	sdelay $0x3  }
0x707: {  	v17 =	vperm.xlane v17, v2  }
0x708: {  	v18 =	vmax.f32 v18, v19  }
0x709: {  	v18 =	vmul.f32 v17, v18;
	_ =	sdelay $0x1  }
0x70a: {  	v17 =	vmul.f32 $7.500000000e+00, v18;
	_ =	sdelay $0x1  }
0x70b: {  	v17 =	vadd.f32 $8.000000000e+00, v17  }
0x70c: {  	v53 =	vld [tilespmem:s19+$0x0]  }
0x70d: {  	v19 =	vld [tilespmem:s25+$0x0];
	v17 =	vtrunc.f32 v17  }
0x70e: {  	v54 =	vld [tilespmem:s20+$0x0];
	v17 =	vcvt.f32.s32 v17;
	_ =	sdelay $0x1  }
0x70f: {  	vm11 =	vgt.s32 v17, $0x0  }
0x710: {  	v17 =	vnsel vm11, $0x0, v17  }
0x711: {  	v22 =	vperm.xlane v19, v1;
	v17 =	vmin.u32 v17, $0xF  }
0x712: {  	v20 =	vmax.f32 v53, v54;
	v18 =	vmul.f32 $5.000000000e+02, v18;
	v23 =	vcvt.s32.f32 v17  }
0x713: {  	v20 =	vmul.f32 v22, v20  }
0x714: {  	v18 =	vadd.f32 $5.000000000e+02, v18;
	v55 =	vmul.f32 $6.666666410e+01, v23  }
0x715: {  	v22 =	vmul.f32 $7.500000000e+00, v20  }
0x716: {  	v18 =	vsub.f32 v18, v55  }
0x717: {  	v56 =	vadd.f32 $8.000000000e+00, v22  }
0x718: {  	v18 =	vmul.f32 $1.442695020e+00, v18  }
0x719: {  	v21 =	vtrunc.f32 v56  }
0x71a: {  	(erf) = vpow2.f32 v18;
	v18 =	vcvt.f32.s32 v21;
	_ =	sdelay $0x1  }
0x71b: {  	vm12 =	vgt.s32 v18, $0x0  }
0x71c: {  	v18 =	vnsel vm12, $0x0, v18  }
0x71d: {  	v57 =	vmin.u32 v18, $0xF  }
0x71e: {  	v18 =	vmul.f32 $5.000000000e+02, v20;
	v58 =	vcvt.s32.f32 v57;
	_ =	sdelay $0x1  }
0x71f: {  	v18 =	vadd.f32 $5.000000000e+02, v18;
	v20 =	vmul.f32 $6.666666410e+01, v58;
	_ =	sdelay $0x1  }
0x720: {  	v59 =	vpop (erf);
	v18 =	vsub.f32 v18, v20  }
0x721: {  	v60 =	vadd.f32 $1.000000000e+00, v59  }
0x722: {  	v18 =	vmul.f32 $1.442695020e+00, v18  }
0x723: {  	(erf) = vrcp.f32 v60  }
0x724: {  	(erf) = vpow2.f32 v18;
	_ =	sdelay $0x7  }
0x725: {  	v61 =	vld [tilespmem:s19+$0x10];
	v18 =	vpop (erf)  }
0x726: {  	v62 =	vpop (erf)  }
0x727: {  	v22 =	vadd.f32 $1.000000000e+00, v62;
	_ =	sdelay $0x1  }
0x728: {  	(erf) = vrcp.f32 v22  }
0x729: {  	v20 =	vtrunc.f32 v61  }
0x72a: {  	v20 =	vcvt.f32.s32 v20  }
0x72b: {  	v21 =	vshll.u32 v57, $0x9  }
0x72c: {  	v21 =	vadd.s32 v20, v21  }
0x72d: {  	v20 =	vand.u32 $0x7, v20;
	v63 =	vand.u32 $0xFFFFFFF8, v21  }
0x72e: {  	v20 =	vor.u32 v20, v63  }
0x72f: {  	v20 =	vadd.s32 $0x200, v20;
	_ =	sdelay $0x1  }
0x730: {  	v24 =	vpop (erf)  }
0x731: {  	v25 =	vxor.u32 $0x80000000, v24;
	v22 =	vadd.f32 $-1.000000000e+00, v24  }
0x732: {  	[tilespmem:v21+s2+$0x0] =	vst.idx.add.f32.msk $0xffff, v25  }
0x733: {  	[tilespmem:v20+s2+$0x0] =	vst.idx.add.f32.msk $0xffff, v22  }
0x734: {  	v20 =	vld [tilespmem:s19+$0x20]  }
0x735: {  	v21 =	vld [tilespmem:s20+$0x10];
	_ =	sdelay $0x3  }
0x736: {  	v26 =	vperm.xlane v19, v5  }
0x737: {  	v20 =	vmax.f32 v20, v21  }
0x738: {  	v20 =	vmul.f32 v26, v20;
	_ =	sdelay $0x1  }
0x739: {  	v27 =	vmul.f32 $7.500000000e+00, v20;
	_ =	sdelay $0x1  }
0x73a: {  	v21 =	vadd.f32 $8.000000000e+00, v27;
	_ =	sdelay $0x1  }
0x73b: {  	v21 =	vtrunc.f32 v21  }
0x73c: {  	v21 =	vcvt.f32.s32 v21;
	_ =	sdelay $0x1  }
0x73d: {  	vm13 =	vgt.s32 v21, $0x0  }
0x73e: {  	v21 =	vnsel vm13, $0x0, v21  }
0x73f: {  	v21 =	vmin.u32 v21, $0xF  }
0x740: {  	v20 =	vmul.f32 $5.000000000e+02, v20;
	v28 =	vcvt.s32.f32 v21;
	_ =	sdelay $0x1  }
0x741: {  	v20 =	vadd.f32 $5.000000000e+02, v20;
	v22 =	vmul.f32 $6.666666410e+01, v28;
	_ =	sdelay $0x1  }
0x742: {  	v20 =	vsub.f32 v20, v22;
	_ =	sdelay $0x1  }
0x743: {  	v20 =	vmul.f32 $1.442695020e+00, v20;
	_ =	sdelay $0x1  }
0x744: {  	(erf) = vpow2.f32 v20;
	_ =	sdelay $0x7  }
0x745: {  	v29 =	vld [tilespmem:s19+$0x30]  }
0x746: {  	v30 =	vpop (erf)  }
0x747: {  	v22 =	vadd.f32 $1.000000000e+00, v30;
	_ =	sdelay $0x1  }
0x748: {  	(erf) = vrcp.f32 v22  }
0x749: {  	v20 =	vtrunc.f32 v29  }
0x74a: {  	v20 =	vcvt.f32.s32 v20  }
0x74b: {  	v21 =	vshll.u32 v21, $0x9  }
0x74c: {  	v21 =	vadd.s32 v20, v21  }
0x74d: {  	v20 =	vand.u32 $0x7, v20;
	v31 =	vand.u32 $0xFFFFFFF8, v21  }
0x74e: {  	v20 =	vor.u32 v20, v31  }
0x74f: {  	v20 =	vadd.s32 $0x200, v20;
	_ =	sdelay $0x1  }
0x750: {  	v32 =	vpop (erf)  }
0x751: {  	v33 =	vxor.u32 $0x80000000, v32;
	v22 =	vadd.f32 $-1.000000000e+00, v32  }
0x752: {  	[tilespmem:v21+s2+$0x0] =	vst.idx.add.f32.msk $0xffff, v33  }
0x753: {  	[tilespmem:v20+s2+$0x0] =	vst.idx.add.f32.msk $0xffff, v22  }
0x754: {  	v20 =	vld [tilespmem:s19+$0x40]  }
0x755: {  	v21 =	vld [tilespmem:s20+$0x20];
	_ =	sdelay $0x3  }
0x756: {  	v34 =	vperm.xlane v19, v6  }
0x757: {  	v20 =	vmax.f32 v20, v21  }
0x758: {  	v20 =	vmul.f32 v34, v20;
	_ =	sdelay $0x1  }
0x759: {  	v35 =	vmul.f32 $7.500000000e+00, v20;
	_ =	sdelay $0x1  }
0x75a: {  	v21 =	vadd.f32 $8.000000000e+00, v35;
	_ =	sdelay $0x1  }
0x75b: {  	v21 =	vtrunc.f32 v21  }
0x75c: {  	v21 =	vcvt.f32.s32 v21;
	_ =	sdelay $0x1  }
0x75d: {  	vm14 =	vgt.s32 v21, $0x0  }
0x75e: {  	v21 =	vnsel vm14, $0x0, v21  }
0x75f: {  	v21 =	vmin.u32 v21, $0xF  }
0x760: {  	v20 =	vmul.f32 $5.000000000e+02, v20;
	v36 =	vcvt.s32.f32 v21;
	_ =	sdelay $0x1  }
0x761: {  	v20 =	vadd.f32 $5.000000000e+02, v20;
	v22 =	vmul.f32 $6.666666410e+01, v36;
	_ =	sdelay $0x1  }
0x762: {  	v20 =	vsub.f32 v20, v22;
	_ =	sdelay $0x1  }
0x763: {  	v20 =	vmul.f32 $1.442695020e+00, v20;
	_ =	sdelay $0x1  }
0x764: {  	(erf) = vpow2.f32 v20;
	_ =	sdelay $0x7  }
0x765: {  	v37 =	vld [tilespmem:s19+$0x50]  }
0x766: {  	v38 =	vpop (erf)  }
0x767: {  	v22 =	vadd.f32 $1.000000000e+00, v38;
	_ =	sdelay $0x1  }
0x768: {  	(erf) = vrcp.f32 v22  }
0x769: {  	v20 =	vtrunc.f32 v37  }
0x76a: {  	v20 =	vcvt.f32.s32 v20  }
0x76b: {  	v21 =	vshll.u32 v21, $0x9  }
0x76c: {  	v21 =	vadd.s32 v20, v21  }
0x76d: {  	v20 =	vand.u32 $0x7, v20;
	v39 =	vand.u32 $0xFFFFFFF8, v21  }
0x76e: {  	v20 =	vor.u32 v20, v39  }
0x76f: {  	v20 =	vadd.s32 $0x200, v20;
	_ =	sdelay $0x1  }
0x770: {  	v40 =	vpop (erf)  }
0x771: {  	v41 =	vxor.u32 $0x80000000, v40;
	v22 =	vadd.f32 $-1.000000000e+00, v40  }
0x772: {  	[tilespmem:v21+s2+$0x0] =	vst.idx.add.f32.msk $0xffff, v41  }
0x773: {  	[tilespmem:v20+s2+$0x0] =	vst.idx.add.f32.msk $0xffff, v22  }
0x774: {  	v20 =	vld [tilespmem:s19+$0x60]  }
0x775: {  	v21 =	vld [tilespmem:s20+$0x30];
	_ =	sdelay $0x3  }
0x776: {  	v42 =	vperm.xlane v19, v7  }
0x777: {  	v20 =	vmax.f32 v20, v21  }
0x778: {  	v20 =	vmul.f32 v42, v20;
	_ =	sdelay $0x1  }
0x779: {  	v43 =	vmul.f32 $7.500000000e+00, v20;
	_ =	sdelay $0x1  }
0x77a: {  	v21 =	vadd.f32 $8.000000000e+00, v43;
	_ =	sdelay $0x1  }
0x77b: {  	v21 =	vtrunc.f32 v21  }
0x77c: {  	v21 =	vcvt.f32.s32 v21;
	_ =	sdelay $0x1  }
0x77d: {  	vm15 =	vgt.s32 v21, $0x0  }
0x77e: {  	v21 =	vnsel vm15, $0x0, v21  }
0x77f: {  	v21 =	vmin.u32 v21, $0xF  }
0x780: {  	v20 =	vmul.f32 $5.000000000e+02, v20;
	v44 =	vcvt.s32.f32 v21;
	_ =	sdelay $0x1  }
0x781: {  	v20 =	vadd.f32 $5.000000000e+02, v20;
	v22 =	vmul.f32 $6.666666410e+01, v44;
	_ =	sdelay $0x1  }
0x782: {  	v20 =	vsub.f32 v20, v22;
	_ =	sdelay $0x1  }
0x783: {  	v20 =	vmul.f32 $1.442695020e+00, v20;
	_ =	sdelay $0x1  }
0x784: {  	(erf) = vpow2.f32 v20;
	_ =	sdelay $0x7  }
0x785: {  	v45 =	vld [tilespmem:s19+$0x70]  }
0x786: {  	v46 =	vpop (erf)  }
0x787: {  	v22 =	vadd.f32 $1.000000000e+00, v46;
	_ =	sdelay $0x1  }
0x788: {  	(erf) = vrcp.f32 v22  }
0x789: {  	v20 =	vtrunc.f32 v45  }
0x78a: {  	v20 =	vcvt.f32.s32 v20  }
0x78b: {  	v21 =	vshll.u32 v21, $0x9  }
0x78c: {  	v21 =	vadd.s32 v20, v21  }
0x78d: {  	v20 =	vand.u32 $0x7, v20;
	v47 =	vand.u32 $0xFFFFFFF8, v21  }
0x78e: {  	v20 =	vor.u32 v20, v47  }
0x78f: {  	v20 =	vadd.s32 $0x200, v20;
	_ =	sdelay $0x1  }
0x790: {  	v48 =	vpop (erf)  }
0x791: {  	v49 =	vxor.u32 $0x80000000, v48;
	v22 =	vadd.f32 $-1.000000000e+00, v48  }
0x792: {  	[tilespmem:v21+s2+$0x0] =	vst.idx.add.f32.msk $0xffff, v49  }
0x793: {  	[tilespmem:v20+s2+$0x0] =	vst.idx.add.f32.msk $0xffff, v22  }
0x794: {  	v20 =	vld [tilespmem:s19+$0x80]  }
0x795: {  	v21 =	vld [tilespmem:s20+$0x40];
	_ =	sdelay $0x3  }
0x796: {  	v50 =	vperm.xlane v19, v8  }
0x797: {  	v20 =	vmax.f32 v20, v21  }
0x798: {  	v20 =	vmul.f32 v50, v20;
	_ =	sdelay $0x1  }
0x799: {  	v51 =	vmul.f32 $7.500000000e+00, v20;
	_ =	sdelay $0x1  }
0x79a: {  	v21 =	vadd.f32 $8.000000000e+00, v51;
	_ =	sdelay $0x1  }
0x79b: {  	v21 =	vtrunc.f32 v21  }
0x79c: {  	v21 =	vcvt.f32.s32 v21;
	_ =	sdelay $0x1  }
0x79d: {  	vm4 =	vgt.s32 v21, $0x0  }
0x79e: {  	v21 =	vnsel vm4, $0x0, v21  }
0x79f: {  	v21 =	vmin.u32 v21, $0xF  }
0x7a0: {  	v20 =	vmul.f32 $5.000000000e+02, v20;
	v52 =	vcvt.s32.f32 v21;
	_ =	sdelay $0x1  }
0x7a1: {  	v20 =	vadd.f32 $5.000000000e+02, v20;
	v22 =	vmul.f32 $6.666666410e+01, v52;
	_ =	sdelay $0x1  }
0x7a2: {  	v20 =	vsub.f32 v20, v22;
	_ =	sdelay $0x1  }
0x7a3: {  	v20 =	vmul.f32 $1.442695020e+00, v20;
	_ =	sdelay $0x1  }
0x7a4: {  	(erf) = vpow2.f32 v20;
	_ =	sdelay $0x7  }
0x7a5: {  	v53 =	vld [tilespmem:s19+$0x90]  }
0x7a6: {  	v54 =	vpop (erf)  }
0x7a7: {  	v22 =	vadd.f32 $1.000000000e+00, v54;
	_ =	sdelay $0x1  }
0x7a8: {  	(erf) = vrcp.f32 v22  }
0x7a9: {  	v20 =	vtrunc.f32 v53  }
0x7aa: {  	v20 =	vcvt.f32.s32 v20  }
0x7ab: {  	v21 =	vshll.u32 v21, $0x9  }
0x7ac: {  	v21 =	vadd.s32 v20, v21  }
0x7ad: {  	v20 =	vand.u32 $0x7, v20;
	v55 =	vand.u32 $0xFFFFFFF8, v21  }
0x7ae: {  	v20 =	vor.u32 v20, v55  }
0x7af: {  	v20 =	vadd.s32 $0x200, v20;
	_ =	sdelay $0x1  }
0x7b0: {  	v56 =	vpop (erf)  }
0x7b1: {  	v57 =	vxor.u32 $0x80000000, v56;
	v22 =	vadd.f32 $-1.000000000e+00, v56  }
0x7b2: {  	[tilespmem:v21+s2+$0x0] =	vst.idx.add.f32.msk $0xffff, v57  }
0x7b3: {  	[tilespmem:v20+s2+$0x0] =	vst.idx.add.f32.msk $0xffff, v22  }
0x7b4: {  	v20 =	vld [tilespmem:s19+$0xA0]  }
0x7b5: {  	v21 =	vld [tilespmem:s20+$0x50];
	_ =	sdelay $0x3  }
0x7b6: {  	v58 =	vperm.xlane v19, v9  }
0x7b7: {  	v20 =	vmax.f32 v20, v21  }
0x7b8: {  	v20 =	vmul.f32 v58, v20;
	_ =	sdelay $0x1  }
0x7b9: {  	v59 =	vmul.f32 $7.500000000e+00, v20;
	_ =	sdelay $0x1  }
0x7ba: {  	v21 =	vadd.f32 $8.000000000e+00, v59;
	_ =	sdelay $0x1  }
0x7bb: {  	v21 =	vtrunc.f32 v21  }
0x7bc: {  	v21 =	vcvt.f32.s32 v21;
	_ =	sdelay $0x1  }
0x7bd: {  	vm5 =	vgt.s32 v21, $0x0  }
0x7be: {  	v21 =	vnsel vm5, $0x0, v21  }
0x7bf: {  	v21 =	vmin.u32 v21, $0xF  }
0x7c0: {  	v20 =	vmul.f32 $5.000000000e+02, v20;
	v60 =	vcvt.s32.f32 v21;
	_ =	sdelay $0x1  }
0x7c1: {  	v20 =	vadd.f32 $5.000000000e+02, v20;
	v22 =	vmul.f32 $6.666666410e+01, v60;
	_ =	sdelay $0x1  }
0x7c2: {  	v20 =	vsub.f32 v20, v22;
	_ =	sdelay $0x1  }
0x7c3: {  	v20 =	vmul.f32 $1.442695020e+00, v20;
	_ =	sdelay $0x1  }
0x7c4: {  	(erf) = vpow2.f32 v20;
	_ =	sdelay $0x7  }
0x7c5: {  	v61 =	vld [tilespmem:s19+$0xB0]  }
0x7c6: {  	v62 =	vpop (erf)  }
0x7c7: {  	v22 =	vadd.f32 $1.000000000e+00, v62;
	_ =	sdelay $0x1  }
0x7c8: {  	(erf) = vrcp.f32 v22  }
0x7c9: {  	v20 =	vtrunc.f32 v61  }
0x7ca: {  	v20 =	vcvt.f32.s32 v20  }
0x7cb: {  	v21 =	vshll.u32 v21, $0x9  }
0x7cc: {  	v21 =	vadd.s32 v20, v21  }
0x7cd: {  	v20 =	vand.u32 $0x7, v20;
	v63 =	vand.u32 $0xFFFFFFF8, v21  }
0x7ce: {  	v20 =	vor.u32 v20, v63  }
0x7cf: {  	v20 =	vadd.s32 $0x200, v20;
	_ =	sdelay $0x1  }
0x7d0: {  	v24 =	vpop (erf)  }
0x7d1: {  	v25 =	vxor.u32 $0x80000000, v24;
	v22 =	vadd.f32 $-1.000000000e+00, v24  }
0x7d2: {  	[tilespmem:v21+s2+$0x0] =	vst.idx.add.f32.msk $0xffff, v25  }
0x7d3: {  	[tilespmem:v20+s2+$0x0] =	vst.idx.add.f32.msk $0xffff, v22  }
0x7d4: {  	v20 =	vld [tilespmem:s19+$0xC0]  }
0x7d5: {  	v21 =	vld [tilespmem:s20+$0x60];
	_ =	sdelay $0x3  }
0x7d6: {  	v26 =	vperm.xlane v19, v10  }
0x7d7: {  	v20 =	vmax.f32 v20, v21  }
0x7d8: {  	v20 =	vmul.f32 v26, v20;
	_ =	sdelay $0x1  }
0x7d9: {  	v27 =	vmul.f32 $7.500000000e+00, v20;
	_ =	sdelay $0x1  }
0x7da: {  	v21 =	vadd.f32 $8.000000000e+00, v27;
	_ =	sdelay $0x1  }
0x7db: {  	v21 =	vtrunc.f32 v21  }
0x7dc: {  	v21 =	vcvt.f32.s32 v21;
	_ =	sdelay $0x1  }
0x7dd: {  	vm6 =	vgt.s32 v21, $0x0  }
0x7de: {  	v21 =	vnsel vm6, $0x0, v21  }
0x7df: {  	v21 =	vmin.u32 v21, $0xF  }
0x7e0: {  	v20 =	vmul.f32 $5.000000000e+02, v20;
	v28 =	vcvt.s32.f32 v21;
	_ =	sdelay $0x1  }
0x7e1: {  	v20 =	vadd.f32 $5.000000000e+02, v20;
	v22 =	vmul.f32 $6.666666410e+01, v28;
	_ =	sdelay $0x1  }
0x7e2: {  	v20 =	vsub.f32 v20, v22;
	_ =	sdelay $0x1  }
0x7e3: {  	v20 =	vmul.f32 $1.442695020e+00, v20;
	_ =	sdelay $0x1  }
0x7e4: {  	(erf) = vpow2.f32 v20;
	_ =	sdelay $0x7  }
0x7e5: {  	v29 =	vld [tilespmem:s19+$0xD0]  }
0x7e6: {  	v30 =	vpop (erf)  }
0x7e7: {  	v22 =	vadd.f32 $1.000000000e+00, v30;
	_ =	sdelay $0x1  }
0x7e8: {  	(erf) = vrcp.f32 v22  }
0x7e9: {  	v20 =	vtrunc.f32 v29  }
0x7ea: {  	v20 =	vcvt.f32.s32 v20  }
0x7eb: {  	v21 =	vshll.u32 v21, $0x9  }
0x7ec: {  	v21 =	vadd.s32 v20, v21  }
0x7ed: {  	v20 =	vand.u32 $0x7, v20;
	v31 =	vand.u32 $0xFFFFFFF8, v21  }
0x7ee: {  	v20 =	vor.u32 v20, v31  }
0x7ef: {  	v20 =	vadd.s32 $0x200, v20;
	_ =	sdelay $0x1  }
0x7f0: {  	v32 =	vpop (erf)  }
0x7f1: {  	v33 =	vxor.u32 $0x80000000, v32;
	v22 =	vadd.f32 $-1.000000000e+00, v32  }
0x7f2: {  	[tilespmem:v21+s2+$0x0] =	vst.idx.add.f32.msk $0xffff, v33  }
0x7f3: {  	[tilespmem:v20+s2+$0x0] =	vst.idx.add.f32.msk $0xffff, v22  }
0x7f4: {  	v20 =	vld [tilespmem:s19+$0xE0]  }
0x7f5: {  	v21 =	vld [tilespmem:s20+$0x70];
	_ =	sdelay $0x3  }
0x7f6: {  	v34 =	vperm.xlane v19, v4  }
0x7f7: {  	v20 =	vmax.f32 v20, v21  }
0x7f8: {  	v20 =	vmul.f32 v34, v20;
	_ =	sdelay $0x1  }
0x7f9: {  	v35 =	vmul.f32 $7.500000000e+00, v20;
	_ =	sdelay $0x1  }
0x7fa: {  	v21 =	vadd.f32 $8.000000000e+00, v35;
	_ =	sdelay $0x1  }
0x7fb: {  	v21 =	vtrunc.f32 v21  }
0x7fc: {  	v21 =	vcvt.f32.s32 v21;
	_ =	sdelay $0x1  }
0x7fd: {  	vm7 =	vgt.s32 v21, $0x0  }
0x7fe: {  	v21 =	vnsel vm7, $0x0, v21  }
0x7ff: {  	v21 =	vmin.u32 v21, $0xF  }
0x800: {  	v20 =	vmul.f32 $5.000000000e+02, v20;
	v36 =	vcvt.s32.f32 v21;
	_ =	sdelay $0x1  }
0x801: {  	v20 =	vadd.f32 $5.000000000e+02, v20;
	v22 =	vmul.f32 $6.666666410e+01, v36;
	_ =	sdelay $0x1  }
0x802: {  	v20 =	vsub.f32 v20, v22;
	_ =	sdelay $0x1  }
0x803: {  	v20 =	vmul.f32 $1.442695020e+00, v20;
	_ =	sdelay $0x1  }
0x804: {  	(erf) = vpow2.f32 v20;
	_ =	sdelay $0x7  }
0x805: {  	v37 =	vld [tilespmem:s19+$0xF0]  }
0x806: {  	v38 =	vpop (erf)  }
0x807: {  	v22 =	vadd.f32 $1.000000000e+00, v38;
	_ =	sdelay $0x1  }
0x808: {  	(erf) = vrcp.f32 v22  }
0x809: {  	v20 =	vtrunc.f32 v37  }
0x80a: {  	v20 =	vcvt.f32.s32 v20  }
0x80b: {  	v21 =	vshll.u32 v21, $0x9  }
0x80c: {  	v21 =	vadd.s32 v20, v21  }
0x80d: {  	v20 =	vand.u32 $0x7, v20;
	v39 =	vand.u32 $0xFFFFFFF8, v21  }
0x80e: {  	v20 =	vor.u32 v20, v39  }
0x80f: {  	v20 =	vadd.s32 $0x200, v20;
	_ =	sdelay $0x1  }
0x810: {  	v40 =	vpop (erf)  }
0x811: {  	v41 =	vxor.u32 $0x80000000, v40;
	v22 =	vadd.f32 $-1.000000000e+00, v40  }
0x812: {  	[tilespmem:v21+s2+$0x0] =	vst.idx.add.f32.msk $0xffff, v41  }
0x813: {  	[tilespmem:v20+s2+$0x0] =	vst.idx.add.f32.msk $0xffff, v22  }
0x814: {  	v20 =	vld [tilespmem:s19+$0x100]  }
0x815: {  	v21 =	vld [tilespmem:s20+$0x80];
	_ =	sdelay $0x3  }
0x816: {  	v42 =	vperm.xlane v19, v11  }
0x817: {  	v20 =	vmax.f32 v20, v21  }
0x818: {  	v20 =	vmul.f32 v42, v20;
	_ =	sdelay $0x1  }
0x819: {  	v43 =	vmul.f32 $7.500000000e+00, v20;
	_ =	sdelay $0x1  }
0x81a: {  	v21 =	vadd.f32 $8.000000000e+00, v43;
	_ =	sdelay $0x1  }
0x81b: {  	v21 =	vtrunc.f32 v21  }
0x81c: {  	v21 =	vcvt.f32.s32 v21;
	_ =	sdelay $0x1  }
0x81d: {  	vm8 =	vgt.s32 v21, $0x0  }
0x81e: {  	v21 =	vnsel vm8, $0x0, v21  }
0x81f: {  	v21 =	vmin.u32 v21, $0xF  }
0x820: {  	v20 =	vmul.f32 $5.000000000e+02, v20;
	v44 =	vcvt.s32.f32 v21;
	_ =	sdelay $0x1  }
0x821: {  	v20 =	vadd.f32 $5.000000000e+02, v20;
	v22 =	vmul.f32 $6.666666410e+01, v44;
	_ =	sdelay $0x1  }
0x822: {  	v20 =	vsub.f32 v20, v22;
	_ =	sdelay $0x1  }
0x823: {  	v20 =	vmul.f32 $1.442695020e+00, v20;
	_ =	sdelay $0x1  }
0x824: {  	(erf) = vpow2.f32 v20;
	_ =	sdelay $0x7  }
0x825: {  	v45 =	vld [tilespmem:s19+$0x110]  }
0x826: {  	v46 =	vpop (erf)  }
0x827: {  	v22 =	vadd.f32 $1.000000000e+00, v46;
	_ =	sdelay $0x1  }
0x828: {  	(erf) = vrcp.f32 v22  }
0x829: {  	v20 =	vtrunc.f32 v45  }
0x82a: {  	v20 =	vcvt.f32.s32 v20  }
0x82b: {  	v21 =	vshll.u32 v21, $0x9  }
0x82c: {  	v21 =	vadd.s32 v20, v21  }
0x82d: {  	v20 =	vand.u32 $0x7, v20;
	v47 =	vand.u32 $0xFFFFFFF8, v21  }
0x82e: {  	v20 =	vor.u32 v20, v47  }
0x82f: {  	v20 =	vadd.s32 $0x200, v20;
	_ =	sdelay $0x1  }
0x830: {  	v48 =	vpop (erf)  }
0x831: {  	v49 =	vxor.u32 $0x80000000, v48;
	v22 =	vadd.f32 $-1.000000000e+00, v48  }
0x832: {  	[tilespmem:v21+s2+$0x0] =	vst.idx.add.f32.msk $0xffff, v49  }
0x833: {  	[tilespmem:v20+s2+$0x0] =	vst.idx.add.f32.msk $0xffff, v22  }
0x834: {  	v20 =	vld [tilespmem:s19+$0x120]  }
0x835: {  	v21 =	vld [tilespmem:s20+$0x90];
	_ =	sdelay $0x3  }
0x836: {  	v50 =	vperm.xlane v19, v3  }
0x837: {  	v20 =	vmax.f32 v20, v21  }
0x838: {  	v20 =	vmul.f32 v50, v20;
	_ =	sdelay $0x1  }
0x839: {  	v51 =	vmul.f32 $7.500000000e+00, v20;
	_ =	sdelay $0x1  }
0x83a: {  	v21 =	vadd.f32 $8.000000000e+00, v51;
	_ =	sdelay $0x1  }
0x83b: {  	v21 =	vtrunc.f32 v21  }
0x83c: {  	v21 =	vcvt.f32.s32 v21;
	_ =	sdelay $0x1  }
0x83d: {  	vm9 =	vgt.s32 v21, $0x0  }
0x83e: {  	v21 =	vnsel vm9, $0x0, v21  }
0x83f: {  	v21 =	vmin.u32 v21, $0xF  }
0x840: {  	v20 =	vmul.f32 $5.000000000e+02, v20;
	v52 =	vcvt.s32.f32 v21;
	_ =	sdelay $0x1  }
0x841: {  	v20 =	vadd.f32 $5.000000000e+02, v20;
	v22 =	vmul.f32 $6.666666410e+01, v52;
	_ =	sdelay $0x1  }
0x842: {  	v20 =	vsub.f32 v20, v22;
	_ =	sdelay $0x1  }
0x843: {  	v20 =	vmul.f32 $1.442695020e+00, v20;
	_ =	sdelay $0x1  }
0x844: {  	(erf) = vpow2.f32 v20;
	_ =	sdelay $0x7  }
0x845: {  	v53 =	vld [tilespmem:s19+$0x130]  }
0x846: {  	v54 =	vpop (erf)  }
0x847: {  	v22 =	vadd.f32 $1.000000000e+00, v54;
	_ =	sdelay $0x1  }
0x848: {  	(erf) = vrcp.f32 v22  }
0x849: {  	v20 =	vtrunc.f32 v53  }
0x84a: {  	v20 =	vcvt.f32.s32 v20  }
0x84b: {  	v21 =	vshll.u32 v21, $0x9  }
0x84c: {  	v21 =	vadd.s32 v20, v21  }
0x84d: {  	v20 =	vand.u32 $0x7, v20;
	v55 =	vand.u32 $0xFFFFFFF8, v21  }
0x84e: {  	v20 =	vor.u32 v20, v55  }
0x84f: {  	v20 =	vadd.s32 $0x200, v20;
	_ =	sdelay $0x1  }
0x850: {  	v56 =	vpop (erf)  }
0x851: {  	v57 =	vxor.u32 $0x80000000, v56;
	v22 =	vadd.f32 $-1.000000000e+00, v56  }
0x852: {  	[tilespmem:v21+s2+$0x0] =	vst.idx.add.f32.msk $0xffff, v57  }
0x853: {  	[tilespmem:v20+s2+$0x0] =	vst.idx.add.f32.msk $0xffff, v22  }
0x854: {  	v20 =	vld [tilespmem:s19+$0x140]  }
0x855: {  	v21 =	vld [tilespmem:s20+$0xA0];
	_ =	sdelay $0x3  }
0x856: {  	v58 =	vperm.xlane v19, v12  }
0x857: {  	v20 =	vmax.f32 v20, v21  }
0x858: {  	v20 =	vmul.f32 v58, v20;
	_ =	sdelay $0x1  }
0x859: {  	v59 =	vmul.f32 $7.500000000e+00, v20;
	_ =	sdelay $0x1  }
0x85a: {  	v21 =	vadd.f32 $8.000000000e+00, v59;
	_ =	sdelay $0x1  }
0x85b: {  	v21 =	vtrunc.f32 v21  }
0x85c: {  	v21 =	vcvt.f32.s32 v21;
	_ =	sdelay $0x1  }
0x85d: {  	vm10 =	vgt.s32 v21, $0x0  }
0x85e: {  	v21 =	vnsel vm10, $0x0, v21  }
0x85f: {  	v21 =	vmin.u32 v21, $0xF  }
0x860: {  	v20 =	vmul.f32 $5.000000000e+02, v20;
	v60 =	vcvt.s32.f32 v21;
	_ =	sdelay $0x1  }
0x861: {  	v20 =	vadd.f32 $5.000000000e+02, v20;
	v22 =	vmul.f32 $6.666666410e+01, v60;
	_ =	sdelay $0x1  }
0x862: {  	v20 =	vsub.f32 v20, v22;
	_ =	sdelay $0x1  }
0x863: {  	v20 =	vmul.f32 $1.442695020e+00, v20;
	_ =	sdelay $0x1  }
0x864: {  	(erf) = vpow2.f32 v20;
	_ =	sdelay $0x7  }
0x865: {  	v61 =	vld [tilespmem:s19+$0x150]  }
0x866: {  	v62 =	vpop (erf)  }
0x867: {  	v22 =	vadd.f32 $1.000000000e+00, v62;
	_ =	sdelay $0x1  }
0x868: {  	(erf) = vrcp.f32 v22  }
0x869: {  	v20 =	vtrunc.f32 v61  }
0x86a: {  	v20 =	vcvt.f32.s32 v20  }
0x86b: {  	v21 =	vshll.u32 v21, $0x9  }
0x86c: {  	v21 =	vadd.s32 v20, v21  }
0x86d: {  	v20 =	vand.u32 $0x7, v20;
	v63 =	vand.u32 $0xFFFFFFF8, v21  }
0x86e: {  	v20 =	vor.u32 v20, v63  }
0x86f: {  	v20 =	vadd.s32 $0x200, v20;
	_ =	sdelay $0x1  }
0x870: {  	v24 =	vpop (erf)  }
0x871: {  	v25 =	vxor.u32 $0x80000000, v24;
	v22 =	vadd.f32 $-1.000000000e+00, v24  }
0x872: {  	[tilespmem:v21+s2+$0x0] =	vst.idx.add.f32.msk $0xffff, v25  }
0x873: {  	[tilespmem:v20+s2+$0x0] =	vst.idx.add.f32.msk $0xffff, v22  }
0x874: {  	v20 =	vld [tilespmem:s19+$0x160]  }
0x875: {  	v21 =	vld [tilespmem:s20+$0xB0];
	_ =	sdelay $0x3  }
0x876: {  	v26 =	vperm.xlane v19, v13  }
0x877: {  	v20 =	vmax.f32 v20, v21  }
0x878: {  	v20 =	vmul.f32 v26, v20;
	_ =	sdelay $0x1  }
0x879: {  	v27 =	vmul.f32 $7.500000000e+00, v20;
	_ =	sdelay $0x1  }
0x87a: {  	v21 =	vadd.f32 $8.000000000e+00, v27;
	_ =	sdelay $0x1  }
0x87b: {  	v21 =	vtrunc.f32 v21  }
0x87c: {  	v21 =	vcvt.f32.s32 v21;
	_ =	sdelay $0x1  }
0x87d: {  	vm11 =	vgt.s32 v21, $0x0  }
0x87e: {  	v21 =	vnsel vm11, $0x0, v21  }
0x87f: {  	v21 =	vmin.u32 v21, $0xF  }
0x880: {  	v20 =	vmul.f32 $5.000000000e+02, v20;
	v28 =	vcvt.s32.f32 v21;
	_ =	sdelay $0x1  }
0x881: {  	v20 =	vadd.f32 $5.000000000e+02, v20;
	v22 =	vmul.f32 $6.666666410e+01, v28;
	_ =	sdelay $0x1  }
0x882: {  	v20 =	vsub.f32 v20, v22;
	_ =	sdelay $0x1  }
0x883: {  	v20 =	vmul.f32 $1.442695020e+00, v20;
	_ =	sdelay $0x1  }
0x884: {  	(erf) = vpow2.f32 v20;
	_ =	sdelay $0x7  }
0x885: {  	v29 =	vld [tilespmem:s19+$0x170]  }
0x886: {  	v30 =	vpop (erf)  }
0x887: {  	v22 =	vadd.f32 $1.000000000e+00, v30;
	_ =	sdelay $0x1  }
0x888: {  	(erf) = vrcp.f32 v22  }
0x889: {  	v20 =	vtrunc.f32 v29  }
0x88a: {  	v20 =	vcvt.f32.s32 v20  }
0x88b: {  	v21 =	vshll.u32 v21, $0x9  }
0x88c: {  	v21 =	vadd.s32 v20, v21  }
0x88d: {  	v20 =	vand.u32 $0x7, v20;
	v31 =	vand.u32 $0xFFFFFFF8, v21  }
0x88e: {  	v20 =	vor.u32 v20, v31  }
0x88f: {  	v20 =	vadd.s32 $0x200, v20;
	_ =	sdelay $0x1  }
0x890: {  	v32 =	vpop (erf)  }
0x891: {  	v33 =	vxor.u32 $0x80000000, v32;
	v22 =	vadd.f32 $-1.000000000e+00, v32  }
0x892: {  	[tilespmem:v21+s2+$0x0] =	vst.idx.add.f32.msk $0xffff, v33  }
0x893: {  	[tilespmem:v20+s2+$0x0] =	vst.idx.add.f32.msk $0xffff, v22  }
0x894: {  	v20 =	vld [tilespmem:s19+$0x180]  }
0x895: {  	v21 =	vld [tilespmem:s20+$0xC0];
	_ =	sdelay $0x3  }
0x896: {  	v34 =	vperm.xlane v19, v14  }
0x897: {  	v20 =	vmax.f32 v20, v21  }
0x898: {  	v20 =	vmul.f32 v34, v20;
	_ =	sdelay $0x1  }
0x899: {  	v35 =	vmul.f32 $7.500000000e+00, v20;
	_ =	sdelay $0x1  }
0x89a: {  	v21 =	vadd.f32 $8.000000000e+00, v35;
	_ =	sdelay $0x1  }
0x89b: {  	v21 =	vtrunc.f32 v21  }
0x89c: {  	v21 =	vcvt.f32.s32 v21;
	_ =	sdelay $0x1  }
0x89d: {  	vm12 =	vgt.s32 v21, $0x0  }
0x89e: {  	v21 =	vnsel vm12, $0x0, v21  }
0x89f: {  	v21 =	vmin.u32 v21, $0xF  }
0x8a0: {  	v20 =	vmul.f32 $5.000000000e+02, v20;
	v36 =	vcvt.s32.f32 v21;
	_ =	sdelay $0x1  }
0x8a1: {  	v20 =	vadd.f32 $5.000000000e+02, v20;
	v22 =	vmul.f32 $6.666666410e+01, v36;
	_ =	sdelay $0x1  }
0x8a2: {  	v20 =	vsub.f32 v20, v22;
	_ =	sdelay $0x1  }
0x8a3: {  	v20 =	vmul.f32 $1.442695020e+00, v20;
	_ =	sdelay $0x1  }
0x8a4: {  	(erf) = vpow2.f32 v20;
	_ =	sdelay $0x7  }
0x8a5: {  	v37 =	vld [tilespmem:s19+$0x190]  }
0x8a6: {  	v38 =	vpop (erf)  }
0x8a7: {  	v22 =	vadd.f32 $1.000000000e+00, v38;
	_ =	sdelay $0x1  }
0x8a8: {  	(erf) = vrcp.f32 v22  }
0x8a9: {  	v20 =	vtrunc.f32 v37  }
0x8aa: {  	v20 =	vcvt.f32.s32 v20  }
0x8ab: {  	v21 =	vshll.u32 v21, $0x9  }
0x8ac: {  	v21 =	vadd.s32 v20, v21  }
0x8ad: {  	v20 =	vand.u32 $0x7, v20;
	v39 =	vand.u32 $0xFFFFFFF8, v21  }
0x8ae: {  	v20 =	vor.u32 v20, v39  }
0x8af: {  	v20 =	vadd.s32 $0x200, v20;
	_ =	sdelay $0x1  }
0x8b0: {  	v40 =	vpop (erf)  }
0x8b1: {  	v41 =	vxor.u32 $0x80000000, v40;
	v22 =	vadd.f32 $-1.000000000e+00, v40  }
0x8b2: {  	[tilespmem:v21+s2+$0x0] =	vst.idx.add.f32.msk $0xffff, v41  }
0x8b3: {  	[tilespmem:v20+s2+$0x0] =	vst.idx.add.f32.msk $0xffff, v22  }
0x8b4: {  	v20 =	vld [tilespmem:s19+$0x1A0]  }
0x8b5: {  	v21 =	vld [tilespmem:s20+$0xD0];
	_ =	sdelay $0x3  }
0x8b6: {  	v42 =	vperm.xlane v19, v15  }
0x8b7: {  	v20 =	vmax.f32 v20, v21  }
0x8b8: {  	v20 =	vmul.f32 v42, v20;
	_ =	sdelay $0x1  }
0x8b9: {  	v43 =	vmul.f32 $7.500000000e+00, v20;
	_ =	sdelay $0x1  }
0x8ba: {  	v21 =	vadd.f32 $8.000000000e+00, v43;
	_ =	sdelay $0x1  }
0x8bb: {  	v21 =	vtrunc.f32 v21  }
0x8bc: {  	v21 =	vcvt.f32.s32 v21;
	_ =	sdelay $0x1  }
0x8bd: {  	vm13 =	vgt.s32 v21, $0x0  }
0x8be: {  	v21 =	vnsel vm13, $0x0, v21  }
0x8bf: {  	v21 =	vmin.u32 v21, $0xF  }
0x8c0: {  	v20 =	vmul.f32 $5.000000000e+02, v20;
	v44 =	vcvt.s32.f32 v21;
	_ =	sdelay $0x1  }
0x8c1: {  	v20 =	vadd.f32 $5.000000000e+02, v20;
	v22 =	vmul.f32 $6.666666410e+01, v44;
	_ =	sdelay $0x1  }
0x8c2: {  	v20 =	vsub.f32 v20, v22;
	_ =	sdelay $0x1  }
0x8c3: {  	v20 =	vmul.f32 $1.442695020e+00, v20;
	_ =	sdelay $0x1  }
0x8c4: {  	(erf) = vpow2.f32 v20;
	_ =	sdelay $0x7  }
0x8c5: {  	v45 =	vld [tilespmem:s19+$0x1B0]  }
0x8c6: {  	v46 =	vpop (erf)  }
0x8c7: {  	v22 =	vadd.f32 $1.000000000e+00, v46;
	_ =	sdelay $0x1  }
0x8c8: {  	(erf) = vrcp.f32 v22  }
0x8c9: {  	v20 =	vtrunc.f32 v45  }
0x8ca: {  	v20 =	vcvt.f32.s32 v20  }
0x8cb: {  	v21 =	vshll.u32 v21, $0x9  }
0x8cc: {  	v21 =	vadd.s32 v20, v21  }
0x8cd: {  	v20 =	vand.u32 $0x7, v20;
	v47 =	vand.u32 $0xFFFFFFF8, v21  }
0x8ce: {  	v20 =	vor.u32 v20, v47  }
0x8cf: {  	v20 =	vadd.s32 $0x200, v20;
	_ =	sdelay $0x1  }
0x8d0: {  	v48 =	vpop (erf)  }
0x8d1: {  	v49 =	vxor.u32 $0x80000000, v48;
	v22 =	vadd.f32 $-1.000000000e+00, v48  }
0x8d2: {  	[tilespmem:v21+s2+$0x0] =	vst.idx.add.f32.msk $0xffff, v49  }
0x8d3: {  	[tilespmem:v20+s2+$0x0] =	vst.idx.add.f32.msk $0xffff, v22  }
0x8d4: {  	v20 =	vld [tilespmem:s19+$0x1C0]  }
0x8d5: {  	v21 =	vld [tilespmem:s20+$0xE0];
	_ =	sdelay $0x3  }
0x8d6: {  	v50 =	vperm.xlane v19, v16  }
0x8d7: {  	v20 =	vmax.f32 v20, v21  }
0x8d8: {  	v20 =	vmul.f32 v50, v20;
	_ =	sdelay $0x1  }
0x8d9: {  	v51 =	vmul.f32 $7.500000000e+00, v20;
	_ =	sdelay $0x1  }
0x8da: {  	v21 =	vadd.f32 $8.000000000e+00, v51;
	_ =	sdelay $0x1  }
0x8db: {  	v21 =	vtrunc.f32 v21  }
0x8dc: {  	v21 =	vcvt.f32.s32 v21;
	_ =	sdelay $0x1  }
0x8dd: {  	vm14 =	vgt.s32 v21, $0x0  }
0x8de: {  	v21 =	vnsel vm14, $0x0, v21  }
0x8df: {  	v21 =	vmin.u32 v21, $0xF  }
0x8e0: {  	v20 =	vmul.f32 $5.000000000e+02, v20;
	v52 =	vcvt.s32.f32 v21;
	_ =	sdelay $0x1  }
0x8e1: {  	v20 =	vadd.f32 $5.000000000e+02, v20;
	v22 =	vmul.f32 $6.666666410e+01, v52;
	_ =	sdelay $0x1  }
0x8e2: {  	v20 =	vsub.f32 v20, v22;
	_ =	sdelay $0x1  }
0x8e3: {  	v20 =	vmul.f32 $1.442695020e+00, v20;
	_ =	sdelay $0x1  }
0x8e4: {  	(erf) = vpow2.f32 v20;
	_ =	sdelay $0x7  }
0x8e5: {  	v53 =	vld [tilespmem:s19+$0x1D0]  }
0x8e6: {  	v54 =	vpop (erf)  }
0x8e7: {  	v22 =	vadd.f32 $1.000000000e+00, v54;
	_ =	sdelay $0x1  }
0x8e8: {  	(erf) = vrcp.f32 v22  }
0x8e9: {  	v20 =	vtrunc.f32 v53  }
0x8ea: {  	v20 =	vcvt.f32.s32 v20  }
0x8eb: {  	v21 =	vshll.u32 v21, $0x9  }
0x8ec: {  	v21 =	vadd.s32 v20, v21  }
0x8ed: {  	v20 =	vand.u32 $0x7, v20;
	v55 =	vand.u32 $0xFFFFFFF8, v21  }
0x8ee: {  	v20 =	vor.u32 v20, v55  }
0x8ef: {  	v20 =	vadd.s32 $0x200, v20;
	_ =	sdelay $0x1  }
0x8f0: {  	v56 =	vpop (erf)  }
0x8f1: {  	v57 =	vxor.u32 $0x80000000, v56;
	v22 =	vadd.f32 $-1.000000000e+00, v56  }
0x8f2: {  	[tilespmem:v21+s2+$0x0] =	vst.idx.add.f32.msk $0xffff, v57  }
0x8f3: {  	[tilespmem:v20+s2+$0x0] =	vst.idx.add.f32.msk $0xffff, v22  }
0x8f4: {  	v20 =	vld [tilespmem:s19+$0x1E0]  }
0x8f5: {  	v21 =	vld [tilespmem:s20+$0xF0];
	_ =	sdelay $0x3  }
0x8f6: {  	v19 =	vperm.xlane v19, v2  }
0x8f7: {  	v20 =	vmax.f32 v20, v21  }
0x8f8: {  	v19 =	vmul.f32 v19, v20;
	_ =	sdelay $0x1  }
0x8f9: {  	v20 =	vmul.f32 $7.500000000e+00, v19;
	_ =	sdelay $0x1  }
0x8fa: {  	v20 =	vadd.f32 $8.000000000e+00, v20;
	_ =	sdelay $0x1  }
0x8fb: {  	v20 =	vtrunc.f32 v20  }
0x8fc: {  	v20 =	vcvt.f32.s32 v20;
	_ =	sdelay $0x1  }
0x8fd: {  	vm15 =	vgt.s32 v20, $0x0  }
0x8fe: {  	v20 =	vnsel vm15, $0x0, v20  }
0x8ff: {  	v20 =	vmin.u32 v20, $0xF  }
0x900: {  	v19 =	vmul.f32 $5.000000000e+02, v19;
	v58 =	vcvt.s32.f32 v20;
	_ =	sdelay $0x1  }
0x901: {  	v19 =	vadd.f32 $5.000000000e+02, v19;
	v21 =	vmul.f32 $6.666666410e+01, v58;
	_ =	sdelay $0x1  }
0x902: {  	v19 =	vsub.f32 v19, v21;
	_ =	sdelay $0x1  }
0x903: {  	v19 =	vmul.f32 $1.442695020e+00, v19;
	_ =	sdelay $0x1  }
0x904: {  	(erf) = vpow2.f32 v19;
	_ =	sdelay $0x5  }
0x905: {  	v19 =	vld [tilespmem:s19+$0xFFFFFFF0];
	_ =	sdelay $0x1  }
0x906: {  	v59 =	vld [tilespmem:s19+$0x1F0]  }
0x907: {  	v60 =	vpop (erf)  }
0x908: {  	v22 =	vadd.f32 $1.000000000e+00, v60  }
0x909: {  	v19 =	vtrunc.f32 v19  }
0x90a: {  	v19 =	vcvt.f32.s32 v19;
	(erf) = vrcp.f32 v22  }
0x90b: {  	v17 =	vshll.u32 v17, $0x9;
	v21 =	vtrunc.f32 v59  }
0x90c: {  	v21 =	vcvt.f32.s32 v21;
	v17 =	vadd.s32 v19, v17  }
0x90d: {  	v20 =	vshll.u32 v20, $0x9;
	v19 =	vand.u32 $0x7, v19;
	v61 =	vand.u32 $0xFFFFFFF8, v17  }
0x90e: {  	v20 =	vadd.s32 v21, v20;
	v19 =	vor.u32 v19, v61  }
0x90f: {  	v21 =	vand.u32 $0x7, v21;
	v62 =	vand.u32 $0xFFFFFFF8, v20;
	v19 =	vadd.s32 $0x200, v19  }
0x910: {  	s0 =	sadd.s32 $0x2, s0;
	v21 =	vor.u32 v21, v62  }
0x911: {  	p1 =	slt.u32 s0, $0x26;
	v21 =	vadd.s32 $0x200, v21  }
.Ltmp5:
0x912: {  	v63 =	vxor.u32 $0x80000000, v18;
	v18 =	vadd.f32 $-1.000000000e+00, v18;
	(pc) =	sbr.rel @p1 .LBB2_9-.Ltmp5, $4  }
0x913: {  	[tilespmem:v17+s2+$0x0] =	vst.idx.add.f32.msk $0xffff, v63;
	v17 =	vpop (erf)  }
0x914: {  	[tilespmem:v19+s2+$0x0] =	vst.idx.add.f32.msk $0xffff, v18;
	v18 =	vxor.u32 $0x80000000, v17;
	v17 =	vadd.f32 $-1.000000000e+00, v17  }
0x915: {  	[tilespmem:v20+s2+$0x0] =	vst.idx.add.f32.msk $0xffff, v18  }
0x916: {  	s25 =	sadd.s32 $0x20, s25;
	s20 =	sadd.s32 $0x200, s20;
	s19 =	sadd.s32 $0x400, s19;
	[tilespmem:v21+s2+$0x0] =	vst.idx.add.f32.msk $0xffff, v17  }
.Ltmp6:
0x917: {  	(pc) =	sbr.rel @p0 .LBB2_12-.Ltmp6, $1  }
0x918: {  	_ =	sdelay $0x3  }
0x919: {  	s0 =	sadd.s32 s31, s16  }
0x91a: {  	s0 =	smul.u32 $0x50, s0;
	_ =	sdelay $0x1  }
0x91b: {  	s8 =	sadd.s32 s5, s0  }
0x91c: {  	[tilespmem:s1], [sflag:$0x3] =	stream.linear.gather [hbm4b:s8+s2], $0x280, $0x38;
	[tilespmem:$0x14900] =	vst v63  }
.Ltmp7:
0x91d: {  	_ = 	snop;
	(pc) =	sbr.rel .LBB2_6-.Ltmp7, $4  }
0x91e: {  	s25 =	sadd.s32 s6, s0  }
0x91f: {  	[tilespmem:s21], [sflag:$0x3] =	stream.linear.gather [hbm4b:s25+s2], $0x280, $0x38;
	[tilespmem:$0x14900] =	vst v63  }
0x920: {  	s31 =	simm.s32 $0x14680;
	s30 =	sadd.s32 $0x1, s30;
	s0 =	sadd.s32 s7, s0  }
0x921: {  	[tilespmem:s31], [sflag:$0x3] =	stream.linear.gather [hbm4b:s0+s2], $0x280, $0x38;
	[tilespmem:$0x14900] =	vst v63  }
.LBB2_13:
0x922: {  	_ =	sfence.sel $0x180000  }
0x923: {  	[bflag:$0x0] =	sbarrier.arrive $0xFFFF  }
0x924: {  	_ =	strace $0x90000047  }
0x925: {  	s0 =	stileid.u32;
	[bflag:$0x2] =	sbarrier.arrive $0xFFFF  }
0x926: {  	p0 =	sne.s32 s0, $0x0;
	s0 =	rddreg [dreg:$0x1]  }
0x927: {  	s0 =	sadd.s32 @!p0 $0x100000, s0  }
0x928: {  	[sflag:s0] =	ssyncadd.tile.s32 @!p0 $0x1;
	_ =	shalt  }
.Lfunc_end2:
_tile_overlayer_lowered:
.L_overlay_start_2:
0x929: {  	(tag) =	ssettag $0x2  }
0x92a: {  	s0 =	rddreg [dreg:$0x0];
	s2 =	stileid.u32  }
0x92b: {  	s1 =	rddreg [dreg:$0x1];
	p0 =	sne.s32 s2, $0x0  }
0x92c: {  	s3 =	rddreg [dreg:$0x2];
	[bflag:$0x3] =	sbarrier.arrive $0xFFFF;
	s2 =	simm.s32 @!p0 $0x1C06  }
0x92d: {  	[timem:s3], [sflag:s2] =	dma.local @!p0 [hbm:s0], s1  }
0x92e: {  	s0 =	simm.s32 @!p0 $0x6  }
0x92f: {  	_ =	swait.ge @!p0 [sflag:s0], s1  }
0x930: {  	s1 =	ssub.s32 @!p0 $0x0, s1;
	[sflag:s0] =	ssyncset.done @!p0 $0x0  }
0x931: {  	[sflag:s0] =	ssyncadd.s32 @!p0 s1  }
0x932: {  	[bflag:$0x3] =	sbarrier.arrive $0xFFFF  }
0x933: {  	_ =	shalt  }

</sc_bundles>
